<compile_context>
chip_gen: v7x
topology: tpu7x:2x2x1
jax: 0.10.2.dev20260603
libtpu: 0.0.44.dev20260713+nightly
codegen_flags: <defaults>
</compile_context>

<pallas_src>
import functools

import jax
import jax.numpy as jnp
from jax import lax
from jax.experimental import pallas as pl
from jax.experimental.pallas import tpu as pltpu
from jax.experimental.pallas import tpu_sc as plsc

N = 8388608
G = 8192
K = 512
D = 256
EPS = 1e-08

NC = 2
NS = 16
NW = NC * NS
PER_W = N // NW
CH = 16384
NCH = PER_W // CH
L = 16


def _sc_energy_body(h_hbm, g_hbm, out_hbm, hbuf, gbuf, acc, hsem, gsem):
    c = lax.axis_index("c")
    s = lax.axis_index("s")
    wid = s * NC + c
    base = wid * PER_W

    @plsc.parallel_loop(0, G // L, unroll=8)
    def _zero(i):
        acc[pl.ds(pl.multiple_of(i * L, L), L)] = jnp.zeros((L,), jnp.float32)

    def start(k, b):
        off = base + k * CH
        ch = pltpu.async_copy(h_hbm.at[pl.ds(off, CH)], hbuf.at[b], hsem.at[b])
        cg = pltpu.async_copy(g_hbm.at[pl.ds(off, CH)], gbuf.at[b], gsem.at[b])
        return ch, cg

    pend = start(0, 0)
    for k in range(NCH):
        b = k % 2
        cur = pend
        if k + 1 < NCH:
            pend = start(k + 1, 1 - b)
        cur[0].wait()
        cur[1].wait()

        @plsc.parallel_loop(0, CH // L, unroll=16)
        def _scat(i):
            o = pl.ds(pl.multiple_of(i * L, L), L)
            idx = gbuf[b, o]
            x = hbuf[b, o]
            plsc.addupdate_scatter(acc, [idx], x * x)

    pltpu.sync_copy(acc, out_hbm.at[pl.ds(wid * G, G)])


@jax.jit
def _sc_energy(h0, gid):
    mesh = plsc.VectorSubcoreMesh(core_axis_name="c", subcore_axis_name="s")
    return pl.kernel(
        _sc_energy_body,
        out_type=jax.ShapeDtypeStruct((NW * G,), jnp.float32),
        mesh=mesh,
        compiler_params=pltpu.CompilerParams(needs_layout_passes=False),
        scratch_types=[
            pltpu.VMEM((2, CH), jnp.float32),
            pltpu.VMEM((2, CH), jnp.int32),
            pltpu.VMEM((G,), jnp.float32),
            pltpu.SemaphoreType.DMA((2,)),
            pltpu.SemaphoreType.DMA((2,)),
        ],
    )(h0, gid)


def _gelu(x):
    return 0.5 * x * (1.0 + lax.erf(x * 0.7071067811865476))


def _tc_body(part, uv, emb_bf, feat4,
             eW1, eb1, eW2, eb2, pW1, pb1, pW2, pb2, gW1, gb1, gW2, gb2,
             out, klist_ref):
    p = part[...]
    eg = p[0:64, :]
    for w in range(1, NW):
        eg = eg + p[w * 64:(w + 1) * 64, :]
    hnorm2 = jnp.sum(eg)

    row = lax.broadcasted_iota(jnp.int32, (64, 128), 0)
    col = lax.broadcasted_iota(jnp.int32, (64, 128), 1)
    flat = row * 128 + col

    kb = lax.bitcast_convert_type(eg, jnp.int32)
    ki = jnp.bitwise_or(jnp.bitwise_and(kb, jnp.int32(~0x1FFF)),
                        jnp.int32(8191) - flat)
    keys = lax.bitcast_convert_type(ki, jnp.float32)
    KMIN = jnp.float32(-1.0)

    NCHAIN = 4
    RPC = 64 // NCHAIN

    klist_ref[...] = jnp.zeros((K, NCHAIN), jnp.float32)

    def bs_step(i, t):
        cand = jnp.bitwise_or(t, lax.shift_left(jnp.int32(1),
                                                jnp.int32(30) - i))
        cnt = jnp.sum(jnp.where(ki >= cand, 1, 0))
        return jnp.where(cnt >= K, cand, t)

    tstar = lax.fori_loop(0, 31, bs_step, jnp.int32(0))
    nmax = jnp.int32(0)
    for c in range(NCHAIN):
        n_c = jnp.sum(jnp.where(ki[RPC * c:RPC * (c + 1), :] >= tstar,
                                1, 0))
        nmax = jnp.maximum(nmax, n_c)

    def step(t, carry):
        ms, new = [], []
        for ch in range(NCHAIN):
            kc, cm = carry[ch]
            m = jnp.max(cm, axis=1, keepdims=True)
            kc = jnp.where(kc == m, KMIN, kc)
            cm = jnp.max(kc, axis=0, keepdims=True)
            ms.append(m)
            new.append((kc, cm))
        klist_ref[pl.ds(t, 1), :] = jnp.concatenate(ms, axis=1)
        return tuple(new)

    carry0 = tuple(
        (keys[RPC * c:RPC * (c + 1), :],
         jnp.max(keys[RPC * c:RPC * (c + 1), :], axis=0, keepdims=True))
        for c in range(NCHAIN))
    lax.fori_loop(0, nmax, step, carry0)

    kl = klist_ref[...]
    kli = lax.bitcast_convert_type(kl, jnp.int32)
    vals4 = lax.bitcast_convert_type(
        jnp.bitwise_and(kli, jnp.int32(~0x1FFF)), jnp.float32)
    idx4 = jnp.int32(8191) - jnp.bitwise_and(kli, jnp.int32(0x1FFF))
    klT = lax.transpose(kl, (1, 0))
    pos = lax.broadcasted_iota(jnp.int32, (K, 1), 0)
    lane512 = lax.broadcasted_iota(jnp.int32, (1, K), 1)
    merged = None
    for c in range(NCHAIN):
        colc = kl[:, c:c + 1]
        rank = pos
        for o in range(NCHAIN):
            if o == c:
                continue
            gt = klT[o:o + 1, :] > colc
            rank = rank + jnp.sum(jnp.where(gt, 1, 0), axis=1,
                                  keepdims=True)
        S_T = jnp.where(rank == lane512, 1.0, 0.0)
        cat = jnp.concatenate(
            [vals4[:, c:c + 1], idx4[:, c:c + 1].astype(jnp.float32)],
            axis=1)
        contrib = lax.dot_general(
            S_T, cat, (((0,), (0,)), ((), ())),
            precision=lax.Precision.HIGHEST,
            preferred_element_type=jnp.float32)
        merged = contrib if merged is None else merged + contrib
    vals = merged[:, 0:1]
    idxc = merged[:, 1:2].astype(jnp.int32)

    lane = lax.broadcasted_iota(jnp.int32, (1, G), 1)
    P = jnp.where(idxc == lane, 1.0, 0.0).astype(jnp.bfloat16)
    gid_emb = jnp.dot(P, emb_bf[...], preferred_element_type=jnp.float32)
    uvg = jnp.dot(P, uv[...].astype(jnp.bfloat16),
                  preferred_element_type=jnp.float32)

    mm = functools.partial(jnp.dot, precision=lax.Precision.HIGHEST,
                           preferred_element_type=jnp.float32)
    x = jnp.log(vals + EPS)
    h1 = _gelu(mm(x, eW1[...]) + eb1[...].reshape(1, D))
    e_emb = mm(h1, eW2[...]) + eb2[...].reshape(1, D)
    h2 = _gelu(mm(uvg, pW1[...]) + pb1[...].reshape(1, D))
    p_emb = mm(h2, pW2[...]) + pb2[...].reshape(1, D)
    out[pl.ds(1, K), :] = gid_emb + e_emb + p_emb

    g_pre = (mm(feat4[...], gW1[...][0:4, :])
             + hnorm2 * gW1[...][4:5, :]
             + gb1[...].reshape(1, D))
    out[pl.ds(0, 1), :] = mm(_gelu(g_pre), gW2[...]) + gb2[...].reshape(1, D)


def _tc_tokens(part2d, uv, emb_bf, feat4, *weights):
    return pl.pallas_call(
        _tc_body,
        out_shape=jax.ShapeDtypeStruct((K + 1, D), jnp.float32),
        scratch_shapes=[
            pltpu.VMEM((K, 4), jnp.float32),
        ],
    )(part2d, uv, emb_bf, feat4, *weights)


def kernel(h0, group_id, group_uv, snr_db, P, NrRF, NtRF, group_embed,
           eW1, eb1, eW2, eb2, pW1, pb1, pW2, pb2, gW1, gb1, gW2, gb2):
    part = _sc_energy(h0, group_id.astype(jnp.int32))
    part2d = part.reshape(NW * 64, 128)
    feat4 = jnp.stack([
        jnp.asarray(snr_db, jnp.float32),
        jnp.asarray(P, jnp.float32),
        jnp.asarray(NrRF, jnp.float32),
        jnp.asarray(NtRF, jnp.float32),
    ]).reshape(1, 4)
    return _tc_tokens(part2d, group_uv.astype(jnp.float32),
                      group_embed.astype(jnp.bfloat16), feat4,
                      eW1, eb1, eW2, eb2, pW1, pb1, pW2, pb2,
                      gW1, gb1, gW2, gb2)

# --- scband reference (transcript-rebuilt; emitter-appended) ---
"""Pipeline reference for scband-wavenumber-tokenizer-61984968016113 (READ-ONLY COPY).

The authoritative reference and input builder live on the scoring server;
editing this copy changes nothing except your own understanding.
"""

import jax, jax.numpy as jnp
import numpy as np

N = 8388608
G = 8192
K = 512
D = 256
EPS = 1e-08


def _linear_init(key, fan_in, fan_out):
    k1, k2 = jax.random.split(key)
    lim = 1.0 / np.sqrt(fan_in)
    W = jax.random.uniform(k1, (fan_in, fan_out), minval=-lim, maxval=lim, dtype=jnp.float32)
    b = jax.random.uniform(k2, (fan_out,), minval=-lim, maxval=lim, dtype=jnp.float32)
    return W, b


def setup_inputs(seed: int = 0) -> dict:
    key = jax.random.key(seed)
    ks = jax.random.split(key, 10)
    h0 = jax.random.normal(ks[0], (N,), dtype=jnp.float32)
    group_id = jax.random.randint(ks[1], (N,), 0, G, dtype=jnp.int64) if jax.config.jax_enable_x64 else jax.random.randint(ks[1], (N,), 0, G, dtype=jnp.int32)
    group_uv = jax.random.uniform(ks[2], (G, 2), dtype=jnp.float32)
    group_embed = jax.random.normal(ks[3], (G, D), dtype=jnp.float32) * 0.02
    eW1, eb1 = _linear_init(ks[4], 1, D)
    eW2, eb2 = _linear_init(ks[5], D, D)
    pW1, pb1 = _linear_init(ks[6], 2, D)
    pW2, pb2 = _linear_init(ks[7], D, D)
    gW1, gb1 = _linear_init(ks[8], 5, D)
    gW2, gb2 = _linear_init(ks[9], D, D)
    return {"h0": h0, "group_id": group_id, "group_uv": group_uv, "snr_db": 10, "P": 64, "NrRF": 8, "NtRF": 8, "group_embed": group_embed, "eW1": eW1, "eb1": eb1, "eW2": eW2, "eb2": eb2, "pW1": pW1, "pb1": pb1, "pW2": pW2, "pb2": pb2, "gW1": gW1, "gb1": gb1, "gW2": gW2, "gb2": gb2}


def _mlp(x, W1, b1, W2, b2):
    h = jax.nn.gelu(x @ W1 + b1, approximate=False)
    return h @ W2 + b2


def reference(h0, group_id, group_uv, snr_db, P, NrRF, NtRF, group_embed, eW1, eb1, eW2, eb2, pW1, pb1, pW2, pb2, gW1, gb1, gW2, gb2):
    # group_energy_from_hvec: scatter-add |h|^2 into G groups
    abs2 = (jnp.abs(h0) ** 2).astype(jnp.float32)
    Eg = jax.ops.segment_sum(abs2, group_id, num_segments=G)
    # topk_groups (torch.no_grad in original)
    vals, idx = jax.lax.top_k(Eg, K)
    vals = jax.lax.stop_gradient(vals)
    idx = jax.lax.stop_gradient(idx)
    # token construction
    gid_emb = group_embed[idx]
    energy_emb = _mlp(jnp.log(vals + EPS)[:, None], eW1, eb1, eW2, eb2)
    pos_emb = _mlp(group_uv[idx].astype(jnp.float32), pW1, pb1, pW2, pb2)
    group_tokens = gid_emb + energy_emb + pos_emb
    hnorm2 = jax.lax.stop_gradient(jnp.sum(h0 ** 2))  # .item() in torch detaches
    global_feat = jnp.stack([
        jnp.asarray(snr_db, jnp.float32),
        jnp.asarray(P, jnp.float32),
        jnp.asarray(NrRF, jnp.float32),
        jnp.asarray(NtRF, jnp.float32),
        hnorm2.astype(jnp.float32),
    ])[None, :]
    global_token = _mlp(global_feat, gW1, gb1, gW2, gb2)
    Z_t = jnp.concatenate([global_token, group_tokens], axis=0)
    return Z_t

if __name__ == "__main__":
    import jax
    _d = setup_inputs()
    print(jax.jit(kernel)(*tuple(_d.values())))

</pallas_src>

<mosaic_0001>
#map = affine_map<(d0, d1) -> (0)>
module attributes {stable_mosaic.version = 14 : i64} {
  func.func @_sc_energy_body(%arg0: i32, %arg1: i32, %arg2: memref<8388608xf32, #tpu.memory_space<hbm>>, %arg3: memref<8388608xi32, #tpu.memory_space<hbm>>, %arg4: memref<262144xf32, #tpu.memory_space<hbm>>, %arg5: memref<2x16384xf32, #tpu.memory_space<vmem>>, %arg6: memref<2x16384xi32, #tpu.memory_space<vmem>>, %arg7: memref<8192xf32, #tpu.memory_space<vmem>>, %arg8: memref<2x!tpu.dma_semaphore, #tpu.memory_space<semaphore_mem>>, %arg9: memref<2x!tpu.dma_semaphore, #tpu.memory_space<semaphore_mem>>) attributes {dimension_semantics = [#tpu.dimension_semantics<core_parallel>, #tpu.dimension_semantics<subcore_parallel>], iteration_bounds = array<i64: 2, 16>, scalar_prefetch = 0 : i64, scratch_operands = 5 : i64, tpu.core_type = #tpu.core_type<sc_vector_subcore>, window_params = [{transform_indices = #map}, {transform_indices = #map}, {transform_indices = #map}]} {
    %mul3A = arith.constant 2 : i32
    %mul3A_0 = arith.muli %arg1, %mul3A : i32
    %add3A = arith.addi %mul3A_0, %arg0 : i32
    %mul3A_1 = arith.constant 262144 : i32
    %mul3A_2 = arith.muli %add3A, %mul3A_1 : i32
    %parallel_loop3A = arith.constant 0 : i32
    %parallel_loop3A_3 = arith.constant 512 : i32
    %parallel_loop3A_4 = arith.constant 1 : i32
    scf.for %parallel_loop3A_853 = %parallel_loop3A to %parallel_loop3A_3 step %parallel_loop3A_4  : i32 {
      %parallel_loop3A_854 = arith.constant 0.000000e+00 : f32
      %parallel_loop3A_855 = vector.broadcast %parallel_loop3A_854 : f32 to vector<16xf32>
      %parallel_loop3A_856 = arith.constant 16 : i32
      %parallel_loop3A_857 = arith.muli %parallel_loop3A_853, %parallel_loop3A_856 : i32
      %parallel_loop3A_858 = tpu.assume_multiple %parallel_loop3A_857, 16 : i32
      %parallel_loop3A_859 = arith.index_cast %parallel_loop3A_858 : i32 to index
      %parallel_loop3A_860 = tpu.vector_load %arg7[%parallel_loop3A_859] {strides = array<i32>} : memref<8192xf32, #tpu.memory_space<vmem>>, vector<16xf32>,
      tpu.vector_store %arg7[%parallel_loop3A_859], %parallel_loop3A_855 {strides = array<i32>} : memref<8192xf32, #tpu.memory_space<vmem>>, vector<16xf32>,
    } {sc.loop_unroll_factor = 8 : i64, sc.parallel_access}
    %add3A_5 = arith.constant 0 : i32
    %add3A_6 = arith.addi %mul3A_2, %add3A_5 : i32
    %dma_start3A = arith.constant 0 : i32
    %dma_start3A_7 = arith.constant 0 : i32
    %dma_start3A_8 = arith.constant 0 : i32
    %dma_start3A_9 = tpu.memref_slice %arg5[%dma_start3A, %dma_start3A_8] : memref<2x16384xf32, #tpu.memory_space<vmem>> -> memref<1x16384xf32, #tpu.memory_space<vmem>>
    %dma_start3A_10 = tpu.memref_squeeze %dma_start3A_9 : memref<1x16384xf32, #tpu.memory_space<vmem>> -> memref<16384xf32, #tpu.memory_space<vmem>>
    %dma_start3A_11 = tpu.memref_slice %arg2[%add3A_6] : memref<8388608xf32, #tpu.memory_space<hbm>> -> memref<16384xf32, #tpu.memory_space<hbm>>
    %dma_start3A_12 = tpu.memref_slice %arg8[%dma_start3A_7] : memref<2x!tpu.dma_semaphore, #tpu.memory_space<semaphore_mem>> -> memref<1x!tpu.dma_semaphore, #tpu.memory_space<semaphore_mem>>
    %dma_start3A_13 = tpu.memref_squeeze %dma_start3A_12 : memref<1x!tpu.dma_semaphore, #tpu.memory_space<semaphore_mem>> -> memref<!tpu.dma_semaphore, #tpu.memory_space<semaphore_mem>>
    %dma_start3A_14 = arith.constant 0 : i32
    %dma_start3A_15 = tpu.memref_slice %arg5[%dma_start3A, %dma_start3A_14] : memref<2x16384xf32, #tpu.memory_space<vmem>> -> memref<1x16384xf32, #tpu.memory_space<vmem>>
    %dma_start3A_16 = tpu.memref_squeeze %dma_start3A_15 : memref<1x16384xf32, #tpu.memory_space<vmem>> -> memref<16384xf32, #tpu.memory_space<vmem>>
    %dma_start3A_17 = tpu.memref_slice %arg2[%add3A_6] : memref<8388608xf32, #tpu.memory_space<hbm>> -> memref<16384xf32, #tpu.memory_space<hbm>>
    tpu.enqueue_dma source(%dma_start3A_17 : memref<16384xf32, #tpu.memory_space<hbm>>) target(%dma_start3A_16 : memref<16384xf32, #tpu.memory_space<vmem>>) target_semaphore(%dma_start3A_13 : memref<!tpu.dma_semaphore, #tpu.memory_space<semaphore_mem>>)
    %dma_start3A_18 = arith.constant 0 : i32
    %dma_start3A_19 = arith.constant 0 : i32
    %dma_start3A_20 = arith.constant 0 : i32
    %dma_start3A_21 = tpu.memref_slice %arg6[%dma_start3A_18, %dma_start3A_20] : memref<2x16384xi32, #tpu.memory_space<vmem>> -> memref<1x16384xi32, #tpu.memory_space<vmem>>
    %dma_start3A_22 = tpu.memref_squeeze %dma_start3A_21 : memref<1x16384xi32, #tpu.memory_space<vmem>> -> memref<16384xi32, #tpu.memory_space<vmem>>
    %dma_start3A_23 = tpu.memref_slice %arg3[%add3A_6] : memref<8388608xi32, #tpu.memory_space<hbm>> -> memref<16384xi32, #tpu.memory_space<hbm>>
    %dma_start3A_24 = tpu.memref_slice %arg9[%dma_start3A_19] : memref<2x!tpu.dma_semaphore, #tpu.memory_space<semaphore_mem>> -> memref<1x!tpu.dma_semaphore, #tpu.memory_space<semaphore_mem>>
    %dma_start3A_25 = tpu.memref_squeeze %dma_start3A_24 : memref<1x!tpu.dma_semaphore, #tpu.memory_space<semaphore_mem>> -> memref<!tpu.dma_semaphore, #tpu.memory_space<semaphore_mem>>
    %dma_start3A_26 = arith.constant 0 : i32
    %dma_start3A_27 = tpu.memref_slice %arg6[%dma_start3A_18, %dma_start3A_26] : memref<2x16384xi32, #tpu.memory_space<vmem>> -> memref<1x16384xi32, #tpu.memory_space<vmem>>
    %dma_start3A_28 = tpu.memref_squeeze %dma_start3A_27 : memref<1x16384xi32, #tpu.memory_space<vmem>> -> memref<16384xi32, #tpu.memory_space<vmem>>
    %dma_start3A_29 = tpu.memref_slice %arg3[%add3A_6] : memref<8388608xi32, #tpu.memory_space<hbm>> -> memref<16384xi32, #tpu.memory_space<hbm>>
    tpu.enqueue_dma source(%dma_start3A_29 : memref<16384xi32, #tpu.memory_space<hbm>>) target(%dma_start3A_28 : memref<16384xi32, #tpu.memory_space<vmem>>) target_semaphore(%dma_start3A_25 : memref<!tpu.dma_semaphore, #tpu.memory_space<semaphore_mem>>)
    %add3A_30 = arith.constant 16384 : i32
    %add3A_31 = arith.addi %mul3A_2, %add3A_30 : i32
    %dma_start3A_32 = arith.constant 1 : i32
    %dma_start3A_33 = arith.constant 1 : i32
    %dma_start3A_34 = arith.constant 0 : i32
    %dma_start3A_35 = tpu.memref_slice %arg5[%dma_start3A_32, %dma_start3A_34] : memref<2x16384xf32, #tpu.memory_space<vmem>> -> memref<1x16384xf32, #tpu.memory_space<vmem>>
    %dma_start3A_36 = tpu.memref_squeeze %dma_start3A_35 : memref<1x16384xf32, #tpu.memory_space<vmem>> -> memref<16384xf32, #tpu.memory_space<vmem>>
    %dma_start3A_37 = tpu.memref_slice %arg2[%add3A_31] : memref<8388608xf32, #tpu.memory_space<hbm>> -> memref<16384xf32, #tpu.memory_space<hbm>>
    %dma_start3A_38 = tpu.memref_slice %arg8[%dma_start3A_33] : memref<2x!tpu.dma_semaphore, #tpu.memory_space<semaphore_mem>> -> memref<1x!tpu.dma_semaphore, #tpu.memory_space<semaphore_mem>>
    %dma_start3A_39 = tpu.memref_squeeze %dma_start3A_38 : memref<1x!tpu.dma_semaphore, #tpu.memory_space<semaphore_mem>> -> memref<!tpu.dma_semaphore, #tpu.memory_space<semaphore_mem>>
    %dma_start3A_40 = arith.constant 0 : i32
    %dma_start3A_41 = tpu.memref_slice %arg5[%dma_start3A_32, %dma_start3A_40] : memref<2x16384xf32, #tpu.memory_space<vmem>> -> memref<1x16384xf32, #tpu.memory_space<vmem>>
    %dma_start3A_42 = tpu.memref_squeeze %dma_start3A_41 : memref<1x16384xf32, #tpu.memory_space<vmem>> -> memref<16384xf32, #tpu.memory_space<vmem>>
    %dma_start3A_43 = tpu.memref_slice %arg2[%add3A_31] : memref<8388608xf32, #tpu.memory_space<hbm>> -> memref<16384xf32, #tpu.memory_space<hbm>>
    tpu.enqueue_dma source(%dma_start3A_43 : memref<16384xf32, #tpu.memory_space<hbm>>) target(%dma_start3A_42 : memref<16384xf32, #tpu.memory_space<vmem>>) target_semaphore(%dma_start3A_39 : memref<!tpu.dma_semaphore, #tpu.memory_space<semaphore_mem>>)
    %dma_start3A_44 = arith.constant 1 : i32
    %dma_start3A_45 = arith.constant 1 : i32
    %dma_start3A_46 = arith.constant 0 : i32
    %dma_start3A_47 = tpu.memref_slice %arg6[%dma_start3A_44, %dma_start3A_46] : memref<2x16384xi32, #tpu.memory_space<vmem>> -> memref<1x16384xi32, #tpu.memory_space<vmem>>
    %dma_start3A_48 = tpu.memref_squeeze %dma_start3A_47 : memref<1x16384xi32, #tpu.memory_space<vmem>> -> memref<16384xi32, #tpu.memory_space<vmem>>
    %dma_start3A_49 = tpu.memref_slice %arg3[%add3A_31] : memref<8388608xi32, #tpu.memory_space<hbm>> -> memref<16384xi32, #tpu.memory_space<hbm>>
    %dma_start3A_50 = tpu.memref_slice %arg9[%dma_start3A_45] : memref<2x!tpu.dma_semaphore, #tpu.memory_space<semaphore_mem>> -> memref<1x!tpu.dma_semaphore, #tpu.memory_space<semaphore_mem>>
    %dma_start3A_51 = tpu.memref_squeeze %dma_start3A_50 : memref<1x!tpu.dma_semaphore, #tpu.memory_space<semaphore_mem>> -> memref<!tpu.dma_semaphore, #tpu.memory_space<semaphore_mem>>
    %dma_start3A_52 = arith.constant 0 : i32
    %dma_start3A_53 = tpu.memref_slice %arg6[%dma_start3A_44, %dma_start3A_52] : memref<2x16384xi32, #tpu.memory_space<vmem>> -> memref<1x16384xi32, #tpu.memory_space<vmem>>
    %dma_start3A_54 = tpu.memref_squeeze %dma_start3A_53 : memref<1x16384xi32, #tpu.memory_space<vmem>> -> memref<16384xi32, #tpu.memory_space<vmem>>
    %dma_start3A_55 = tpu.memref_slice %arg3[%add3A_31] : memref<8388608xi32, #tpu.memory_space<hbm>> -> memref<16384xi32, #tpu.memory_space<hbm>>
    tpu.enqueue_dma source(%dma_start3A_55 : memref<16384xi32, #tpu.memory_space<hbm>>) target(%dma_start3A_54 : memref<16384xi32, #tpu.memory_space<vmem>>) target_semaphore(%dma_start3A_51 : memref<!tpu.dma_semaphore, #tpu.memory_space<semaphore_mem>>)
    %dma_wait3A = arith.constant 0 : i32
    %dma_wait3A_56 = arith.constant 0 : i32
    %dma_wait3A_57 = arith.constant 0 : i32
    %dma_wait3A_58 = tpu.memref_slice %arg5[%dma_wait3A, %dma_wait3A_57] : memref<2x16384xf32, #tpu.memory_space<vmem>> -> memref<1x16384xf32, #tpu.memory_space<vmem>>
    %dma_wait3A_59 = tpu.memref_squeeze %dma_wait3A_58 : memref<1x16384xf32, #tpu.memory_space<vmem>> -> memref<16384xf32, #tpu.memory_space<vmem>>
    %dma_wait3A_60 = tpu.memref_slice %arg2[%add3A_6] : memref<8388608xf32, #tpu.memory_space<hbm>> -> memref<16384xf32, #tpu.memory_space<hbm>>
    %dma_wait3A_61 = tpu.memref_slice %arg8[%dma_wait3A_56] : memref<2x!tpu.dma_semaphore, #tpu.memory_space<semaphore_mem>> -> memref<1x!tpu.dma_semaphore, #tpu.memory_space<semaphore_mem>>
    %dma_wait3A_62 = tpu.memref_squeeze %dma_wait3A_61 : memref<1x!tpu.dma_semaphore, #tpu.memory_space<semaphore_mem>> -> memref<!tpu.dma_semaphore, #tpu.memory_space<semaphore_mem>>
    %dma_wait3A_63 = arith.constant 0 : i32
    %dma_wait3A_64 = tpu.memref_slice %arg5[%dma_wait3A, %dma_wait3A_63] : memref<2x16384xf32, #tpu.memory_space<vmem>> -> memref<1x16384xf32, #tpu.memory_space<vmem>>
    %dma_wait3A_65 = tpu.memref_squeeze %dma_wait3A_64 : memref<1x16384xf32, #tpu.memory_space<vmem>> -> memref<16384xf32, #tpu.memory_space<vmem>>
    %dma_wait3A_66 = tpu.memref_slice %arg2[%add3A_6] : memref<8388608xf32, #tpu.memory_space<hbm>> -> memref<16384xf32, #tpu.memory_space<hbm>>
    tpu.wait_dma2 semaphore(%dma_wait3A_62 : memref<!tpu.dma_semaphore, #tpu.memory_space<semaphore_mem>>) src(%dma_wait3A_66 : memref<16384xf32, #tpu.memory_space<hbm>>) dst(%dma_wait3A_65 : memref<16384xf32, #tpu.memory_space<vmem>>)
    %dma_wait3A_67 = arith.constant 0 : i32
    %dma_wait3A_68 = arith.constant 0 : i32
    %dma_wait3A_69 = arith.constant 0 : i32
    %dma_wait3A_70 = tpu.memref_slice %arg6[%dma_wait3A_67, %dma_wait3A_69] : memref<2x16384xi32, #tpu.memory_space<vmem>> -> memref<1x16384xi32, #tpu.memory_space<vmem>>
    %dma_wait3A_71 = tpu.memref_squeeze %dma_wait3A_70 : memref<1x16384xi32, #tpu.memory_space<vmem>> -> memref<16384xi32, #tpu.memory_space<vmem>>
    %dma_wait3A_72 = tpu.memref_slice %arg3[%add3A_6] : memref<8388608xi32, #tpu.memory_space<hbm>> -> memref<16384xi32, #tpu.memory_space<hbm>>
    %dma_wait3A_73 = tpu.memref_slice %arg9[%dma_wait3A_68] : memref<2x!tpu.dma_semaphore, #tpu.memory_space<semaphore_mem>> -> memref<1x!tpu.dma_semaphore, #tpu.memory_space<semaphore_mem>>
    %dma_wait3A_74 = tpu.memref_squeeze %dma_wait3A_73 : memref<1x!tpu.dma_semaphore, #tpu.memory_space<semaphore_mem>> -> memref<!tpu.dma_semaphore, #tpu.memory_space<semaphore_mem>>
    %dma_wait3A_75 = arith.constant 0 : i32
    %dma_wait3A_76 = tpu.memref_slice %arg6[%dma_wait3A_67, %dma_wait3A_75] : memref<2x16384xi32, #tpu.memory_space<vmem>> -> memref<1x16384xi32, #tpu.memory_space<vmem>>
    %dma_wait3A_77 = tpu.memref_squeeze %dma_wait3A_76 : memref<1x16384xi32, #tpu.memory_space<vmem>> -> memref<16384xi32, #tpu.memory_space<vmem>>
    %dma_wait3A_78 = tpu.memref_slice %arg3[%add3A_6] : memref<8388608xi32, #tpu.memory_space<hbm>> -> memref<16384xi32, #tpu.memory_space<hbm>>
    tpu.wait_dma2 semaphore(%dma_wait3A_74 : memref<!tpu.dma_semaphore, #tpu.memory_space<semaphore_mem>>) src(%dma_wait3A_78 : memref<16384xi32, #tpu.memory_space<hbm>>) dst(%dma_wait3A_77 : memref<16384xi32, #tpu.memory_space<vmem>>)
    %parallel_loop3A_79 = arith.constant 0 : i32
    %parallel_loop3A_80 = arith.constant 1024 : i32
    %parallel_loop3A_81 = arith.constant 1 : i32
    scf.for %parallel_loop3A_853 = %parallel_loop3A_79 to %parallel_loop3A_80 step %parallel_loop3A_81  : i32 {
      %parallel_loop3A_854 = arith.constant 16 : i32
      %parallel_loop3A_855 = arith.muli %parallel_loop3A_853, %parallel_loop3A_854 : i32
      %parallel_loop3A_856 = tpu.assume_multiple %parallel_loop3A_855, 16 : i32
      %parallel_loop3A_857 = arith.constant 0 : i32
      %parallel_loop3A_858 = arith.index_cast %parallel_loop3A_857 : i32 to index
      %parallel_loop3A_859 = arith.index_cast %parallel_loop3A_856 : i32 to index
      %parallel_loop3A_860 = tpu.vector_load %arg6[%parallel_loop3A_858, %parallel_loop3A_859] {strides = array<i32>} : memref<2x16384xi32, #tpu.memory_space<vmem>>, vector<16xi32>,
      %parallel_loop3A_861 = arith.constant 0 : i32
      %parallel_loop3A_862 = arith.index_cast %parallel_loop3A_861 : i32 to index
      %parallel_loop3A_863 = arith.index_cast %parallel_loop3A_856 : i32 to index
      %parallel_loop3A_864 = tpu.vector_load %arg5[%parallel_loop3A_862, %parallel_loop3A_863] {strides = array<i32>} : memref<2x16384xf32, #tpu.memory_space<vmem>>, vector<16xf32>,
      %parallel_loop3A_865 = arith.mulf %parallel_loop3A_864, %parallel_loop3A_864 : vector<16xf32>
      tpu.vector_store_idx %arg7[%parallel_loop3A_860], %parallel_loop3A_865 {add = true} : memref<8192xf32, #tpu.memory_space<vmem>>[vector<16xi32>], vector<16xf32>,
    } {sc.loop_unroll_factor = 16 : i64, sc.parallel_access}
    %add3A_82 = arith.constant 32768 : i32
    %add3A_83 = arith.addi %mul3A_2, %add3A_82 : i32
    %dma_start3A_84 = arith.constant 0 : i32
    %dma_start3A_85 = arith.constant 0 : i32
    %dma_start3A_86 = arith.constant 0 : i32
    %dma_start3A_87 = tpu.memref_slice %arg5[%dma_start3A_84, %dma_start3A_86] : memref<2x16384xf32, #tpu.memory_space<vmem>> -> memref<1x16384xf32, #tpu.memory_space<vmem>>
    %dma_start3A_88 = tpu.memref_squeeze %dma_start3A_87 : memref<1x16384xf32, #tpu.memory_space<vmem>> -> memref<16384xf32, #tpu.memory_space<vmem>>
    %dma_start3A_89 = tpu.memref_slice %arg2[%add3A_83] : memref<8388608xf32, #tpu.memory_space<hbm>> -> memref<16384xf32, #tpu.memory_space<hbm>>
    %dma_start3A_90 = tpu.memref_slice %arg8[%dma_start3A_85] : memref<2x!tpu.dma_semaphore, #tpu.memory_space<semaphore_mem>> -> memref<1x!tpu.dma_semaphore, #tpu.memory_space<semaphore_mem>>
    %dma_start3A_91 = tpu.memref_squeeze %dma_start3A_90 : memref<1x!tpu.dma_semaphore, #tpu.memory_space<semaphore_mem>> -> memref<!tpu.dma_semaphore, #tpu.memory_space<semaphore_mem>>
    %dma_start3A_92 = arith.constant 0 : i32
    %dma_start3A_93 = tpu.memref_slice %arg5[%dma_start3A_84, %dma_start3A_92] : memref<2x16384xf32, #tpu.memory_space<vmem>> -> memref<1x16384xf32, #tpu.memory_space<vmem>>
    %dma_start3A_94 = tpu.memref_squeeze %dma_start3A_93 : memref<1x16384xf32, #tpu.memory_space<vmem>> -> memref<16384xf32, #tpu.memory_space<vmem>>
    %dma_start3A_95 = tpu.memref_slice %arg2[%add3A_83] : memref<8388608xf32, #tpu.memory_space<hbm>> -> memref<16384xf32, #tpu.memory_space<hbm>>
    tpu.enqueue_dma source(%dma_start3A_95 : memref<16384xf32, #tpu.memory_space<hbm>>) target(%dma_start3A_94 : memref<16384xf32, #tpu.memory_space<vmem>>) target_semaphore(%dma_start3A_91 : memref<!tpu.dma_semaphore, #tpu.memory_space<semaphore_mem>>)
    %dma_start3A_96 = arith.constant 0 : i32
    %dma_start3A_97 = arith.constant 0 : i32
    %dma_start3A_98 = arith.constant 0 : i32
    %dma_start3A_99 = tpu.memref_slice %arg6[%dma_start3A_96, %dma_start3A_98] : memref<2x16384xi32, #tpu.memory_space<vmem>> -> memref<1x16384xi32, #tpu.memory_space<vmem>>
    %dma_start3A_100 = tpu.memref_squeeze %dma_start3A_99 : memref<1x16384xi32, #tpu.memory_space<vmem>> -> memref<16384xi32, #tpu.memory_space<vmem>>
    %dma_start3A_101 = tpu.memref_slice %arg3[%add3A_83] : memref<8388608xi32, #tpu.memory_space<hbm>> -> memref<16384xi32, #tpu.memory_space<hbm>>
    %dma_start3A_102 = tpu.memref_slice %arg9[%dma_start3A_97] : memref<2x!tpu.dma_semaphore, #tpu.memory_space<semaphore_mem>> -> memref<1x!tpu.dma_semaphore, #tpu.memory_space<semaphore_mem>>
    %dma_start3A_103 = tpu.memref_squeeze %dma_start3A_102 : memref<1x!tpu.dma_semaphore, #tpu.memory_space<semaphore_mem>> -> memref<!tpu.dma_semaphore, #tpu.memory_space<semaphore_mem>>
    %dma_start3A_104 = arith.constant 0 : i32
    %dma_start3A_105 = tpu.memref_slice %arg6[%dma_start3A_96, %dma_start3A_104] : memref<2x16384xi32, #tpu.memory_space<vmem>> -> memref<1x16384xi32, #tpu.memory_space<vmem>>
    %dma_start3A_106 = tpu.memref_squeeze %dma_start3A_105 : memref<1x16384xi32, #tpu.memory_space<vmem>> -> memref<16384xi32, #tpu.memory_space<vmem>>
    %dma_start3A_107 = tpu.memref_slice %arg3[%add3A_83] : memref<8388608xi32, #tpu.memory_space<hbm>> -> memref<16384xi32, #tpu.memory_space<hbm>>
    tpu.enqueue_dma source(%dma_start3A_107 : memref<16384xi32, #tpu.memory_space<hbm>>) target(%dma_start3A_106 : memref<16384xi32, #tpu.memory_space<vmem>>) target_semaphore(%dma_start3A_103 : memref<!tpu.dma_semaphore, #tpu.memory_space<semaphore_mem>>)
    %dma_wait3A_108 = arith.constant 1 : i32
    %dma_wait3A_109 = arith.constant 1 : i32
    %dma_wait3A_110 = arith.constant 0 : i32
    %dma_wait3A_111 = tpu.memref_slice %arg5[%dma_wait3A_108, %dma_wait3A_110] : memref<2x16384xf32, #tpu.memory_space<vmem>> -> memref<1x16384xf32, #tpu.memory_space<vmem>>
    %dma_wait3A_112 = tpu.memref_squeeze %dma_wait3A_111 : memref<1x16384xf32, #tpu.memory_space<vmem>> -> memref<16384xf32, #tpu.memory_space<vmem>>
    %dma_wait3A_113 = tpu.memref_slice %arg2[%add3A_31] : memref<8388608xf32, #tpu.memory_space<hbm>> -> memref<16384xf32, #tpu.memory_space<hbm>>
    %dma_wait3A_114 = tpu.memref_slice %arg8[%dma_wait3A_109] : memref<2x!tpu.dma_semaphore, #tpu.memory_space<semaphore_mem>> -> memref<1x!tpu.dma_semaphore, #tpu.memory_space<semaphore_mem>>
    %dma_wait3A_115 = tpu.memref_squeeze %dma_wait3A_114 : memref<1x!tpu.dma_semaphore, #tpu.memory_space<semaphore_mem>> -> memref<!tpu.dma_semaphore, #tpu.memory_space<semaphore_mem>>
    %dma_wait3A_116 = arith.constant 0 : i32
    %dma_wait3A_117 = tpu.memref_slice %arg5[%dma_wait3A_108, %dma_wait3A_116] : memref<2x16384xf32, #tpu.memory_space<vmem>> -> memref<1x16384xf32, #tpu.memory_space<vmem>>
    %dma_wait3A_118 = tpu.memref_squeeze %dma_wait3A_117 : memref<1x16384xf32, #tpu.memory_space<vmem>> -> memref<16384xf32, #tpu.memory_space<vmem>>
    %dma_wait3A_119 = tpu.memref_slice %arg2[%add3A_31] : memref<8388608xf32, #tpu.memory_space<hbm>> -> memref<16384xf32, #tpu.memory_space<hbm>>
    tpu.wait_dma2 semaphore(%dma_wait3A_115 : memref<!tpu.dma_semaphore, #tpu.memory_space<semaphore_mem>>) src(%dma_wait3A_119 : memref<16384xf32, #tpu.memory_space<hbm>>) dst(%dma_wait3A_118 : memref<16384xf32, #tpu.memory_space<vmem>>)
    %dma_wait3A_120 = arith.constant 1 : i32
    %dma_wait3A_121 = arith.constant 1 : i32
    %dma_wait3A_122 = arith.constant 0 : i32
    %dma_wait3A_123 = tpu.memref_slice %arg6[%dma_wait3A_120, %dma_wait3A_122] : memref<2x16384xi32, #tpu.memory_space<vmem>> -> memref<1x16384xi32, #tpu.memory_space<vmem>>
    %dma_wait3A_124 = tpu.memref_squeeze %dma_wait3A_123 : memref<1x16384xi32, #tpu.memory_space<vmem>> -> memref<16384xi32, #tpu.memory_space<vmem>>
    %dma_wait3A_125 = tpu.memref_slice %arg3[%add3A_31] : memref<8388608xi32, #tpu.memory_space<hbm>> -> memref<16384xi32, #tpu.memory_space<hbm>>
    %dma_wait3A_126 = tpu.memref_slice %arg9[%dma_wait3A_121] : memref<2x!tpu.dma_semaphore, #tpu.memory_space<semaphore_mem>> -> memref<1x!tpu.dma_semaphore, #tpu.memory_space<semaphore_mem>>
    %dma_wait3A_127 = tpu.memref_squeeze %dma_wait3A_126 : memref<1x!tpu.dma_semaphore, #tpu.memory_space<semaphore_mem>> -> memref<!tpu.dma_semaphore, #tpu.memory_space<semaphore_mem>>
    %dma_wait3A_128 = arith.constant 0 : i32
    %dma_wait3A_129 = tpu.memref_slice %arg6[%dma_wait3A_120, %dma_wait3A_128] : memref<2x16384xi32, #tpu.memory_space<vmem>> -> memref<1x16384xi32, #tpu.memory_space<vmem>>
    %dma_wait3A_130 = tpu.memref_squeeze %dma_wait3A_129 : memref<1x16384xi32, #tpu.memory_space<vmem>> -> memref<16384xi32, #tpu.memory_space<vmem>>
    %dma_wait3A_131 = tpu.memref_slice %arg3[%add3A_31] : memref<8388608xi32, #tpu.memory_space<hbm>> -> memref<16384xi32, #tpu.memory_space<hbm>>
    tpu.wait_dma2 semaphore(%dma_wait3A_127 : memref<!tpu.dma_semaphore, #tpu.memory_space<semaphore_mem>>) src(%dma_wait3A_131 : memref<16384xi32, #tpu.memory_space<hbm>>) dst(%dma_wait3A_130 : memref<16384xi32, #tpu.memory_space<vmem>>)
    %parallel_loop3A_132 = arith.constant 0 : i32
    %parallel_loop3A_133 = arith.constant 1024 : i32
    %parallel_loop3A_134 = arith.constant 1 : i32
    scf.for %parallel_loop3A_853 = %parallel_loop3A_132 to %parallel_loop3A_133 step %parallel_loop3A_134  : i32 {
      %parallel_loop3A_854 = arith.constant 16 : i32
      %parallel_loop3A_855 = arith.muli %parallel_loop3A_853, %parallel_loop3A_854 : i32
      %parallel_loop3A_856 = tpu.assume_multiple %parallel_loop3A_855, 16 : i32
      %parallel_loop3A_857 = arith.constant 1 : i32
      %parallel_loop3A_858 = arith.index_cast %parallel_loop3A_857 : i32 to index
      %parallel_loop3A_859 = arith.index_cast %parallel_loop3A_856 : i32 to index
      %parallel_loop3A_860 = tpu.vector_load %arg6[%parallel_loop3A_858, %parallel_loop3A_859] {strides = array<i32>} : memref<2x16384xi32, #tpu.memory_space<vmem>>, vector<16xi32>,
      %parallel_loop3A_861 = arith.constant 1 : i32
      %parallel_loop3A_862 = arith.index_cast %parallel_loop3A_861 : i32 to index
      %parallel_loop3A_863 = arith.index_cast %parallel_loop3A_856 : i32 to index
      %parallel_loop3A_864 = tpu.vector_load %arg5[%parallel_loop3A_862, %parallel_loop3A_863] {strides = array<i32>} : memref<2x16384xf32, #tpu.memory_space<vmem>>, vector<16xf32>,
      %parallel_loop3A_865 = arith.mulf %parallel_loop3A_864, %parallel_loop3A_864 : vector<16xf32>
      tpu.vector_store_idx %arg7[%parallel_loop3A_860], %parallel_loop3A_865 {add = true} : memref<8192xf32, #tpu.memory_space<vmem>>[vector<16xi32>], vector<16xf32>,
    } {sc.loop_unroll_factor = 16 : i64, sc.parallel_access}
    %add3A_135 = arith.constant 49152 : i32
    %add3A_136 = arith.addi %mul3A_2, %add3A_135 : i32
    %dma_start3A_137 = arith.constant 1 : i32
    %dma_start3A_138 = arith.constant 1 : i32
    %dma_start3A_139 = arith.constant 0 : i32
    %dma_start3A_140 = tpu.memref_slice %arg5[%dma_start3A_137, %dma_start3A_139] : memref<2x16384xf32, #tpu.memory_space<vmem>> -> memref<1x16384xf32, #tpu.memory_space<vmem>>
    %dma_start3A_141 = tpu.memref_squeeze %dma_start3A_140 : memref<1x16384xf32, #tpu.memory_space<vmem>> -> memref<16384xf32, #tpu.memory_space<vmem>>
    %dma_start3A_142 = tpu.memref_slice %arg2[%add3A_136] : memref<8388608xf32, #tpu.memory_space<hbm>> -> memref<16384xf32, #tpu.memory_space<hbm>>
    %dma_start3A_143 = tpu.memref_slice %arg8[%dma_start3A_138] : memref<2x!tpu.dma_semaphore, #tpu.memory_space<semaphore_mem>> -> memref<1x!tpu.dma_semaphore, #tpu.memory_space<semaphore_mem>>
    %dma_start3A_144 = tpu.memref_squeeze %dma_start3A_143 : memref<1x!tpu.dma_semaphore, #tpu.memory_space<semaphore_mem>> -> memref<!tpu.dma_semaphore, #tpu.memory_space<semaphore_mem>>
    %dma_start3A_145 = arith.constant 0 : i32
    %dma_start3A_146 = tpu.memref_slice %arg5[%dma_start3A_137, %dma_start3A_145] : memref<2x16384xf32, #tpu.memory_space<vmem>> -> memref<1x16384xf32, #tpu.memory_space<vmem>>
    %dma_start3A_147 = tpu.memref_squeeze %dma_start3A_146 : memref<1x16384xf32, #tpu.memory_space<vmem>> -> memref<16384xf32, #tpu.memory_space<vmem>>
    %dma_start3A_148 = tpu.memref_slice %arg2[%add3A_136] : memref<8388608xf32, #tpu.memory_space<hbm>> -> memref<16384xf32, #tpu.memory_space<hbm>>
    tpu.enqueue_dma source(%dma_start3A_148 : memref<16384xf32, #tpu.memory_space<hbm>>) target(%dma_start3A_147 : memref<16384xf32, #tpu.memory_space<vmem>>) target_semaphore(%dma_start3A_144 : memref<!tpu.dma_semaphore, #tpu.memory_space<semaphore_mem>>)
    %dma_start3A_149 = arith.constant 1 : i32
    %dma_start3A_150 = arith.constant 1 : i32
    %dma_start3A_151 = arith.constant 0 : i32
    %dma_start3A_152 = tpu.memref_slice %arg6[%dma_start3A_149, %dma_start3A_151] : memref<2x16384xi32, #tpu.memory_space<vmem>> -> memref<1x16384xi32, #tpu.memory_space<vmem>>
    %dma_start3A_153 = tpu.memref_squeeze %dma_start3A_152 : memref<1x16384xi32, #tpu.memory_space<vmem>> -> memref<16384xi32, #tpu.memory_space<vmem>>
    %dma_start3A_154 = tpu.memref_slice %arg3[%add3A_136] : memref<8388608xi32, #tpu.memory_space<hbm>> -> memref<16384xi32, #tpu.memory_space<hbm>>
    %dma_start3A_155 = tpu.memref_slice %arg9[%dma_start3A_150] : memref<2x!tpu.dma_semaphore, #tpu.memory_space<semaphore_mem>> -> memref<1x!tpu.dma_semaphore, #tpu.memory_space<semaphore_mem>>
    %dma_start3A_156 = tpu.memref_squeeze %dma_start3A_155 : memref<1x!tpu.dma_semaphore, #tpu.memory_space<semaphore_mem>> -> memref<!tpu.dma_semaphore, #tpu.memory_space<semaphore_mem>>
    %dma_start3A_157 = arith.constant 0 : i32
    %dma_start3A_158 = tpu.memref_slice %arg6[%dma_start3A_149, %dma_start3A_157] : memref<2x16384xi32, #tpu.memory_space<vmem>> -> memref<1x16384xi32, #tpu.memory_space<vmem>>
    %dma_start3A_159 = tpu.memref_squeeze %dma_start3A_158 : memref<1x16384xi32, #tpu.memory_space<vmem>> -> memref<16384xi32, #tpu.memory_space<vmem>>
    %dma_start3A_160 = tpu.memref_slice %arg3[%add3A_136] : memref<8388608xi32, #tpu.memory_space<hbm>> -> memref<16384xi32, #tpu.memory_space<hbm>>
    tpu.enqueue_dma source(%dma_start3A_160 : memref<16384xi32, #tpu.memory_space<hbm>>) target(%dma_start3A_159 : memref<16384xi32, #tpu.memory_space<vmem>>) target_semaphore(%dma_start3A_156 : memref<!tpu.dma_semaphore, #tpu.memory_space<semaphore_mem>>)
    %dma_wait3A_161 = arith.constant 0 : i32
    %dma_wait3A_162 = arith.constant 0 : i32
    %dma_wait3A_163 = arith.constant 0 : i32
    %dma_wait3A_164 = tpu.memref_slice %arg5[%dma_wait3A_161, %dma_wait3A_163] : memref<2x16384xf32, #tpu.memory_space<vmem>> -> memref<1x16384xf32, #tpu.memory_space<vmem>>
    %dma_wait3A_165 = tpu.memref_squeeze %dma_wait3A_164 : memref<1x16384xf32, #tpu.memory_space<vmem>> -> memref<16384xf32, #tpu.memory_space<vmem>>
    %dma_wait3A_166 = tpu.memref_slice %arg2[%add3A_83] : memref<8388608xf32, #tpu.memory_space<hbm>> -> memref<16384xf32, #tpu.memory_space<hbm>>
    %dma_wait3A_167 = tpu.memref_slice %arg8[%dma_wait3A_162] : memref<2x!tpu.dma_semaphore, #tpu.memory_space<semaphore_mem>> -> memref<1x!tpu.dma_semaphore, #tpu.memory_space<semaphore_mem>>
    %dma_wait3A_168 = tpu.memref_squeeze %dma_wait3A_167 : memref<1x!tpu.dma_semaphore, #tpu.memory_space<semaphore_mem>> -> memref<!tpu.dma_semaphore, #tpu.memory_space<semaphore_mem>>
    %dma_wait3A_169 = arith.constant 0 : i32
    %dma_wait3A_170 = tpu.memref_slice %arg5[%dma_wait3A_161, %dma_wait3A_169] : memref<2x16384xf32, #tpu.memory_space<vmem>> -> memref<1x16384xf32, #tpu.memory_space<vmem>>
    %dma_wait3A_171 = tpu.memref_squeeze %dma_wait3A_170 : memref<1x16384xf32, #tpu.memory_space<vmem>> -> memref<16384xf32, #tpu.memory_space<vmem>>
    %dma_wait3A_172 = tpu.memref_slice %arg2[%add3A_83] : memref<8388608xf32, #tpu.memory_space<hbm>> -> memref<16384xf32, #tpu.memory_space<hbm>>
    tpu.wait_dma2 semaphore(%dma_wait3A_168 : memref<!tpu.dma_semaphore, #tpu.memory_space<semaphore_mem>>) src(%dma_wait3A_172 : memref<16384xf32, #tpu.memory_space<hbm>>) dst(%dma_wait3A_171 : memref<16384xf32, #tpu.memory_space<vmem>>)
    %dma_wait3A_173 = arith.constant 0 : i32
    %dma_wait3A_174 = arith.constant 0 : i32
    %dma_wait3A_175 = arith.constant 0 : i32
    %dma_wait3A_176 = tpu.memref_slice %arg6[%dma_wait3A_173, %dma_wait3A_175] : memref<2x16384xi32, #tpu.memory_space<vmem>> -> memref<1x16384xi32, #tpu.memory_space<vmem>>
    %dma_wait3A_177 = tpu.memref_squeeze %dma_wait3A_176 : memref<1x16384xi32, #tpu.memory_space<vmem>> -> memref<16384xi32, #tpu.memory_space<vmem>>
    %dma_wait3A_178 = tpu.memref_slice %arg3[%add3A_83] : memref<8388608xi32, #tpu.memory_space<hbm>> -> memref<16384xi32, #tpu.memory_space<hbm>>
    %dma_wait3A_179 = tpu.memref_slice %arg9[%dma_wait3A_174] : memref<2x!tpu.dma_semaphore, #tpu.memory_space<semaphore_mem>> -> memref<1x!tpu.dma_semaphore, #tpu.memory_space<semaphore_mem>>
    %dma_wait3A_180 = tpu.memref_squeeze %dma_wait3A_179 : memref<1x!tpu.dma_semaphore, #tpu.memory_space<semaphore_mem>> -> memref<!tpu.dma_semaphore, #tpu.memory_space<semaphore_mem>>
    %dma_wait3A_181 = arith.constant 0 : i32
    %dma_wait3A_182 = tpu.memref_slice %arg6[%dma_wait3A_173, %dma_wait3A_181] : memref<2x16384xi32, #tpu.memory_space<vmem>> -> memref<1x16384xi32, #tpu.memory_space<vmem>>
    %dma_wait3A_183 = tpu.memref_squeeze %dma_wait3A_182 : memref<1x16384xi32, #tpu.memory_space<vmem>> -> memref<16384xi32, #tpu.memory_space<vmem>>
    %dma_wait3A_184 = tpu.memref_slice %arg3[%add3A_83] : memref<8388608xi32, #tpu.memory_space<hbm>> -> memref<16384xi32, #tpu.memory_space<hbm>>
    tpu.wait_dma2 semaphore(%dma_wait3A_180 : memref<!tpu.dma_semaphore, #tpu.memory_space<semaphore_mem>>) src(%dma_wait3A_184 : memref<16384xi32, #tpu.memory_space<hbm>>) dst(%dma_wait3A_183 : memref<16384xi32, #tpu.memory_space<vmem>>)
    %parallel_loop3A_185 = arith.constant 0 : i32
    %parallel_loop3A_186 = arith.constant 1024 : i32
    %parallel_loop3A_187 = arith.constant 1 : i32
    scf.for %parallel_loop3A_853 = %parallel_loop3A_185 to %parallel_loop3A_186 step %parallel_loop3A_187  : i32 {
      %parallel_loop3A_854 = arith.constant 16 : i32
      %parallel_loop3A_855 = arith.muli %parallel_loop3A_853, %parallel_loop3A_854 : i32
      %parallel_loop3A_856 = tpu.assume_multiple %parallel_loop3A_855, 16 : i32
      %parallel_loop3A_857 = arith.constant 0 : i32
      %parallel_loop3A_858 = arith.index_cast %parallel_loop3A_857 : i32 to index
      %parallel_loop3A_859 = arith.index_cast %parallel_loop3A_856 : i32 to index
      %parallel_loop3A_860 = tpu.vector_load %arg6[%parallel_loop3A_858, %parallel_loop3A_859] {strides = array<i32>} : memref<2x16384xi32, #tpu.memory_space<vmem>>, vector<16xi32>,
      %parallel_loop3A_861 = arith.constant 0 : i32
      %parallel_loop3A_862 = arith.index_cast %parallel_loop3A_861 : i32 to index
      %parallel_loop3A_863 = arith.index_cast %parallel_loop3A_856 : i32 to index
      %parallel_loop3A_864 = tpu.vector_load %arg5[%parallel_loop3A_862, %parallel_loop3A_863] {strides = array<i32>} : memref<2x16384xf32, #tpu.memory_space<vmem>>, vector<16xf32>,
      %parallel_loop3A_865 = arith.mulf %parallel_loop3A_864, %parallel_loop3A_864 : vector<16xf32>
      tpu.vector_store_idx %arg7[%parallel_loop3A_860], %parallel_loop3A_865 {add = true} : memref<8192xf32, #tpu.memory_space<vmem>>[vector<16xi32>], vector<16xf32>,
    } {sc.loop_unroll_factor = 16 : i64, sc.parallel_access}
    %add3A_188 = arith.constant 65536 : i32
    %add3A_189 = arith.addi %mul3A_2, %add3A_188 : i32
    %dma_start3A_190 = arith.constant 0 : i32
    %dma_start3A_191 = arith.constant 0 : i32
    %dma_start3A_192 = arith.constant 0 : i32
    %dma_start3A_193 = tpu.memref_slice %arg5[%dma_start3A_190, %dma_start3A_192] : memref<2x16384xf32, #tpu.memory_space<vmem>> -> memref<1x16384xf32, #tpu.memory_space<vmem>>
    %dma_start3A_194 = tpu.memref_squeeze %dma_start3A_193 : memref<1x16384xf32, #tpu.memory_space<vmem>> -> memref<16384xf32, #tpu.memory_space<vmem>>
    %dma_start3A_195 = tpu.memref_slice %arg2[%add3A_189] : memref<8388608xf32, #tpu.memory_space<hbm>> -> memref<16384xf32, #tpu.memory_space<hbm>>
    %dma_start3A_196 = tpu.memref_slice %arg8[%dma_start3A_191] : memref<2x!tpu.dma_semaphore, #tpu.memory_space<semaphore_mem>> -> memref<1x!tpu.dma_semaphore, #tpu.memory_space<semaphore_mem>>
    %dma_start3A_197 = tpu.memref_squeeze %dma_start3A_196 : memref<1x!tpu.dma_semaphore, #tpu.memory_space<semaphore_mem>> -> memref<!tpu.dma_semaphore, #tpu.memory_space<semaphore_mem>>
    %dma_start3A_198 = arith.constant 0 : i32
    %dma_start3A_199 = tpu.memref_slice %arg5[%dma_start3A_190, %dma_start3A_198] : memref<2x16384xf32, #tpu.memory_space<vmem>> -> memref<1x16384xf32, #tpu.memory_space<vmem>>
    %dma_start3A_200 = tpu.memref_squeeze %dma_start3A_199 : memref<1x16384xf32, #tpu.memory_space<vmem>> -> memref<16384xf32, #tpu.memory_space<vmem>>
    %dma_start3A_201 = tpu.memref_slice %arg2[%add3A_189] : memref<8388608xf32, #tpu.memory_space<hbm>> -> memref<16384xf32, #tpu.memory_space<hbm>>
    tpu.enqueue_dma source(%dma_start3A_201 : memref<16384xf32, #tpu.memory_space<hbm>>) target(%dma_start3A_200 : memref<16384xf32, #tpu.memory_space<vmem>>) target_semaphore(%dma_start3A_197 : memref<!tpu.dma_semaphore, #tpu.memory_space<semaphore_mem>>)
    %dma_start3A_202 = arith.constant 0 : i32
    %dma_start3A_203 = arith.constant 0 : i32
    %dma_start3A_204 = arith.constant 0 : i32
    %dma_start3A_205 = tpu.memref_slice %arg6[%dma_start3A_202, %dma_start3A_204] : memref<2x16384xi32, #tpu.memory_space<vmem>> -> memref<1x16384xi32, #tpu.memory_space<vmem>>
    %dma_start3A_206 = tpu.memref_squeeze %dma_start3A_205 : memref<1x16384xi32, #tpu.memory_space<vmem>> -> memref<16384xi32, #tpu.memory_space<vmem>>
    %dma_start3A_207 = tpu.memref_slice %arg3[%add3A_189] : memref<8388608xi32, #tpu.memory_space<hbm>> -> memref<16384xi32, #tpu.memory_space<hbm>>
    %dma_start3A_208 = tpu.memref_slice %arg9[%dma_start3A_203] : memref<2x!tpu.dma_semaphore, #tpu.memory_space<semaphore_mem>> -> memref<1x!tpu.dma_semaphore, #tpu.memory_space<semaphore_mem>>
    %dma_start3A_209 = tpu.memref_squeeze %dma_start3A_208 : memref<1x!tpu.dma_semaphore, #tpu.memory_space<semaphore_mem>> -> memref<!tpu.dma_semaphore, #tpu.memory_space<semaphore_mem>>
    %dma_start3A_210 = arith.constant 0 : i32
    %dma_start3A_211 = tpu.memref_slice %arg6[%dma_start3A_202, %dma_start3A_210] : memref<2x16384xi32, #tpu.memory_space<vmem>> -> memref<1x16384xi32, #tpu.memory_space<vmem>>
    %dma_start3A_212 = tpu.memref_squeeze %dma_start3A_211 : memref<1x16384xi32, #tpu.memory_space<vmem>> -> memref<16384xi32, #tpu.memory_space<vmem>>
    %dma_start3A_213 = tpu.memref_slice %arg3[%add3A_189] : memref<8388608xi32, #tpu.memory_space<hbm>> -> memref<16384xi32, #tpu.memory_space<hbm>>
    tpu.enqueue_dma source(%dma_start3A_213 : memref<16384xi32, #tpu.memory_space<hbm>>) target(%dma_start3A_212 : memref<16384xi32, #tpu.memory_space<vmem>>) target_semaphore(%dma_start3A_209 : memref<!tpu.dma_semaphore, #tpu.memory_space<semaphore_mem>>)
    %dma_wait3A_214 = arith.constant 1 : i32
    %dma_wait3A_215 = arith.constant 1 : i32
    %dma_wait3A_216 = arith.constant 0 : i32
    %dma_wait3A_217 = tpu.memref_slice %arg5[%dma_wait3A_214, %dma_wait3A_216] : memref<2x16384xf32, #tpu.memory_space<vmem>> -> memref<1x16384xf32, #tpu.memory_space<vmem>>
    %dma_wait3A_218 = tpu.memref_squeeze %dma_wait3A_217 : memref<1x16384xf32, #tpu.memory_space<vmem>> -> memref<16384xf32, #tpu.memory_space<vmem>>
    %dma_wait3A_219 = tpu.memref_slice %arg2[%add3A_136] : memref<8388608xf32, #tpu.memory_space<hbm>> -> memref<16384xf32, #tpu.memory_space<hbm>>
    %dma_wait3A_220 = tpu.memref_slice %arg8[%dma_wait3A_215] : memref<2x!tpu.dma_semaphore, #tpu.memory_space<semaphore_mem>> -> memref<1x!tpu.dma_semaphore, #tpu.memory_space<semaphore_mem>>
    %dma_wait3A_221 = tpu.memref_squeeze %dma_wait3A_220 : memref<1x!tpu.dma_semaphore, #tpu.memory_space<semaphore_mem>> -> memref<!tpu.dma_semaphore, #tpu.memory_space<semaphore_mem>>
    %dma_wait3A_222 = arith.constant 0 : i32
    %dma_wait3A_223 = tpu.memref_slice %arg5[%dma_wait3A_214, %dma_wait3A_222] : memref<2x16384xf32, #tpu.memory_space<vmem>> -> memref<1x16384xf32, #tpu.memory_space<vmem>>
    %dma_wait3A_224 = tpu.memref_squeeze %dma_wait3A_223 : memref<1x16384xf32, #tpu.memory_space<vmem>> -> memref<16384xf32, #tpu.memory_space<vmem>>
    %dma_wait3A_225 = tpu.memref_slice %arg2[%add3A_136] : memref<8388608xf32, #tpu.memory_space<hbm>> -> memref<16384xf32, #tpu.memory_space<hbm>>
    tpu.wait_dma2 semaphore(%dma_wait3A_221 : memref<!tpu.dma_semaphore, #tpu.memory_space<semaphore_mem>>) src(%dma_wait3A_225 : memref<16384xf32, #tpu.memory_space<hbm>>) dst(%dma_wait3A_224 : memref<16384xf32, #tpu.memory_space<vmem>>)
    %dma_wait3A_226 = arith.constant 1 : i32
    %dma_wait3A_227 = arith.constant 1 : i32
    %dma_wait3A_228 = arith.constant 0 : i32
    %dma_wait3A_229 = tpu.memref_slice %arg6[%dma_wait3A_226, %dma_wait3A_228] : memref<2x16384xi32, #tpu.memory_space<vmem>> -> memref<1x16384xi32, #tpu.memory_space<vmem>>
    %dma_wait3A_230 = tpu.memref_squeeze %dma_wait3A_229 : memref<1x16384xi32, #tpu.memory_space<vmem>> -> memref<16384xi32, #tpu.memory_space<vmem>>
    %dma_wait3A_231 = tpu.memref_slice %arg3[%add3A_136] : memref<8388608xi32, #tpu.memory_space<hbm>> -> memref<16384xi32, #tpu.memory_space<hbm>>
    %dma_wait3A_232 = tpu.memref_slice %arg9[%dma_wait3A_227] : memref<2x!tpu.dma_semaphore, #tpu.memory_space<semaphore_mem>> -> memref<1x!tpu.dma_semaphore, #tpu.memory_space<semaphore_mem>>
    %dma_wait3A_233 = tpu.memref_squeeze %dma_wait3A_232 : memref<1x!tpu.dma_semaphore, #tpu.memory_space<semaphore_mem>> -> memref<!tpu.dma_semaphore, #tpu.memory_space<semaphore_mem>>
    %dma_wait3A_234 = arith.constant 0 : i32
    %dma_wait3A_235 = tpu.memref_slice %arg6[%dma_wait3A_226, %dma_wait3A_234] : memref<2x16384xi32, #tpu.memory_space<vmem>> -> memref<1x16384xi32, #tpu.memory_space<vmem>>
    %dma_wait3A_236 = tpu.memref_squeeze %dma_wait3A_235 : memref<1x16384xi32, #tpu.memory_space<vmem>> -> memref<16384xi32, #tpu.memory_space<vmem>>
    %dma_wait3A_237 = tpu.memref_slice %arg3[%add3A_136] : memref<8388608xi32, #tpu.memory_space<hbm>> -> memref<16384xi32, #tpu.memory_space<hbm>>
    tpu.wait_dma2 semaphore(%dma_wait3A_233 : memref<!tpu.dma_semaphore, #tpu.memory_space<semaphore_mem>>) src(%dma_wait3A_237 : memref<16384xi32, #tpu.memory_space<hbm>>) dst(%dma_wait3A_236 : memref<16384xi32, #tpu.memory_space<vmem>>)
    %parallel_loop3A_238 = arith.constant 0 : i32
    %parallel_loop3A_239 = arith.constant 1024 : i32
    %parallel_loop3A_240 = arith.constant 1 : i32
    scf.for %parallel_loop3A_853 = %parallel_loop3A_238 to %parallel_loop3A_239 step %parallel_loop3A_240  : i32 {
      %parallel_loop3A_854 = arith.constant 16 : i32
      %parallel_loop3A_855 = arith.muli %parallel_loop3A_853, %parallel_loop3A_854 : i32
      %parallel_loop3A_856 = tpu.assume_multiple %parallel_loop3A_855, 16 : i32
      %parallel_loop3A_857 = arith.constant 1 : i32
      %parallel_loop3A_858 = arith.index_cast %parallel_loop3A_857 : i32 to index
      %parallel_loop3A_859 = arith.index_cast %parallel_loop3A_856 : i32 to index
      %parallel_loop3A_860 = tpu.vector_load %arg6[%parallel_loop3A_858, %parallel_loop3A_859] {strides = array<i32>} : memref<2x16384xi32, #tpu.memory_space<vmem>>, vector<16xi32>,
      %parallel_loop3A_861 = arith.constant 1 : i32
      %parallel_loop3A_862 = arith.index_cast %parallel_loop3A_861 : i32 to index
      %parallel_loop3A_863 = arith.index_cast %parallel_loop3A_856 : i32 to index
      %parallel_loop3A_864 = tpu.vector_load %arg5[%parallel_loop3A_862, %parallel_loop3A_863] {strides = array<i32>} : memref<2x16384xf32, #tpu.memory_space<vmem>>, vector<16xf32>,
      %parallel_loop3A_865 = arith.mulf %parallel_loop3A_864, %parallel_loop3A_864 : vector<16xf32>
      tpu.vector_store_idx %arg7[%parallel_loop3A_860], %parallel_loop3A_865 {add = true} : memref<8192xf32, #tpu.memory_space<vmem>>[vector<16xi32>], vector<16xf32>,
    } {sc.loop_unroll_factor = 16 : i64, sc.parallel_access}
    %add3A_241 = arith.constant 81920 : i32
    %add3A_242 = arith.addi %mul3A_2, %add3A_241 : i32
    %dma_start3A_243 = arith.constant 1 : i32
    %dma_start3A_244 = arith.constant 1 : i32
    %dma_start3A_245 = arith.constant 0 : i32
    %dma_start3A_246 = tpu.memref_slice %arg5[%dma_start3A_243, %dma_start3A_245] : memref<2x16384xf32, #tpu.memory_space<vmem>> -> memref<1x16384xf32, #tpu.memory_space<vmem>>
    %dma_start3A_247 = tpu.memref_squeeze %dma_start3A_246 : memref<1x16384xf32, #tpu.memory_space<vmem>> -> memref<16384xf32, #tpu.memory_space<vmem>>
    %dma_start3A_248 = tpu.memref_slice %arg2[%add3A_242] : memref<8388608xf32, #tpu.memory_space<hbm>> -> memref<16384xf32, #tpu.memory_space<hbm>>
    %dma_start3A_249 = tpu.memref_slice %arg8[%dma_start3A_244] : memref<2x!tpu.dma_semaphore, #tpu.memory_space<semaphore_mem>> -> memref<1x!tpu.dma_semaphore, #tpu.memory_space<semaphore_mem>>
    %dma_start3A_250 = tpu.memref_squeeze %dma_start3A_249 : memref<1x!tpu.dma_semaphore, #tpu.memory_space<semaphore_mem>> -> memref<!tpu.dma_semaphore, #tpu.memory_space<semaphore_mem>>
    %dma_start3A_251 = arith.constant 0 : i32
    %dma_start3A_252 = tpu.memref_slice %arg5[%dma_start3A_243, %dma_start3A_251] : memref<2x16384xf32, #tpu.memory_space<vmem>> -> memref<1x16384xf32, #tpu.memory_space<vmem>>
    %dma_start3A_253 = tpu.memref_squeeze %dma_start3A_252 : memref<1x16384xf32, #tpu.memory_space<vmem>> -> memref<16384xf32, #tpu.memory_space<vmem>>
    %dma_start3A_254 = tpu.memref_slice %arg2[%add3A_242] : memref<8388608xf32, #tpu.memory_space<hbm>> -> memref<16384xf32, #tpu.memory_space<hbm>>
    tpu.enqueue_dma source(%dma_start3A_254 : memref<16384xf32, #tpu.memory_space<hbm>>) target(%dma_start3A_253 : memref<16384xf32, #tpu.memory_space<vmem>>) target_semaphore(%dma_start3A_250 : memref<!tpu.dma_semaphore, #tpu.memory_space<semaphore_mem>>)
    %dma_start3A_255 = arith.constant 1 : i32
    %dma_start3A_256 = arith.constant 1 : i32
    %dma_start3A_257 = arith.constant 0 : i32
    %dma_start3A_258 = tpu.memref_slice %arg6[%dma_start3A_255, %dma_start3A_257] : memref<2x16384xi32, #tpu.memory_space<vmem>> -> memref<1x16384xi32, #tpu.memory_space<vmem>>
    %dma_start3A_259 = tpu.memref_squeeze %dma_start3A_258 : memref<1x16384xi32, #tpu.memory_space<vmem>> -> memref<16384xi32, #tpu.memory_space<vmem>>
    %dma_start3A_260 = tpu.memref_slice %arg3[%add3A_242] : memref<8388608xi32, #tpu.memory_space<hbm>> -> memref<16384xi32, #tpu.memory_space<hbm>>
    %dma_start3A_261 = tpu.memref_slice %arg9[%dma_start3A_256] : memref<2x!tpu.dma_semaphore, #tpu.memory_space<semaphore_mem>> -> memref<1x!tpu.dma_semaphore, #tpu.memory_space<semaphore_mem>>
    %dma_start3A_262 = tpu.memref_squeeze %dma_start3A_261 : memref<1x!tpu.dma_semaphore, #tpu.memory_space<semaphore_mem>> -> memref<!tpu.dma_semaphore, #tpu.memory_space<semaphore_mem>>
    %dma_start3A_263 = arith.constant 0 : i32
    %dma_start3A_264 = tpu.memref_slice %arg6[%dma_start3A_255, %dma_start3A_263] : memref<2x16384xi32, #tpu.memory_space<vmem>> -> memref<1x16384xi32, #tpu.memory_space<vmem>>
    %dma_start3A_265 = tpu.memref_squeeze %dma_start3A_264 : memref<1x16384xi32, #tpu.memory_space<vmem>> -> memref<16384xi32, #tpu.memory_space<vmem>>
    %dma_start3A_266 = tpu.memref_slice %arg3[%add3A_242] : memref<8388608xi32, #tpu.memory_space<hbm>> -> memref<16384xi32, #tpu.memory_space<hbm>>
    tpu.enqueue_dma source(%dma_start3A_266 : memref<16384xi32, #tpu.memory_space<hbm>>) target(%dma_start3A_265 : memref<16384xi32, #tpu.memory_space<vmem>>) target_semaphore(%dma_start3A_262 : memref<!tpu.dma_semaphore, #tpu.memory_space<semaphore_mem>>)
    %dma_wait3A_267 = arith.constant 0 : i32
    %dma_wait3A_268 = arith.constant 0 : i32
    %dma_wait3A_269 = arith.constant 0 : i32
    %dma_wait3A_270 = tpu.memref_slice %arg5[%dma_wait3A_267, %dma_wait3A_269] : memref<2x16384xf32, #tpu.memory_space<vmem>> -> memref<1x16384xf32, #tpu.memory_space<vmem>>
    %dma_wait3A_271 = tpu.memref_squeeze %dma_wait3A_270 : memref<1x16384xf32, #tpu.memory_space<vmem>> -> memref<16384xf32, #tpu.memory_space<vmem>>
    %dma_wait3A_272 = tpu.memref_slice %arg2[%add3A_189] : memref<8388608xf32, #tpu.memory_space<hbm>> -> memref<16384xf32, #tpu.memory_space<hbm>>
    %dma_wait3A_273 = tpu.memref_slice %arg8[%dma_wait3A_268] : memref<2x!tpu.dma_semaphore, #tpu.memory_space<semaphore_mem>> -> memref<1x!tpu.dma_semaphore, #tpu.memory_space<semaphore_mem>>
    %dma_wait3A_274 = tpu.memref_squeeze %dma_wait3A_273 : memref<1x!tpu.dma_semaphore, #tpu.memory_space<semaphore_mem>> -> memref<!tpu.dma_semaphore, #tpu.memory_space<semaphore_mem>>
    %dma_wait3A_275 = arith.constant 0 : i32
    %dma_wait3A_276 = tpu.memref_slice %arg5[%dma_wait3A_267, %dma_wait3A_275] : memref<2x16384xf32, #tpu.memory_space<vmem>> -> memref<1x16384xf32, #tpu.memory_space<vmem>>
    %dma_wait3A_277 = tpu.memref_squeeze %dma_wait3A_276 : memref<1x16384xf32, #tpu.memory_space<vmem>> -> memref<16384xf32, #tpu.memory_space<vmem>>
    %dma_wait3A_278 = tpu.memref_slice %arg2[%add3A_189] : memref<8388608xf32, #tpu.memory_space<hbm>> -> memref<16384xf32, #tpu.memory_space<hbm>>
    tpu.wait_dma2 semaphore(%dma_wait3A_274 : memref<!tpu.dma_semaphore, #tpu.memory_space<semaphore_mem>>) src(%dma_wait3A_278 : memref<16384xf32, #tpu.memory_space<hbm>>) dst(%dma_wait3A_277 : memref<16384xf32, #tpu.memory_space<vmem>>)
    %dma_wait3A_279 = arith.constant 0 : i32
    %dma_wait3A_280 = arith.constant 0 : i32
    %dma_wait3A_281 = arith.constant 0 : i32
    %dma_wait3A_282 = tpu.memref_slice %arg6[%dma_wait3A_279, %dma_wait3A_281] : memref<2x16384xi32, #tpu.memory_space<vmem>> -> memref<1x16384xi32, #tpu.memory_space<vmem>>
    %dma_wait3A_283 = tpu.memref_squeeze %dma_wait3A_282 : memref<1x16384xi32, #tpu.memory_space<vmem>> -> memref<16384xi32, #tpu.memory_space<vmem>>
    %dma_wait3A_284 = tpu.memref_slice %arg3[%add3A_189] : memref<8388608xi32, #tpu.memory_space<hbm>> -> memref<16384xi32, #tpu.memory_space<hbm>>
    %dma_wait3A_285 = tpu.memref_slice %arg9[%dma_wait3A_280] : memref<2x!tpu.dma_semaphore, #tpu.memory_space<semaphore_mem>> -> memref<1x!tpu.dma_semaphore, #tpu.memory_space<semaphore_mem>>
    %dma_wait3A_286 = tpu.memref_squeeze %dma_wait3A_285 : memref<1x!tpu.dma_semaphore, #tpu.memory_space<semaphore_mem>> -> memref<!tpu.dma_semaphore, #tpu.memory_space<semaphore_mem>>
    %dma_wait3A_287 = arith.constant 0 : i32
    %dma_wait3A_288 = tpu.memref_slice %arg6[%dma_wait3A_279, %dma_wait3A_287] : memref<2x16384xi32, #tpu.memory_space<vmem>> -> memref<1x16384xi32, #tpu.memory_space<vmem>>
    %dma_wait3A_289 = tpu.memref_squeeze %dma_wait3A_288 : memref<1x16384xi32, #tpu.memory_space<vmem>> -> memref<16384xi32, #tpu.memory_space<vmem>>
    %dma_wait3A_290 = tpu.memref_slice %arg3[%add3A_189] : memref<8388608xi32, #tpu.memory_space<hbm>> -> memref<16384xi32, #tpu.memory_space<hbm>>
    tpu.wait_dma2 semaphore(%dma_wait3A_286 : memref<!tpu.dma_semaphore, #tpu.memory_space<semaphore_mem>>) src(%dma_wait3A_290 : memref<16384xi32, #tpu.memory_space<hbm>>) dst(%dma_wait3A_289 : memref<16384xi32, #tpu.memory_space<vmem>>)
    %parallel_loop3A_291 = arith.constant 0 : i32
    %parallel_loop3A_292 = arith.constant 1024 : i32
    %parallel_loop3A_293 = arith.constant 1 : i32
    scf.for %parallel_loop3A_853 = %parallel_loop3A_291 to %parallel_loop3A_292 step %parallel_loop3A_293  : i32 {
      %parallel_loop3A_854 = arith.constant 16 : i32
      %parallel_loop3A_855 = arith.muli %parallel_loop3A_853, %parallel_loop3A_854 : i32
      %parallel_loop3A_856 = tpu.assume_multiple %parallel_loop3A_855, 16 : i32
      %parallel_loop3A_857 = arith.constant 0 : i32
      %parallel_loop3A_858 = arith.index_cast %parallel_loop3A_857 : i32 to index
      %parallel_loop3A_859 = arith.index_cast %parallel_loop3A_856 : i32 to index
      %parallel_loop3A_860 = tpu.vector_load %arg6[%parallel_loop3A_858, %parallel_loop3A_859] {strides = array<i32>} : memref<2x16384xi32, #tpu.memory_space<vmem>>, vector<16xi32>,
      %parallel_loop3A_861 = arith.constant 0 : i32
      %parallel_loop3A_862 = arith.index_cast %parallel_loop3A_861 : i32 to index
      %parallel_loop3A_863 = arith.index_cast %parallel_loop3A_856 : i32 to index
      %parallel_loop3A_864 = tpu.vector_load %arg5[%parallel_loop3A_862, %parallel_loop3A_863] {strides = array<i32>} : memref<2x16384xf32, #tpu.memory_space<vmem>>, vector<16xf32>,
      %parallel_loop3A_865 = arith.mulf %parallel_loop3A_864, %parallel_loop3A_864 : vector<16xf32>
      tpu.vector_store_idx %arg7[%parallel_loop3A_860], %parallel_loop3A_865 {add = true} : memref<8192xf32, #tpu.memory_space<vmem>>[vector<16xi32>], vector<16xf32>,
    } {sc.loop_unroll_factor = 16 : i64, sc.parallel_access}
    %add3A_294 = arith.constant 98304 : i32
    %add3A_295 = arith.addi %mul3A_2, %add3A_294 : i32
    %dma_start3A_296 = arith.constant 0 : i32
    %dma_start3A_297 = arith.constant 0 : i32
    %dma_start3A_298 = arith.constant 0 : i32
    %dma_start3A_299 = tpu.memref_slice %arg5[%dma_start3A_296, %dma_start3A_298] : memref<2x16384xf32, #tpu.memory_space<vmem>> -> memref<1x16384xf32, #tpu.memory_space<vmem>>
    %dma_start3A_300 = tpu.memref_squeeze %dma_start3A_299 : memref<1x16384xf32, #tpu.memory_space<vmem>> -> memref<16384xf32, #tpu.memory_space<vmem>>
    %dma_start3A_301 = tpu.memref_slice %arg2[%add3A_295] : memref<8388608xf32, #tpu.memory_space<hbm>> -> memref<16384xf32, #tpu.memory_space<hbm>>
    %dma_start3A_302 = tpu.memref_slice %arg8[%dma_start3A_297] : memref<2x!tpu.dma_semaphore, #tpu.memory_space<semaphore_mem>> -> memref<1x!tpu.dma_semaphore, #tpu.memory_space<semaphore_mem>>
    %dma_start3A_303 = tpu.memref_squeeze %dma_start3A_302 : memref<1x!tpu.dma_semaphore, #tpu.memory_space<semaphore_mem>> -> memref<!tpu.dma_semaphore, #tpu.memory_space<semaphore_mem>>
    %dma_start3A_304 = arith.constant 0 : i32
    %dma_start3A_305 = tpu.memref_slice %arg5[%dma_start3A_296, %dma_start3A_304] : memref<2x16384xf32, #tpu.memory_space<vmem>> -> memref<1x16384xf32, #tpu.memory_space<vmem>>
    %dma_start3A_306 = tpu.memref_squeeze %dma_start3A_305 : memref<1x16384xf32, #tpu.memory_space<vmem>> -> memref<16384xf32, #tpu.memory_space<vmem>>
    %dma_start3A_307 = tpu.memref_slice %arg2[%add3A_295] : memref<8388608xf32, #tpu.memory_space<hbm>> -> memref<16384xf32, #tpu.memory_space<hbm>>
    tpu.enqueue_dma source(%dma_start3A_307 : memref<16384xf32, #tpu.memory_space<hbm>>) target(%dma_start3A_306 : memref<16384xf32, #tpu.memory_space<vmem>>) target_semaphore(%dma_start3A_303 : memref<!tpu.dma_semaphore, #tpu.memory_space<semaphore_mem>>)
    %dma_start3A_308 = arith.constant 0 : i32
    %dma_start3A_309 = arith.constant 0 : i32
    %dma_start3A_310 = arith.constant 0 : i32
    %dma_start3A_311 = tpu.memref_slice %arg6[%dma_start3A_308, %dma_start3A_310] : memref<2x16384xi32, #tpu.memory_space<vmem>> -> memref<1x16384xi32, #tpu.memory_space<vmem>>
    %dma_start3A_312 = tpu.memref_squeeze %dma_start3A_311 : memref<1x16384xi32, #tpu.memory_space<vmem>> -> memref<16384xi32, #tpu.memory_space<vmem>>
    %dma_start3A_313 = tpu.memref_slice %arg3[%add3A_295] : memref<8388608xi32, #tpu.memory_space<hbm>> -> memref<16384xi32, #tpu.memory_space<hbm>>
    %dma_start3A_314 = tpu.memref_slice %arg9[%dma_start3A_309] : memref<2x!tpu.dma_semaphore, #tpu.memory_space<semaphore_mem>> -> memref<1x!tpu.dma_semaphore, #tpu.memory_space<semaphore_mem>>
    %dma_start3A_315 = tpu.memref_squeeze %dma_start3A_314 : memref<1x!tpu.dma_semaphore, #tpu.memory_space<semaphore_mem>> -> memref<!tpu.dma_semaphore, #tpu.memory_space<semaphore_mem>>
    %dma_start3A_316 = arith.constant 0 : i32
    %dma_start3A_317 = tpu.memref_slice %arg6[%dma_start3A_308, %dma_start3A_316] : memref<2x16384xi32, #tpu.memory_space<vmem>> -> memref<1x16384xi32, #tpu.memory_space<vmem>>
    %dma_start3A_318 = tpu.memref_squeeze %dma_start3A_317 : memref<1x16384xi32, #tpu.memory_space<vmem>> -> memref<16384xi32, #tpu.memory_space<vmem>>
    %dma_start3A_319 = tpu.memref_slice %arg3[%add3A_295] : memref<8388608xi32, #tpu.memory_space<hbm>> -> memref<16384xi32, #tpu.memory_space<hbm>>
    tpu.enqueue_dma source(%dma_start3A_319 : memref<16384xi32, #tpu.memory_space<hbm>>) target(%dma_start3A_318 : memref<16384xi32, #tpu.memory_space<vmem>>) target_semaphore(%dma_start3A_315 : memref<!tpu.dma_semaphore, #tpu.memory_space<semaphore_mem>>)
    %dma_wait3A_320 = arith.constant 1 : i32
    %dma_wait3A_321 = arith.constant 1 : i32
    %dma_wait3A_322 = arith.constant 0 : i32
    %dma_wait3A_323 = tpu.memref_slice %arg5[%dma_wait3A_320, %dma_wait3A_322] : memref<2x16384xf32, #tpu.memory_space<vmem>> -> memref<1x16384xf32, #tpu.memory_space<vmem>>
    %dma_wait3A_324 = tpu.memref_squeeze %dma_wait3A_323 : memref<1x16384xf32, #tpu.memory_space<vmem>> -> memref<16384xf32, #tpu.memory_space<vmem>>
    %dma_wait3A_325 = tpu.memref_slice %arg2[%add3A_242] : memref<8388608xf32, #tpu.memory_space<hbm>> -> memref<16384xf32, #tpu.memory_space<hbm>>
    %dma_wait3A_326 = tpu.memref_slice %arg8[%dma_wait3A_321] : memref<2x!tpu.dma_semaphore, #tpu.memory_space<semaphore_mem>> -> memref<1x!tpu.dma_semaphore, #tpu.memory_space<semaphore_mem>>
    %dma_wait3A_327 = tpu.memref_squeeze %dma_wait3A_326 : memref<1x!tpu.dma_semaphore, #tpu.memory_space<semaphore_mem>> -> memref<!tpu.dma_semaphore, #tpu.memory_space<semaphore_mem>>
    %dma_wait3A_328 = arith.constant 0 : i32
    %dma_wait3A_329 = tpu.memref_slice %arg5[%dma_wait3A_320, %dma_wait3A_328] : memref<2x16384xf32, #tpu.memory_space<vmem>> -> memref<1x16384xf32, #tpu.memory_space<vmem>>
    %dma_wait3A_330 = tpu.memref_squeeze %dma_wait3A_329 : memref<1x16384xf32, #tpu.memory_space<vmem>> -> memref<16384xf32, #tpu.memory_space<vmem>>
    %dma_wait3A_331 = tpu.memref_slice %arg2[%add3A_242] : memref<8388608xf32, #tpu.memory_space<hbm>> -> memref<16384xf32, #tpu.memory_space<hbm>>
    tpu.wait_dma2 semaphore(%dma_wait3A_327 : memref<!tpu.dma_semaphore, #tpu.memory_space<semaphore_mem>>) src(%dma_wait3A_331 : memref<16384xf32, #tpu.memory_space<hbm>>) dst(%dma_wait3A_330 : memref<16384xf32, #tpu.memory_space<vmem>>)
    %dma_wait3A_332 = arith.constant 1 : i32
    %dma_wait3A_333 = arith.constant 1 : i32
    %dma_wait3A_334 = arith.constant 0 : i32
    %dma_wait3A_335 = tpu.memref_slice %arg6[%dma_wait3A_332, %dma_wait3A_334] : memref<2x16384xi32, #tpu.memory_space<vmem>> -> memref<1x16384xi32, #tpu.memory_space<vmem>>
    %dma_wait3A_336 = tpu.memref_squeeze %dma_wait3A_335 : memref<1x16384xi32, #tpu.memory_space<vmem>> -> memref<16384xi32, #tpu.memory_space<vmem>>
    %dma_wait3A_337 = tpu.memref_slice %arg3[%add3A_242] : memref<8388608xi32, #tpu.memory_space<hbm>> -> memref<16384xi32, #tpu.memory_space<hbm>>
    %dma_wait3A_338 = tpu.memref_slice %arg9[%dma_wait3A_333] : memref<2x!tpu.dma_semaphore, #tpu.memory_space<semaphore_mem>> -> memref<1x!tpu.dma_semaphore, #tpu.memory_space<semaphore_mem>>
    %dma_wait3A_339 = tpu.memref_squeeze %dma_wait3A_338 : memref<1x!tpu.dma_semaphore, #tpu.memory_space<semaphore_mem>> -> memref<!tpu.dma_semaphore, #tpu.memory_space<semaphore_mem>>
    %dma_wait3A_340 = arith.constant 0 : i32
    %dma_wait3A_341 = tpu.memref_slice %arg6[%dma_wait3A_332, %dma_wait3A_340] : memref<2x16384xi32, #tpu.memory_space<vmem>> -> memref<1x16384xi32, #tpu.memory_space<vmem>>
    %dma_wait3A_342 = tpu.memref_squeeze %dma_wait3A_341 : memref<1x16384xi32, #tpu.memory_space<vmem>> -> memref<16384xi32, #tpu.memory_space<vmem>>
    %dma_wait3A_343 = tpu.memref_slice %arg3[%add3A_242] : memref<8388608xi32, #tpu.memory_space<hbm>> -> memref<16384xi32, #tpu.memory_space<hbm>>
    tpu.wait_dma2 semaphore(%dma_wait3A_339 : memref<!tpu.dma_semaphore, #tpu.memory_space<semaphore_mem>>) src(%dma_wait3A_343 : memref<16384xi32, #tpu.memory_space<hbm>>) dst(%dma_wait3A_342 : memref<16384xi32, #tpu.memory_space<vmem>>)
    %parallel_loop3A_344 = arith.constant 0 : i32
    %parallel_loop3A_345 = arith.constant 1024 : i32
    %parallel_loop3A_346 = arith.constant 1 : i32
    scf.for %parallel_loop3A_853 = %parallel_loop3A_344 to %parallel_loop3A_345 step %parallel_loop3A_346  : i32 {
      %parallel_loop3A_854 = arith.constant 16 : i32
      %parallel_loop3A_855 = arith.muli %parallel_loop3A_853, %parallel_loop3A_854 : i32
      %parallel_loop3A_856 = tpu.assume_multiple %parallel_loop3A_855, 16 : i32
      %parallel_loop3A_857 = arith.constant 1 : i32
      %parallel_loop3A_858 = arith.index_cast %parallel_loop3A_857 : i32 to index
      %parallel_loop3A_859 = arith.index_cast %parallel_loop3A_856 : i32 to index
      %parallel_loop3A_860 = tpu.vector_load %arg6[%parallel_loop3A_858, %parallel_loop3A_859] {strides = array<i32>} : memref<2x16384xi32, #tpu.memory_space<vmem>>, vector<16xi32>,
      %parallel_loop3A_861 = arith.constant 1 : i32
      %parallel_loop3A_862 = arith.index_cast %parallel_loop3A_861 : i32 to index
      %parallel_loop3A_863 = arith.index_cast %parallel_loop3A_856 : i32 to index
      %parallel_loop3A_864 = tpu.vector_load %arg5[%parallel_loop3A_862, %parallel_loop3A_863] {strides = array<i32>} : memref<2x16384xf32, #tpu.memory_space<vmem>>, vector<16xf32>,
      %parallel_loop3A_865 = arith.mulf %parallel_loop3A_864, %parallel_loop3A_864 : vector<16xf32>
      tpu.vector_store_idx %arg7[%parallel_loop3A_860], %parallel_loop3A_865 {add = true} : memref<8192xf32, #tpu.memory_space<vmem>>[vector<16xi32>], vector<16xf32>,
    } {sc.loop_unroll_factor = 16 : i64, sc.parallel_access}
    %add3A_347 = arith.constant 114688 : i32
    %add3A_348 = arith.addi %mul3A_2, %add3A_347 : i32
    %dma_start3A_349 = arith.constant 1 : i32
    %dma_start3A_350 = arith.constant 1 : i32
    %dma_start3A_351 = arith.constant 0 : i32
    %dma_start3A_352 = tpu.memref_slice %arg5[%dma_start3A_349, %dma_start3A_351] : memref<2x16384xf32, #tpu.memory_space<vmem>> -> memref<1x16384xf32, #tpu.memory_space<vmem>>
    %dma_start3A_353 = tpu.memref_squeeze %dma_start3A_352 : memref<1x16384xf32, #tpu.memory_space<vmem>> -> memref<16384xf32, #tpu.memory_space<vmem>>
    %dma_start3A_354 = tpu.memref_slice %arg2[%add3A_348] : memref<8388608xf32, #tpu.memory_space<hbm>> -> memref<16384xf32, #tpu.memory_space<hbm>>
    %dma_start3A_355 = tpu.memref_slice %arg8[%dma_start3A_350] : memref<2x!tpu.dma_semaphore, #tpu.memory_space<semaphore_mem>> -> memref<1x!tpu.dma_semaphore, #tpu.memory_space<semaphore_mem>>
    %dma_start3A_356 = tpu.memref_squeeze %dma_start3A_355 : memref<1x!tpu.dma_semaphore, #tpu.memory_space<semaphore_mem>> -> memref<!tpu.dma_semaphore, #tpu.memory_space<semaphore_mem>>
    %dma_start3A_357 = arith.constant 0 : i32
    %dma_start3A_358 = tpu.memref_slice %arg5[%dma_start3A_349, %dma_start3A_357] : memref<2x16384xf32, #tpu.memory_space<vmem>> -> memref<1x16384xf32, #tpu.memory_space<vmem>>
    %dma_start3A_359 = tpu.memref_squeeze %dma_start3A_358 : memref<1x16384xf32, #tpu.memory_space<vmem>> -> memref<16384xf32, #tpu.memory_space<vmem>>
    %dma_start3A_360 = tpu.memref_slice %arg2[%add3A_348] : memref<8388608xf32, #tpu.memory_space<hbm>> -> memref<16384xf32, #tpu.memory_space<hbm>>
    tpu.enqueue_dma source(%dma_start3A_360 : memref<16384xf32, #tpu.memory_space<hbm>>) target(%dma_start3A_359 : memref<16384xf32, #tpu.memory_space<vmem>>) target_semaphore(%dma_start3A_356 : memref<!tpu.dma_semaphore, #tpu.memory_space<semaphore_mem>>)
    %dma_start3A_361 = arith.constant 1 : i32
    %dma_start3A_362 = arith.constant 1 : i32
    %dma_start3A_363 = arith.constant 0 : i32
    %dma_start3A_364 = tpu.memref_slice %arg6[%dma_start3A_361, %dma_start3A_363] : memref<2x16384xi32, #tpu.memory_space<vmem>> -> memref<1x16384xi32, #tpu.memory_space<vmem>>
    %dma_start3A_365 = tpu.memref_squeeze %dma_start3A_364 : memref<1x16384xi32, #tpu.memory_space<vmem>> -> memref<16384xi32, #tpu.memory_space<vmem>>
    %dma_start3A_366 = tpu.memref_slice %arg3[%add3A_348] : memref<8388608xi32, #tpu.memory_space<hbm>> -> memref<16384xi32, #tpu.memory_space<hbm>>
    %dma_start3A_367 = tpu.memref_slice %arg9[%dma_start3A_362] : memref<2x!tpu.dma_semaphore, #tpu.memory_space<semaphore_mem>> -> memref<1x!tpu.dma_semaphore, #tpu.memory_space<semaphore_mem>>
    %dma_start3A_368 = tpu.memref_squeeze %dma_start3A_367 : memref<1x!tpu.dma_semaphore, #tpu.memory_space<semaphore_mem>> -> memref<!tpu.dma_semaphore, #tpu.memory_space<semaphore_mem>>
    %dma_start3A_369 = arith.constant 0 : i32
    %dma_start3A_370 = tpu.memref_slice %arg6[%dma_start3A_361, %dma_start3A_369] : memref<2x16384xi32, #tpu.memory_space<vmem>> -> memref<1x16384xi32, #tpu.memory_space<vmem>>
    %dma_start3A_371 = tpu.memref_squeeze %dma_start3A_370 : memref<1x16384xi32, #tpu.memory_space<vmem>> -> memref<16384xi32, #tpu.memory_space<vmem>>
    %dma_start3A_372 = tpu.memref_slice %arg3[%add3A_348] : memref<8388608xi32, #tpu.memory_space<hbm>> -> memref<16384xi32, #tpu.memory_space<hbm>>
    tpu.enqueue_dma source(%dma_start3A_372 : memref<16384xi32, #tpu.memory_space<hbm>>) target(%dma_start3A_371 : memref<16384xi32, #tpu.memory_space<vmem>>) target_semaphore(%dma_start3A_368 : memref<!tpu.dma_semaphore, #tpu.memory_space<semaphore_mem>>)
    %dma_wait3A_373 = arith.constant 0 : i32
    %dma_wait3A_374 = arith.constant 0 : i32
    %dma_wait3A_375 = arith.constant 0 : i32
    %dma_wait3A_376 = tpu.memref_slice %arg5[%dma_wait3A_373, %dma_wait3A_375] : memref<2x16384xf32, #tpu.memory_space<vmem>> -> memref<1x16384xf32, #tpu.memory_space<vmem>>
    %dma_wait3A_377 = tpu.memref_squeeze %dma_wait3A_376 : memref<1x16384xf32, #tpu.memory_space<vmem>> -> memref<16384xf32, #tpu.memory_space<vmem>>
    %dma_wait3A_378 = tpu.memref_slice %arg2[%add3A_295] : memref<8388608xf32, #tpu.memory_space<hbm>> -> memref<16384xf32, #tpu.memory_space<hbm>>
    %dma_wait3A_379 = tpu.memref_slice %arg8[%dma_wait3A_374] : memref<2x!tpu.dma_semaphore, #tpu.memory_space<semaphore_mem>> -> memref<1x!tpu.dma_semaphore, #tpu.memory_space<semaphore_mem>>
    %dma_wait3A_380 = tpu.memref_squeeze %dma_wait3A_379 : memref<1x!tpu.dma_semaphore, #tpu.memory_space<semaphore_mem>> -> memref<!tpu.dma_semaphore, #tpu.memory_space<semaphore_mem>>
    %dma_wait3A_381 = arith.constant 0 : i32
    %dma_wait3A_382 = tpu.memref_slice %arg5[%dma_wait3A_373, %dma_wait3A_381] : memref<2x16384xf32, #tpu.memory_space<vmem>> -> memref<1x16384xf32, #tpu.memory_space<vmem>>
    %dma_wait3A_383 = tpu.memref_squeeze %dma_wait3A_382 : memref<1x16384xf32, #tpu.memory_space<vmem>> -> memref<16384xf32, #tpu.memory_space<vmem>>
    %dma_wait3A_384 = tpu.memref_slice %arg2[%add3A_295] : memref<8388608xf32, #tpu.memory_space<hbm>> -> memref<16384xf32, #tpu.memory_space<hbm>>
    tpu.wait_dma2 semaphore(%dma_wait3A_380 : memref<!tpu.dma_semaphore, #tpu.memory_space<semaphore_mem>>) src(%dma_wait3A_384 : memref<16384xf32, #tpu.memory_space<hbm>>) dst(%dma_wait3A_383 : memref<16384xf32, #tpu.memory_space<vmem>>)
    %dma_wait3A_385 = arith.constant 0 : i32
    %dma_wait3A_386 = arith.constant 0 : i32
    %dma_wait3A_387 = arith.constant 0 : i32
    %dma_wait3A_388 = tpu.memref_slice %arg6[%dma_wait3A_385, %dma_wait3A_387] : memref<2x16384xi32, #tpu.memory_space<vmem>> -> memref<1x16384xi32, #tpu.memory_space<vmem>>
    %dma_wait3A_389 = tpu.memref_squeeze %dma_wait3A_388 : memref<1x16384xi32, #tpu.memory_space<vmem>> -> memref<16384xi32, #tpu.memory_space<vmem>>
    %dma_wait3A_390 = tpu.memref_slice %arg3[%add3A_295] : memref<8388608xi32, #tpu.memory_space<hbm>> -> memref<16384xi32, #tpu.memory_space<hbm>>
    %dma_wait3A_391 = tpu.memref_slice %arg9[%dma_wait3A_386] : memref<2x!tpu.dma_semaphore, #tpu.memory_space<semaphore_mem>> -> memref<1x!tpu.dma_semaphore, #tpu.memory_space<semaphore_mem>>
    %dma_wait3A_392 = tpu.memref_squeeze %dma_wait3A_391 : memref<1x!tpu.dma_semaphore, #tpu.memory_space<semaphore_mem>> -> memref<!tpu.dma_semaphore, #tpu.memory_space<semaphore_mem>>
    %dma_wait3A_393 = arith.constant 0 : i32
    %dma_wait3A_394 = tpu.memref_slice %arg6[%dma_wait3A_385, %dma_wait3A_393] : memref<2x16384xi32, #tpu.memory_space<vmem>> -> memref<1x16384xi32, #tpu.memory_space<vmem>>
    %dma_wait3A_395 = tpu.memref_squeeze %dma_wait3A_394 : memref<1x16384xi32, #tpu.memory_space<vmem>> -> memref<16384xi32, #tpu.memory_space<vmem>>
    %dma_wait3A_396 = tpu.memref_slice %arg3[%add3A_295] : memref<8388608xi32, #tpu.memory_space<hbm>> -> memref<16384xi32, #tpu.memory_space<hbm>>
    tpu.wait_dma2 semaphore(%dma_wait3A_392 : memref<!tpu.dma_semaphore, #tpu.memory_space<semaphore_mem>>) src(%dma_wait3A_396 : memref<16384xi32, #tpu.memory_space<hbm>>) dst(%dma_wait3A_395 : memref<16384xi32, #tpu.memory_space<vmem>>)
    %parallel_loop3A_397 = arith.constant 0 : i32
    %parallel_loop3A_398 = arith.constant 1024 : i32
    %parallel_loop3A_399 = arith.constant 1 : i32
    scf.for %parallel_loop3A_853 = %parallel_loop3A_397 to %parallel_loop3A_398 step %parallel_loop3A_399  : i32 {
      %parallel_loop3A_854 = arith.constant 16 : i32
      %parallel_loop3A_855 = arith.muli %parallel_loop3A_853, %parallel_loop3A_854 : i32
      %parallel_loop3A_856 = tpu.assume_multiple %parallel_loop3A_855, 16 : i32
      %parallel_loop3A_857 = arith.constant 0 : i32
      %parallel_loop3A_858 = arith.index_cast %parallel_loop3A_857 : i32 to index
      %parallel_loop3A_859 = arith.index_cast %parallel_loop3A_856 : i32 to index
      %parallel_loop3A_860 = tpu.vector_load %arg6[%parallel_loop3A_858, %parallel_loop3A_859] {strides = array<i32>} : memref<2x16384xi32, #tpu.memory_space<vmem>>, vector<16xi32>,
      %parallel_loop3A_861 = arith.constant 0 : i32
      %parallel_loop3A_862 = arith.index_cast %parallel_loop3A_861 : i32 to index
      %parallel_loop3A_863 = arith.index_cast %parallel_loop3A_856 : i32 to index
      %parallel_loop3A_864 = tpu.vector_load %arg5[%parallel_loop3A_862, %parallel_loop3A_863] {strides = array<i32>} : memref<2x16384xf32, #tpu.memory_space<vmem>>, vector<16xf32>,
      %parallel_loop3A_865 = arith.mulf %parallel_loop3A_864, %parallel_loop3A_864 : vector<16xf32>
      tpu.vector_store_idx %arg7[%parallel_loop3A_860], %parallel_loop3A_865 {add = true} : memref<8192xf32, #tpu.memory_space<vmem>>[vector<16xi32>], vector<16xf32>,
    } {sc.loop_unroll_factor = 16 : i64, sc.parallel_access}
    %add3A_400 = arith.constant 131072 : i32
    %add3A_401 = arith.addi %mul3A_2, %add3A_400 : i32
    %dma_start3A_402 = arith.constant 0 : i32
    %dma_start3A_403 = arith.constant 0 : i32
    %dma_start3A_404 = arith.constant 0 : i32
    %dma_start3A_405 = tpu.memref_slice %arg5[%dma_start3A_402, %dma_start3A_404] : memref<2x16384xf32, #tpu.memory_space<vmem>> -> memref<1x16384xf32, #tpu.memory_space<vmem>>
    %dma_start3A_406 = tpu.memref_squeeze %dma_start3A_405 : memref<1x16384xf32, #tpu.memory_space<vmem>> -> memref<16384xf32, #tpu.memory_space<vmem>>
    %dma_start3A_407 = tpu.memref_slice %arg2[%add3A_401] : memref<8388608xf32, #tpu.memory_space<hbm>> -> memref<16384xf32, #tpu.memory_space<hbm>>
    %dma_start3A_408 = tpu.memref_slice %arg8[%dma_start3A_403] : memref<2x!tpu.dma_semaphore, #tpu.memory_space<semaphore_mem>> -> memref<1x!tpu.dma_semaphore, #tpu.memory_space<semaphore_mem>>
    %dma_start3A_409 = tpu.memref_squeeze %dma_start3A_408 : memref<1x!tpu.dma_semaphore, #tpu.memory_space<semaphore_mem>> -> memref<!tpu.dma_semaphore, #tpu.memory_space<semaphore_mem>>
    %dma_start3A_410 = arith.constant 0 : i32
    %dma_start3A_411 = tpu.memref_slice %arg5[%dma_start3A_402, %dma_start3A_410] : memref<2x16384xf32, #tpu.memory_space<vmem>> -> memref<1x16384xf32, #tpu.memory_space<vmem>>
    %dma_start3A_412 = tpu.memref_squeeze %dma_start3A_411 : memref<1x16384xf32, #tpu.memory_space<vmem>> -> memref<16384xf32, #tpu.memory_space<vmem>>
    %dma_start3A_413 = tpu.memref_slice %arg2[%add3A_401] : memref<8388608xf32, #tpu.memory_space<hbm>> -> memref<16384xf32, #tpu.memory_space<hbm>>
    tpu.enqueue_dma source(%dma_start3A_413 : memref<16384xf32, #tpu.memory_space<hbm>>) target(%dma_start3A_412 : memref<16384xf32, #tpu.memory_space<vmem>>) target_semaphore(%dma_start3A_409 : memref<!tpu.dma_semaphore, #tpu.memory_space<semaphore_mem>>)
    %dma_start3A_414 = arith.constant 0 : i32
    %dma_start3A_415 = arith.constant 0 : i32
    %dma_start3A_416 = arith.constant 0 : i32
    %dma_start3A_417 = tpu.memref_slice %arg6[%dma_start3A_414, %dma_start3A_416] : memref<2x16384xi32, #tpu.memory_space<vmem>> -> memref<1x16384xi32, #tpu.memory_space<vmem>>
    %dma_start3A_418 = tpu.memref_squeeze %dma_start3A_417 : memref<1x16384xi32, #tpu.memory_space<vmem>> -> memref<16384xi32, #tpu.memory_space<vmem>>
    %dma_start3A_419 = tpu.memref_slice %arg3[%add3A_401] : memref<8388608xi32, #tpu.memory_space<hbm>> -> memref<16384xi32, #tpu.memory_space<hbm>>
    %dma_start3A_420 = tpu.memref_slice %arg9[%dma_start3A_415] : memref<2x!tpu.dma_semaphore, #tpu.memory_space<semaphore_mem>> -> memref<1x!tpu.dma_semaphore, #tpu.memory_space<semaphore_mem>>
    %dma_start3A_421 = tpu.memref_squeeze %dma_start3A_420 : memref<1x!tpu.dma_semaphore, #tpu.memory_space<semaphore_mem>> -> memref<!tpu.dma_semaphore, #tpu.memory_space<semaphore_mem>>
    %dma_start3A_422 = arith.constant 0 : i32
    %dma_start3A_423 = tpu.memref_slice %arg6[%dma_start3A_414, %dma_start3A_422] : memref<2x16384xi32, #tpu.memory_space<vmem>> -> memref<1x16384xi32, #tpu.memory_space<vmem>>
    %dma_start3A_424 = tpu.memref_squeeze %dma_start3A_423 : memref<1x16384xi32, #tpu.memory_space<vmem>> -> memref<16384xi32, #tpu.memory_space<vmem>>
    %dma_start3A_425 = tpu.memref_slice %arg3[%add3A_401] : memref<8388608xi32, #tpu.memory_space<hbm>> -> memref<16384xi32, #tpu.memory_space<hbm>>
    tpu.enqueue_dma source(%dma_start3A_425 : memref<16384xi32, #tpu.memory_space<hbm>>) target(%dma_start3A_424 : memref<16384xi32, #tpu.memory_space<vmem>>) target_semaphore(%dma_start3A_421 : memref<!tpu.dma_semaphore, #tpu.memory_space<semaphore_mem>>)
    %dma_wait3A_426 = arith.constant 1 : i32
    %dma_wait3A_427 = arith.constant 1 : i32
    %dma_wait3A_428 = arith.constant 0 : i32
    %dma_wait3A_429 = tpu.memref_slice %arg5[%dma_wait3A_426, %dma_wait3A_428] : memref<2x16384xf32, #tpu.memory_space<vmem>> -> memref<1x16384xf32, #tpu.memory_space<vmem>>
    %dma_wait3A_430 = tpu.memref_squeeze %dma_wait3A_429 : memref<1x16384xf32, #tpu.memory_space<vmem>> -> memref<16384xf32, #tpu.memory_space<vmem>>
    %dma_wait3A_431 = tpu.memref_slice %arg2[%add3A_348] : memref<8388608xf32, #tpu.memory_space<hbm>> -> memref<16384xf32, #tpu.memory_space<hbm>>
    %dma_wait3A_432 = tpu.memref_slice %arg8[%dma_wait3A_427] : memref<2x!tpu.dma_semaphore, #tpu.memory_space<semaphore_mem>> -> memref<1x!tpu.dma_semaphore, #tpu.memory_space<semaphore_mem>>
    %dma_wait3A_433 = tpu.memref_squeeze %dma_wait3A_432 : memref<1x!tpu.dma_semaphore, #tpu.memory_space<semaphore_mem>> -> memref<!tpu.dma_semaphore, #tpu.memory_space<semaphore_mem>>
    %dma_wait3A_434 = arith.constant 0 : i32
    %dma_wait3A_435 = tpu.memref_slice %arg5[%dma_wait3A_426, %dma_wait3A_434] : memref<2x16384xf32, #tpu.memory_space<vmem>> -> memref<1x16384xf32, #tpu.memory_space<vmem>>
    %dma_wait3A_436 = tpu.memref_squeeze %dma_wait3A_435 : memref<1x16384xf32, #tpu.memory_space<vmem>> -> memref<16384xf32, #tpu.memory_space<vmem>>
    %dma_wait3A_437 = tpu.memref_slice %arg2[%add3A_348] : memref<8388608xf32, #tpu.memory_space<hbm>> -> memref<16384xf32, #tpu.memory_space<hbm>>
    tpu.wait_dma2 semaphore(%dma_wait3A_433 : memref<!tpu.dma_semaphore, #tpu.memory_space<semaphore_mem>>) src(%dma_wait3A_437 : memref<16384xf32, #tpu.memory_space<hbm>>) dst(%dma_wait3A_436 : memref<16384xf32, #tpu.memory_space<vmem>>)
    %dma_wait3A_438 = arith.constant 1 : i32
    %dma_wait3A_439 = arith.constant 1 : i32
    %dma_wait3A_440 = arith.constant 0 : i32
    %dma_wait3A_441 = tpu.memref_slice %arg6[%dma_wait3A_438, %dma_wait3A_440] : memref<2x16384xi32, #tpu.memory_space<vmem>> -> memref<1x16384xi32, #tpu.memory_space<vmem>>
    %dma_wait3A_442 = tpu.memref_squeeze %dma_wait3A_441 : memref<1x16384xi32, #tpu.memory_space<vmem>> -> memref<16384xi32, #tpu.memory_space<vmem>>
    %dma_wait3A_443 = tpu.memref_slice %arg3[%add3A_348] : memref<8388608xi32, #tpu.memory_space<hbm>> -> memref<16384xi32, #tpu.memory_space<hbm>>
    %dma_wait3A_444 = tpu.memref_slice %arg9[%dma_wait3A_439] : memref<2x!tpu.dma_semaphore, #tpu.memory_space<semaphore_mem>> -> memref<1x!tpu.dma_semaphore, #tpu.memory_space<semaphore_mem>>
    %dma_wait3A_445 = tpu.memref_squeeze %dma_wait3A_444 : memref<1x!tpu.dma_semaphore, #tpu.memory_space<semaphore_mem>> -> memref<!tpu.dma_semaphore, #tpu.memory_space<semaphore_mem>>
    %dma_wait3A_446 = arith.constant 0 : i32
    %dma_wait3A_447 = tpu.memref_slice %arg6[%dma_wait3A_438, %dma_wait3A_446] : memref<2x16384xi32, #tpu.memory_space<vmem>> -> memref<1x16384xi32, #tpu.memory_space<vmem>>
    %dma_wait3A_448 = tpu.memref_squeeze %dma_wait3A_447 : memref<1x16384xi32, #tpu.memory_space<vmem>> -> memref<16384xi32, #tpu.memory_space<vmem>>
    %dma_wait3A_449 = tpu.memref_slice %arg3[%add3A_348] : memref<8388608xi32, #tpu.memory_space<hbm>> -> memref<16384xi32, #tpu.memory_space<hbm>>
    tpu.wait_dma2 semaphore(%dma_wait3A_445 : memref<!tpu.dma_semaphore, #tpu.memory_space<semaphore_mem>>) src(%dma_wait3A_449 : memref<16384xi32, #tpu.memory_space<hbm>>) dst(%dma_wait3A_448 : memref<16384xi32, #tpu.memory_space<vmem>>)
    %parallel_loop3A_450 = arith.constant 0 : i32
    %parallel_loop3A_451 = arith.constant 1024 : i32
    %parallel_loop3A_452 = arith.constant 1 : i32
    scf.for %parallel_loop3A_853 = %parallel_loop3A_450 to %parallel_loop3A_451 step %parallel_loop3A_452  : i32 {
      %parallel_loop3A_854 = arith.constant 16 : i32
      %parallel_loop3A_855 = arith.muli %parallel_loop3A_853, %parallel_loop3A_854 : i32
      %parallel_loop3A_856 = tpu.assume_multiple %parallel_loop3A_855, 16 : i32
      %parallel_loop3A_857 = arith.constant 1 : i32
      %parallel_loop3A_858 = arith.index_cast %parallel_loop3A_857 : i32 to index
      %parallel_loop3A_859 = arith.index_cast %parallel_loop3A_856 : i32 to index
      %parallel_loop3A_860 = tpu.vector_load %arg6[%parallel_loop3A_858, %parallel_loop3A_859] {strides = array<i32>} : memref<2x16384xi32, #tpu.memory_space<vmem>>, vector<16xi32>,
      %parallel_loop3A_861 = arith.constant 1 : i32
      %parallel_loop3A_862 = arith.index_cast %parallel_loop3A_861 : i32 to index
      %parallel_loop3A_863 = arith.index_cast %parallel_loop3A_856 : i32 to index
      %parallel_loop3A_864 = tpu.vector_load %arg5[%parallel_loop3A_862, %parallel_loop3A_863] {strides = array<i32>} : memref<2x16384xf32, #tpu.memory_space<vmem>>, vector<16xf32>,
      %parallel_loop3A_865 = arith.mulf %parallel_loop3A_864, %parallel_loop3A_864 : vector<16xf32>
      tpu.vector_store_idx %arg7[%parallel_loop3A_860], %parallel_loop3A_865 {add = true} : memref<8192xf32, #tpu.memory_space<vmem>>[vector<16xi32>], vector<16xf32>,
    } {sc.loop_unroll_factor = 16 : i64, sc.parallel_access}
    %add3A_453 = arith.constant 147456 : i32
    %add3A_454 = arith.addi %mul3A_2, %add3A_453 : i32
    %dma_start3A_455 = arith.constant 1 : i32
    %dma_start3A_456 = arith.constant 1 : i32
    %dma_start3A_457 = arith.constant 0 : i32
    %dma_start3A_458 = tpu.memref_slice %arg5[%dma_start3A_455, %dma_start3A_457] : memref<2x16384xf32, #tpu.memory_space<vmem>> -> memref<1x16384xf32, #tpu.memory_space<vmem>>
    %dma_start3A_459 = tpu.memref_squeeze %dma_start3A_458 : memref<1x16384xf32, #tpu.memory_space<vmem>> -> memref<16384xf32, #tpu.memory_space<vmem>>
    %dma_start3A_460 = tpu.memref_slice %arg2[%add3A_454] : memref<8388608xf32, #tpu.memory_space<hbm>> -> memref<16384xf32, #tpu.memory_space<hbm>>
    %dma_start3A_461 = tpu.memref_slice %arg8[%dma_start3A_456] : memref<2x!tpu.dma_semaphore, #tpu.memory_space<semaphore_mem>> -> memref<1x!tpu.dma_semaphore, #tpu.memory_space<semaphore_mem>>
    %dma_start3A_462 = tpu.memref_squeeze %dma_start3A_461 : memref<1x!tpu.dma_semaphore, #tpu.memory_space<semaphore_mem>> -> memref<!tpu.dma_semaphore, #tpu.memory_space<semaphore_mem>>
    %dma_start3A_463 = arith.constant 0 : i32
    %dma_start3A_464 = tpu.memref_slice %arg5[%dma_start3A_455, %dma_start3A_463] : memref<2x16384xf32, #tpu.memory_space<vmem>> -> memref<1x16384xf32, #tpu.memory_space<vmem>>
    %dma_start3A_465 = tpu.memref_squeeze %dma_start3A_464 : memref<1x16384xf32, #tpu.memory_space<vmem>> -> memref<16384xf32, #tpu.memory_space<vmem>>
    %dma_start3A_466 = tpu.memref_slice %arg2[%add3A_454] : memref<8388608xf32, #tpu.memory_space<hbm>> -> memref<16384xf32, #tpu.memory_space<hbm>>
    tpu.enqueue_dma source(%dma_start3A_466 : memref<16384xf32, #tpu.memory_space<hbm>>) target(%dma_start3A_465 : memref<16384xf32, #tpu.memory_space<vmem>>) target_semaphore(%dma_start3A_462 : memref<!tpu.dma_semaphore, #tpu.memory_space<semaphore_mem>>)
    %dma_start3A_467 = arith.constant 1 : i32
    %dma_start3A_468 = arith.constant 1 : i32
    %dma_start3A_469 = arith.constant 0 : i32
    %dma_start3A_470 = tpu.memref_slice %arg6[%dma_start3A_467, %dma_start3A_469] : memref<2x16384xi32, #tpu.memory_space<vmem>> -> memref<1x16384xi32, #tpu.memory_space<vmem>>
    %dma_start3A_471 = tpu.memref_squeeze %dma_start3A_470 : memref<1x16384xi32, #tpu.memory_space<vmem>> -> memref<16384xi32, #tpu.memory_space<vmem>>
    %dma_start3A_472 = tpu.memref_slice %arg3[%add3A_454] : memref<8388608xi32, #tpu.memory_space<hbm>> -> memref<16384xi32, #tpu.memory_space<hbm>>
    %dma_start3A_473 = tpu.memref_slice %arg9[%dma_start3A_468] : memref<2x!tpu.dma_semaphore, #tpu.memory_space<semaphore_mem>> -> memref<1x!tpu.dma_semaphore, #tpu.memory_space<semaphore_mem>>
    %dma_start3A_474 = tpu.memref_squeeze %dma_start3A_473 : memref<1x!tpu.dma_semaphore, #tpu.memory_space<semaphore_mem>> -> memref<!tpu.dma_semaphore, #tpu.memory_space<semaphore_mem>>
    %dma_start3A_475 = arith.constant 0 : i32
    %dma_start3A_476 = tpu.memref_slice %arg6[%dma_start3A_467, %dma_start3A_475] : memref<2x16384xi32, #tpu.memory_space<vmem>> -> memref<1x16384xi32, #tpu.memory_space<vmem>>
    %dma_start3A_477 = tpu.memref_squeeze %dma_start3A_476 : memref<1x16384xi32, #tpu.memory_space<vmem>> -> memref<16384xi32, #tpu.memory_space<vmem>>
    %dma_start3A_478 = tpu.memref_slice %arg3[%add3A_454] : memref<8388608xi32, #tpu.memory_space<hbm>> -> memref<16384xi32, #tpu.memory_space<hbm>>
    tpu.enqueue_dma source(%dma_start3A_478 : memref<16384xi32, #tpu.memory_space<hbm>>) target(%dma_start3A_477 : memref<16384xi32, #tpu.memory_space<vmem>>) target_semaphore(%dma_start3A_474 : memref<!tpu.dma_semaphore, #tpu.memory_space<semaphore_mem>>)
    %dma_wait3A_479 = arith.constant 0 : i32
    %dma_wait3A_480 = arith.constant 0 : i32
    %dma_wait3A_481 = arith.constant 0 : i32
    %dma_wait3A_482 = tpu.memref_slice %arg5[%dma_wait3A_479, %dma_wait3A_481] : memref<2x16384xf32, #tpu.memory_space<vmem>> -> memref<1x16384xf32, #tpu.memory_space<vmem>>
    %dma_wait3A_483 = tpu.memref_squeeze %dma_wait3A_482 : memref<1x16384xf32, #tpu.memory_space<vmem>> -> memref<16384xf32, #tpu.memory_space<vmem>>
    %dma_wait3A_484 = tpu.memref_slice %arg2[%add3A_401] : memref<8388608xf32, #tpu.memory_space<hbm>> -> memref<16384xf32, #tpu.memory_space<hbm>>
    %dma_wait3A_485 = tpu.memref_slice %arg8[%dma_wait3A_480] : memref<2x!tpu.dma_semaphore, #tpu.memory_space<semaphore_mem>> -> memref<1x!tpu.dma_semaphore, #tpu.memory_space<semaphore_mem>>
    %dma_wait3A_486 = tpu.memref_squeeze %dma_wait3A_485 : memref<1x!tpu.dma_semaphore, #tpu.memory_space<semaphore_mem>> -> memref<!tpu.dma_semaphore, #tpu.memory_space<semaphore_mem>>
    %dma_wait3A_487 = arith.constant 0 : i32
    %dma_wait3A_488 = tpu.memref_slice %arg5[%dma_wait3A_479, %dma_wait3A_487] : memref<2x16384xf32, #tpu.memory_space<vmem>> -> memref<1x16384xf32, #tpu.memory_space<vmem>>
    %dma_wait3A_489 = tpu.memref_squeeze %dma_wait3A_488 : memref<1x16384xf32, #tpu.memory_space<vmem>> -> memref<16384xf32, #tpu.memory_space<vmem>>
    %dma_wait3A_490 = tpu.memref_slice %arg2[%add3A_401] : memref<8388608xf32, #tpu.memory_space<hbm>> -> memref<16384xf32, #tpu.memory_space<hbm>>
    tpu.wait_dma2 semaphore(%dma_wait3A_486 : memref<!tpu.dma_semaphore, #tpu.memory_space<semaphore_mem>>) src(%dma_wait3A_490 : memref<16384xf32, #tpu.memory_space<hbm>>) dst(%dma_wait3A_489 : memref<16384xf32, #tpu.memory_space<vmem>>)
    %dma_wait3A_491 = arith.constant 0 : i32
    %dma_wait3A_492 = arith.constant 0 : i32
    %dma_wait3A_493 = arith.constant 0 : i32
    %dma_wait3A_494 = tpu.memref_slice %arg6[%dma_wait3A_491, %dma_wait3A_493] : memref<2x16384xi32, #tpu.memory_space<vmem>> -> memref<1x16384xi32, #tpu.memory_space<vmem>>
    %dma_wait3A_495 = tpu.memref_squeeze %dma_wait3A_494 : memref<1x16384xi32, #tpu.memory_space<vmem>> -> memref<16384xi32, #tpu.memory_space<vmem>>
    %dma_wait3A_496 = tpu.memref_slice %arg3[%add3A_401] : memref<8388608xi32, #tpu.memory_space<hbm>> -> memref<16384xi32, #tpu.memory_space<hbm>>
    %dma_wait3A_497 = tpu.memref_slice %arg9[%dma_wait3A_492] : memref<2x!tpu.dma_semaphore, #tpu.memory_space<semaphore_mem>> -> memref<1x!tpu.dma_semaphore, #tpu.memory_space<semaphore_mem>>
    %dma_wait3A_498 = tpu.memref_squeeze %dma_wait3A_497 : memref<1x!tpu.dma_semaphore, #tpu.memory_space<semaphore_mem>> -> memref<!tpu.dma_semaphore, #tpu.memory_space<semaphore_mem>>
    %dma_wait3A_499 = arith.constant 0 : i32
    %dma_wait3A_500 = tpu.memref_slice %arg6[%dma_wait3A_491, %dma_wait3A_499] : memref<2x16384xi32, #tpu.memory_space<vmem>> -> memref<1x16384xi32, #tpu.memory_space<vmem>>
    %dma_wait3A_501 = tpu.memref_squeeze %dma_wait3A_500 : memref<1x16384xi32, #tpu.memory_space<vmem>> -> memref<16384xi32, #tpu.memory_space<vmem>>
    %dma_wait3A_502 = tpu.memref_slice %arg3[%add3A_401] : memref<8388608xi32, #tpu.memory_space<hbm>> -> memref<16384xi32, #tpu.memory_space<hbm>>
    tpu.wait_dma2 semaphore(%dma_wait3A_498 : memref<!tpu.dma_semaphore, #tpu.memory_space<semaphore_mem>>) src(%dma_wait3A_502 : memref<16384xi32, #tpu.memory_space<hbm>>) dst(%dma_wait3A_501 : memref<16384xi32, #tpu.memory_space<vmem>>)
    %parallel_loop3A_503 = arith.constant 0 : i32
    %parallel_loop3A_504 = arith.constant 1024 : i32
    %parallel_loop3A_505 = arith.constant 1 : i32
    scf.for %parallel_loop3A_853 = %parallel_loop3A_503 to %parallel_loop3A_504 step %parallel_loop3A_505  : i32 {
      %parallel_loop3A_854 = arith.constant 16 : i32
      %parallel_loop3A_855 = arith.muli %parallel_loop3A_853, %parallel_loop3A_854 : i32
      %parallel_loop3A_856 = tpu.assume_multiple %parallel_loop3A_855, 16 : i32
      %parallel_loop3A_857 = arith.constant 0 : i32
      %parallel_loop3A_858 = arith.index_cast %parallel_loop3A_857 : i32 to index
      %parallel_loop3A_859 = arith.index_cast %parallel_loop3A_856 : i32 to index
      %parallel_loop3A_860 = tpu.vector_load %arg6[%parallel_loop3A_858, %parallel_loop3A_859] {strides = array<i32>} : memref<2x16384xi32, #tpu.memory_space<vmem>>, vector<16xi32>,
      %parallel_loop3A_861 = arith.constant 0 : i32
      %parallel_loop3A_862 = arith.index_cast %parallel_loop3A_861 : i32 to index
      %parallel_loop3A_863 = arith.index_cast %parallel_loop3A_856 : i32 to index
      %parallel_loop3A_864 = tpu.vector_load %arg5[%parallel_loop3A_862, %parallel_loop3A_863] {strides = array<i32>} : memref<2x16384xf32, #tpu.memory_space<vmem>>, vector<16xf32>,
      %parallel_loop3A_865 = arith.mulf %parallel_loop3A_864, %parallel_loop3A_864 : vector<16xf32>
      tpu.vector_store_idx %arg7[%parallel_loop3A_860], %parallel_loop3A_865 {add = true} : memref<8192xf32, #tpu.memory_space<vmem>>[vector<16xi32>], vector<16xf32>,
    } {sc.loop_unroll_factor = 16 : i64, sc.parallel_access}
    %add3A_506 = arith.constant 163840 : i32
    %add3A_507 = arith.addi %mul3A_2, %add3A_506 : i32
    %dma_start3A_508 = arith.constant 0 : i32
    %dma_start3A_509 = arith.constant 0 : i32
    %dma_start3A_510 = arith.constant 0 : i32
    %dma_start3A_511 = tpu.memref_slice %arg5[%dma_start3A_508, %dma_start3A_510] : memref<2x16384xf32, #tpu.memory_space<vmem>> -> memref<1x16384xf32, #tpu.memory_space<vmem>>
    %dma_start3A_512 = tpu.memref_squeeze %dma_start3A_511 : memref<1x16384xf32, #tpu.memory_space<vmem>> -> memref<16384xf32, #tpu.memory_space<vmem>>
    %dma_start3A_513 = tpu.memref_slice %arg2[%add3A_507] : memref<8388608xf32, #tpu.memory_space<hbm>> -> memref<16384xf32, #tpu.memory_space<hbm>>
    %dma_start3A_514 = tpu.memref_slice %arg8[%dma_start3A_509] : memref<2x!tpu.dma_semaphore, #tpu.memory_space<semaphore_mem>> -> memref<1x!tpu.dma_semaphore, #tpu.memory_space<semaphore_mem>>
    %dma_start3A_515 = tpu.memref_squeeze %dma_start3A_514 : memref<1x!tpu.dma_semaphore, #tpu.memory_space<semaphore_mem>> -> memref<!tpu.dma_semaphore, #tpu.memory_space<semaphore_mem>>
    %dma_start3A_516 = arith.constant 0 : i32
    %dma_start3A_517 = tpu.memref_slice %arg5[%dma_start3A_508, %dma_start3A_516] : memref<2x16384xf32, #tpu.memory_space<vmem>> -> memref<1x16384xf32, #tpu.memory_space<vmem>>
    %dma_start3A_518 = tpu.memref_squeeze %dma_start3A_517 : memref<1x16384xf32, #tpu.memory_space<vmem>> -> memref<16384xf32, #tpu.memory_space<vmem>>
    %dma_start3A_519 = tpu.memref_slice %arg2[%add3A_507] : memref<8388608xf32, #tpu.memory_space<hbm>> -> memref<16384xf32, #tpu.memory_space<hbm>>
    tpu.enqueue_dma source(%dma_start3A_519 : memref<16384xf32, #tpu.memory_space<hbm>>) target(%dma_start3A_518 : memref<16384xf32, #tpu.memory_space<vmem>>) target_semaphore(%dma_start3A_515 : memref<!tpu.dma_semaphore, #tpu.memory_space<semaphore_mem>>)
    %dma_start3A_520 = arith.constant 0 : i32
    %dma_start3A_521 = arith.constant 0 : i32
    %dma_start3A_522 = arith.constant 0 : i32
    %dma_start3A_523 = tpu.memref_slice %arg6[%dma_start3A_520, %dma_start3A_522] : memref<2x16384xi32, #tpu.memory_space<vmem>> -> memref<1x16384xi32, #tpu.memory_space<vmem>>
    %dma_start3A_524 = tpu.memref_squeeze %dma_start3A_523 : memref<1x16384xi32, #tpu.memory_space<vmem>> -> memref<16384xi32, #tpu.memory_space<vmem>>
    %dma_start3A_525 = tpu.memref_slice %arg3[%add3A_507] : memref<8388608xi32, #tpu.memory_space<hbm>> -> memref<16384xi32, #tpu.memory_space<hbm>>
    %dma_start3A_526 = tpu.memref_slice %arg9[%dma_start3A_521] : memref<2x!tpu.dma_semaphore, #tpu.memory_space<semaphore_mem>> -> memref<1x!tpu.dma_semaphore, #tpu.memory_space<semaphore_mem>>
    %dma_start3A_527 = tpu.memref_squeeze %dma_start3A_526 : memref<1x!tpu.dma_semaphore, #tpu.memory_space<semaphore_mem>> -> memref<!tpu.dma_semaphore, #tpu.memory_space<semaphore_mem>>
    %dma_start3A_528 = arith.constant 0 : i32
    %dma_start3A_529 = tpu.memref_slice %arg6[%dma_start3A_520, %dma_start3A_528] : memref<2x16384xi32, #tpu.memory_space<vmem>> -> memref<1x16384xi32, #tpu.memory_space<vmem>>
    %dma_start3A_530 = tpu.memref_squeeze %dma_start3A_529 : memref<1x16384xi32, #tpu.memory_space<vmem>> -> memref<16384xi32, #tpu.memory_space<vmem>>
    %dma_start3A_531 = tpu.memref_slice %arg3[%add3A_507] : memref<8388608xi32, #tpu.memory_space<hbm>> -> memref<16384xi32, #tpu.memory_space<hbm>>
    tpu.enqueue_dma source(%dma_start3A_531 : memref<16384xi32, #tpu.memory_space<hbm>>) target(%dma_start3A_530 : memref<16384xi32, #tpu.memory_space<vmem>>) target_semaphore(%dma_start3A_527 : memref<!tpu.dma_semaphore, #tpu.memory_space<semaphore_mem>>)
    %dma_wait3A_532 = arith.constant 1 : i32
    %dma_wait3A_533 = arith.constant 1 : i32
    %dma_wait3A_534 = arith.constant 0 : i32
    %dma_wait3A_535 = tpu.memref_slice %arg5[%dma_wait3A_532, %dma_wait3A_534] : memref<2x16384xf32, #tpu.memory_space<vmem>> -> memref<1x16384xf32, #tpu.memory_space<vmem>>
    %dma_wait3A_536 = tpu.memref_squeeze %dma_wait3A_535 : memref<1x16384xf32, #tpu.memory_space<vmem>> -> memref<16384xf32, #tpu.memory_space<vmem>>
    %dma_wait3A_537 = tpu.memref_slice %arg2[%add3A_454] : memref<8388608xf32, #tpu.memory_space<hbm>> -> memref<16384xf32, #tpu.memory_space<hbm>>
    %dma_wait3A_538 = tpu.memref_slice %arg8[%dma_wait3A_533] : memref<2x!tpu.dma_semaphore, #tpu.memory_space<semaphore_mem>> -> memref<1x!tpu.dma_semaphore, #tpu.memory_space<semaphore_mem>>
    %dma_wait3A_539 = tpu.memref_squeeze %dma_wait3A_538 : memref<1x!tpu.dma_semaphore, #tpu.memory_space<semaphore_mem>> -> memref<!tpu.dma_semaphore, #tpu.memory_space<semaphore_mem>>
    %dma_wait3A_540 = arith.constant 0 : i32
    %dma_wait3A_541 = tpu.memref_slice %arg5[%dma_wait3A_532, %dma_wait3A_540] : memref<2x16384xf32, #tpu.memory_space<vmem>> -> memref<1x16384xf32, #tpu.memory_space<vmem>>
    %dma_wait3A_542 = tpu.memref_squeeze %dma_wait3A_541 : memref<1x16384xf32, #tpu.memory_space<vmem>> -> memref<16384xf32, #tpu.memory_space<vmem>>
    %dma_wait3A_543 = tpu.memref_slice %arg2[%add3A_454] : memref<8388608xf32, #tpu.memory_space<hbm>> -> memref<16384xf32, #tpu.memory_space<hbm>>
    tpu.wait_dma2 semaphore(%dma_wait3A_539 : memref<!tpu.dma_semaphore, #tpu.memory_space<semaphore_mem>>) src(%dma_wait3A_543 : memref<16384xf32, #tpu.memory_space<hbm>>) dst(%dma_wait3A_542 : memref<16384xf32, #tpu.memory_space<vmem>>)
    %dma_wait3A_544 = arith.constant 1 : i32
    %dma_wait3A_545 = arith.constant 1 : i32
    %dma_wait3A_546 = arith.constant 0 : i32
    %dma_wait3A_547 = tpu.memref_slice %arg6[%dma_wait3A_544, %dma_wait3A_546] : memref<2x16384xi32, #tpu.memory_space<vmem>> -> memref<1x16384xi32, #tpu.memory_space<vmem>>
    %dma_wait3A_548 = tpu.memref_squeeze %dma_wait3A_547 : memref<1x16384xi32, #tpu.memory_space<vmem>> -> memref<16384xi32, #tpu.memory_space<vmem>>
    %dma_wait3A_549 = tpu.memref_slice %arg3[%add3A_454] : memref<8388608xi32, #tpu.memory_space<hbm>> -> memref<16384xi32, #tpu.memory_space<hbm>>
    %dma_wait3A_550 = tpu.memref_slice %arg9[%dma_wait3A_545] : memref<2x!tpu.dma_semaphore, #tpu.memory_space<semaphore_mem>> -> memref<1x!tpu.dma_semaphore, #tpu.memory_space<semaphore_mem>>
    %dma_wait3A_551 = tpu.memref_squeeze %dma_wait3A_550 : memref<1x!tpu.dma_semaphore, #tpu.memory_space<semaphore_mem>> -> memref<!tpu.dma_semaphore, #tpu.memory_space<semaphore_mem>>
    %dma_wait3A_552 = arith.constant 0 : i32
    %dma_wait3A_553 = tpu.memref_slice %arg6[%dma_wait3A_544, %dma_wait3A_552] : memref<2x16384xi32, #tpu.memory_space<vmem>> -> memref<1x16384xi32, #tpu.memory_space<vmem>>
    %dma_wait3A_554 = tpu.memref_squeeze %dma_wait3A_553 : memref<1x16384xi32, #tpu.memory_space<vmem>> -> memref<16384xi32, #tpu.memory_space<vmem>>
    %dma_wait3A_555 = tpu.memref_slice %arg3[%add3A_454] : memref<8388608xi32, #tpu.memory_space<hbm>> -> memref<16384xi32, #tpu.memory_space<hbm>>
    tpu.wait_dma2 semaphore(%dma_wait3A_551 : memref<!tpu.dma_semaphore, #tpu.memory_space<semaphore_mem>>) src(%dma_wait3A_555 : memref<16384xi32, #tpu.memory_space<hbm>>) dst(%dma_wait3A_554 : memref<16384xi32, #tpu.memory_space<vmem>>)
    %parallel_loop3A_556 = arith.constant 0 : i32
    %parallel_loop3A_557 = arith.constant 1024 : i32
    %parallel_loop3A_558 = arith.constant 1 : i32
    scf.for %parallel_loop3A_853 = %parallel_loop3A_556 to %parallel_loop3A_557 step %parallel_loop3A_558  : i32 {
      %parallel_loop3A_854 = arith.constant 16 : i32
      %parallel_loop3A_855 = arith.muli %parallel_loop3A_853, %parallel_loop3A_854 : i32
      %parallel_loop3A_856 = tpu.assume_multiple %parallel_loop3A_855, 16 : i32
      %parallel_loop3A_857 = arith.constant 1 : i32
      %parallel_loop3A_858 = arith.index_cast %parallel_loop3A_857 : i32 to index
      %parallel_loop3A_859 = arith.index_cast %parallel_loop3A_856 : i32 to index
      %parallel_loop3A_860 = tpu.vector_load %arg6[%parallel_loop3A_858, %parallel_loop3A_859] {strides = array<i32>} : memref<2x16384xi32, #tpu.memory_space<vmem>>, vector<16xi32>,
      %parallel_loop3A_861 = arith.constant 1 : i32
      %parallel_loop3A_862 = arith.index_cast %parallel_loop3A_861 : i32 to index
      %parallel_loop3A_863 = arith.index_cast %parallel_loop3A_856 : i32 to index
      %parallel_loop3A_864 = tpu.vector_load %arg5[%parallel_loop3A_862, %parallel_loop3A_863] {strides = array<i32>} : memref<2x16384xf32, #tpu.memory_space<vmem>>, vector<16xf32>,
      %parallel_loop3A_865 = arith.mulf %parallel_loop3A_864, %parallel_loop3A_864 : vector<16xf32>
      tpu.vector_store_idx %arg7[%parallel_loop3A_860], %parallel_loop3A_865 {add = true} : memref<8192xf32, #tpu.memory_space<vmem>>[vector<16xi32>], vector<16xf32>,
    } {sc.loop_unroll_factor = 16 : i64, sc.parallel_access}
    %add3A_559 = arith.constant 180224 : i32
    %add3A_560 = arith.addi %mul3A_2, %add3A_559 : i32
    %dma_start3A_561 = arith.constant 1 : i32
    %dma_start3A_562 = arith.constant 1 : i32
    %dma_start3A_563 = arith.constant 0 : i32
    %dma_start3A_564 = tpu.memref_slice %arg5[%dma_start3A_561, %dma_start3A_563] : memref<2x16384xf32, #tpu.memory_space<vmem>> -> memref<1x16384xf32, #tpu.memory_space<vmem>>
    %dma_start3A_565 = tpu.memref_squeeze %dma_start3A_564 : memref<1x16384xf32, #tpu.memory_space<vmem>> -> memref<16384xf32, #tpu.memory_space<vmem>>
    %dma_start3A_566 = tpu.memref_slice %arg2[%add3A_560] : memref<8388608xf32, #tpu.memory_space<hbm>> -> memref<16384xf32, #tpu.memory_space<hbm>>
    %dma_start3A_567 = tpu.memref_slice %arg8[%dma_start3A_562] : memref<2x!tpu.dma_semaphore, #tpu.memory_space<semaphore_mem>> -> memref<1x!tpu.dma_semaphore, #tpu.memory_space<semaphore_mem>>
    %dma_start3A_568 = tpu.memref_squeeze %dma_start3A_567 : memref<1x!tpu.dma_semaphore, #tpu.memory_space<semaphore_mem>> -> memref<!tpu.dma_semaphore, #tpu.memory_space<semaphore_mem>>
    %dma_start3A_569 = arith.constant 0 : i32
    %dma_start3A_570 = tpu.memref_slice %arg5[%dma_start3A_561, %dma_start3A_569] : memref<2x16384xf32, #tpu.memory_space<vmem>> -> memref<1x16384xf32, #tpu.memory_space<vmem>>
    %dma_start3A_571 = tpu.memref_squeeze %dma_start3A_570 : memref<1x16384xf32, #tpu.memory_space<vmem>> -> memref<16384xf32, #tpu.memory_space<vmem>>
    %dma_start3A_572 = tpu.memref_slice %arg2[%add3A_560] : memref<8388608xf32, #tpu.memory_space<hbm>> -> memref<16384xf32, #tpu.memory_space<hbm>>
    tpu.enqueue_dma source(%dma_start3A_572 : memref<16384xf32, #tpu.memory_space<hbm>>) target(%dma_start3A_571 : memref<16384xf32, #tpu.memory_space<vmem>>) target_semaphore(%dma_start3A_568 : memref<!tpu.dma_semaphore, #tpu.memory_space<semaphore_mem>>)
    %dma_start3A_573 = arith.constant 1 : i32
    %dma_start3A_574 = arith.constant 1 : i32
    %dma_start3A_575 = arith.constant 0 : i32
    %dma_start3A_576 = tpu.memref_slice %arg6[%dma_start3A_573, %dma_start3A_575] : memref<2x16384xi32, #tpu.memory_space<vmem>> -> memref<1x16384xi32, #tpu.memory_space<vmem>>
    %dma_start3A_577 = tpu.memref_squeeze %dma_start3A_576 : memref<1x16384xi32, #tpu.memory_space<vmem>> -> memref<16384xi32, #tpu.memory_space<vmem>>
    %dma_start3A_578 = tpu.memref_slice %arg3[%add3A_560] : memref<8388608xi32, #tpu.memory_space<hbm>> -> memref<16384xi32, #tpu.memory_space<hbm>>
    %dma_start3A_579 = tpu.memref_slice %arg9[%dma_start3A_574] : memref<2x!tpu.dma_semaphore, #tpu.memory_space<semaphore_mem>> -> memref<1x!tpu.dma_semaphore, #tpu.memory_space<semaphore_mem>>
    %dma_start3A_580 = tpu.memref_squeeze %dma_start3A_579 : memref<1x!tpu.dma_semaphore, #tpu.memory_space<semaphore_mem>> -> memref<!tpu.dma_semaphore, #tpu.memory_space<semaphore_mem>>
    %dma_start3A_581 = arith.constant 0 : i32
    %dma_start3A_582 = tpu.memref_slice %arg6[%dma_start3A_573, %dma_start3A_581] : memref<2x16384xi32, #tpu.memory_space<vmem>> -> memref<1x16384xi32, #tpu.memory_space<vmem>>
    %dma_start3A_583 = tpu.memref_squeeze %dma_start3A_582 : memref<1x16384xi32, #tpu.memory_space<vmem>> -> memref<16384xi32, #tpu.memory_space<vmem>>
    %dma_start3A_584 = tpu.memref_slice %arg3[%add3A_560] : memref<8388608xi32, #tpu.memory_space<hbm>> -> memref<16384xi32, #tpu.memory_space<hbm>>
    tpu.enqueue_dma source(%dma_start3A_584 : memref<16384xi32, #tpu.memory_space<hbm>>) target(%dma_start3A_583 : memref<16384xi32, #tpu.memory_space<vmem>>) target_semaphore(%dma_start3A_580 : memref<!tpu.dma_semaphore, #tpu.memory_space<semaphore_mem>>)
    %dma_wait3A_585 = arith.constant 0 : i32
    %dma_wait3A_586 = arith.constant 0 : i32
    %dma_wait3A_587 = arith.constant 0 : i32
    %dma_wait3A_588 = tpu.memref_slice %arg5[%dma_wait3A_585, %dma_wait3A_587] : memref<2x16384xf32, #tpu.memory_space<vmem>> -> memref<1x16384xf32, #tpu.memory_space<vmem>>
    %dma_wait3A_589 = tpu.memref_squeeze %dma_wait3A_588 : memref<1x16384xf32, #tpu.memory_space<vmem>> -> memref<16384xf32, #tpu.memory_space<vmem>>
    %dma_wait3A_590 = tpu.memref_slice %arg2[%add3A_507] : memref<8388608xf32, #tpu.memory_space<hbm>> -> memref<16384xf32, #tpu.memory_space<hbm>>
    %dma_wait3A_591 = tpu.memref_slice %arg8[%dma_wait3A_586] : memref<2x!tpu.dma_semaphore, #tpu.memory_space<semaphore_mem>> -> memref<1x!tpu.dma_semaphore, #tpu.memory_space<semaphore_mem>>
    %dma_wait3A_592 = tpu.memref_squeeze %dma_wait3A_591 : memref<1x!tpu.dma_semaphore, #tpu.memory_space<semaphore_mem>> -> memref<!tpu.dma_semaphore, #tpu.memory_space<semaphore_mem>>
    %dma_wait3A_593 = arith.constant 0 : i32
    %dma_wait3A_594 = tpu.memref_slice %arg5[%dma_wait3A_585, %dma_wait3A_593] : memref<2x16384xf32, #tpu.memory_space<vmem>> -> memref<1x16384xf32, #tpu.memory_space<vmem>>
    %dma_wait3A_595 = tpu.memref_squeeze %dma_wait3A_594 : memref<1x16384xf32, #tpu.memory_space<vmem>> -> memref<16384xf32, #tpu.memory_space<vmem>>
    %dma_wait3A_596 = tpu.memref_slice %arg2[%add3A_507] : memref<8388608xf32, #tpu.memory_space<hbm>> -> memref<16384xf32, #tpu.memory_space<hbm>>
    tpu.wait_dma2 semaphore(%dma_wait3A_592 : memref<!tpu.dma_semaphore, #tpu.memory_space<semaphore_mem>>) src(%dma_wait3A_596 : memref<16384xf32, #tpu.memory_space<hbm>>) dst(%dma_wait3A_595 : memref<16384xf32, #tpu.memory_space<vmem>>)
    %dma_wait3A_597 = arith.constant 0 : i32
    %dma_wait3A_598 = arith.constant 0 : i32
    %dma_wait3A_599 = arith.constant 0 : i32
    %dma_wait3A_600 = tpu.memref_slice %arg6[%dma_wait3A_597, %dma_wait3A_599] : memref<2x16384xi32, #tpu.memory_space<vmem>> -> memref<1x16384xi32, #tpu.memory_space<vmem>>
    %dma_wait3A_601 = tpu.memref_squeeze %dma_wait3A_600 : memref<1x16384xi32, #tpu.memory_space<vmem>> -> memref<16384xi32, #tpu.memory_space<vmem>>
    %dma_wait3A_602 = tpu.memref_slice %arg3[%add3A_507] : memref<8388608xi32, #tpu.memory_space<hbm>> -> memref<16384xi32, #tpu.memory_space<hbm>>
    %dma_wait3A_603 = tpu.memref_slice %arg9[%dma_wait3A_598] : memref<2x!tpu.dma_semaphore, #tpu.memory_space<semaphore_mem>> -> memref<1x!tpu.dma_semaphore, #tpu.memory_space<semaphore_mem>>
    %dma_wait3A_604 = tpu.memref_squeeze %dma_wait3A_603 : memref<1x!tpu.dma_semaphore, #tpu.memory_space<semaphore_mem>> -> memref<!tpu.dma_semaphore, #tpu.memory_space<semaphore_mem>>
    %dma_wait3A_605 = arith.constant 0 : i32
    %dma_wait3A_606 = tpu.memref_slice %arg6[%dma_wait3A_597, %dma_wait3A_605] : memref<2x16384xi32, #tpu.memory_space<vmem>> -> memref<1x16384xi32, #tpu.memory_space<vmem>>
    %dma_wait3A_607 = tpu.memref_squeeze %dma_wait3A_606 : memref<1x16384xi32, #tpu.memory_space<vmem>> -> memref<16384xi32, #tpu.memory_space<vmem>>
    %dma_wait3A_608 = tpu.memref_slice %arg3[%add3A_507] : memref<8388608xi32, #tpu.memory_space<hbm>> -> memref<16384xi32, #tpu.memory_space<hbm>>
    tpu.wait_dma2 semaphore(%dma_wait3A_604 : memref<!tpu.dma_semaphore, #tpu.memory_space<semaphore_mem>>) src(%dma_wait3A_608 : memref<16384xi32, #tpu.memory_space<hbm>>) dst(%dma_wait3A_607 : memref<16384xi32, #tpu.memory_space<vmem>>)
    %parallel_loop3A_609 = arith.constant 0 : i32
    %parallel_loop3A_610 = arith.constant 1024 : i32
    %parallel_loop3A_611 = arith.constant 1 : i32
    scf.for %parallel_loop3A_853 = %parallel_loop3A_609 to %parallel_loop3A_610 step %parallel_loop3A_611  : i32 {
      %parallel_loop3A_854 = arith.constant 16 : i32
      %parallel_loop3A_855 = arith.muli %parallel_loop3A_853, %parallel_loop3A_854 : i32
      %parallel_loop3A_856 = tpu.assume_multiple %parallel_loop3A_855, 16 : i32
      %parallel_loop3A_857 = arith.constant 0 : i32
      %parallel_loop3A_858 = arith.index_cast %parallel_loop3A_857 : i32 to index
      %parallel_loop3A_859 = arith.index_cast %parallel_loop3A_856 : i32 to index
      %parallel_loop3A_860 = tpu.vector_load %arg6[%parallel_loop3A_858, %parallel_loop3A_859] {strides = array<i32>} : memref<2x16384xi32, #tpu.memory_space<vmem>>, vector<16xi32>,
      %parallel_loop3A_861 = arith.constant 0 : i32
      %parallel_loop3A_862 = arith.index_cast %parallel_loop3A_861 : i32 to index
      %parallel_loop3A_863 = arith.index_cast %parallel_loop3A_856 : i32 to index
      %parallel_loop3A_864 = tpu.vector_load %arg5[%parallel_loop3A_862, %parallel_loop3A_863] {strides = array<i32>} : memref<2x16384xf32, #tpu.memory_space<vmem>>, vector<16xf32>,
      %parallel_loop3A_865 = arith.mulf %parallel_loop3A_864, %parallel_loop3A_864 : vector<16xf32>
      tpu.vector_store_idx %arg7[%parallel_loop3A_860], %parallel_loop3A_865 {add = true} : memref<8192xf32, #tpu.memory_space<vmem>>[vector<16xi32>], vector<16xf32>,
    } {sc.loop_unroll_factor = 16 : i64, sc.parallel_access}
    %add3A_612 = arith.constant 196608 : i32
    %add3A_613 = arith.addi %mul3A_2, %add3A_612 : i32
    %dma_start3A_614 = arith.constant 0 : i32
    %dma_start3A_615 = arith.constant 0 : i32
    %dma_start3A_616 = arith.constant 0 : i32
    %dma_start3A_617 = tpu.memref_slice %arg5[%dma_start3A_614, %dma_start3A_616] : memref<2x16384xf32, #tpu.memory_space<vmem>> -> memref<1x16384xf32, #tpu.memory_space<vmem>>
    %dma_start3A_618 = tpu.memref_squeeze %dma_start3A_617 : memref<1x16384xf32, #tpu.memory_space<vmem>> -> memref<16384xf32, #tpu.memory_space<vmem>>
    %dma_start3A_619 = tpu.memref_slice %arg2[%add3A_613] : memref<8388608xf32, #tpu.memory_space<hbm>> -> memref<16384xf32, #tpu.memory_space<hbm>>
    %dma_start3A_620 = tpu.memref_slice %arg8[%dma_start3A_615] : memref<2x!tpu.dma_semaphore, #tpu.memory_space<semaphore_mem>> -> memref<1x!tpu.dma_semaphore, #tpu.memory_space<semaphore_mem>>
    %dma_start3A_621 = tpu.memref_squeeze %dma_start3A_620 : memref<1x!tpu.dma_semaphore, #tpu.memory_space<semaphore_mem>> -> memref<!tpu.dma_semaphore, #tpu.memory_space<semaphore_mem>>
    %dma_start3A_622 = arith.constant 0 : i32
    %dma_start3A_623 = tpu.memref_slice %arg5[%dma_start3A_614, %dma_start3A_622] : memref<2x16384xf32, #tpu.memory_space<vmem>> -> memref<1x16384xf32, #tpu.memory_space<vmem>>
    %dma_start3A_624 = tpu.memref_squeeze %dma_start3A_623 : memref<1x16384xf32, #tpu.memory_space<vmem>> -> memref<16384xf32, #tpu.memory_space<vmem>>
    %dma_start3A_625 = tpu.memref_slice %arg2[%add3A_613] : memref<8388608xf32, #tpu.memory_space<hbm>> -> memref<16384xf32, #tpu.memory_space<hbm>>
    tpu.enqueue_dma source(%dma_start3A_625 : memref<16384xf32, #tpu.memory_space<hbm>>) target(%dma_start3A_624 : memref<16384xf32, #tpu.memory_space<vmem>>) target_semaphore(%dma_start3A_621 : memref<!tpu.dma_semaphore, #tpu.memory_space<semaphore_mem>>)
    %dma_start3A_626 = arith.constant 0 : i32
    %dma_start3A_627 = arith.constant 0 : i32
    %dma_start3A_628 = arith.constant 0 : i32
    %dma_start3A_629 = tpu.memref_slice %arg6[%dma_start3A_626, %dma_start3A_628] : memref<2x16384xi32, #tpu.memory_space<vmem>> -> memref<1x16384xi32, #tpu.memory_space<vmem>>
    %dma_start3A_630 = tpu.memref_squeeze %dma_start3A_629 : memref<1x16384xi32, #tpu.memory_space<vmem>> -> memref<16384xi32, #tpu.memory_space<vmem>>
    %dma_start3A_631 = tpu.memref_slice %arg3[%add3A_613] : memref<8388608xi32, #tpu.memory_space<hbm>> -> memref<16384xi32, #tpu.memory_space<hbm>>
    %dma_start3A_632 = tpu.memref_slice %arg9[%dma_start3A_627] : memref<2x!tpu.dma_semaphore, #tpu.memory_space<semaphore_mem>> -> memref<1x!tpu.dma_semaphore, #tpu.memory_space<semaphore_mem>>
    %dma_start3A_633 = tpu.memref_squeeze %dma_start3A_632 : memref<1x!tpu.dma_semaphore, #tpu.memory_space<semaphore_mem>> -> memref<!tpu.dma_semaphore, #tpu.memory_space<semaphore_mem>>
    %dma_start3A_634 = arith.constant 0 : i32
    %dma_start3A_635 = tpu.memref_slice %arg6[%dma_start3A_626, %dma_start3A_634] : memref<2x16384xi32, #tpu.memory_space<vmem>> -> memref<1x16384xi32, #tpu.memory_space<vmem>>
    %dma_start3A_636 = tpu.memref_squeeze %dma_start3A_635 : memref<1x16384xi32, #tpu.memory_space<vmem>> -> memref<16384xi32, #tpu.memory_space<vmem>>
    %dma_start3A_637 = tpu.memref_slice %arg3[%add3A_613] : memref<8388608xi32, #tpu.memory_space<hbm>> -> memref<16384xi32, #tpu.memory_space<hbm>>
    tpu.enqueue_dma source(%dma_start3A_637 : memref<16384xi32, #tpu.memory_space<hbm>>) target(%dma_start3A_636 : memref<16384xi32, #tpu.memory_space<vmem>>) target_semaphore(%dma_start3A_633 : memref<!tpu.dma_semaphore, #tpu.memory_space<semaphore_mem>>)
    %dma_wait3A_638 = arith.constant 1 : i32
    %dma_wait3A_639 = arith.constant 1 : i32
    %dma_wait3A_640 = arith.constant 0 : i32
    %dma_wait3A_641 = tpu.memref_slice %arg5[%dma_wait3A_638, %dma_wait3A_640] : memref<2x16384xf32, #tpu.memory_space<vmem>> -> memref<1x16384xf32, #tpu.memory_space<vmem>>
    %dma_wait3A_642 = tpu.memref_squeeze %dma_wait3A_641 : memref<1x16384xf32, #tpu.memory_space<vmem>> -> memref<16384xf32, #tpu.memory_space<vmem>>
    %dma_wait3A_643 = tpu.memref_slice %arg2[%add3A_560] : memref<8388608xf32, #tpu.memory_space<hbm>> -> memref<16384xf32, #tpu.memory_space<hbm>>
    %dma_wait3A_644 = tpu.memref_slice %arg8[%dma_wait3A_639] : memref<2x!tpu.dma_semaphore, #tpu.memory_space<semaphore_mem>> -> memref<1x!tpu.dma_semaphore, #tpu.memory_space<semaphore_mem>>
    %dma_wait3A_645 = tpu.memref_squeeze %dma_wait3A_644 : memref<1x!tpu.dma_semaphore, #tpu.memory_space<semaphore_mem>> -> memref<!tpu.dma_semaphore, #tpu.memory_space<semaphore_mem>>
    %dma_wait3A_646 = arith.constant 0 : i32
    %dma_wait3A_647 = tpu.memref_slice %arg5[%dma_wait3A_638, %dma_wait3A_646] : memref<2x16384xf32, #tpu.memory_space<vmem>> -> memref<1x16384xf32, #tpu.memory_space<vmem>>
    %dma_wait3A_648 = tpu.memref_squeeze %dma_wait3A_647 : memref<1x16384xf32, #tpu.memory_space<vmem>> -> memref<16384xf32, #tpu.memory_space<vmem>>
    %dma_wait3A_649 = tpu.memref_slice %arg2[%add3A_560] : memref<8388608xf32, #tpu.memory_space<hbm>> -> memref<16384xf32, #tpu.memory_space<hbm>>
    tpu.wait_dma2 semaphore(%dma_wait3A_645 : memref<!tpu.dma_semaphore, #tpu.memory_space<semaphore_mem>>) src(%dma_wait3A_649 : memref<16384xf32, #tpu.memory_space<hbm>>) dst(%dma_wait3A_648 : memref<16384xf32, #tpu.memory_space<vmem>>)
    %dma_wait3A_650 = arith.constant 1 : i32
    %dma_wait3A_651 = arith.constant 1 : i32
    %dma_wait3A_652 = arith.constant 0 : i32
    %dma_wait3A_653 = tpu.memref_slice %arg6[%dma_wait3A_650, %dma_wait3A_652] : memref<2x16384xi32, #tpu.memory_space<vmem>> -> memref<1x16384xi32, #tpu.memory_space<vmem>>
    %dma_wait3A_654 = tpu.memref_squeeze %dma_wait3A_653 : memref<1x16384xi32, #tpu.memory_space<vmem>> -> memref<16384xi32, #tpu.memory_space<vmem>>
    %dma_wait3A_655 = tpu.memref_slice %arg3[%add3A_560] : memref<8388608xi32, #tpu.memory_space<hbm>> -> memref<16384xi32, #tpu.memory_space<hbm>>
    %dma_wait3A_656 = tpu.memref_slice %arg9[%dma_wait3A_651] : memref<2x!tpu.dma_semaphore, #tpu.memory_space<semaphore_mem>> -> memref<1x!tpu.dma_semaphore, #tpu.memory_space<semaphore_mem>>
    %dma_wait3A_657 = tpu.memref_squeeze %dma_wait3A_656 : memref<1x!tpu.dma_semaphore, #tpu.memory_space<semaphore_mem>> -> memref<!tpu.dma_semaphore, #tpu.memory_space<semaphore_mem>>
    %dma_wait3A_658 = arith.constant 0 : i32
    %dma_wait3A_659 = tpu.memref_slice %arg6[%dma_wait3A_650, %dma_wait3A_658] : memref<2x16384xi32, #tpu.memory_space<vmem>> -> memref<1x16384xi32, #tpu.memory_space<vmem>>
    %dma_wait3A_660 = tpu.memref_squeeze %dma_wait3A_659 : memref<1x16384xi32, #tpu.memory_space<vmem>> -> memref<16384xi32, #tpu.memory_space<vmem>>
    %dma_wait3A_661 = tpu.memref_slice %arg3[%add3A_560] : memref<8388608xi32, #tpu.memory_space<hbm>> -> memref<16384xi32, #tpu.memory_space<hbm>>
    tpu.wait_dma2 semaphore(%dma_wait3A_657 : memref<!tpu.dma_semaphore, #tpu.memory_space<semaphore_mem>>) src(%dma_wait3A_661 : memref<16384xi32, #tpu.memory_space<hbm>>) dst(%dma_wait3A_660 : memref<16384xi32, #tpu.memory_space<vmem>>)
    %parallel_loop3A_662 = arith.constant 0 : i32
    %parallel_loop3A_663 = arith.constant 1024 : i32
    %parallel_loop3A_664 = arith.constant 1 : i32
    scf.for %parallel_loop3A_853 = %parallel_loop3A_662 to %parallel_loop3A_663 step %parallel_loop3A_664  : i32 {
      %parallel_loop3A_854 = arith.constant 16 : i32
      %parallel_loop3A_855 = arith.muli %parallel_loop3A_853, %parallel_loop3A_854 : i32
      %parallel_loop3A_856 = tpu.assume_multiple %parallel_loop3A_855, 16 : i32
      %parallel_loop3A_857 = arith.constant 1 : i32
      %parallel_loop3A_858 = arith.index_cast %parallel_loop3A_857 : i32 to index
      %parallel_loop3A_859 = arith.index_cast %parallel_loop3A_856 : i32 to index
      %parallel_loop3A_860 = tpu.vector_load %arg6[%parallel_loop3A_858, %parallel_loop3A_859] {strides = array<i32>} : memref<2x16384xi32, #tpu.memory_space<vmem>>, vector<16xi32>,
      %parallel_loop3A_861 = arith.constant 1 : i32
      %parallel_loop3A_862 = arith.index_cast %parallel_loop3A_861 : i32 to index
      %parallel_loop3A_863 = arith.index_cast %parallel_loop3A_856 : i32 to index
      %parallel_loop3A_864 = tpu.vector_load %arg5[%parallel_loop3A_862, %parallel_loop3A_863] {strides = array<i32>} : memref<2x16384xf32, #tpu.memory_space<vmem>>, vector<16xf32>,
      %parallel_loop3A_865 = arith.mulf %parallel_loop3A_864, %parallel_loop3A_864 : vector<16xf32>
      tpu.vector_store_idx %arg7[%parallel_loop3A_860], %parallel_loop3A_865 {add = true} : memref<8192xf32, #tpu.memory_space<vmem>>[vector<16xi32>], vector<16xf32>,
    } {sc.loop_unroll_factor = 16 : i64, sc.parallel_access}
    %add3A_665 = arith.constant 212992 : i32
    %add3A_666 = arith.addi %mul3A_2, %add3A_665 : i32
    %dma_start3A_667 = arith.constant 1 : i32
    %dma_start3A_668 = arith.constant 1 : i32
    %dma_start3A_669 = arith.constant 0 : i32
    %dma_start3A_670 = tpu.memref_slice %arg5[%dma_start3A_667, %dma_start3A_669] : memref<2x16384xf32, #tpu.memory_space<vmem>> -> memref<1x16384xf32, #tpu.memory_space<vmem>>
    %dma_start3A_671 = tpu.memref_squeeze %dma_start3A_670 : memref<1x16384xf32, #tpu.memory_space<vmem>> -> memref<16384xf32, #tpu.memory_space<vmem>>
    %dma_start3A_672 = tpu.memref_slice %arg2[%add3A_666] : memref<8388608xf32, #tpu.memory_space<hbm>> -> memref<16384xf32, #tpu.memory_space<hbm>>
    %dma_start3A_673 = tpu.memref_slice %arg8[%dma_start3A_668] : memref<2x!tpu.dma_semaphore, #tpu.memory_space<semaphore_mem>> -> memref<1x!tpu.dma_semaphore, #tpu.memory_space<semaphore_mem>>
    %dma_start3A_674 = tpu.memref_squeeze %dma_start3A_673 : memref<1x!tpu.dma_semaphore, #tpu.memory_space<semaphore_mem>> -> memref<!tpu.dma_semaphore, #tpu.memory_space<semaphore_mem>>
    %dma_start3A_675 = arith.constant 0 : i32
    %dma_start3A_676 = tpu.memref_slice %arg5[%dma_start3A_667, %dma_start3A_675] : memref<2x16384xf32, #tpu.memory_space<vmem>> -> memref<1x16384xf32, #tpu.memory_space<vmem>>
    %dma_start3A_677 = tpu.memref_squeeze %dma_start3A_676 : memref<1x16384xf32, #tpu.memory_space<vmem>> -> memref<16384xf32, #tpu.memory_space<vmem>>
    %dma_start3A_678 = tpu.memref_slice %arg2[%add3A_666] : memref<8388608xf32, #tpu.memory_space<hbm>> -> memref<16384xf32, #tpu.memory_space<hbm>>
    tpu.enqueue_dma source(%dma_start3A_678 : memref<16384xf32, #tpu.memory_space<hbm>>) target(%dma_start3A_677 : memref<16384xf32, #tpu.memory_space<vmem>>) target_semaphore(%dma_start3A_674 : memref<!tpu.dma_semaphore, #tpu.memory_space<semaphore_mem>>)
    %dma_start3A_679 = arith.constant 1 : i32
    %dma_start3A_680 = arith.constant 1 : i32
    %dma_start3A_681 = arith.constant 0 : i32
    %dma_start3A_682 = tpu.memref_slice %arg6[%dma_start3A_679, %dma_start3A_681] : memref<2x16384xi32, #tpu.memory_space<vmem>> -> memref<1x16384xi32, #tpu.memory_space<vmem>>
    %dma_start3A_683 = tpu.memref_squeeze %dma_start3A_682 : memref<1x16384xi32, #tpu.memory_space<vmem>> -> memref<16384xi32, #tpu.memory_space<vmem>>
    %dma_start3A_684 = tpu.memref_slice %arg3[%add3A_666] : memref<8388608xi32, #tpu.memory_space<hbm>> -> memref<16384xi32, #tpu.memory_space<hbm>>
    %dma_start3A_685 = tpu.memref_slice %arg9[%dma_start3A_680] : memref<2x!tpu.dma_semaphore, #tpu.memory_space<semaphore_mem>> -> memref<1x!tpu.dma_semaphore, #tpu.memory_space<semaphore_mem>>
    %dma_start3A_686 = tpu.memref_squeeze %dma_start3A_685 : memref<1x!tpu.dma_semaphore, #tpu.memory_space<semaphore_mem>> -> memref<!tpu.dma_semaphore, #tpu.memory_space<semaphore_mem>>
    %dma_start3A_687 = arith.constant 0 : i32
    %dma_start3A_688 = tpu.memref_slice %arg6[%dma_start3A_679, %dma_start3A_687] : memref<2x16384xi32, #tpu.memory_space<vmem>> -> memref<1x16384xi32, #tpu.memory_space<vmem>>
    %dma_start3A_689 = tpu.memref_squeeze %dma_start3A_688 : memref<1x16384xi32, #tpu.memory_space<vmem>> -> memref<16384xi32, #tpu.memory_space<vmem>>
    %dma_start3A_690 = tpu.memref_slice %arg3[%add3A_666] : memref<8388608xi32, #tpu.memory_space<hbm>> -> memref<16384xi32, #tpu.memory_space<hbm>>
    tpu.enqueue_dma source(%dma_start3A_690 : memref<16384xi32, #tpu.memory_space<hbm>>) target(%dma_start3A_689 : memref<16384xi32, #tpu.memory_space<vmem>>) target_semaphore(%dma_start3A_686 : memref<!tpu.dma_semaphore, #tpu.memory_space<semaphore_mem>>)
    %dma_wait3A_691 = arith.constant 0 : i32
    %dma_wait3A_692 = arith.constant 0 : i32
    %dma_wait3A_693 = arith.constant 0 : i32
    %dma_wait3A_694 = tpu.memref_slice %arg5[%dma_wait3A_691, %dma_wait3A_693] : memref<2x16384xf32, #tpu.memory_space<vmem>> -> memref<1x16384xf32, #tpu.memory_space<vmem>>
    %dma_wait3A_695 = tpu.memref_squeeze %dma_wait3A_694 : memref<1x16384xf32, #tpu.memory_space<vmem>> -> memref<16384xf32, #tpu.memory_space<vmem>>
    %dma_wait3A_696 = tpu.memref_slice %arg2[%add3A_613] : memref<8388608xf32, #tpu.memory_space<hbm>> -> memref<16384xf32, #tpu.memory_space<hbm>>
    %dma_wait3A_697 = tpu.memref_slice %arg8[%dma_wait3A_692] : memref<2x!tpu.dma_semaphore, #tpu.memory_space<semaphore_mem>> -> memref<1x!tpu.dma_semaphore, #tpu.memory_space<semaphore_mem>>
    %dma_wait3A_698 = tpu.memref_squeeze %dma_wait3A_697 : memref<1x!tpu.dma_semaphore, #tpu.memory_space<semaphore_mem>> -> memref<!tpu.dma_semaphore, #tpu.memory_space<semaphore_mem>>
    %dma_wait3A_699 = arith.constant 0 : i32
    %dma_wait3A_700 = tpu.memref_slice %arg5[%dma_wait3A_691, %dma_wait3A_699] : memref<2x16384xf32, #tpu.memory_space<vmem>> -> memref<1x16384xf32, #tpu.memory_space<vmem>>
    %dma_wait3A_701 = tpu.memref_squeeze %dma_wait3A_700 : memref<1x16384xf32, #tpu.memory_space<vmem>> -> memref<16384xf32, #tpu.memory_space<vmem>>
    %dma_wait3A_702 = tpu.memref_slice %arg2[%add3A_613] : memref<8388608xf32, #tpu.memory_space<hbm>> -> memref<16384xf32, #tpu.memory_space<hbm>>
    tpu.wait_dma2 semaphore(%dma_wait3A_698 : memref<!tpu.dma_semaphore, #tpu.memory_space<semaphore_mem>>) src(%dma_wait3A_702 : memref<16384xf32, #tpu.memory_space<hbm>>) dst(%dma_wait3A_701 : memref<16384xf32, #tpu.memory_space<vmem>>)
    %dma_wait3A_703 = arith.constant 0 : i32
    %dma_wait3A_704 = arith.constant 0 : i32
    %dma_wait3A_705 = arith.constant 0 : i32
    %dma_wait3A_706 = tpu.memref_slice %arg6[%dma_wait3A_703, %dma_wait3A_705] : memref<2x16384xi32, #tpu.memory_space<vmem>> -> memref<1x16384xi32, #tpu.memory_space<vmem>>
    %dma_wait3A_707 = tpu.memref_squeeze %dma_wait3A_706 : memref<1x16384xi32, #tpu.memory_space<vmem>> -> memref<16384xi32, #tpu.memory_space<vmem>>
    %dma_wait3A_708 = tpu.memref_slice %arg3[%add3A_613] : memref<8388608xi32, #tpu.memory_space<hbm>> -> memref<16384xi32, #tpu.memory_space<hbm>>
    %dma_wait3A_709 = tpu.memref_slice %arg9[%dma_wait3A_704] : memref<2x!tpu.dma_semaphore, #tpu.memory_space<semaphore_mem>> -> memref<1x!tpu.dma_semaphore, #tpu.memory_space<semaphore_mem>>
    %dma_wait3A_710 = tpu.memref_squeeze %dma_wait3A_709 : memref<1x!tpu.dma_semaphore, #tpu.memory_space<semaphore_mem>> -> memref<!tpu.dma_semaphore, #tpu.memory_space<semaphore_mem>>
    %dma_wait3A_711 = arith.constant 0 : i32
    %dma_wait3A_712 = tpu.memref_slice %arg6[%dma_wait3A_703, %dma_wait3A_711] : memref<2x16384xi32, #tpu.memory_space<vmem>> -> memref<1x16384xi32, #tpu.memory_space<vmem>>
    %dma_wait3A_713 = tpu.memref_squeeze %dma_wait3A_712 : memref<1x16384xi32, #tpu.memory_space<vmem>> -> memref<16384xi32, #tpu.memory_space<vmem>>
    %dma_wait3A_714 = tpu.memref_slice %arg3[%add3A_613] : memref<8388608xi32, #tpu.memory_space<hbm>> -> memref<16384xi32, #tpu.memory_space<hbm>>
    tpu.wait_dma2 semaphore(%dma_wait3A_710 : memref<!tpu.dma_semaphore, #tpu.memory_space<semaphore_mem>>) src(%dma_wait3A_714 : memref<16384xi32, #tpu.memory_space<hbm>>) dst(%dma_wait3A_713 : memref<16384xi32, #tpu.memory_space<vmem>>)
    %parallel_loop3A_715 = arith.constant 0 : i32
    %parallel_loop3A_716 = arith.constant 1024 : i32
    %parallel_loop3A_717 = arith.constant 1 : i32
    scf.for %parallel_loop3A_853 = %parallel_loop3A_715 to %parallel_loop3A_716 step %parallel_loop3A_717  : i32 {
      %parallel_loop3A_854 = arith.constant 16 : i32
      %parallel_loop3A_855 = arith.muli %parallel_loop3A_853, %parallel_loop3A_854 : i32
      %parallel_loop3A_856 = tpu.assume_multiple %parallel_loop3A_855, 16 : i32
      %parallel_loop3A_857 = arith.constant 0 : i32
      %parallel_loop3A_858 = arith.index_cast %parallel_loop3A_857 : i32 to index
      %parallel_loop3A_859 = arith.index_cast %parallel_loop3A_856 : i32 to index
      %parallel_loop3A_860 = tpu.vector_load %arg6[%parallel_loop3A_858, %parallel_loop3A_859] {strides = array<i32>} : memref<2x16384xi32, #tpu.memory_space<vmem>>, vector<16xi32>,
      %parallel_loop3A_861 = arith.constant 0 : i32
      %parallel_loop3A_862 = arith.index_cast %parallel_loop3A_861 : i32 to index
      %parallel_loop3A_863 = arith.index_cast %parallel_loop3A_856 : i32 to index
      %parallel_loop3A_864 = tpu.vector_load %arg5[%parallel_loop3A_862, %parallel_loop3A_863] {strides = array<i32>} : memref<2x16384xf32, #tpu.memory_space<vmem>>, vector<16xf32>,
      %parallel_loop3A_865 = arith.mulf %parallel_loop3A_864, %parallel_loop3A_864 : vector<16xf32>
      tpu.vector_store_idx %arg7[%parallel_loop3A_860], %parallel_loop3A_865 {add = true} : memref<8192xf32, #tpu.memory_space<vmem>>[vector<16xi32>], vector<16xf32>,
    } {sc.loop_unroll_factor = 16 : i64, sc.parallel_access}
    %add3A_718 = arith.constant 229376 : i32
    %add3A_719 = arith.addi %mul3A_2, %add3A_718 : i32
    %dma_start3A_720 = arith.constant 0 : i32
    %dma_start3A_721 = arith.constant 0 : i32
    %dma_start3A_722 = arith.constant 0 : i32
    %dma_start3A_723 = tpu.memref_slice %arg5[%dma_start3A_720, %dma_start3A_722] : memref<2x16384xf32, #tpu.memory_space<vmem>> -> memref<1x16384xf32, #tpu.memory_space<vmem>>
    %dma_start3A_724 = tpu.memref_squeeze %dma_start3A_723 : memref<1x16384xf32, #tpu.memory_space<vmem>> -> memref<16384xf32, #tpu.memory_space<vmem>>
    %dma_start3A_725 = tpu.memref_slice %arg2[%add3A_719] : memref<8388608xf32, #tpu.memory_space<hbm>> -> memref<16384xf32, #tpu.memory_space<hbm>>
    %dma_start3A_726 = tpu.memref_slice %arg8[%dma_start3A_721] : memref<2x!tpu.dma_semaphore, #tpu.memory_space<semaphore_mem>> -> memref<1x!tpu.dma_semaphore, #tpu.memory_space<semaphore_mem>>
    %dma_start3A_727 = tpu.memref_squeeze %dma_start3A_726 : memref<1x!tpu.dma_semaphore, #tpu.memory_space<semaphore_mem>> -> memref<!tpu.dma_semaphore, #tpu.memory_space<semaphore_mem>>
    %dma_start3A_728 = arith.constant 0 : i32
    %dma_start3A_729 = tpu.memref_slice %arg5[%dma_start3A_720, %dma_start3A_728] : memref<2x16384xf32, #tpu.memory_space<vmem>> -> memref<1x16384xf32, #tpu.memory_space<vmem>>
    %dma_start3A_730 = tpu.memref_squeeze %dma_start3A_729 : memref<1x16384xf32, #tpu.memory_space<vmem>> -> memref<16384xf32, #tpu.memory_space<vmem>>
    %dma_start3A_731 = tpu.memref_slice %arg2[%add3A_719] : memref<8388608xf32, #tpu.memory_space<hbm>> -> memref<16384xf32, #tpu.memory_space<hbm>>
    tpu.enqueue_dma source(%dma_start3A_731 : memref<16384xf32, #tpu.memory_space<hbm>>) target(%dma_start3A_730 : memref<16384xf32, #tpu.memory_space<vmem>>) target_semaphore(%dma_start3A_727 : memref<!tpu.dma_semaphore, #tpu.memory_space<semaphore_mem>>)
    %dma_start3A_732 = arith.constant 0 : i32
    %dma_start3A_733 = arith.constant 0 : i32
    %dma_start3A_734 = arith.constant 0 : i32
    %dma_start3A_735 = tpu.memref_slice %arg6[%dma_start3A_732, %dma_start3A_734] : memref<2x16384xi32, #tpu.memory_space<vmem>> -> memref<1x16384xi32, #tpu.memory_space<vmem>>
    %dma_start3A_736 = tpu.memref_squeeze %dma_start3A_735 : memref<1x16384xi32, #tpu.memory_space<vmem>> -> memref<16384xi32, #tpu.memory_space<vmem>>
    %dma_start3A_737 = tpu.memref_slice %arg3[%add3A_719] : memref<8388608xi32, #tpu.memory_space<hbm>> -> memref<16384xi32, #tpu.memory_space<hbm>>
    %dma_start3A_738 = tpu.memref_slice %arg9[%dma_start3A_733] : memref<2x!tpu.dma_semaphore, #tpu.memory_space<semaphore_mem>> -> memref<1x!tpu.dma_semaphore, #tpu.memory_space<semaphore_mem>>
    %dma_start3A_739 = tpu.memref_squeeze %dma_start3A_738 : memref<1x!tpu.dma_semaphore, #tpu.memory_space<semaphore_mem>> -> memref<!tpu.dma_semaphore, #tpu.memory_space<semaphore_mem>>
    %dma_start3A_740 = arith.constant 0 : i32
    %dma_start3A_741 = tpu.memref_slice %arg6[%dma_start3A_732, %dma_start3A_740] : memref<2x16384xi32, #tpu.memory_space<vmem>> -> memref<1x16384xi32, #tpu.memory_space<vmem>>
    %dma_start3A_742 = tpu.memref_squeeze %dma_start3A_741 : memref<1x16384xi32, #tpu.memory_space<vmem>> -> memref<16384xi32, #tpu.memory_space<vmem>>
    %dma_start3A_743 = tpu.memref_slice %arg3[%add3A_719] : memref<8388608xi32, #tpu.memory_space<hbm>> -> memref<16384xi32, #tpu.memory_space<hbm>>
    tpu.enqueue_dma source(%dma_start3A_743 : memref<16384xi32, #tpu.memory_space<hbm>>) target(%dma_start3A_742 : memref<16384xi32, #tpu.memory_space<vmem>>) target_semaphore(%dma_start3A_739 : memref<!tpu.dma_semaphore, #tpu.memory_space<semaphore_mem>>)
    %dma_wait3A_744 = arith.constant 1 : i32
    %dma_wait3A_745 = arith.constant 1 : i32
    %dma_wait3A_746 = arith.constant 0 : i32
    %dma_wait3A_747 = tpu.memref_slice %arg5[%dma_wait3A_744, %dma_wait3A_746] : memref<2x16384xf32, #tpu.memory_space<vmem>> -> memref<1x16384xf32, #tpu.memory_space<vmem>>
    %dma_wait3A_748 = tpu.memref_squeeze %dma_wait3A_747 : memref<1x16384xf32, #tpu.memory_space<vmem>> -> memref<16384xf32, #tpu.memory_space<vmem>>
    %dma_wait3A_749 = tpu.memref_slice %arg2[%add3A_666] : memref<8388608xf32, #tpu.memory_space<hbm>> -> memref<16384xf32, #tpu.memory_space<hbm>>
    %dma_wait3A_750 = tpu.memref_slice %arg8[%dma_wait3A_745] : memref<2x!tpu.dma_semaphore, #tpu.memory_space<semaphore_mem>> -> memref<1x!tpu.dma_semaphore, #tpu.memory_space<semaphore_mem>>
    %dma_wait3A_751 = tpu.memref_squeeze %dma_wait3A_750 : memref<1x!tpu.dma_semaphore, #tpu.memory_space<semaphore_mem>> -> memref<!tpu.dma_semaphore, #tpu.memory_space<semaphore_mem>>
    %dma_wait3A_752 = arith.constant 0 : i32
    %dma_wait3A_753 = tpu.memref_slice %arg5[%dma_wait3A_744, %dma_wait3A_752] : memref<2x16384xf32, #tpu.memory_space<vmem>> -> memref<1x16384xf32, #tpu.memory_space<vmem>>
    %dma_wait3A_754 = tpu.memref_squeeze %dma_wait3A_753 : memref<1x16384xf32, #tpu.memory_space<vmem>> -> memref<16384xf32, #tpu.memory_space<vmem>>
    %dma_wait3A_755 = tpu.memref_slice %arg2[%add3A_666] : memref<8388608xf32, #tpu.memory_space<hbm>> -> memref<16384xf32, #tpu.memory_space<hbm>>
    tpu.wait_dma2 semaphore(%dma_wait3A_751 : memref<!tpu.dma_semaphore, #tpu.memory_space<semaphore_mem>>) src(%dma_wait3A_755 : memref<16384xf32, #tpu.memory_space<hbm>>) dst(%dma_wait3A_754 : memref<16384xf32, #tpu.memory_space<vmem>>)
    %dma_wait3A_756 = arith.constant 1 : i32
    %dma_wait3A_757 = arith.constant 1 : i32
    %dma_wait3A_758 = arith.constant 0 : i32
    %dma_wait3A_759 = tpu.memref_slice %arg6[%dma_wait3A_756, %dma_wait3A_758] : memref<2x16384xi32, #tpu.memory_space<vmem>> -> memref<1x16384xi32, #tpu.memory_space<vmem>>
    %dma_wait3A_760 = tpu.memref_squeeze %dma_wait3A_759 : memref<1x16384xi32, #tpu.memory_space<vmem>> -> memref<16384xi32, #tpu.memory_space<vmem>>
    %dma_wait3A_761 = tpu.memref_slice %arg3[%add3A_666] : memref<8388608xi32, #tpu.memory_space<hbm>> -> memref<16384xi32, #tpu.memory_space<hbm>>
    %dma_wait3A_762 = tpu.memref_slice %arg9[%dma_wait3A_757] : memref<2x!tpu.dma_semaphore, #tpu.memory_space<semaphore_mem>> -> memref<1x!tpu.dma_semaphore, #tpu.memory_space<semaphore_mem>>
    %dma_wait3A_763 = tpu.memref_squeeze %dma_wait3A_762 : memref<1x!tpu.dma_semaphore, #tpu.memory_space<semaphore_mem>> -> memref<!tpu.dma_semaphore, #tpu.memory_space<semaphore_mem>>
    %dma_wait3A_764 = arith.constant 0 : i32
    %dma_wait3A_765 = tpu.memref_slice %arg6[%dma_wait3A_756, %dma_wait3A_764] : memref<2x16384xi32, #tpu.memory_space<vmem>> -> memref<1x16384xi32, #tpu.memory_space<vmem>>
    %dma_wait3A_766 = tpu.memref_squeeze %dma_wait3A_765 : memref<1x16384xi32, #tpu.memory_space<vmem>> -> memref<16384xi32, #tpu.memory_space<vmem>>
    %dma_wait3A_767 = tpu.memref_slice %arg3[%add3A_666] : memref<8388608xi32, #tpu.memory_space<hbm>> -> memref<16384xi32, #tpu.memory_space<hbm>>
    tpu.wait_dma2 semaphore(%dma_wait3A_763 : memref<!tpu.dma_semaphore, #tpu.memory_space<semaphore_mem>>) src(%dma_wait3A_767 : memref<16384xi32, #tpu.memory_space<hbm>>) dst(%dma_wait3A_766 : memref<16384xi32, #tpu.memory_space<vmem>>)
    %parallel_loop3A_768 = arith.constant 0 : i32
    %parallel_loop3A_769 = arith.constant 1024 : i32
    %parallel_loop3A_770 = arith.constant 1 : i32
    scf.for %parallel_loop3A_853 = %parallel_loop3A_768 to %parallel_loop3A_769 step %parallel_loop3A_770  : i32 {
      %parallel_loop3A_854 = arith.constant 16 : i32
      %parallel_loop3A_855 = arith.muli %parallel_loop3A_853, %parallel_loop3A_854 : i32
      %parallel_loop3A_856 = tpu.assume_multiple %parallel_loop3A_855, 16 : i32
      %parallel_loop3A_857 = arith.constant 1 : i32
      %parallel_loop3A_858 = arith.index_cast %parallel_loop3A_857 : i32 to index
      %parallel_loop3A_859 = arith.index_cast %parallel_loop3A_856 : i32 to index
      %parallel_loop3A_860 = tpu.vector_load %arg6[%parallel_loop3A_858, %parallel_loop3A_859] {strides = array<i32>} : memref<2x16384xi32, #tpu.memory_space<vmem>>, vector<16xi32>,
      %parallel_loop3A_861 = arith.constant 1 : i32
      %parallel_loop3A_862 = arith.index_cast %parallel_loop3A_861 : i32 to index
      %parallel_loop3A_863 = arith.index_cast %parallel_loop3A_856 : i32 to index
      %parallel_loop3A_864 = tpu.vector_load %arg5[%parallel_loop3A_862, %parallel_loop3A_863] {strides = array<i32>} : memref<2x16384xf32, #tpu.memory_space<vmem>>, vector<16xf32>,
      %parallel_loop3A_865 = arith.mulf %parallel_loop3A_864, %parallel_loop3A_864 : vector<16xf32>
      tpu.vector_store_idx %arg7[%parallel_loop3A_860], %parallel_loop3A_865 {add = true} : memref<8192xf32, #tpu.memory_space<vmem>>[vector<16xi32>], vector<16xf32>,
    } {sc.loop_unroll_factor = 16 : i64, sc.parallel_access}
    %add3A_771 = arith.constant 245760 : i32
    %add3A_772 = arith.addi %mul3A_2, %add3A_771 : i32
    %dma_start3A_773 = arith.constant 1 : i32
    %dma_start3A_774 = arith.constant 1 : i32
    %dma_start3A_775 = arith.constant 0 : i32
    %dma_start3A_776 = tpu.memref_slice %arg5[%dma_start3A_773, %dma_start3A_775] : memref<2x16384xf32, #tpu.memory_space<vmem>> -> memref<1x16384xf32, #tpu.memory_space<vmem>>
    %dma_start3A_777 = tpu.memref_squeeze %dma_start3A_776 : memref<1x16384xf32, #tpu.memory_space<vmem>> -> memref<16384xf32, #tpu.memory_space<vmem>>
    %dma_start3A_778 = tpu.memref_slice %arg2[%add3A_772] : memref<8388608xf32, #tpu.memory_space<hbm>> -> memref<16384xf32, #tpu.memory_space<hbm>>
    %dma_start3A_779 = tpu.memref_slice %arg8[%dma_start3A_774] : memref<2x!tpu.dma_semaphore, #tpu.memory_space<semaphore_mem>> -> memref<1x!tpu.dma_semaphore, #tpu.memory_space<semaphore_mem>>
    %dma_start3A_780 = tpu.memref_squeeze %dma_start3A_779 : memref<1x!tpu.dma_semaphore, #tpu.memory_space<semaphore_mem>> -> memref<!tpu.dma_semaphore, #tpu.memory_space<semaphore_mem>>
    %dma_start3A_781 = arith.constant 0 : i32
    %dma_start3A_782 = tpu.memref_slice %arg5[%dma_start3A_773, %dma_start3A_781] : memref<2x16384xf32, #tpu.memory_space<vmem>> -> memref<1x16384xf32, #tpu.memory_space<vmem>>
    %dma_start3A_783 = tpu.memref_squeeze %dma_start3A_782 : memref<1x16384xf32, #tpu.memory_space<vmem>> -> memref<16384xf32, #tpu.memory_space<vmem>>
    %dma_start3A_784 = tpu.memref_slice %arg2[%add3A_772] : memref<8388608xf32, #tpu.memory_space<hbm>> -> memref<16384xf32, #tpu.memory_space<hbm>>
    tpu.enqueue_dma source(%dma_start3A_784 : memref<16384xf32, #tpu.memory_space<hbm>>) target(%dma_start3A_783 : memref<16384xf32, #tpu.memory_space<vmem>>) target_semaphore(%dma_start3A_780 : memref<!tpu.dma_semaphore, #tpu.memory_space<semaphore_mem>>)
    %dma_start3A_785 = arith.constant 1 : i32
    %dma_start3A_786 = arith.constant 1 : i32
    %dma_start3A_787 = arith.constant 0 : i32
    %dma_start3A_788 = tpu.memref_slice %arg6[%dma_start3A_785, %dma_start3A_787] : memref<2x16384xi32, #tpu.memory_space<vmem>> -> memref<1x16384xi32, #tpu.memory_space<vmem>>
    %dma_start3A_789 = tpu.memref_squeeze %dma_start3A_788 : memref<1x16384xi32, #tpu.memory_space<vmem>> -> memref<16384xi32, #tpu.memory_space<vmem>>
    %dma_start3A_790 = tpu.memref_slice %arg3[%add3A_772] : memref<8388608xi32, #tpu.memory_space<hbm>> -> memref<16384xi32, #tpu.memory_space<hbm>>
    %dma_start3A_791 = tpu.memref_slice %arg9[%dma_start3A_786] : memref<2x!tpu.dma_semaphore, #tpu.memory_space<semaphore_mem>> -> memref<1x!tpu.dma_semaphore, #tpu.memory_space<semaphore_mem>>
    %dma_start3A_792 = tpu.memref_squeeze %dma_start3A_791 : memref<1x!tpu.dma_semaphore, #tpu.memory_space<semaphore_mem>> -> memref<!tpu.dma_semaphore, #tpu.memory_space<semaphore_mem>>
    %dma_start3A_793 = arith.constant 0 : i32
    %dma_start3A_794 = tpu.memref_slice %arg6[%dma_start3A_785, %dma_start3A_793] : memref<2x16384xi32, #tpu.memory_space<vmem>> -> memref<1x16384xi32, #tpu.memory_space<vmem>>
    %dma_start3A_795 = tpu.memref_squeeze %dma_start3A_794 : memref<1x16384xi32, #tpu.memory_space<vmem>> -> memref<16384xi32, #tpu.memory_space<vmem>>
    %dma_start3A_796 = tpu.memref_slice %arg3[%add3A_772] : memref<8388608xi32, #tpu.memory_space<hbm>> -> memref<16384xi32, #tpu.memory_space<hbm>>
    tpu.enqueue_dma source(%dma_start3A_796 : memref<16384xi32, #tpu.memory_space<hbm>>) target(%dma_start3A_795 : memref<16384xi32, #tpu.memory_space<vmem>>) target_semaphore(%dma_start3A_792 : memref<!tpu.dma_semaphore, #tpu.memory_space<semaphore_mem>>)
    %dma_wait3A_797 = arith.constant 0 : i32
    %dma_wait3A_798 = arith.constant 0 : i32
    %dma_wait3A_799 = arith.constant 0 : i32
    %dma_wait3A_800 = tpu.memref_slice %arg5[%dma_wait3A_797, %dma_wait3A_799] : memref<2x16384xf32, #tpu.memory_space<vmem>> -> memref<1x16384xf32, #tpu.memory_space<vmem>>
    %dma_wait3A_801 = tpu.memref_squeeze %dma_wait3A_800 : memref<1x16384xf32, #tpu.memory_space<vmem>> -> memref<16384xf32, #tpu.memory_space<vmem>>
    %dma_wait3A_802 = tpu.memref_slice %arg2[%add3A_719] : memref<8388608xf32, #tpu.memory_space<hbm>> -> memref<16384xf32, #tpu.memory_space<hbm>>
    %dma_wait3A_803 = tpu.memref_slice %arg8[%dma_wait3A_798] : memref<2x!tpu.dma_semaphore, #tpu.memory_space<semaphore_mem>> -> memref<1x!tpu.dma_semaphore, #tpu.memory_space<semaphore_mem>>
    %dma_wait3A_804 = tpu.memref_squeeze %dma_wait3A_803 : memref<1x!tpu.dma_semaphore, #tpu.memory_space<semaphore_mem>> -> memref<!tpu.dma_semaphore, #tpu.memory_space<semaphore_mem>>
    %dma_wait3A_805 = arith.constant 0 : i32
    %dma_wait3A_806 = tpu.memref_slice %arg5[%dma_wait3A_797, %dma_wait3A_805] : memref<2x16384xf32, #tpu.memory_space<vmem>> -> memref<1x16384xf32, #tpu.memory_space<vmem>>
    %dma_wait3A_807 = tpu.memref_squeeze %dma_wait3A_806 : memref<1x16384xf32, #tpu.memory_space<vmem>> -> memref<16384xf32, #tpu.memory_space<vmem>>
    %dma_wait3A_808 = tpu.memref_slice %arg2[%add3A_719] : memref<8388608xf32, #tpu.memory_space<hbm>> -> memref<16384xf32, #tpu.memory_space<hbm>>
    tpu.wait_dma2 semaphore(%dma_wait3A_804 : memref<!tpu.dma_semaphore, #tpu.memory_space<semaphore_mem>>) src(%dma_wait3A_808 : memref<16384xf32, #tpu.memory_space<hbm>>) dst(%dma_wait3A_807 : memref<16384xf32, #tpu.memory_space<vmem>>)
    %dma_wait3A_809 = arith.constant 0 : i32
    %dma_wait3A_810 = arith.constant 0 : i32
    %dma_wait3A_811 = arith.constant 0 : i32
    %dma_wait3A_812 = tpu.memref_slice %arg6[%dma_wait3A_809, %dma_wait3A_811] : memref<2x16384xi32, #tpu.memory_space<vmem>> -> memref<1x16384xi32, #tpu.memory_space<vmem>>
    %dma_wait3A_813 = tpu.memref_squeeze %dma_wait3A_812 : memref<1x16384xi32, #tpu.memory_space<vmem>> -> memref<16384xi32, #tpu.memory_space<vmem>>
    %dma_wait3A_814 = tpu.memref_slice %arg3[%add3A_719] : memref<8388608xi32, #tpu.memory_space<hbm>> -> memref<16384xi32, #tpu.memory_space<hbm>>
    %dma_wait3A_815 = tpu.memref_slice %arg9[%dma_wait3A_810] : memref<2x!tpu.dma_semaphore, #tpu.memory_space<semaphore_mem>> -> memref<1x!tpu.dma_semaphore, #tpu.memory_space<semaphore_mem>>
    %dma_wait3A_816 = tpu.memref_squeeze %dma_wait3A_815 : memref<1x!tpu.dma_semaphore, #tpu.memory_space<semaphore_mem>> -> memref<!tpu.dma_semaphore, #tpu.memory_space<semaphore_mem>>
    %dma_wait3A_817 = arith.constant 0 : i32
    %dma_wait3A_818 = tpu.memref_slice %arg6[%dma_wait3A_809, %dma_wait3A_817] : memref<2x16384xi32, #tpu.memory_space<vmem>> -> memref<1x16384xi32, #tpu.memory_space<vmem>>
    %dma_wait3A_819 = tpu.memref_squeeze %dma_wait3A_818 : memref<1x16384xi32, #tpu.memory_space<vmem>> -> memref<16384xi32, #tpu.memory_space<vmem>>
    %dma_wait3A_820 = tpu.memref_slice %arg3[%add3A_719] : memref<8388608xi32, #tpu.memory_space<hbm>> -> memref<16384xi32, #tpu.memory_space<hbm>>
    tpu.wait_dma2 semaphore(%dma_wait3A_816 : memref<!tpu.dma_semaphore, #tpu.memory_space<semaphore_mem>>) src(%dma_wait3A_820 : memref<16384xi32, #tpu.memory_space<hbm>>) dst(%dma_wait3A_819 : memref<16384xi32, #tpu.memory_space<vmem>>)
    %parallel_loop3A_821 = arith.constant 0 : i32
    %parallel_loop3A_822 = arith.constant 1024 : i32
    %parallel_loop3A_823 = arith.constant 1 : i32
    scf.for %parallel_loop3A_853 = %parallel_loop3A_821 to %parallel_loop3A_822 step %parallel_loop3A_823  : i32 {
      %parallel_loop3A_854 = arith.constant 16 : i32
      %parallel_loop3A_855 = arith.muli %parallel_loop3A_853, %parallel_loop3A_854 : i32
      %parallel_loop3A_856 = tpu.assume_multiple %parallel_loop3A_855, 16 : i32
      %parallel_loop3A_857 = arith.constant 0 : i32
      %parallel_loop3A_858 = arith.index_cast %parallel_loop3A_857 : i32 to index
      %parallel_loop3A_859 = arith.index_cast %parallel_loop3A_856 : i32 to index
      %parallel_loop3A_860 = tpu.vector_load %arg6[%parallel_loop3A_858, %parallel_loop3A_859] {strides = array<i32>} : memref<2x16384xi32, #tpu.memory_space<vmem>>, vector<16xi32>,
      %parallel_loop3A_861 = arith.constant 0 : i32
      %parallel_loop3A_862 = arith.index_cast %parallel_loop3A_861 : i32 to index
      %parallel_loop3A_863 = arith.index_cast %parallel_loop3A_856 : i32 to index
      %parallel_loop3A_864 = tpu.vector_load %arg5[%parallel_loop3A_862, %parallel_loop3A_863] {strides = array<i32>} : memref<2x16384xf32, #tpu.memory_space<vmem>>, vector<16xf32>,
      %parallel_loop3A_865 = arith.mulf %parallel_loop3A_864, %parallel_loop3A_864 : vector<16xf32>
      tpu.vector_store_idx %arg7[%parallel_loop3A_860], %parallel_loop3A_865 {add = true} : memref<8192xf32, #tpu.memory_space<vmem>>[vector<16xi32>], vector<16xf32>,
    } {sc.loop_unroll_factor = 16 : i64, sc.parallel_access}
    %dma_wait3A_824 = arith.constant 1 : i32
    %dma_wait3A_825 = arith.constant 1 : i32
    %dma_wait3A_826 = arith.constant 0 : i32
    %dma_wait3A_827 = tpu.memref_slice %arg5[%dma_wait3A_824, %dma_wait3A_826] : memref<2x16384xf32, #tpu.memory_space<vmem>> -> memref<1x16384xf32, #tpu.memory_space<vmem>>
    %dma_wait3A_828 = tpu.memref_squeeze %dma_wait3A_827 : memref<1x16384xf32, #tpu.memory_space<vmem>> -> memref<16384xf32, #tpu.memory_space<vmem>>
    %dma_wait3A_829 = tpu.memref_slice %arg2[%add3A_772] : memref<8388608xf32, #tpu.memory_space<hbm>> -> memref<16384xf32, #tpu.memory_space<hbm>>
    %dma_wait3A_830 = tpu.memref_slice %arg8[%dma_wait3A_825] : memref<2x!tpu.dma_semaphore, #tpu.memory_space<semaphore_mem>> -> memref<1x!tpu.dma_semaphore, #tpu.memory_space<semaphore_mem>>
    %dma_wait3A_831 = tpu.memref_squeeze %dma_wait3A_830 : memref<1x!tpu.dma_semaphore, #tpu.memory_space<semaphore_mem>> -> memref<!tpu.dma_semaphore, #tpu.memory_space<semaphore_mem>>
    %dma_wait3A_832 = arith.constant 0 : i32
    %dma_wait3A_833 = tpu.memref_slice %arg5[%dma_wait3A_824, %dma_wait3A_832] : memref<2x16384xf32, #tpu.memory_space<vmem>> -> memref<1x16384xf32, #tpu.memory_space<vmem>>
    %dma_wait3A_834 = tpu.memref_squeeze %dma_wait3A_833 : memref<1x16384xf32, #tpu.memory_space<vmem>> -> memref<16384xf32, #tpu.memory_space<vmem>>
    %dma_wait3A_835 = tpu.memref_slice %arg2[%add3A_772] : memref<8388608xf32, #tpu.memory_space<hbm>> -> memref<16384xf32, #tpu.memory_space<hbm>>
    tpu.wait_dma2 semaphore(%dma_wait3A_831 : memref<!tpu.dma_semaphore, #tpu.memory_space<semaphore_mem>>) src(%dma_wait3A_835 : memref<16384xf32, #tpu.memory_space<hbm>>) dst(%dma_wait3A_834 : memref<16384xf32, #tpu.memory_space<vmem>>)
    %dma_wait3A_836 = arith.constant 1 : i32
    %dma_wait3A_837 = arith.constant 1 : i32
    %dma_wait3A_838 = arith.constant 0 : i32
    %dma_wait3A_839 = tpu.memref_slice %arg6[%dma_wait3A_836, %dma_wait3A_838] : memref<2x16384xi32, #tpu.memory_space<vmem>> -> memref<1x16384xi32, #tpu.memory_space<vmem>>
    %dma_wait3A_840 = tpu.memref_squeeze %dma_wait3A_839 : memref<1x16384xi32, #tpu.memory_space<vmem>> -> memref<16384xi32, #tpu.memory_space<vmem>>
    %dma_wait3A_841 = tpu.memref_slice %arg3[%add3A_772] : memref<8388608xi32, #tpu.memory_space<hbm>> -> memref<16384xi32, #tpu.memory_space<hbm>>
    %dma_wait3A_842 = tpu.memref_slice %arg9[%dma_wait3A_837] : memref<2x!tpu.dma_semaphore, #tpu.memory_space<semaphore_mem>> -> memref<1x!tpu.dma_semaphore, #tpu.memory_space<semaphore_mem>>
    %dma_wait3A_843 = tpu.memref_squeeze %dma_wait3A_842 : memref<1x!tpu.dma_semaphore, #tpu.memory_space<semaphore_mem>> -> memref<!tpu.dma_semaphore, #tpu.memory_space<semaphore_mem>>
    %dma_wait3A_844 = arith.constant 0 : i32
    %dma_wait3A_845 = tpu.memref_slice %arg6[%dma_wait3A_836, %dma_wait3A_844] : memref<2x16384xi32, #tpu.memory_space<vmem>> -> memref<1x16384xi32, #tpu.memory_space<vmem>>
    %dma_wait3A_846 = tpu.memref_squeeze %dma_wait3A_845 : memref<1x16384xi32, #tpu.memory_space<vmem>> -> memref<16384xi32, #tpu.memory_space<vmem>>
    %dma_wait3A_847 = tpu.memref_slice %arg3[%add3A_772] : memref<8388608xi32, #tpu.memory_space<hbm>> -> memref<16384xi32, #tpu.memory_space<hbm>>
    tpu.wait_dma2 semaphore(%dma_wait3A_843 : memref<!tpu.dma_semaphore, #tpu.memory_space<semaphore_mem>>) src(%dma_wait3A_847 : memref<16384xi32, #tpu.memory_space<hbm>>) dst(%dma_wait3A_846 : memref<16384xi32, #tpu.memory_space<vmem>>)
    %parallel_loop3A_848 = arith.constant 0 : i32
    %parallel_loop3A_849 = arith.constant 1024 : i32
    %parallel_loop3A_850 = arith.constant 1 : i32
    scf.for %parallel_loop3A_853 = %parallel_loop3A_848 to %parallel_loop3A_849 step %parallel_loop3A_850  : i32 {
      %parallel_loop3A_854 = arith.constant 16 : i32
      %parallel_loop3A_855 = arith.muli %parallel_loop3A_853, %parallel_loop3A_854 : i32
      %parallel_loop3A_856 = tpu.assume_multiple %parallel_loop3A_855, 16 : i32
      %parallel_loop3A_857 = arith.constant 1 : i32
      %parallel_loop3A_858 = arith.index_cast %parallel_loop3A_857 : i32 to index
      %parallel_loop3A_859 = arith.index_cast %parallel_loop3A_856 : i32 to index
      %parallel_loop3A_860 = tpu.vector_load %arg6[%parallel_loop3A_858, %parallel_loop3A_859] {strides = array<i32>} : memref<2x16384xi32, #tpu.memory_space<vmem>>, vector<16xi32>,
      %parallel_loop3A_861 = arith.constant 1 : i32
      %parallel_loop3A_862 = arith.index_cast %parallel_loop3A_861 : i32 to index
      %parallel_loop3A_863 = arith.index_cast %parallel_loop3A_856 : i32 to index
      %parallel_loop3A_864 = tpu.vector_load %arg5[%parallel_loop3A_862, %parallel_loop3A_863] {strides = array<i32>} : memref<2x16384xf32, #tpu.memory_space<vmem>>, vector<16xf32>,
      %parallel_loop3A_865 = arith.mulf %parallel_loop3A_864, %parallel_loop3A_864 : vector<16xf32>
      tpu.vector_store_idx %arg7[%parallel_loop3A_860], %parallel_loop3A_865 {add = true} : memref<8192xf32, #tpu.memory_space<vmem>>[vector<16xi32>], vector<16xf32>,
    } {sc.loop_unroll_factor = 16 : i64, sc.parallel_access}
    %mul3A_851 = arith.constant 8192 : i32
    %mul3A_852 = arith.muli %add3A, %mul3A_851 : i32
    "tpu.region"() ({
      %run_scoped3A = tpu.sem_alloc : memref<!tpu.dma_semaphore, #tpu.memory_space<semaphore_mem>>
      %dma_start3A_853 = tpu.memref_slice %arg4[%mul3A_852] : memref<262144xf32, #tpu.memory_space<hbm>> -> memref<8192xf32, #tpu.memory_space<hbm>>
      %dma_start3A_854 = tpu.memref_slice %arg4[%mul3A_852] : memref<262144xf32, #tpu.memory_space<hbm>> -> memref<8192xf32, #tpu.memory_space<hbm>>
      tpu.enqueue_dma source(%arg7 : memref<8192xf32, #tpu.memory_space<vmem>>) target(%dma_start3A_854 : memref<8192xf32, #tpu.memory_space<hbm>>) target_semaphore(%run_scoped3A : memref<!tpu.dma_semaphore, #tpu.memory_space<semaphore_mem>>)
      %dma_wait3A_855 = tpu.memref_slice %arg4[%mul3A_852] : memref<262144xf32, #tpu.memory_space<hbm>> -> memref<8192xf32, #tpu.memory_space<hbm>>
      %dma_wait3A_856 = tpu.memref_slice %arg4[%mul3A_852] : memref<262144xf32, #tpu.memory_space<hbm>> -> memref<8192xf32, #tpu.memory_space<hbm>>
      tpu.wait_dma2 semaphore(%run_scoped3A : memref<!tpu.dma_semaphore, #tpu.memory_space<semaphore_mem>>) src(%arg7 : memref<8192xf32, #tpu.memory_space<vmem>>) dst(%dma_wait3A_856 : memref<8192xf32, #tpu.memory_space<hbm>>)
      tpu.yield
    }) : () -> ()
    return
  }
}

</mosaic_0001>

<sc_bundles>
// kernel: _sc_energy.3.cloned.1.call-start
scs
__scs_entry_jumppad:
0x0: {  	(pc) =	sbr.rel $0x88, $3  }
0x1: {  	(tag) =	ssettag $0x0;
	lr =	simm.s32 $0x1  }
0x2: {  	[smem:$0x3F9F] =	sst lr;
	_ =	strace $0xD0000000  }
0x3: {  	_ = 	snop  }
0x4: {  	_ = 	snop  }
0x5: {  	_ = 	snop  }
0x6: {  	_ = 	snop  }
0x7: {  	_ = 	snop  }
__scs_overlays_trampoline_lowered:
0x8: {  	[smem:$0x3FAE] =	sst s0  }
0x9: {  	[smem:$0x3FAF] =	sst s1  }
0xa: {  	[smem:$0x3FB0] =	sst s2  }
0xb: {  	[smem:$0x3FB1] =	sst s3  }
0xc: {  	[smem:$0x3FB2] =	sst s4  }
0xd: {  	[smem:$0x3FB3] =	sst s5  }
0xe: {  	[smem:$0x3FB4] =	sst s6  }
0xf: {  	[smem:$0x3FB5] =	sst s7  }
0x10: {  	[smem:$0x3FB6] =	sst s8  }
0x11: {  	[smem:$0x3FB7] =	sst s9;
	s0 =	simm.s32 @!p0 $0x0  }
0x12: {  	s1 =	sld [smem:$0x3F9D];
	s0 =	simm.s32 @p0 $0x1  }
0x13: {  	[smem:$0x3FB8] =	sst s0;
	s0 =	simm.s32 @!p1 $0x0  }
0x14: {  	s2 =	sld [smem:$0x3F9C];
	s0 =	simm.s32 @p1 $0x1  }
0x15: {  	[smem:$0x3FB9] =	sst s0;
	s0 =	simm.s32 @!p2 $0x0  }
0x16: {  	s3 =	sld [smem:$0x3FDB];
	s0 =	simm.s32 @p2 $0x1  }
0x17: {  	s4 =	simm.s32 $0x1BF5;
	[smem:$0x3FBB] =	sst s0  }
0x18: {  	s0 =	sld [smem:$0x3F9E];
	_ =	swait.ge [sflag:s4], $0x0  }
0x19: {  	s7 =	sld [smem:$0x3F9F]  }
0x1a: {  	s8 =	sadd.s32 $0xFFFFE003, lr  }
0x1b: {  	s9 =	sadd.s32 $0xFFFFFEF7, lr;
	s5 =	simm.s32 $0xFFFFFFFF;
	p2 =	slt.u32 s8, $0xFFFFF086  }
0x1c: {  	p1 =	slt.u32 s9, $0xF7A;
	s5 =	simm.s32 @!p2 $0x0  }
0x1d: {  	s5 =	simm.s32 @p1 $0x1;
	p0 =	seq.s32 s7, s2  }
0x1e: {  	s7 =	smul.u32 @!p0 $0xF7A, s2;
	p2 =	seq.s32 @!p0 s5, $0x0  }
0x1f: {  	s9 =	smul.u32 $0xF7A, s1;
	s8 =	simm.s32 @!p0 $0x1BF5;
	p2 =	por !p2, p0  }
0x20: {  	[sflag:s8] =	ssyncset.s32 @!p0 $0xFFFFF086;
	s6 =	sadd.s32 @!p0 s3, s7;
	s7 =	simm.s32 @!p0 $0x108  }
0x21: {  	s3 =	sadd.s32 s3, s9;
	s6 =	sadd.s32 @!p0 $0x88, s6;
	s7 =	simm.s32 @p2 $0x1082  }
0x22: {  	[simem:s7], [sflag:s8] =	dma.local @!p0 [hbm:s6], $0xF7A  }
0x23: {  	s9 =	sor.u32 $0xD0000000, s2;
	s6 =	simm.s32 $0x108;
	_ =	swait.ge @!p0 [sflag:s8], $0x0  }
0x24: {  	s3 =	sadd.s32 $0x88, s3;
	s6 =	simm.s32 @!p1 $0x1082;
	[sflag:s4] =	ssyncset.s32 $0xFFFFF086  }
0x25: {  	[simem:s6], [sflag:s4] =	dma.local [hbm:s3], $0xF7A  }
0x26: {  	[smem:$0x3F9F] =	sst s1;
	(tag) =	ssettag s2;
	_ =	strace s9  }
0x27: {  	s1 =	sld [smem:$0x3FAF]  }
0x28: {  	s2 =	sld [smem:$0x3FB0]  }
0x29: {  	s4 =	sld [smem:$0x3FB2]  }
0x2a: {  	p0 =	seq.s32 s5, $0x0;
	s5 =	sld [smem:$0x3FB3]  }
0x2b: {  	s6 =	sld [smem:$0x3FB4]  }
0x2c: {  	s7 =	sld [smem:$0x3FB5]  }
0x2d: {  	s3 =	simm.s32 $0x108;
	s8 =	sld [smem:$0x3FB6]  }
0x2e: {  	s3 =	simm.s32 @!p0 $0x1082;
	s9 =	sld [smem:$0x3FB7]  }
0x2f: {  	lr =	sadd.s32 s0, s3;
	s0 =	sld [smem:$0x3FAE]  }
0x30: {  	s3 =	sld [smem:$0x3FB1]  }
0x31: {  	[smem:$0x3FBA] =	sst s10  }
0x32: {  	s10 =	sld [smem:$0x3FB8];
	_ =	sdelay $0x3  }
0x33: {  	p0 =	seq.s32 s10, $0x1;
	s10 =	sld [smem:$0x3FBA];
	_ =	sdelay $0x3  }
0x34: {  	[smem:$0x3FBA] =	sst s10  }
0x35: {  	s10 =	sld [smem:$0x3FB9];
	_ =	sdelay $0x3  }
0x36: {  	p1 =	seq.s32 s10, $0x1;
	s10 =	sld [smem:$0x3FBA];
	_ =	sdelay $0x3  }
0x37: {  	[smem:$0x3FBA] =	sst s10  }
0x38: {  	s10 =	sld [smem:$0x3FBB]  }
0x39: {  	_ = 	snop;
	(pc) =	sbr.ind lr, $3  }
0x3a: {  	_ = 	snop  }
0x3b: {  	_ = 	snop  }
0x3c: {  	p2 =	seq.s32 s10, $0x1;
	s10 =	sld [smem:$0x3FBA]  }
0x3d: {  	_ =	shalt  }
0x3e: {  	_ =	shalt  }
0x3f: {  	_ =	shalt  }
0x40: {  	_ =	shalt  }
0x41: {  	_ =	shalt  }
0x42: {  	_ =	shalt  }
0x43: {  	_ =	shalt  }
0x44: {  	_ =	shalt  }
0x45: {  	_ =	shalt  }
0x46: {  	_ =	shalt  }
0x47: {  	_ =	shalt  }
0x48: {  	_ =	shalt  }
0x49: {  	_ =	shalt  }
0x4a: {  	_ =	shalt  }
0x4b: {  	_ =	shalt  }
0x4c: {  	_ =	shalt  }
0x4d: {  	_ =	shalt  }
0x4e: {  	_ =	shalt  }
0x4f: {  	_ =	shalt  }
0x50: {  	_ =	shalt  }
0x51: {  	_ =	shalt  }
0x52: {  	_ =	shalt  }
0x53: {  	_ =	shalt  }
0x54: {  	_ =	shalt  }
0x55: {  	_ =	shalt  }
0x56: {  	_ =	shalt  }
0x57: {  	_ =	shalt  }
0x58: {  	_ =	shalt  }
0x59: {  	_ =	shalt  }
0x5a: {  	_ =	shalt  }
0x5b: {  	_ =	shalt  }
0x5c: {  	_ =	shalt  }
0x5d: {  	_ =	shalt  }
0x5e: {  	_ =	shalt  }
0x5f: {  	_ =	shalt  }
0x60: {  	_ =	shalt  }
0x61: {  	_ =	shalt  }
0x62: {  	_ =	shalt  }
0x63: {  	_ =	shalt  }
0x64: {  	_ =	shalt  }
0x65: {  	_ =	shalt  }
0x66: {  	_ =	shalt  }
0x67: {  	_ =	shalt  }
0x68: {  	_ =	shalt  }
0x69: {  	_ =	shalt  }
0x6a: {  	_ =	shalt  }
0x6b: {  	_ =	shalt  }
0x6c: {  	_ =	shalt  }
0x6d: {  	_ =	shalt  }
0x6e: {  	_ =	shalt  }
0x6f: {  	_ =	shalt  }
0x70: {  	_ =	shalt  }
0x71: {  	_ =	shalt  }
0x72: {  	_ =	shalt  }
0x73: {  	_ =	shalt  }
0x74: {  	_ =	shalt  }
0x75: {  	_ =	shalt  }
0x76: {  	_ =	shalt  }
0x77: {  	_ =	shalt  }
0x78: {  	_ =	shalt  }
0x79: {  	_ =	shalt  }
0x7a: {  	_ =	shalt  }
0x7b: {  	_ =	shalt  }
0x7c: {  	_ =	shalt  }
0x7d: {  	_ =	shalt  }
0x7e: {  	_ =	shalt  }
0x7f: {  	_ =	shalt  }
0x80: {  	_ =	shalt  }
0x81: {  	_ =	shalt  }
0x82: {  	_ =	shalt  }
0x83: {  	_ =	shalt  }
0x84: {  	_ =	shalt  }
0x85: {  	_ =	shalt  }
0x86: {  	_ =	shalt  }
0x87: {  	_ =	shalt  }
.Lfunc_end0:
.L_simem_size_0:
called_computation_lowered:
.L_overlay_start_0:
0x88: {  	s2 =	sld [smem:$0x3FD9]  }
0x89: {  	s3 =	sld [smem:$0x3FFE];
	_ =	sdelay $0x1  }
0x8a: {  	s1 =	srdreg.scid  }
0x8b: {  	s0 =	sand.u32 $0x1, s1  }
0x8c: {  	s18 =	sshll.u32 s0, $0xA;
	s2 =	sadd.s32 s3, s2  }
0x8d: {  	s2 =	sadd.s32 s2, s18  }
0x8e: {  	[smem:$0x3FC6] =	sst s2  }
0x8f: {  	_ = 	snop  }
0x90: {  	s2 =	sld [smem:$0x3FC9]  }
0x91: {  	s19 =	sld [smem:$0x3FC8]  }
0x92: {  	s4 =	sld [smem:$0x3FD0];
	(tm) =	ssettm $0x1  }
0x93: {  	s5 =	sld [smem:$0x3FFB];
	_ =	sdelay $0x3  }
0x94: {  	_ =	strace s5  }
0x95: {  	s5 =	sld [smem:$0x3FFC];
	_ =	sdelay $0x3  }
0x96: {  	_ =	strace s5  }
0x97: {  	s5 =	sld [smem:$0x3FFD];
	_ =	sdelay $0x3  }
0x98: {  	_ =	strace s5  }
0x99: {  	_ =	strace $0x8FFFFFFF  }
0x9a: {  	s20 =	sld [smem:$0x3FDB];
	_ =	sdelay $0x1  }
0x9b: {  	s6 =	simm.s32 $_scs_section_size  }
0x9c: {  	s7 =	simm.s32 $_size__tile_overlayer_lowered;
	s8 =	simm.s32 $_tile_overlayer_lowered  }
0x9d: {  	s23 =	simm.s32 $0x1BFF;
	s22 =	sshll.u32 s8, $0x1;
	s5 =	sadd.s32 s6, s20  }
0x9e: {  	s9 =	simm.s32 $0x0;
	s21 =	sshll.u32 s7, $0x1;
	s7 =	sadd.s32 s22, s5  }
0x9f: {  	[timem:s9], [sflag:s23] =	dma.local [hbm:s7], s21  }
0xa0: {  	_ =	swait.ge [sflag:s23], s21  }
0xa1: {  	s6 =	ssub.s32 $0x0, s21;
	[sflag:s23] =	ssyncset.done $0x0  }
0xa2: {  	[sflag:s23] =	ssyncadd.s32 s6;
	_ =	sdelay $0x1  }
0xa3: {  	s24 =	simm.s32 $0x1B8B  }
0xa4: {  	_ =	swait.ge [sflag:s24], $0x1  }
0xa5: {  	[sflag:s24] =	ssyncset.done $0x0  }
0xa6: {  	s25 =	simm.s32 $0x1B8E;
	[sflag:s24] =	ssyncadd.s32 $0xFFFFFFFF  }
0xa7: {  	s26 =	simm.s32 $execute0_lowered;
	[smem:$0x3FD2] =	sst s25  }
0xa8: {  	s6 =	sshll.u32 s26, $0x1;
	_ =	strace $0x80000046;
	[dreg:$0x1] =	wrdreg $0xFFFFFFFF  }
0xa9: {  	s28 =	simm.s32 $_size_execute0_lowered;
	s5 =	sadd.s32 s5, s6;
	[dreg:$0x0] =	wrdreg $0x0  }
0xaa: {  	s6 =	sshll.u32 s28, $0x1;
	[dreg:$0x2] =	wrdreg s5  }
0xab: {  	[dreg:$0x3] =	wrdreg s6  }
0xac: {  	[dreg:$0x4] =	wrdreg $0xC0  }
0xad: {  	_ =	task [dreg:s9], $0x5FFFF  }
0xae: {  	[dreg:$0x1] =	wrdreg $0xFFFFFFFF  }
0xaf: {  	[dreg:$0x0] =	wrdreg $0x60  }
0xb0: {  	[dreg:$0x2] =	wrdreg s2  }
0xb1: {  	[dreg:$0x3] =	wrdreg s19  }
0xb2: {  	[dreg:$0x4] =	wrdreg s4  }
0xb3: {  	[dreg:$0x5] =	wrdreg $0x9  }
0xb4: {  	_ =	task.clear_ibuf [dreg:s9], $0x6FFFF;
	_ =	strace $0x90000046  }
0xb5: {  	s29 =	simm.s32 $0x9;
	_ =	strace $0x80000048  }
0xb6: {  	_ =	swait.ge [sflag:s29], $0x1  }
0xb7: {  	[sflag:s29] =	ssyncadd.s32 $0xFFFFFFFF  }
0xb8: {  	_ =	strace $0x90000048  }
0xb9: {  	_ =	sfence  }
0xba: {  	s30 =	sld [smem:$0x0];
	_ =	sdelay $0x2  }
0xbb: {  	s31 =	sshll.u32 s1, $0xD;
	s1 =	sshrl.u32 s1, $0x2  }
0xbc: {  	s3 =	sand.u32 $0x4000, s31;
	s1 =	sadd.s32 s1, s30  }
0xbd: {  	s0 =	sor.u32 s3, s0;
	s1 =	sshll.u32 s1, $0x11  }
0xbe: {  	s0 =	sor.u32 s1, s0  }
0xbf: {  	s0 =	sadd.s32 $0x8F2B, s0  }
0xc0: {  	[sflag:s0] =	ssyncadd.remote.s32 $0x1  }
0xc1: {  	_ =	sfence.sel $0xFFFF  }
0xc2: {  	[dreg:$0x0] =	wrdreg $0xFFFFFFFF;
	(pc) =	sbr.abs _section_cstart, $3  }
0xc3: {  	[dreg:$0x1] =	wrdreg $0xFFFFFFFF  }
0xc4: {  	_ =	task.clear_ibuf [dreg:s9], $0x2FFFF;
	_ =	strace $0x9FFFFFFF  }
0xc5: {  	(tm) =	ssettm $0x7FFFFFFF  }
tec
execute0_lowered:
.L_overlay_start_1:
0x0: {  	(tag) =	ssettag $0x1  }
0x1: {  	s0 =	srdreg.scid  }
0x2: {  	s1 =	stileid.u32;
	s2 =	rddreg [dreg:$0x0]  }
0x3: {  	s3 =	rddreg [dreg:$0x1];
	s0 =	sand.u32 $0x1, s0;
	s1 =	sshll.u32 s1, $0x1  }
0x4: {  	s4 =	sor.u32 s0, s1;
	s1 =	simm.s32 $0x0;
	s0 =	ssub.s32 $0x2, s0  }
0x5: {  	s5 =	sshll.u32 s4, $0xF;
	s6 =	sshrl.u32 s0, $0x1;
	s4 =	sshll.u32 s4, $0xA  }
0x6: {  	s7 =	sor.u32 $0x800, s5;
	s10 =	sor.u32 $0x1000, s5;
	s12 =	sor.u32 $0x1800, s5  }
0x7: {  	s14 =	sor.u32 $0x2000, s5;
	s16 =	sor.u32 $0x2800, s5;
	s18 =	sor.u32 $0x3000, s5  }
0x8: {  	s20 =	sor.u32 $0x3800, s5;
	s22 =	sor.u32 $0x4000, s5;
	s23 =	sor.u32 $0x4800, s5  }
0x9: {  	s24 =	sor.u32 $0x5000, s5;
	s25 =	sor.u32 $0x5800, s5;
	s26 =	sor.u32 $0x6000, s5  }
0xa: {  	s8 =	sadd.s32 s2, s7;
	s9 =	sadd.s32 s3, s7;
	s11 =	sadd.s32 s2, s10  }
0xb: {  	s13 =	sadd.s32 s2, s12;
	s15 =	sadd.s32 s2, s14;
	[dreg:$0x6] =	wrdreg s11  }
0xc: {  	s17 =	sadd.s32 s2, s16;
	s19 =	sadd.s32 s2, s18;
	[dreg:$0x8] =	wrdreg s13  }
0xd: {  	s21 =	sadd.s32 s2, s20;
	s7 =	sor.u32 $0x6800, s5;
	[dreg:$0xa] =	wrdreg s15  }
0xe: {  	s11 =	sadd.s32 s3, s12;
	s12 =	sadd.s32 s3, s14;
	[dreg:$0xc] =	wrdreg s17  }
0xf: {  	s13 =	sadd.s32 s3, s16;
	[dreg:$0xe] =	wrdreg s19;
	s14 =	sadd.s32 s3, s18  }
0x10: {  	[dreg:$0x10] =	wrdreg s21;
	s15 =	sadd.s32 s3, s20;
	s16 =	sadd.s32 s2, s22  }
0x11: {  	s17 =	sadd.s32 s3, s22;
	s18 =	sadd.s32 s2, s23;
	s19 =	sadd.s32 s3, s23  }
0x12: {  	s20 =	sadd.s32 s2, s24;
	s21 =	sadd.s32 s3, s24;
	s22 =	sadd.s32 s2, s25  }
0x13: {  	s23 =	sadd.s32 s3, s25;
	s24 =	sadd.s32 s2, s26;
	s25 =	sadd.s32 s3, s26  }
0x14: {  	s26 =	sadd.s32 s2, s7;
	s28 =	sadd.s32 s3, s7;
	s7 =	rddreg [dreg:$0x2]  }
0x15: {  	[smem:$0x7FF] =	sst s1;
	s6 =	ssub.s32 s0, s6;
	s4 =	sadd.s32 s7, s4  }
0x16: {  	s7 =	smax.u32 s6, $0x1;
	[dreg:$0x12] =	wrdreg s4  }
0x17: {  	_ =	strace $0x80000047;
	[dreg:$0x13] =	wrdreg s7  }
0x18: {  	[dreg:$0x4] =	wrdreg s8  }
0x19: {  	s10 =	sadd.s32 s3, s10;
	[dreg:$0x5] =	wrdreg s9  }
0x1a: {  	[dreg:$0x7] =	wrdreg s10  }
0x1b: {  	s0 =	sor.u32 $0x7000, s5;
	s31 =	sadd.s32 s2, s5;
	[dreg:$0x9] =	wrdreg s11  }
0x1c: {  	s29 =	sadd.s32 s2, s0;
	s30 =	sadd.s32 s3, s0;
	[dreg:$0xb] =	wrdreg s12  }
0x1d: {  	s0 =	sadd.s32 s3, s5;
	s5 =	sor.u32 $0x7800, s5;
	[dreg:$0xd] =	wrdreg s13  }
0x1e: {  	s2 =	sadd.s32 s2, s5;
	s3 =	sadd.s32 s3, s5;
	[dreg:$0xf] =	wrdreg s14  }
0x1f: {  	v0 =	vimm.f32 $0.0e+00;
	s4 =	simm.s32 $0x10000;
	s7 =	simm.s32 $0x0;
	[dreg:$0x11] =	wrdreg s15  }
.LBB2_1:
0x20: {  	[dreg:$0x14] =	wrdreg s7;
	s5 =	simm.s32 $0x10040  }
0x21: {  	[tilespmem:s5+$0xFFFFFFC0] =	vst v0  }
0x22: {  	[tilespmem:s5+$0x30] =	vst v0  }
0x23: {  	[tilespmem:s5+$0x20] =	vst v0  }
0x24: {  	[tilespmem:s5+$0x10] =	vst v0  }
0x25: {  	[tilespmem:s5+$0x0] =	vst v0  }
0x26: {  	[tilespmem:s5+$0xFFFFFFF0] =	vst v0  }
0x27: {  	s6 =	simm.s32 $0x0;
	[tilespmem:s5+$0xFFFFFFE0] =	vst v0  }
.LBB2_2:
0x28: {  	s6 =	sadd.s32 $0x8, s6;
	[tilespmem:s5+$0xFFFFFFD0] =	vst v0;
	s5 =	sadd.s32 $0x80, s5  }
0x29: {  	[tilespmem:s5+$0xFFFFFFC0] =	vst v0;
	p0 =	slt.u32 s6, $0x1F8  }
0x2a: {  	[tilespmem:s5+$0x30] =	vst v0  }
.Ltmp0:
0x2b: {  	[tilespmem:s5+$0x20] =	vst v0;
	(pc) =	sbr.rel @p0 .LBB2_2-.Ltmp0, $4  }
0x2c: {  	[tilespmem:s5+$0x10] =	vst v0  }
0x2d: {  	[tilespmem:s5+$0x0] =	vst v0  }
0x2e: {  	[tilespmem:s5+$0xFFFFFFF0] =	vst v0  }
0x2f: {  	[tilespmem:s5+$0xFFFFFFE0] =	vst v0  }
0x30: {  	s6 =	simm.s32 $0x0  }
0x31: {  	[tilespmem:s5+$0xFFFFFFD0] =	vst v0;
	s5 =	simm.s32 $0x10;
	s8 =	sadd.s32 $0x0, s31;
	s7 =	simm.s32 $0x100  }
.LBB2_4:
0x32: {  	[tilespmem:s6], [sflag:$0x1] =	stream.linear.gather [hbm4b:s8+s1], $0x80, $0x38;
	[tilespmem:$0x12000] =	vst v63  }
0x33: {  	s8 =	smov.u32 s5;
	s6 =	smov.u32 s7;
	p0 =	sne.s32 s5, $0x7F0  }
.Ltmp1:
0x34: {  	s5 =	sadd.s32 $0x10, s5;
	(pc) =	sbr.rel @p0 .LBB2_4-.Ltmp1, $2  }
0x35: {  	_ =	sdelay $0x2  }
0x36: {  	s7 =	sadd.s32 $0x100, s7;
	s8 =	sadd.s32 s8, s31  }
0x37: {  	[tilespmem:s6], [sflag:$0x1] =	stream.linear.gather [hbm4b:s8+s1], $0x80, $0x38;
	[tilespmem:$0x12000] =	vst v63  }
0x38: {  	s5 =	simm.s32 $0x8000  }
0x39: {  	s6 =	simm.s32 $0x10;
	s8 =	sadd.s32 $0x0, s0;
	s7 =	simm.s32 $0x8100  }
.LBB2_6:
0x3a: {  	[tilespmem:s5], [sflag:$0x3] =	stream.linear.gather [hbm4b:s8+s1], $0x80, $0x38;
	[tilespmem:$0x12000] =	vst v63  }
0x3b: {  	s8 =	smov.u32 s6;
	s5 =	smov.u32 s7;
	p0 =	sne.s32 s6, $0x7F0  }
.Ltmp2:
0x3c: {  	s6 =	sadd.s32 $0x10, s6;
	(pc) =	sbr.rel @p0 .LBB2_6-.Ltmp2, $2  }
0x3d: {  	_ =	sdelay $0x2  }
0x3e: {  	s7 =	sadd.s32 $0x100, s7;
	s8 =	sadd.s32 s8, s0  }
0x3f: {  	[tilespmem:s5], [sflag:$0x3] =	stream.linear.gather [hbm4b:s8+s1], $0x80, $0x38;
	[tilespmem:$0x12000] =	vst v63  }
0x40: {  	s5 =	simm.s32 $0x80;
	s9 =	rddreg [dreg:$0x4]  }
0x41: {  	s6 =	simm.s32 $0x10;
	s7 =	simm.s32 $0x180;
	s8 =	sadd.s32 $0x0, s9  }
.LBB2_8:
0x42: {  	[tilespmem:s5], [sflag:$0x2] =	stream.linear.gather [hbm4b:s8+s1], $0x80, $0x38;
	[tilespmem:$0x12000] =	vst v63  }
0x43: {  	s8 =	smov.u32 s6;
	s5 =	smov.u32 s7;
	p0 =	sne.s32 s6, $0x7F0  }
.Ltmp3:
0x44: {  	s6 =	sadd.s32 $0x10, s6;
	(pc) =	sbr.rel @p0 .LBB2_8-.Ltmp3, $2  }
0x45: {  	_ =	sdelay $0x2  }
0x46: {  	s7 =	sadd.s32 $0x100, s7;
	s8 =	sadd.s32 s8, s9  }
0x47: {  	[tilespmem:s5], [sflag:$0x2] =	stream.linear.gather [hbm4b:s8+s1], $0x80, $0x38;
	[tilespmem:$0x12000] =	vst v63  }
0x48: {  	s5 =	simm.s32 $0x8080;
	s9 =	rddreg [dreg:$0x5]  }
0x49: {  	s6 =	simm.s32 $0x10;
	s7 =	simm.s32 $0x8180;
	s8 =	sadd.s32 $0x0, s9  }
.LBB2_10:
0x4a: {  	[tilespmem:s5], [sflag:$0x4] =	stream.linear.gather [hbm4b:s8+s1], $0x80, $0x38;
	[tilespmem:$0x12000] =	vst v63  }
0x4b: {  	s8 =	smov.u32 s6;
	s5 =	smov.u32 s7;
	p0 =	sne.s32 s6, $0x7F0  }
.Ltmp4:
0x4c: {  	s6 =	sadd.s32 $0x10, s6;
	(pc) =	sbr.rel @p0 .LBB2_10-.Ltmp4, $2  }
0x4d: {  	_ =	sdelay $0x2  }
0x4e: {  	s7 =	sadd.s32 $0x100, s7;
	s8 =	sadd.s32 s8, s9  }
0x4f: {  	[tilespmem:s5], [sflag:$0x4] =	stream.linear.gather [hbm4b:s8+s1], $0x80, $0x38;
	[tilespmem:$0x12000] =	vst v63  }
0x50: {  	s14 =	simm.s32 $0x1  }
0x51: {  	_ =	swait.ge [sflag:s14], $0x4000  }
0x52: {  	[sflag:s14] =	ssyncset.done $0x0  }
0x53: {  	s15 =	simm.s32 $0x3;
	[sflag:s14] =	ssyncadd.s32 $0xFFFFC000  }
0x54: {  	_ =	swait.ge [sflag:s15], $0x4000  }
0x55: {  	[sflag:s15] =	ssyncset.done $0x0  }
0x56: {  	s6 =	simm.s32 $0x8100;
	[sflag:s15] =	ssyncadd.s32 $0xFFFFC000  }
0x57: {  	s5 =	simm.s32 $0x100;
	v1 =	vld [tilespmem:s6+$0x70]  }
0x58: {  	v2 =	vld [tilespmem:s5+$0x70]  }
0x59: {  	v3 =	vld [tilespmem:s5+$0xFFFFFF00]  }
0x5a: {  	v4 =	vld [tilespmem:s5+$0xFFFFFF10]  }
0x5b: {  	v5 =	vld [tilespmem:s5+$0xFFFFFF20]  }
0x5c: {  	v6 =	vld [tilespmem:s5+$0xFFFFFF30]  }
0x5d: {  	v7 =	vld [tilespmem:s5+$0xFFFFFF40]  }
0x5e: {  	v8 =	vld [tilespmem:s5+$0xFFFFFF50]  }
0x5f: {  	v9 =	vld [tilespmem:s5+$0x0]  }
0x60: {  	v10 =	vld [tilespmem:s5+$0x10]  }
0x61: {  	v11 =	vld [tilespmem:s5+$0x20]  }
0x62: {  	v12 =	vld [tilespmem:s5+$0x30]  }
0x63: {  	v13 =	vld [tilespmem:s5+$0x40]  }
0x64: {  	v14 =	vld [tilespmem:s5+$0x50]  }
0x65: {  	v15 =	vld [tilespmem:s5+$0x60]  }
0x66: {  	v16 =	vld [tilespmem:s6+$0xFFFFFF10]  }
0x67: {  	v17 =	vld [tilespmem:s6+$0xFFFFFF20]  }
0x68: {  	v18 =	vld [tilespmem:s6+$0xFFFFFF30]  }
0x69: {  	v19 =	vld [tilespmem:s6+$0xFFFFFF40]  }
0x6a: {  	v20 =	vld [tilespmem:s6+$0xFFFFFF50]  }
0x6b: {  	v21 =	vld [tilespmem:s6+$0xFFFFFF60]  }
0x6c: {  	v22 =	vld [tilespmem:s6+$0xFFFFFF70]  }
0x6d: {  	v23 =	vld [tilespmem:s6+$0x0]  }
0x6e: {  	v24 =	vld [tilespmem:s6+$0x10]  }
0x6f: {  	v25 =	vld [tilespmem:s6+$0x20]  }
0x70: {  	v26 =	vld [tilespmem:s6+$0x30]  }
0x71: {  	v27 =	vld [tilespmem:s6+$0x40]  }
0x72: {  	v28 =	vld [tilespmem:s6+$0x50]  }
0x73: {  	v30 =	vld [tilespmem:s6+$0xFFFFFF00];
	v2 =	vmul.f32 v2, v2  }
0x74: {  	v29 =	vld [tilespmem:s6+$0x60]  }
0x75: {  	[tilespmem:v1+s4+$0x0] =	vst.idx.add.f32.msk $0xffff, v2  }
0x76: {  	v4 =	vmul.f32 v4, v4;
	v1 =	vld [tilespmem:s5+$0xFFFFFF60]  }
0x77: {  	v5 =	vmul.f32 v5, v5;
	v2 =	vld [tilespmem:s5+$0xFFFFFF70]  }
0x78: {  	v6 =	vmul.f32 v6, v6;
	[tilespmem:v16+s4+$0x0] =	vst.idx.add.f32.msk $0xffff, v4  }
0x79: {  	v3 =	vmul.f32 v3, v3;
	[tilespmem:v17+s4+$0x0] =	vst.idx.add.f32.msk $0xffff, v5  }
0x7a: {  	v62 =	vmul.f32 v7, v7;
	[tilespmem:v18+s4+$0x0] =	vst.idx.add.f32.msk $0xffff, v6  }
0x7b: {  	[tilespmem:v30+s4+$0x0] =	vst.idx.add.f32.msk $0xffff, v3;
	v3 =	vmul.f32 v11, v11  }
0x7c: {  	v63 =	vmul.f32 v8, v8;
	[tilespmem:v19+s4+$0x0] =	vst.idx.add.f32.msk $0xffff, v62  }
0x7d: {  	[tilespmem:v25+s4+$0x0] =	vst.idx.add.f32.msk $0xffff, v3;
	v3 =	vmul.f32 v14, v14  }
0x7e: {  	[tilespmem:v20+s4+$0x0] =	vst.idx.add.f32.msk $0xffff, v63;
	v1 =	vmul.f32 v1, v1  }
0x7f: {  	[tilespmem:v28+s4+$0x0] =	vst.idx.add.f32.msk $0xffff, v3;
	v2 =	vmul.f32 v2, v2  }
0x80: {  	[tilespmem:v21+s4+$0x0] =	vst.idx.add.f32.msk $0xffff, v1;
	v1 =	vmul.f32 v9, v9  }
0x81: {  	[tilespmem:v22+s4+$0x0] =	vst.idx.add.f32.msk $0xffff, v2;
	v2 =	vmul.f32 v10, v10  }
0x82: {  	[tilespmem:v23+s4+$0x0] =	vst.idx.add.f32.msk $0xffff, v1;
	v1 =	vmul.f32 v12, v12  }
0x83: {  	[tilespmem:v24+s4+$0x0] =	vst.idx.add.f32.msk $0xffff, v2;
	v2 =	vmul.f32 v13, v13  }
0x84: {  	[tilespmem:v26+s4+$0x0] =	vst.idx.add.f32.msk $0xffff, v1;
	v1 =	vmul.f32 v15, v15  }
0x85: {  	[tilespmem:v27+s4+$0x0] =	vst.idx.add.f32.msk $0xffff, v2  }
0x86: {  	s7 =	simm.s32 $0x8300;
	s6 =	simm.s32 $0x0;
	[tilespmem:v29+s4+$0x0] =	vst.idx.add.f32.msk $0xffff, v1  }
.LBB2_12:
0x87: {  	v1 =	vld [tilespmem:s7+$0x70];
	s6 =	sadd.s32 $0x10, s6;
	s5 =	sadd.s32 $0x200, s5  }
0x88: {  	v2 =	vld [tilespmem:s5+$0x70];
	p0 =	slt.u32 s6, $0x3F0  }
0x89: {  	v3 =	vld [tilespmem:s5+$0xFFFFFF00]  }
0x8a: {  	v4 =	vld [tilespmem:s5+$0xFFFFFF10]  }
0x8b: {  	v5 =	vld [tilespmem:s5+$0xFFFFFF20]  }
0x8c: {  	v6 =	vld [tilespmem:s5+$0xFFFFFF30]  }
0x8d: {  	v7 =	vld [tilespmem:s5+$0xFFFFFF40];
	v2 =	vmul.f32 v2, v2  }
0x8e: {  	v3 =	vmul.f32 v3, v3;
	v8 =	vld [tilespmem:s5+$0xFFFFFF50]  }
0x8f: {  	v4 =	vmul.f32 v4, v4;
	[tilespmem:v1+s4+$0x0] =	vst.idx.add.f32.msk $0xffff, v2  }
0x90: {  	v1 =	vmul.f32 v5, v5;
	v2 =	vld [tilespmem:s5+$0xFFFFFF60]  }
0x91: {  	v5 =	vmul.f32 v6, v6;
	v6 =	vld [tilespmem:s5+$0xFFFFFF70]  }
0x92: {  	v7 =	vmul.f32 v7, v7;
	v9 =	vld [tilespmem:s5+$0x0]  }
0x93: {  	v8 =	vmul.f32 v8, v8;
	v10 =	vld [tilespmem:s5+$0x10]  }
0x94: {  	v11 =	vld [tilespmem:s5+$0x20]  }
0x95: {  	v2 =	vmul.f32 v2, v2;
	v12 =	vld [tilespmem:s5+$0x30]  }
0x96: {  	v6 =	vmul.f32 v6, v6;
	v13 =	vld [tilespmem:s5+$0x40]  }
0x97: {  	v9 =	vmul.f32 v9, v9;
	v14 =	vld [tilespmem:s5+$0x50]  }
0x98: {  	v10 =	vmul.f32 v10, v10;
	v15 =	vld [tilespmem:s5+$0x60]  }
0x99: {  	v16 =	vld [tilespmem:s7+$0xFFFFFF10];
	v11 =	vmul.f32 v11, v11  }
0x9a: {  	v17 =	vld [tilespmem:s7+$0xFFFFFF20];
	v12 =	vmul.f32 v12, v12  }
0x9b: {  	v18 =	vld [tilespmem:s7+$0xFFFFFF30];
	v13 =	vmul.f32 v13, v13  }
0x9c: {  	v19 =	vld [tilespmem:s7+$0xFFFFFF40];
	v14 =	vmul.f32 v14, v14  }
0x9d: {  	v20 =	vld [tilespmem:s7+$0xFFFFFF50];
	v15 =	vmul.f32 v15, v15  }
0x9e: {  	v21 =	vld [tilespmem:s7+$0xFFFFFF60]  }
0x9f: {  	v22 =	vld [tilespmem:s7+$0xFFFFFF70]  }
0xa0: {  	v23 =	vld [tilespmem:s7+$0x0]  }
0xa1: {  	v24 =	vld [tilespmem:s7+$0x10]  }
0xa2: {  	v25 =	vld [tilespmem:s7+$0x20]  }
0xa3: {  	v26 =	vld [tilespmem:s7+$0x30]  }
0xa4: {  	v27 =	vld [tilespmem:s7+$0x40]  }
0xa5: {  	v28 =	vld [tilespmem:s7+$0x50]  }
0xa6: {  	v29 =	vld [tilespmem:s7+$0x60]  }
0xa7: {  	v30 =	vld [tilespmem:s7+$0xFFFFFF00]  }
0xa8: {  	[tilespmem:v16+s4+$0x0] =	vst.idx.add.f32.msk $0xffff, v4  }
0xa9: {  	[tilespmem:v17+s4+$0x0] =	vst.idx.add.f32.msk $0xffff, v1  }
0xaa: {  	[tilespmem:v18+s4+$0x0] =	vst.idx.add.f32.msk $0xffff, v5  }
0xab: {  	[tilespmem:v19+s4+$0x0] =	vst.idx.add.f32.msk $0xffff, v7  }
0xac: {  	[tilespmem:v20+s4+$0x0] =	vst.idx.add.f32.msk $0xffff, v8  }
0xad: {  	[tilespmem:v21+s4+$0x0] =	vst.idx.add.f32.msk $0xffff, v2  }
0xae: {  	[tilespmem:v22+s4+$0x0] =	vst.idx.add.f32.msk $0xffff, v6  }
0xaf: {  	[tilespmem:v30+s4+$0x0] =	vst.idx.add.f32.msk $0xffff, v3  }
0xb0: {  	[tilespmem:v23+s4+$0x0] =	vst.idx.add.f32.msk $0xffff, v9  }
0xb1: {  	[tilespmem:v24+s4+$0x0] =	vst.idx.add.f32.msk $0xffff, v10  }
.Ltmp5:
0xb2: {  	[tilespmem:v25+s4+$0x0] =	vst.idx.add.f32.msk $0xffff, v11;
	(pc) =	sbr.rel @p0 .LBB2_12-.Ltmp5, $4  }
0xb3: {  	[tilespmem:v26+s4+$0x0] =	vst.idx.add.f32.msk $0xffff, v12  }
0xb4: {  	[tilespmem:v27+s4+$0x0] =	vst.idx.add.f32.msk $0xffff, v13  }
0xb5: {  	[tilespmem:v28+s4+$0x0] =	vst.idx.add.f32.msk $0xffff, v14  }
0xb6: {  	s7 =	sadd.s32 $0x200, s7;
	[tilespmem:v29+s4+$0x0] =	vst.idx.add.f32.msk $0xffff, v15  }
0xb7: {  	s5 =	simm.s32 $0x0;
	s10 =	rddreg [dreg:$0x6]  }
0xb8: {  	s6 =	simm.s32 $0x10;
	s7 =	simm.s32 $0x100;
	s8 =	sadd.s32 $0x0, s10  }
.LBB2_14:
0xb9: {  	[tilespmem:s5], [sflag:$0x1] =	stream.linear.gather [hbm4b:s8+s1], $0x80, $0x38;
	[tilespmem:$0x12000] =	vst v63  }
0xba: {  	s8 =	smov.u32 s6;
	s5 =	smov.u32 s7;
	p0 =	sne.s32 s6, $0x7F0  }
.Ltmp6:
0xbb: {  	s6 =	sadd.s32 $0x10, s6;
	(pc) =	sbr.rel @p0 .LBB2_14-.Ltmp6, $2  }
0xbc: {  	_ =	sdelay $0x2  }
0xbd: {  	s7 =	sadd.s32 $0x100, s7;
	s8 =	sadd.s32 s8, s10  }
0xbe: {  	[tilespmem:s5], [sflag:$0x1] =	stream.linear.gather [hbm4b:s8+s1], $0x80, $0x38;
	[tilespmem:$0x12000] =	vst v63  }
0xbf: {  	s5 =	simm.s32 $0x8000;
	s10 =	rddreg [dreg:$0x7]  }
0xc0: {  	s6 =	simm.s32 $0x10;
	s7 =	simm.s32 $0x8100;
	s8 =	sadd.s32 $0x0, s10  }
.LBB2_16:
0xc1: {  	[tilespmem:s5], [sflag:$0x3] =	stream.linear.gather [hbm4b:s8+s1], $0x80, $0x38;
	[tilespmem:$0x12000] =	vst v63  }
0xc2: {  	s8 =	smov.u32 s6;
	s5 =	smov.u32 s7;
	p0 =	sne.s32 s6, $0x7F0  }
.Ltmp7:
0xc3: {  	s6 =	sadd.s32 $0x10, s6;
	(pc) =	sbr.rel @p0 .LBB2_16-.Ltmp7, $2  }
0xc4: {  	_ =	sdelay $0x2  }
0xc5: {  	s7 =	sadd.s32 $0x100, s7;
	s8 =	sadd.s32 s8, s10  }
0xc6: {  	[tilespmem:s5], [sflag:$0x3] =	stream.linear.gather [hbm4b:s8+s1], $0x80, $0x38;
	[tilespmem:$0x12000] =	vst v63  }
0xc7: {  	s14 =	simm.s32 $0x2  }
0xc8: {  	_ =	swait.ge [sflag:s14], $0x4000  }
0xc9: {  	[sflag:s14] =	ssyncset.done $0x0  }
0xca: {  	s15 =	simm.s32 $0x4;
	[sflag:s14] =	ssyncadd.s32 $0xFFFFC000  }
0xcb: {  	_ =	swait.ge [sflag:s15], $0x4000  }
0xcc: {  	[sflag:s15] =	ssyncset.done $0x0  }
0xcd: {  	s6 =	simm.s32 $0x8180;
	[sflag:s15] =	ssyncadd.s32 $0xFFFFC000  }
0xce: {  	s5 =	simm.s32 $0x180;
	v1 =	vld [tilespmem:s6+$0x70]  }
0xcf: {  	v2 =	vld [tilespmem:s5+$0x70]  }
0xd0: {  	v3 =	vld [tilespmem:s5+$0xFFFFFF00]  }
0xd1: {  	v4 =	vld [tilespmem:s5+$0xFFFFFF10]  }
0xd2: {  	v5 =	vld [tilespmem:s5+$0xFFFFFF20]  }
0xd3: {  	v6 =	vld [tilespmem:s5+$0xFFFFFF30]  }
0xd4: {  	v7 =	vld [tilespmem:s5+$0xFFFFFF40]  }
0xd5: {  	v8 =	vld [tilespmem:s5+$0xFFFFFF50]  }
0xd6: {  	v9 =	vld [tilespmem:s5+$0x0]  }
0xd7: {  	v10 =	vld [tilespmem:s5+$0x10]  }
0xd8: {  	v11 =	vld [tilespmem:s5+$0x20]  }
0xd9: {  	v12 =	vld [tilespmem:s5+$0x30]  }
0xda: {  	v13 =	vld [tilespmem:s5+$0x40]  }
0xdb: {  	v14 =	vld [tilespmem:s5+$0x50]  }
0xdc: {  	v15 =	vld [tilespmem:s5+$0x60]  }
0xdd: {  	v16 =	vld [tilespmem:s6+$0xFFFFFF10]  }
0xde: {  	v17 =	vld [tilespmem:s6+$0xFFFFFF20]  }
0xdf: {  	v18 =	vld [tilespmem:s6+$0xFFFFFF30]  }
0xe0: {  	v19 =	vld [tilespmem:s6+$0xFFFFFF40]  }
0xe1: {  	v20 =	vld [tilespmem:s6+$0xFFFFFF50]  }
0xe2: {  	v21 =	vld [tilespmem:s6+$0xFFFFFF60]  }
0xe3: {  	v22 =	vld [tilespmem:s6+$0xFFFFFF70]  }
0xe4: {  	v23 =	vld [tilespmem:s6+$0x0]  }
0xe5: {  	v24 =	vld [tilespmem:s6+$0x10]  }
0xe6: {  	v25 =	vld [tilespmem:s6+$0x20]  }
0xe7: {  	v26 =	vld [tilespmem:s6+$0x30]  }
0xe8: {  	v27 =	vld [tilespmem:s6+$0x40]  }
0xe9: {  	v28 =	vld [tilespmem:s6+$0x50]  }
0xea: {  	v30 =	vld [tilespmem:s6+$0xFFFFFF00];
	v2 =	vmul.f32 v2, v2  }
0xeb: {  	v29 =	vld [tilespmem:s6+$0x60]  }
0xec: {  	[tilespmem:v1+s4+$0x0] =	vst.idx.add.f32.msk $0xffff, v2  }
0xed: {  	v4 =	vmul.f32 v4, v4;
	v1 =	vld [tilespmem:s5+$0xFFFFFF60]  }
0xee: {  	v5 =	vmul.f32 v5, v5;
	v2 =	vld [tilespmem:s5+$0xFFFFFF70]  }
0xef: {  	v6 =	vmul.f32 v6, v6;
	[tilespmem:v16+s4+$0x0] =	vst.idx.add.f32.msk $0xffff, v4  }
0xf0: {  	v3 =	vmul.f32 v3, v3;
	[tilespmem:v17+s4+$0x0] =	vst.idx.add.f32.msk $0xffff, v5  }
0xf1: {  	v62 =	vmul.f32 v7, v7;
	[tilespmem:v18+s4+$0x0] =	vst.idx.add.f32.msk $0xffff, v6  }
0xf2: {  	[tilespmem:v30+s4+$0x0] =	vst.idx.add.f32.msk $0xffff, v3;
	v3 =	vmul.f32 v11, v11  }
0xf3: {  	v63 =	vmul.f32 v8, v8;
	[tilespmem:v19+s4+$0x0] =	vst.idx.add.f32.msk $0xffff, v62  }
0xf4: {  	[tilespmem:v25+s4+$0x0] =	vst.idx.add.f32.msk $0xffff, v3;
	v3 =	vmul.f32 v14, v14  }
0xf5: {  	[tilespmem:v20+s4+$0x0] =	vst.idx.add.f32.msk $0xffff, v63;
	v1 =	vmul.f32 v1, v1  }
0xf6: {  	[tilespmem:v28+s4+$0x0] =	vst.idx.add.f32.msk $0xffff, v3;
	v2 =	vmul.f32 v2, v2  }
0xf7: {  	[tilespmem:v21+s4+$0x0] =	vst.idx.add.f32.msk $0xffff, v1;
	v1 =	vmul.f32 v9, v9  }
0xf8: {  	[tilespmem:v22+s4+$0x0] =	vst.idx.add.f32.msk $0xffff, v2;
	v2 =	vmul.f32 v10, v10  }
0xf9: {  	[tilespmem:v23+s4+$0x0] =	vst.idx.add.f32.msk $0xffff, v1;
	v1 =	vmul.f32 v12, v12  }
0xfa: {  	[tilespmem:v24+s4+$0x0] =	vst.idx.add.f32.msk $0xffff, v2;
	v2 =	vmul.f32 v13, v13  }
0xfb: {  	[tilespmem:v26+s4+$0x0] =	vst.idx.add.f32.msk $0xffff, v1;
	v1 =	vmul.f32 v15, v15  }
0xfc: {  	[tilespmem:v27+s4+$0x0] =	vst.idx.add.f32.msk $0xffff, v2  }
0xfd: {  	s7 =	simm.s32 $0x8380;
	s6 =	simm.s32 $0x0;
	[tilespmem:v29+s4+$0x0] =	vst.idx.add.f32.msk $0xffff, v1  }
.LBB2_18:
0xfe: {  	v1 =	vld [tilespmem:s7+$0x70];
	s6 =	sadd.s32 $0x10, s6;
	s5 =	sadd.s32 $0x200, s5  }
0xff: {  	v2 =	vld [tilespmem:s5+$0x70];
	p0 =	slt.u32 s6, $0x3F0  }
0x100: {  	v3 =	vld [tilespmem:s5+$0xFFFFFF00]  }
0x101: {  	v4 =	vld [tilespmem:s5+$0xFFFFFF10]  }
0x102: {  	v5 =	vld [tilespmem:s5+$0xFFFFFF20]  }
0x103: {  	v6 =	vld [tilespmem:s5+$0xFFFFFF30]  }
0x104: {  	v7 =	vld [tilespmem:s5+$0xFFFFFF40];
	v2 =	vmul.f32 v2, v2  }
0x105: {  	v3 =	vmul.f32 v3, v3;
	v8 =	vld [tilespmem:s5+$0xFFFFFF50]  }
0x106: {  	v4 =	vmul.f32 v4, v4;
	[tilespmem:v1+s4+$0x0] =	vst.idx.add.f32.msk $0xffff, v2  }
0x107: {  	v1 =	vmul.f32 v5, v5;
	v2 =	vld [tilespmem:s5+$0xFFFFFF60]  }
0x108: {  	v5 =	vmul.f32 v6, v6;
	v6 =	vld [tilespmem:s5+$0xFFFFFF70]  }
0x109: {  	v7 =	vmul.f32 v7, v7;
	v9 =	vld [tilespmem:s5+$0x0]  }
0x10a: {  	v8 =	vmul.f32 v8, v8;
	v10 =	vld [tilespmem:s5+$0x10]  }
0x10b: {  	v11 =	vld [tilespmem:s5+$0x20]  }
0x10c: {  	v2 =	vmul.f32 v2, v2;
	v12 =	vld [tilespmem:s5+$0x30]  }
0x10d: {  	v6 =	vmul.f32 v6, v6;
	v13 =	vld [tilespmem:s5+$0x40]  }
0x10e: {  	v9 =	vmul.f32 v9, v9;
	v14 =	vld [tilespmem:s5+$0x50]  }
0x10f: {  	v10 =	vmul.f32 v10, v10;
	v15 =	vld [tilespmem:s5+$0x60]  }
0x110: {  	v16 =	vld [tilespmem:s7+$0xFFFFFF10];
	v11 =	vmul.f32 v11, v11  }
0x111: {  	v17 =	vld [tilespmem:s7+$0xFFFFFF20];
	v12 =	vmul.f32 v12, v12  }
0x112: {  	v18 =	vld [tilespmem:s7+$0xFFFFFF30];
	v13 =	vmul.f32 v13, v13  }
0x113: {  	v19 =	vld [tilespmem:s7+$0xFFFFFF40];
	v14 =	vmul.f32 v14, v14  }
0x114: {  	v20 =	vld [tilespmem:s7+$0xFFFFFF50];
	v15 =	vmul.f32 v15, v15  }
0x115: {  	v21 =	vld [tilespmem:s7+$0xFFFFFF60]  }
0x116: {  	v22 =	vld [tilespmem:s7+$0xFFFFFF70]  }
0x117: {  	v23 =	vld [tilespmem:s7+$0x0]  }
0x118: {  	v24 =	vld [tilespmem:s7+$0x10]  }
0x119: {  	v25 =	vld [tilespmem:s7+$0x20]  }
0x11a: {  	v26 =	vld [tilespmem:s7+$0x30]  }
0x11b: {  	v27 =	vld [tilespmem:s7+$0x40]  }
0x11c: {  	v28 =	vld [tilespmem:s7+$0x50]  }
0x11d: {  	v29 =	vld [tilespmem:s7+$0x60]  }
0x11e: {  	v30 =	vld [tilespmem:s7+$0xFFFFFF00]  }
0x11f: {  	[tilespmem:v16+s4+$0x0] =	vst.idx.add.f32.msk $0xffff, v4  }
0x120: {  	[tilespmem:v17+s4+$0x0] =	vst.idx.add.f32.msk $0xffff, v1  }
0x121: {  	[tilespmem:v18+s4+$0x0] =	vst.idx.add.f32.msk $0xffff, v5  }
0x122: {  	[tilespmem:v19+s4+$0x0] =	vst.idx.add.f32.msk $0xffff, v7  }
0x123: {  	[tilespmem:v20+s4+$0x0] =	vst.idx.add.f32.msk $0xffff, v8  }
0x124: {  	[tilespmem:v21+s4+$0x0] =	vst.idx.add.f32.msk $0xffff, v2  }
0x125: {  	[tilespmem:v22+s4+$0x0] =	vst.idx.add.f32.msk $0xffff, v6  }
0x126: {  	[tilespmem:v30+s4+$0x0] =	vst.idx.add.f32.msk $0xffff, v3  }
0x127: {  	[tilespmem:v23+s4+$0x0] =	vst.idx.add.f32.msk $0xffff, v9  }
0x128: {  	[tilespmem:v24+s4+$0x0] =	vst.idx.add.f32.msk $0xffff, v10  }
.Ltmp8:
0x129: {  	[tilespmem:v25+s4+$0x0] =	vst.idx.add.f32.msk $0xffff, v11;
	(pc) =	sbr.rel @p0 .LBB2_18-.Ltmp8, $4  }
0x12a: {  	[tilespmem:v26+s4+$0x0] =	vst.idx.add.f32.msk $0xffff, v12  }
0x12b: {  	[tilespmem:v27+s4+$0x0] =	vst.idx.add.f32.msk $0xffff, v13  }
0x12c: {  	[tilespmem:v28+s4+$0x0] =	vst.idx.add.f32.msk $0xffff, v14  }
0x12d: {  	s7 =	sadd.s32 $0x200, s7;
	[tilespmem:v29+s4+$0x0] =	vst.idx.add.f32.msk $0xffff, v15  }
0x12e: {  	s5 =	simm.s32 $0x80;
	s11 =	rddreg [dreg:$0x8]  }
0x12f: {  	s6 =	simm.s32 $0x10;
	s7 =	simm.s32 $0x180;
	s8 =	sadd.s32 $0x0, s11  }
.LBB2_20:
0x130: {  	[tilespmem:s5], [sflag:$0x2] =	stream.linear.gather [hbm4b:s8+s1], $0x80, $0x38;
	[tilespmem:$0x12000] =	vst v63  }
0x131: {  	s8 =	smov.u32 s6;
	s5 =	smov.u32 s7;
	p0 =	sne.s32 s6, $0x7F0  }
.Ltmp9:
0x132: {  	s6 =	sadd.s32 $0x10, s6;
	(pc) =	sbr.rel @p0 .LBB2_20-.Ltmp9, $2  }
0x133: {  	_ =	sdelay $0x2  }
0x134: {  	s7 =	sadd.s32 $0x100, s7;
	s8 =	sadd.s32 s8, s11  }
0x135: {  	[tilespmem:s5], [sflag:$0x2] =	stream.linear.gather [hbm4b:s8+s1], $0x80, $0x38;
	[tilespmem:$0x12000] =	vst v63  }
0x136: {  	s5 =	simm.s32 $0x8080;
	s11 =	rddreg [dreg:$0x9]  }
0x137: {  	s6 =	simm.s32 $0x10;
	s7 =	simm.s32 $0x8180;
	s8 =	sadd.s32 $0x0, s11  }
.LBB2_22:
0x138: {  	[tilespmem:s5], [sflag:$0x4] =	stream.linear.gather [hbm4b:s8+s1], $0x80, $0x38;
	[tilespmem:$0x12000] =	vst v63  }
0x139: {  	s8 =	smov.u32 s6;
	s5 =	smov.u32 s7;
	p0 =	sne.s32 s6, $0x7F0  }
.Ltmp10:
0x13a: {  	s6 =	sadd.s32 $0x10, s6;
	(pc) =	sbr.rel @p0 .LBB2_22-.Ltmp10, $2  }
0x13b: {  	_ =	sdelay $0x2  }
0x13c: {  	s7 =	sadd.s32 $0x100, s7;
	s8 =	sadd.s32 s8, s11  }
0x13d: {  	[tilespmem:s5], [sflag:$0x4] =	stream.linear.gather [hbm4b:s8+s1], $0x80, $0x38;
	[tilespmem:$0x12000] =	vst v63  }
0x13e: {  	s14 =	simm.s32 $0x1  }
0x13f: {  	_ =	swait.ge [sflag:s14], $0x4000  }
0x140: {  	[sflag:s14] =	ssyncset.done $0x0  }
0x141: {  	s15 =	simm.s32 $0x3;
	[sflag:s14] =	ssyncadd.s32 $0xFFFFC000  }
0x142: {  	_ =	swait.ge [sflag:s15], $0x4000  }
0x143: {  	[sflag:s15] =	ssyncset.done $0x0  }
0x144: {  	s6 =	simm.s32 $0x8100;
	[sflag:s15] =	ssyncadd.s32 $0xFFFFC000  }
0x145: {  	s5 =	simm.s32 $0x100;
	v1 =	vld [tilespmem:s6+$0x70]  }
0x146: {  	v2 =	vld [tilespmem:s5+$0x70]  }
0x147: {  	v3 =	vld [tilespmem:s5+$0xFFFFFF00]  }
0x148: {  	v4 =	vld [tilespmem:s5+$0xFFFFFF10]  }
0x149: {  	v5 =	vld [tilespmem:s5+$0xFFFFFF20]  }
0x14a: {  	v6 =	vld [tilespmem:s5+$0xFFFFFF30]  }
0x14b: {  	v7 =	vld [tilespmem:s5+$0xFFFFFF40]  }
0x14c: {  	v8 =	vld [tilespmem:s5+$0xFFFFFF50]  }
0x14d: {  	v9 =	vld [tilespmem:s5+$0x0]  }
0x14e: {  	v10 =	vld [tilespmem:s5+$0x10]  }
0x14f: {  	v11 =	vld [tilespmem:s5+$0x20]  }
0x150: {  	v12 =	vld [tilespmem:s5+$0x30]  }
0x151: {  	v13 =	vld [tilespmem:s5+$0x40]  }
0x152: {  	v14 =	vld [tilespmem:s5+$0x50]  }
0x153: {  	v15 =	vld [tilespmem:s5+$0x60]  }
0x154: {  	v16 =	vld [tilespmem:s6+$0xFFFFFF10]  }
0x155: {  	v17 =	vld [tilespmem:s6+$0xFFFFFF20]  }
0x156: {  	v18 =	vld [tilespmem:s6+$0xFFFFFF30]  }
0x157: {  	v19 =	vld [tilespmem:s6+$0xFFFFFF40]  }
0x158: {  	v20 =	vld [tilespmem:s6+$0xFFFFFF50]  }
0x159: {  	v21 =	vld [tilespmem:s6+$0xFFFFFF60]  }
0x15a: {  	v22 =	vld [tilespmem:s6+$0xFFFFFF70]  }
0x15b: {  	v23 =	vld [tilespmem:s6+$0x0]  }
0x15c: {  	v24 =	vld [tilespmem:s6+$0x10]  }
0x15d: {  	v25 =	vld [tilespmem:s6+$0x20]  }
0x15e: {  	v26 =	vld [tilespmem:s6+$0x30]  }
0x15f: {  	v27 =	vld [tilespmem:s6+$0x40]  }
0x160: {  	v28 =	vld [tilespmem:s6+$0x50]  }
0x161: {  	v30 =	vld [tilespmem:s6+$0xFFFFFF00];
	v2 =	vmul.f32 v2, v2  }
0x162: {  	v29 =	vld [tilespmem:s6+$0x60]  }
0x163: {  	[tilespmem:v1+s4+$0x0] =	vst.idx.add.f32.msk $0xffff, v2  }
0x164: {  	v4 =	vmul.f32 v4, v4;
	v1 =	vld [tilespmem:s5+$0xFFFFFF60]  }
0x165: {  	v5 =	vmul.f32 v5, v5;
	v2 =	vld [tilespmem:s5+$0xFFFFFF70]  }
0x166: {  	v6 =	vmul.f32 v6, v6;
	[tilespmem:v16+s4+$0x0] =	vst.idx.add.f32.msk $0xffff, v4  }
0x167: {  	v3 =	vmul.f32 v3, v3;
	[tilespmem:v17+s4+$0x0] =	vst.idx.add.f32.msk $0xffff, v5  }
0x168: {  	v62 =	vmul.f32 v7, v7;
	[tilespmem:v18+s4+$0x0] =	vst.idx.add.f32.msk $0xffff, v6  }
0x169: {  	[tilespmem:v30+s4+$0x0] =	vst.idx.add.f32.msk $0xffff, v3;
	v3 =	vmul.f32 v11, v11  }
0x16a: {  	v63 =	vmul.f32 v8, v8;
	[tilespmem:v19+s4+$0x0] =	vst.idx.add.f32.msk $0xffff, v62  }
0x16b: {  	[tilespmem:v25+s4+$0x0] =	vst.idx.add.f32.msk $0xffff, v3;
	v3 =	vmul.f32 v14, v14  }
0x16c: {  	[tilespmem:v20+s4+$0x0] =	vst.idx.add.f32.msk $0xffff, v63;
	v1 =	vmul.f32 v1, v1  }
0x16d: {  	[tilespmem:v28+s4+$0x0] =	vst.idx.add.f32.msk $0xffff, v3;
	v2 =	vmul.f32 v2, v2  }
0x16e: {  	[tilespmem:v21+s4+$0x0] =	vst.idx.add.f32.msk $0xffff, v1;
	v1 =	vmul.f32 v9, v9  }
0x16f: {  	[tilespmem:v22+s4+$0x0] =	vst.idx.add.f32.msk $0xffff, v2;
	v2 =	vmul.f32 v10, v10  }
0x170: {  	[tilespmem:v23+s4+$0x0] =	vst.idx.add.f32.msk $0xffff, v1;
	v1 =	vmul.f32 v12, v12  }
0x171: {  	[tilespmem:v24+s4+$0x0] =	vst.idx.add.f32.msk $0xffff, v2;
	v2 =	vmul.f32 v13, v13  }
0x172: {  	[tilespmem:v26+s4+$0x0] =	vst.idx.add.f32.msk $0xffff, v1;
	v1 =	vmul.f32 v15, v15  }
0x173: {  	[tilespmem:v27+s4+$0x0] =	vst.idx.add.f32.msk $0xffff, v2  }
0x174: {  	s7 =	simm.s32 $0x8300;
	s6 =	simm.s32 $0x0;
	[tilespmem:v29+s4+$0x0] =	vst.idx.add.f32.msk $0xffff, v1  }
.LBB2_24:
0x175: {  	v1 =	vld [tilespmem:s7+$0x70];
	s6 =	sadd.s32 $0x10, s6;
	s5 =	sadd.s32 $0x200, s5  }
0x176: {  	v2 =	vld [tilespmem:s5+$0x70];
	p0 =	slt.u32 s6, $0x3F0  }
0x177: {  	v3 =	vld [tilespmem:s5+$0xFFFFFF00]  }
0x178: {  	v4 =	vld [tilespmem:s5+$0xFFFFFF10]  }
0x179: {  	v5 =	vld [tilespmem:s5+$0xFFFFFF20]  }
0x17a: {  	v6 =	vld [tilespmem:s5+$0xFFFFFF30]  }
0x17b: {  	v7 =	vld [tilespmem:s5+$0xFFFFFF40];
	v2 =	vmul.f32 v2, v2  }
0x17c: {  	v3 =	vmul.f32 v3, v3;
	v8 =	vld [tilespmem:s5+$0xFFFFFF50]  }
0x17d: {  	v4 =	vmul.f32 v4, v4;
	[tilespmem:v1+s4+$0x0] =	vst.idx.add.f32.msk $0xffff, v2  }
0x17e: {  	v1 =	vmul.f32 v5, v5;
	v2 =	vld [tilespmem:s5+$0xFFFFFF60]  }
0x17f: {  	v5 =	vmul.f32 v6, v6;
	v6 =	vld [tilespmem:s5+$0xFFFFFF70]  }
0x180: {  	v7 =	vmul.f32 v7, v7;
	v9 =	vld [tilespmem:s5+$0x0]  }
0x181: {  	v8 =	vmul.f32 v8, v8;
	v10 =	vld [tilespmem:s5+$0x10]  }
0x182: {  	v11 =	vld [tilespmem:s5+$0x20]  }
0x183: {  	v2 =	vmul.f32 v2, v2;
	v12 =	vld [tilespmem:s5+$0x30]  }
0x184: {  	v6 =	vmul.f32 v6, v6;
	v13 =	vld [tilespmem:s5+$0x40]  }
0x185: {  	v9 =	vmul.f32 v9, v9;
	v14 =	vld [tilespmem:s5+$0x50]  }
0x186: {  	v10 =	vmul.f32 v10, v10;
	v15 =	vld [tilespmem:s5+$0x60]  }
0x187: {  	v16 =	vld [tilespmem:s7+$0xFFFFFF10];
	v11 =	vmul.f32 v11, v11  }
0x188: {  	v17 =	vld [tilespmem:s7+$0xFFFFFF20];
	v12 =	vmul.f32 v12, v12  }
0x189: {  	v18 =	vld [tilespmem:s7+$0xFFFFFF30];
	v13 =	vmul.f32 v13, v13  }
0x18a: {  	v19 =	vld [tilespmem:s7+$0xFFFFFF40];
	v14 =	vmul.f32 v14, v14  }
0x18b: {  	v20 =	vld [tilespmem:s7+$0xFFFFFF50];
	v15 =	vmul.f32 v15, v15  }
0x18c: {  	v21 =	vld [tilespmem:s7+$0xFFFFFF60]  }
0x18d: {  	v22 =	vld [tilespmem:s7+$0xFFFFFF70]  }
0x18e: {  	v23 =	vld [tilespmem:s7+$0x0]  }
0x18f: {  	v24 =	vld [tilespmem:s7+$0x10]  }
0x190: {  	v25 =	vld [tilespmem:s7+$0x20]  }
0x191: {  	v26 =	vld [tilespmem:s7+$0x30]  }
0x192: {  	v27 =	vld [tilespmem:s7+$0x40]  }
0x193: {  	v28 =	vld [tilespmem:s7+$0x50]  }
0x194: {  	v29 =	vld [tilespmem:s7+$0x60]  }
0x195: {  	v30 =	vld [tilespmem:s7+$0xFFFFFF00]  }
0x196: {  	[tilespmem:v16+s4+$0x0] =	vst.idx.add.f32.msk $0xffff, v4  }
0x197: {  	[tilespmem:v17+s4+$0x0] =	vst.idx.add.f32.msk $0xffff, v1  }
0x198: {  	[tilespmem:v18+s4+$0x0] =	vst.idx.add.f32.msk $0xffff, v5  }
0x199: {  	[tilespmem:v19+s4+$0x0] =	vst.idx.add.f32.msk $0xffff, v7  }
0x19a: {  	[tilespmem:v20+s4+$0x0] =	vst.idx.add.f32.msk $0xffff, v8  }
0x19b: {  	[tilespmem:v21+s4+$0x0] =	vst.idx.add.f32.msk $0xffff, v2  }
0x19c: {  	[tilespmem:v22+s4+$0x0] =	vst.idx.add.f32.msk $0xffff, v6  }
0x19d: {  	[tilespmem:v30+s4+$0x0] =	vst.idx.add.f32.msk $0xffff, v3  }
0x19e: {  	[tilespmem:v23+s4+$0x0] =	vst.idx.add.f32.msk $0xffff, v9  }
0x19f: {  	[tilespmem:v24+s4+$0x0] =	vst.idx.add.f32.msk $0xffff, v10  }
.Ltmp11:
0x1a0: {  	[tilespmem:v25+s4+$0x0] =	vst.idx.add.f32.msk $0xffff, v11;
	(pc) =	sbr.rel @p0 .LBB2_24-.Ltmp11, $4  }
0x1a1: {  	[tilespmem:v26+s4+$0x0] =	vst.idx.add.f32.msk $0xffff, v12  }
0x1a2: {  	[tilespmem:v27+s4+$0x0] =	vst.idx.add.f32.msk $0xffff, v13  }
0x1a3: {  	[tilespmem:v28+s4+$0x0] =	vst.idx.add.f32.msk $0xffff, v14  }
0x1a4: {  	s7 =	sadd.s32 $0x200, s7;
	[tilespmem:v29+s4+$0x0] =	vst.idx.add.f32.msk $0xffff, v15  }
0x1a5: {  	s5 =	simm.s32 $0x0;
	s12 =	rddreg [dreg:$0xa]  }
0x1a6: {  	s6 =	simm.s32 $0x10;
	s7 =	simm.s32 $0x100;
	s8 =	sadd.s32 $0x0, s12  }
.LBB2_26:
0x1a7: {  	[tilespmem:s5], [sflag:$0x1] =	stream.linear.gather [hbm4b:s8+s1], $0x80, $0x38;
	[tilespmem:$0x12000] =	vst v63  }
0x1a8: {  	s8 =	smov.u32 s6;
	s5 =	smov.u32 s7;
	p0 =	sne.s32 s6, $0x7F0  }
.Ltmp12:
0x1a9: {  	s6 =	sadd.s32 $0x10, s6;
	(pc) =	sbr.rel @p0 .LBB2_26-.Ltmp12, $2  }
0x1aa: {  	_ =	sdelay $0x2  }
0x1ab: {  	s7 =	sadd.s32 $0x100, s7;
	s8 =	sadd.s32 s8, s12  }
0x1ac: {  	[tilespmem:s5], [sflag:$0x1] =	stream.linear.gather [hbm4b:s8+s1], $0x80, $0x38;
	[tilespmem:$0x12000] =	vst v63  }
0x1ad: {  	s5 =	simm.s32 $0x8000;
	s12 =	rddreg [dreg:$0xb]  }
0x1ae: {  	s6 =	simm.s32 $0x10;
	s7 =	simm.s32 $0x8100;
	s8 =	sadd.s32 $0x0, s12  }
.LBB2_28:
0x1af: {  	[tilespmem:s5], [sflag:$0x3] =	stream.linear.gather [hbm4b:s8+s1], $0x80, $0x38;
	[tilespmem:$0x12000] =	vst v63  }
0x1b0: {  	s8 =	smov.u32 s6;
	s5 =	smov.u32 s7;
	p0 =	sne.s32 s6, $0x7F0  }
.Ltmp13:
0x1b1: {  	s6 =	sadd.s32 $0x10, s6;
	(pc) =	sbr.rel @p0 .LBB2_28-.Ltmp13, $2  }
0x1b2: {  	_ =	sdelay $0x2  }
0x1b3: {  	s7 =	sadd.s32 $0x100, s7;
	s8 =	sadd.s32 s8, s12  }
0x1b4: {  	[tilespmem:s5], [sflag:$0x3] =	stream.linear.gather [hbm4b:s8+s1], $0x80, $0x38;
	[tilespmem:$0x12000] =	vst v63  }
0x1b5: {  	s14 =	simm.s32 $0x2  }
0x1b6: {  	_ =	swait.ge [sflag:s14], $0x4000  }
0x1b7: {  	[sflag:s14] =	ssyncset.done $0x0  }
0x1b8: {  	s15 =	simm.s32 $0x4;
	[sflag:s14] =	ssyncadd.s32 $0xFFFFC000  }
0x1b9: {  	_ =	swait.ge [sflag:s15], $0x4000  }
0x1ba: {  	[sflag:s15] =	ssyncset.done $0x0  }
0x1bb: {  	s6 =	simm.s32 $0x8180;
	[sflag:s15] =	ssyncadd.s32 $0xFFFFC000  }
0x1bc: {  	s5 =	simm.s32 $0x180;
	v1 =	vld [tilespmem:s6+$0x70]  }
0x1bd: {  	v2 =	vld [tilespmem:s5+$0x70]  }
0x1be: {  	v3 =	vld [tilespmem:s5+$0xFFFFFF00]  }
0x1bf: {  	v4 =	vld [tilespmem:s5+$0xFFFFFF10]  }
0x1c0: {  	v5 =	vld [tilespmem:s5+$0xFFFFFF20]  }
0x1c1: {  	v6 =	vld [tilespmem:s5+$0xFFFFFF30]  }
0x1c2: {  	v7 =	vld [tilespmem:s5+$0xFFFFFF40]  }
0x1c3: {  	v8 =	vld [tilespmem:s5+$0xFFFFFF50]  }
0x1c4: {  	v9 =	vld [tilespmem:s5+$0x0]  }
0x1c5: {  	v10 =	vld [tilespmem:s5+$0x10]  }
0x1c6: {  	v11 =	vld [tilespmem:s5+$0x20]  }
0x1c7: {  	v12 =	vld [tilespmem:s5+$0x30]  }
0x1c8: {  	v13 =	vld [tilespmem:s5+$0x40]  }
0x1c9: {  	v14 =	vld [tilespmem:s5+$0x50]  }
0x1ca: {  	v15 =	vld [tilespmem:s5+$0x60]  }
0x1cb: {  	v16 =	vld [tilespmem:s6+$0xFFFFFF10]  }
0x1cc: {  	v17 =	vld [tilespmem:s6+$0xFFFFFF20]  }
0x1cd: {  	v18 =	vld [tilespmem:s6+$0xFFFFFF30]  }
0x1ce: {  	v19 =	vld [tilespmem:s6+$0xFFFFFF40]  }
0x1cf: {  	v20 =	vld [tilespmem:s6+$0xFFFFFF50]  }
0x1d0: {  	v21 =	vld [tilespmem:s6+$0xFFFFFF60]  }
0x1d1: {  	v22 =	vld [tilespmem:s6+$0xFFFFFF70]  }
0x1d2: {  	v23 =	vld [tilespmem:s6+$0x0]  }
0x1d3: {  	v24 =	vld [tilespmem:s6+$0x10]  }
0x1d4: {  	v25 =	vld [tilespmem:s6+$0x20]  }
0x1d5: {  	v26 =	vld [tilespmem:s6+$0x30]  }
0x1d6: {  	v27 =	vld [tilespmem:s6+$0x40]  }
0x1d7: {  	v28 =	vld [tilespmem:s6+$0x50]  }
0x1d8: {  	v30 =	vld [tilespmem:s6+$0xFFFFFF00];
	v2 =	vmul.f32 v2, v2  }
0x1d9: {  	v29 =	vld [tilespmem:s6+$0x60]  }
0x1da: {  	[tilespmem:v1+s4+$0x0] =	vst.idx.add.f32.msk $0xffff, v2  }
0x1db: {  	v4 =	vmul.f32 v4, v4;
	v1 =	vld [tilespmem:s5+$0xFFFFFF60]  }
0x1dc: {  	v5 =	vmul.f32 v5, v5;
	v2 =	vld [tilespmem:s5+$0xFFFFFF70]  }
0x1dd: {  	v6 =	vmul.f32 v6, v6;
	[tilespmem:v16+s4+$0x0] =	vst.idx.add.f32.msk $0xffff, v4  }
0x1de: {  	v3 =	vmul.f32 v3, v3;
	[tilespmem:v17+s4+$0x0] =	vst.idx.add.f32.msk $0xffff, v5  }
0x1df: {  	v62 =	vmul.f32 v7, v7;
	[tilespmem:v18+s4+$0x0] =	vst.idx.add.f32.msk $0xffff, v6  }
0x1e0: {  	[tilespmem:v30+s4+$0x0] =	vst.idx.add.f32.msk $0xffff, v3;
	v3 =	vmul.f32 v11, v11  }
0x1e1: {  	v63 =	vmul.f32 v8, v8;
	[tilespmem:v19+s4+$0x0] =	vst.idx.add.f32.msk $0xffff, v62  }
0x1e2: {  	[tilespmem:v25+s4+$0x0] =	vst.idx.add.f32.msk $0xffff, v3;
	v3 =	vmul.f32 v14, v14  }
0x1e3: {  	[tilespmem:v20+s4+$0x0] =	vst.idx.add.f32.msk $0xffff, v63;
	v1 =	vmul.f32 v1, v1  }
0x1e4: {  	[tilespmem:v28+s4+$0x0] =	vst.idx.add.f32.msk $0xffff, v3;
	v2 =	vmul.f32 v2, v2  }
0x1e5: {  	[tilespmem:v21+s4+$0x0] =	vst.idx.add.f32.msk $0xffff, v1;
	v1 =	vmul.f32 v9, v9  }
0x1e6: {  	[tilespmem:v22+s4+$0x0] =	vst.idx.add.f32.msk $0xffff, v2;
	v2 =	vmul.f32 v10, v10  }
0x1e7: {  	[tilespmem:v23+s4+$0x0] =	vst.idx.add.f32.msk $0xffff, v1;
	v1 =	vmul.f32 v12, v12  }
0x1e8: {  	[tilespmem:v24+s4+$0x0] =	vst.idx.add.f32.msk $0xffff, v2;
	v2 =	vmul.f32 v13, v13  }
0x1e9: {  	[tilespmem:v26+s4+$0x0] =	vst.idx.add.f32.msk $0xffff, v1;
	v1 =	vmul.f32 v15, v15  }
0x1ea: {  	[tilespmem:v27+s4+$0x0] =	vst.idx.add.f32.msk $0xffff, v2  }
0x1eb: {  	s7 =	simm.s32 $0x8380;
	s6 =	simm.s32 $0x0;
	[tilespmem:v29+s4+$0x0] =	vst.idx.add.f32.msk $0xffff, v1  }
.LBB2_30:
0x1ec: {  	v1 =	vld [tilespmem:s7+$0x70];
	s6 =	sadd.s32 $0x10, s6;
	s5 =	sadd.s32 $0x200, s5  }
0x1ed: {  	v2 =	vld [tilespmem:s5+$0x70];
	p0 =	slt.u32 s6, $0x3F0  }
0x1ee: {  	v3 =	vld [tilespmem:s5+$0xFFFFFF00]  }
0x1ef: {  	v4 =	vld [tilespmem:s5+$0xFFFFFF10]  }
0x1f0: {  	v5 =	vld [tilespmem:s5+$0xFFFFFF20]  }
0x1f1: {  	v6 =	vld [tilespmem:s5+$0xFFFFFF30]  }
0x1f2: {  	v7 =	vld [tilespmem:s5+$0xFFFFFF40];
	v2 =	vmul.f32 v2, v2  }
0x1f3: {  	v3 =	vmul.f32 v3, v3;
	v8 =	vld [tilespmem:s5+$0xFFFFFF50]  }
0x1f4: {  	v4 =	vmul.f32 v4, v4;
	[tilespmem:v1+s4+$0x0] =	vst.idx.add.f32.msk $0xffff, v2  }
0x1f5: {  	v1 =	vmul.f32 v5, v5;
	v2 =	vld [tilespmem:s5+$0xFFFFFF60]  }
0x1f6: {  	v5 =	vmul.f32 v6, v6;
	v6 =	vld [tilespmem:s5+$0xFFFFFF70]  }
0x1f7: {  	v7 =	vmul.f32 v7, v7;
	v9 =	vld [tilespmem:s5+$0x0]  }
0x1f8: {  	v8 =	vmul.f32 v8, v8;
	v10 =	vld [tilespmem:s5+$0x10]  }
0x1f9: {  	v11 =	vld [tilespmem:s5+$0x20]  }
0x1fa: {  	v2 =	vmul.f32 v2, v2;
	v12 =	vld [tilespmem:s5+$0x30]  }
0x1fb: {  	v6 =	vmul.f32 v6, v6;
	v13 =	vld [tilespmem:s5+$0x40]  }
0x1fc: {  	v9 =	vmul.f32 v9, v9;
	v14 =	vld [tilespmem:s5+$0x50]  }
0x1fd: {  	v10 =	vmul.f32 v10, v10;
	v15 =	vld [tilespmem:s5+$0x60]  }
0x1fe: {  	v16 =	vld [tilespmem:s7+$0xFFFFFF10];
	v11 =	vmul.f32 v11, v11  }
0x1ff: {  	v17 =	vld [tilespmem:s7+$0xFFFFFF20];
	v12 =	vmul.f32 v12, v12  }
0x200: {  	v18 =	vld [tilespmem:s7+$0xFFFFFF30];
	v13 =	vmul.f32 v13, v13  }
0x201: {  	v19 =	vld [tilespmem:s7+$0xFFFFFF40];
	v14 =	vmul.f32 v14, v14  }
0x202: {  	v20 =	vld [tilespmem:s7+$0xFFFFFF50];
	v15 =	vmul.f32 v15, v15  }
0x203: {  	v21 =	vld [tilespmem:s7+$0xFFFFFF60]  }
0x204: {  	v22 =	vld [tilespmem:s7+$0xFFFFFF70]  }
0x205: {  	v23 =	vld [tilespmem:s7+$0x0]  }
0x206: {  	v24 =	vld [tilespmem:s7+$0x10]  }
0x207: {  	v25 =	vld [tilespmem:s7+$0x20]  }
0x208: {  	v26 =	vld [tilespmem:s7+$0x30]  }
0x209: {  	v27 =	vld [tilespmem:s7+$0x40]  }
0x20a: {  	v28 =	vld [tilespmem:s7+$0x50]  }
0x20b: {  	v29 =	vld [tilespmem:s7+$0x60]  }
0x20c: {  	v30 =	vld [tilespmem:s7+$0xFFFFFF00]  }
0x20d: {  	[tilespmem:v16+s4+$0x0] =	vst.idx.add.f32.msk $0xffff, v4  }
0x20e: {  	[tilespmem:v17+s4+$0x0] =	vst.idx.add.f32.msk $0xffff, v1  }
0x20f: {  	[tilespmem:v18+s4+$0x0] =	vst.idx.add.f32.msk $0xffff, v5  }
0x210: {  	[tilespmem:v19+s4+$0x0] =	vst.idx.add.f32.msk $0xffff, v7  }
0x211: {  	[tilespmem:v20+s4+$0x0] =	vst.idx.add.f32.msk $0xffff, v8  }
0x212: {  	[tilespmem:v21+s4+$0x0] =	vst.idx.add.f32.msk $0xffff, v2  }
0x213: {  	[tilespmem:v22+s4+$0x0] =	vst.idx.add.f32.msk $0xffff, v6  }
0x214: {  	[tilespmem:v30+s4+$0x0] =	vst.idx.add.f32.msk $0xffff, v3  }
0x215: {  	[tilespmem:v23+s4+$0x0] =	vst.idx.add.f32.msk $0xffff, v9  }
0x216: {  	[tilespmem:v24+s4+$0x0] =	vst.idx.add.f32.msk $0xffff, v10  }
.Ltmp14:
0x217: {  	[tilespmem:v25+s4+$0x0] =	vst.idx.add.f32.msk $0xffff, v11;
	(pc) =	sbr.rel @p0 .LBB2_30-.Ltmp14, $4  }
0x218: {  	[tilespmem:v26+s4+$0x0] =	vst.idx.add.f32.msk $0xffff, v12  }
0x219: {  	[tilespmem:v27+s4+$0x0] =	vst.idx.add.f32.msk $0xffff, v13  }
0x21a: {  	[tilespmem:v28+s4+$0x0] =	vst.idx.add.f32.msk $0xffff, v14  }
0x21b: {  	s7 =	sadd.s32 $0x200, s7;
	[tilespmem:v29+s4+$0x0] =	vst.idx.add.f32.msk $0xffff, v15  }
0x21c: {  	s5 =	simm.s32 $0x80;
	s13 =	rddreg [dreg:$0xc]  }
0x21d: {  	s6 =	simm.s32 $0x10;
	s7 =	simm.s32 $0x180;
	s8 =	sadd.s32 $0x0, s13  }
.LBB2_32:
0x21e: {  	[tilespmem:s5], [sflag:$0x2] =	stream.linear.gather [hbm4b:s8+s1], $0x80, $0x38;
	[tilespmem:$0x12000] =	vst v63  }
0x21f: {  	s8 =	smov.u32 s6;
	s5 =	smov.u32 s7;
	p0 =	sne.s32 s6, $0x7F0  }
.Ltmp15:
0x220: {  	s6 =	sadd.s32 $0x10, s6;
	(pc) =	sbr.rel @p0 .LBB2_32-.Ltmp15, $2  }
0x221: {  	_ =	sdelay $0x2  }
0x222: {  	s7 =	sadd.s32 $0x100, s7;
	s8 =	sadd.s32 s8, s13  }
0x223: {  	[tilespmem:s5], [sflag:$0x2] =	stream.linear.gather [hbm4b:s8+s1], $0x80, $0x38;
	[tilespmem:$0x12000] =	vst v63  }
0x224: {  	s5 =	simm.s32 $0x8080;
	s13 =	rddreg [dreg:$0xd]  }
0x225: {  	s6 =	simm.s32 $0x10;
	s7 =	simm.s32 $0x8180;
	s8 =	sadd.s32 $0x0, s13  }
.LBB2_34:
0x226: {  	[tilespmem:s5], [sflag:$0x4] =	stream.linear.gather [hbm4b:s8+s1], $0x80, $0x38;
	[tilespmem:$0x12000] =	vst v63  }
0x227: {  	s8 =	smov.u32 s6;
	s5 =	smov.u32 s7;
	p0 =	sne.s32 s6, $0x7F0  }
.Ltmp16:
0x228: {  	s6 =	sadd.s32 $0x10, s6;
	(pc) =	sbr.rel @p0 .LBB2_34-.Ltmp16, $2  }
0x229: {  	_ =	sdelay $0x2  }
0x22a: {  	s7 =	sadd.s32 $0x100, s7;
	s8 =	sadd.s32 s8, s13  }
0x22b: {  	[tilespmem:s5], [sflag:$0x4] =	stream.linear.gather [hbm4b:s8+s1], $0x80, $0x38;
	[tilespmem:$0x12000] =	vst v63  }
0x22c: {  	s14 =	simm.s32 $0x1  }
0x22d: {  	_ =	swait.ge [sflag:s14], $0x4000  }
0x22e: {  	[sflag:s14] =	ssyncset.done $0x0  }
0x22f: {  	s15 =	simm.s32 $0x3;
	[sflag:s14] =	ssyncadd.s32 $0xFFFFC000  }
0x230: {  	_ =	swait.ge [sflag:s15], $0x4000  }
0x231: {  	[sflag:s15] =	ssyncset.done $0x0  }
0x232: {  	s6 =	simm.s32 $0x8100;
	[sflag:s15] =	ssyncadd.s32 $0xFFFFC000  }
0x233: {  	s5 =	simm.s32 $0x100;
	v1 =	vld [tilespmem:s6+$0x70]  }
0x234: {  	v2 =	vld [tilespmem:s5+$0x70]  }
0x235: {  	v3 =	vld [tilespmem:s5+$0xFFFFFF00]  }
0x236: {  	v4 =	vld [tilespmem:s5+$0xFFFFFF10]  }
0x237: {  	v5 =	vld [tilespmem:s5+$0xFFFFFF20]  }
0x238: {  	v6 =	vld [tilespmem:s5+$0xFFFFFF30]  }
0x239: {  	v7 =	vld [tilespmem:s5+$0xFFFFFF40]  }
0x23a: {  	v8 =	vld [tilespmem:s5+$0xFFFFFF50]  }
0x23b: {  	v9 =	vld [tilespmem:s5+$0x0]  }
0x23c: {  	v10 =	vld [tilespmem:s5+$0x10]  }
0x23d: {  	v11 =	vld [tilespmem:s5+$0x20]  }
0x23e: {  	v12 =	vld [tilespmem:s5+$0x30]  }
0x23f: {  	v13 =	vld [tilespmem:s5+$0x40]  }
0x240: {  	v14 =	vld [tilespmem:s5+$0x50]  }
0x241: {  	v15 =	vld [tilespmem:s5+$0x60]  }
0x242: {  	v16 =	vld [tilespmem:s6+$0xFFFFFF10]  }
0x243: {  	v17 =	vld [tilespmem:s6+$0xFFFFFF20]  }
0x244: {  	v18 =	vld [tilespmem:s6+$0xFFFFFF30]  }
0x245: {  	v19 =	vld [tilespmem:s6+$0xFFFFFF40]  }
0x246: {  	v20 =	vld [tilespmem:s6+$0xFFFFFF50]  }
0x247: {  	v21 =	vld [tilespmem:s6+$0xFFFFFF60]  }
0x248: {  	v22 =	vld [tilespmem:s6+$0xFFFFFF70]  }
0x249: {  	v23 =	vld [tilespmem:s6+$0x0]  }
0x24a: {  	v24 =	vld [tilespmem:s6+$0x10]  }
0x24b: {  	v25 =	vld [tilespmem:s6+$0x20]  }
0x24c: {  	v26 =	vld [tilespmem:s6+$0x30]  }
0x24d: {  	v27 =	vld [tilespmem:s6+$0x40]  }
0x24e: {  	v28 =	vld [tilespmem:s6+$0x50]  }
0x24f: {  	v30 =	vld [tilespmem:s6+$0xFFFFFF00];
	v2 =	vmul.f32 v2, v2  }
0x250: {  	v29 =	vld [tilespmem:s6+$0x60]  }
0x251: {  	[tilespmem:v1+s4+$0x0] =	vst.idx.add.f32.msk $0xffff, v2  }
0x252: {  	v4 =	vmul.f32 v4, v4;
	v1 =	vld [tilespmem:s5+$0xFFFFFF60]  }
0x253: {  	v5 =	vmul.f32 v5, v5;
	v2 =	vld [tilespmem:s5+$0xFFFFFF70]  }
0x254: {  	v6 =	vmul.f32 v6, v6;
	[tilespmem:v16+s4+$0x0] =	vst.idx.add.f32.msk $0xffff, v4  }
0x255: {  	v3 =	vmul.f32 v3, v3;
	[tilespmem:v17+s4+$0x0] =	vst.idx.add.f32.msk $0xffff, v5  }
0x256: {  	v62 =	vmul.f32 v7, v7;
	[tilespmem:v18+s4+$0x0] =	vst.idx.add.f32.msk $0xffff, v6  }
0x257: {  	[tilespmem:v30+s4+$0x0] =	vst.idx.add.f32.msk $0xffff, v3;
	v3 =	vmul.f32 v11, v11  }
0x258: {  	v63 =	vmul.f32 v8, v8;
	[tilespmem:v19+s4+$0x0] =	vst.idx.add.f32.msk $0xffff, v62  }
0x259: {  	[tilespmem:v25+s4+$0x0] =	vst.idx.add.f32.msk $0xffff, v3;
	v3 =	vmul.f32 v14, v14  }
0x25a: {  	[tilespmem:v20+s4+$0x0] =	vst.idx.add.f32.msk $0xffff, v63;
	v1 =	vmul.f32 v1, v1  }
0x25b: {  	[tilespmem:v28+s4+$0x0] =	vst.idx.add.f32.msk $0xffff, v3;
	v2 =	vmul.f32 v2, v2  }
0x25c: {  	[tilespmem:v21+s4+$0x0] =	vst.idx.add.f32.msk $0xffff, v1;
	v1 =	vmul.f32 v9, v9  }
0x25d: {  	[tilespmem:v22+s4+$0x0] =	vst.idx.add.f32.msk $0xffff, v2;
	v2 =	vmul.f32 v10, v10  }
0x25e: {  	[tilespmem:v23+s4+$0x0] =	vst.idx.add.f32.msk $0xffff, v1;
	v1 =	vmul.f32 v12, v12  }
0x25f: {  	[tilespmem:v24+s4+$0x0] =	vst.idx.add.f32.msk $0xffff, v2;
	v2 =	vmul.f32 v13, v13  }
0x260: {  	[tilespmem:v26+s4+$0x0] =	vst.idx.add.f32.msk $0xffff, v1;
	v1 =	vmul.f32 v15, v15  }
0x261: {  	[tilespmem:v27+s4+$0x0] =	vst.idx.add.f32.msk $0xffff, v2  }
0x262: {  	s7 =	simm.s32 $0x8300;
	s6 =	simm.s32 $0x0;
	[tilespmem:v29+s4+$0x0] =	vst.idx.add.f32.msk $0xffff, v1  }
.LBB2_36:
0x263: {  	v1 =	vld [tilespmem:s7+$0x70];
	s6 =	sadd.s32 $0x10, s6;
	s5 =	sadd.s32 $0x200, s5  }
0x264: {  	v2 =	vld [tilespmem:s5+$0x70];
	p0 =	slt.u32 s6, $0x3F0  }
0x265: {  	v3 =	vld [tilespmem:s5+$0xFFFFFF00]  }
0x266: {  	v4 =	vld [tilespmem:s5+$0xFFFFFF10]  }
0x267: {  	v5 =	vld [tilespmem:s5+$0xFFFFFF20]  }
0x268: {  	v6 =	vld [tilespmem:s5+$0xFFFFFF30]  }
0x269: {  	v7 =	vld [tilespmem:s5+$0xFFFFFF40];
	v2 =	vmul.f32 v2, v2  }
0x26a: {  	v3 =	vmul.f32 v3, v3;
	v8 =	vld [tilespmem:s5+$0xFFFFFF50]  }
0x26b: {  	v4 =	vmul.f32 v4, v4;
	[tilespmem:v1+s4+$0x0] =	vst.idx.add.f32.msk $0xffff, v2  }
0x26c: {  	v1 =	vmul.f32 v5, v5;
	v2 =	vld [tilespmem:s5+$0xFFFFFF60]  }
0x26d: {  	v5 =	vmul.f32 v6, v6;
	v6 =	vld [tilespmem:s5+$0xFFFFFF70]  }
0x26e: {  	v7 =	vmul.f32 v7, v7;
	v9 =	vld [tilespmem:s5+$0x0]  }
0x26f: {  	v8 =	vmul.f32 v8, v8;
	v10 =	vld [tilespmem:s5+$0x10]  }
0x270: {  	v11 =	vld [tilespmem:s5+$0x20]  }
0x271: {  	v2 =	vmul.f32 v2, v2;
	v12 =	vld [tilespmem:s5+$0x30]  }
0x272: {  	v6 =	vmul.f32 v6, v6;
	v13 =	vld [tilespmem:s5+$0x40]  }
0x273: {  	v9 =	vmul.f32 v9, v9;
	v14 =	vld [tilespmem:s5+$0x50]  }
0x274: {  	v10 =	vmul.f32 v10, v10;
	v15 =	vld [tilespmem:s5+$0x60]  }
0x275: {  	v16 =	vld [tilespmem:s7+$0xFFFFFF10];
	v11 =	vmul.f32 v11, v11  }
0x276: {  	v17 =	vld [tilespmem:s7+$0xFFFFFF20];
	v12 =	vmul.f32 v12, v12  }
0x277: {  	v18 =	vld [tilespmem:s7+$0xFFFFFF30];
	v13 =	vmul.f32 v13, v13  }
0x278: {  	v19 =	vld [tilespmem:s7+$0xFFFFFF40];
	v14 =	vmul.f32 v14, v14  }
0x279: {  	v20 =	vld [tilespmem:s7+$0xFFFFFF50];
	v15 =	vmul.f32 v15, v15  }
0x27a: {  	v21 =	vld [tilespmem:s7+$0xFFFFFF60]  }
0x27b: {  	v22 =	vld [tilespmem:s7+$0xFFFFFF70]  }
0x27c: {  	v23 =	vld [tilespmem:s7+$0x0]  }
0x27d: {  	v24 =	vld [tilespmem:s7+$0x10]  }
0x27e: {  	v25 =	vld [tilespmem:s7+$0x20]  }
0x27f: {  	v26 =	vld [tilespmem:s7+$0x30]  }
0x280: {  	v27 =	vld [tilespmem:s7+$0x40]  }
0x281: {  	v28 =	vld [tilespmem:s7+$0x50]  }
0x282: {  	v29 =	vld [tilespmem:s7+$0x60]  }
0x283: {  	v30 =	vld [tilespmem:s7+$0xFFFFFF00]  }
0x284: {  	[tilespmem:v16+s4+$0x0] =	vst.idx.add.f32.msk $0xffff, v4  }
0x285: {  	[tilespmem:v17+s4+$0x0] =	vst.idx.add.f32.msk $0xffff, v1  }
0x286: {  	[tilespmem:v18+s4+$0x0] =	vst.idx.add.f32.msk $0xffff, v5  }
0x287: {  	[tilespmem:v19+s4+$0x0] =	vst.idx.add.f32.msk $0xffff, v7  }
0x288: {  	[tilespmem:v20+s4+$0x0] =	vst.idx.add.f32.msk $0xffff, v8  }
0x289: {  	[tilespmem:v21+s4+$0x0] =	vst.idx.add.f32.msk $0xffff, v2  }
0x28a: {  	[tilespmem:v22+s4+$0x0] =	vst.idx.add.f32.msk $0xffff, v6  }
0x28b: {  	[tilespmem:v30+s4+$0x0] =	vst.idx.add.f32.msk $0xffff, v3  }
0x28c: {  	[tilespmem:v23+s4+$0x0] =	vst.idx.add.f32.msk $0xffff, v9  }
0x28d: {  	[tilespmem:v24+s4+$0x0] =	vst.idx.add.f32.msk $0xffff, v10  }
.Ltmp17:
0x28e: {  	[tilespmem:v25+s4+$0x0] =	vst.idx.add.f32.msk $0xffff, v11;
	(pc) =	sbr.rel @p0 .LBB2_36-.Ltmp17, $4  }
0x28f: {  	[tilespmem:v26+s4+$0x0] =	vst.idx.add.f32.msk $0xffff, v12  }
0x290: {  	[tilespmem:v27+s4+$0x0] =	vst.idx.add.f32.msk $0xffff, v13  }
0x291: {  	[tilespmem:v28+s4+$0x0] =	vst.idx.add.f32.msk $0xffff, v14  }
0x292: {  	s7 =	sadd.s32 $0x200, s7;
	[tilespmem:v29+s4+$0x0] =	vst.idx.add.f32.msk $0xffff, v15  }
0x293: {  	s5 =	simm.s32 $0x0;
	s14 =	rddreg [dreg:$0xe]  }
0x294: {  	s6 =	simm.s32 $0x10;
	s7 =	simm.s32 $0x100;
	s8 =	sadd.s32 $0x0, s14  }
.LBB2_38:
0x295: {  	[tilespmem:s5], [sflag:$0x1] =	stream.linear.gather [hbm4b:s8+s1], $0x80, $0x38;
	[tilespmem:$0x12000] =	vst v63  }
0x296: {  	s8 =	smov.u32 s6;
	s5 =	smov.u32 s7;
	p0 =	sne.s32 s6, $0x7F0  }
.Ltmp18:
0x297: {  	s6 =	sadd.s32 $0x10, s6;
	(pc) =	sbr.rel @p0 .LBB2_38-.Ltmp18, $2  }
0x298: {  	_ =	sdelay $0x2  }
0x299: {  	s7 =	sadd.s32 $0x100, s7;
	s8 =	sadd.s32 s8, s14  }
0x29a: {  	[tilespmem:s5], [sflag:$0x1] =	stream.linear.gather [hbm4b:s8+s1], $0x80, $0x38;
	[tilespmem:$0x12000] =	vst v63  }
0x29b: {  	s5 =	simm.s32 $0x8000;
	s14 =	rddreg [dreg:$0xf]  }
0x29c: {  	s6 =	simm.s32 $0x10;
	s7 =	simm.s32 $0x8100;
	s8 =	sadd.s32 $0x0, s14  }
.LBB2_40:
0x29d: {  	[tilespmem:s5], [sflag:$0x3] =	stream.linear.gather [hbm4b:s8+s1], $0x80, $0x38;
	[tilespmem:$0x12000] =	vst v63  }
0x29e: {  	s8 =	smov.u32 s6;
	s5 =	smov.u32 s7;
	p0 =	sne.s32 s6, $0x7F0  }
.Ltmp19:
0x29f: {  	s6 =	sadd.s32 $0x10, s6;
	(pc) =	sbr.rel @p0 .LBB2_40-.Ltmp19, $2  }
0x2a0: {  	_ =	sdelay $0x2  }
0x2a1: {  	s7 =	sadd.s32 $0x100, s7;
	s8 =	sadd.s32 s8, s14  }
0x2a2: {  	[tilespmem:s5], [sflag:$0x3] =	stream.linear.gather [hbm4b:s8+s1], $0x80, $0x38;
	[tilespmem:$0x12000] =	vst v63  }
0x2a3: {  	s14 =	simm.s32 $0x2  }
0x2a4: {  	_ =	swait.ge [sflag:s14], $0x4000  }
0x2a5: {  	[sflag:s14] =	ssyncset.done $0x0  }
0x2a6: {  	s15 =	simm.s32 $0x4;
	[sflag:s14] =	ssyncadd.s32 $0xFFFFC000  }
0x2a7: {  	_ =	swait.ge [sflag:s15], $0x4000  }
0x2a8: {  	[sflag:s15] =	ssyncset.done $0x0  }
0x2a9: {  	s6 =	simm.s32 $0x8180;
	[sflag:s15] =	ssyncadd.s32 $0xFFFFC000  }
0x2aa: {  	s5 =	simm.s32 $0x180;
	v1 =	vld [tilespmem:s6+$0x70]  }
0x2ab: {  	v2 =	vld [tilespmem:s5+$0x70]  }
0x2ac: {  	v3 =	vld [tilespmem:s5+$0xFFFFFF00]  }
0x2ad: {  	v4 =	vld [tilespmem:s5+$0xFFFFFF10]  }
0x2ae: {  	v5 =	vld [tilespmem:s5+$0xFFFFFF20]  }
0x2af: {  	v6 =	vld [tilespmem:s5+$0xFFFFFF30]  }
0x2b0: {  	v7 =	vld [tilespmem:s5+$0xFFFFFF40]  }
0x2b1: {  	v8 =	vld [tilespmem:s5+$0xFFFFFF50]  }
0x2b2: {  	v9 =	vld [tilespmem:s5+$0x0]  }
0x2b3: {  	v10 =	vld [tilespmem:s5+$0x10]  }
0x2b4: {  	v11 =	vld [tilespmem:s5+$0x20]  }
0x2b5: {  	v12 =	vld [tilespmem:s5+$0x30]  }
0x2b6: {  	v13 =	vld [tilespmem:s5+$0x40]  }
0x2b7: {  	v14 =	vld [tilespmem:s5+$0x50]  }
0x2b8: {  	v15 =	vld [tilespmem:s5+$0x60]  }
0x2b9: {  	v16 =	vld [tilespmem:s6+$0xFFFFFF10]  }
0x2ba: {  	v17 =	vld [tilespmem:s6+$0xFFFFFF20]  }
0x2bb: {  	v18 =	vld [tilespmem:s6+$0xFFFFFF30]  }
0x2bc: {  	v19 =	vld [tilespmem:s6+$0xFFFFFF40]  }
0x2bd: {  	v20 =	vld [tilespmem:s6+$0xFFFFFF50]  }
0x2be: {  	v21 =	vld [tilespmem:s6+$0xFFFFFF60]  }
0x2bf: {  	v22 =	vld [tilespmem:s6+$0xFFFFFF70]  }
0x2c0: {  	v23 =	vld [tilespmem:s6+$0x0]  }
0x2c1: {  	v24 =	vld [tilespmem:s6+$0x10]  }
0x2c2: {  	v25 =	vld [tilespmem:s6+$0x20]  }
0x2c3: {  	v26 =	vld [tilespmem:s6+$0x30]  }
0x2c4: {  	v27 =	vld [tilespmem:s6+$0x40]  }
0x2c5: {  	v28 =	vld [tilespmem:s6+$0x50]  }
0x2c6: {  	v30 =	vld [tilespmem:s6+$0xFFFFFF00];
	v2 =	vmul.f32 v2, v2  }
0x2c7: {  	v29 =	vld [tilespmem:s6+$0x60]  }
0x2c8: {  	[tilespmem:v1+s4+$0x0] =	vst.idx.add.f32.msk $0xffff, v2  }
0x2c9: {  	v4 =	vmul.f32 v4, v4;
	v1 =	vld [tilespmem:s5+$0xFFFFFF60]  }
0x2ca: {  	v5 =	vmul.f32 v5, v5;
	v2 =	vld [tilespmem:s5+$0xFFFFFF70]  }
0x2cb: {  	v6 =	vmul.f32 v6, v6;
	[tilespmem:v16+s4+$0x0] =	vst.idx.add.f32.msk $0xffff, v4  }
0x2cc: {  	v3 =	vmul.f32 v3, v3;
	[tilespmem:v17+s4+$0x0] =	vst.idx.add.f32.msk $0xffff, v5  }
0x2cd: {  	v62 =	vmul.f32 v7, v7;
	[tilespmem:v18+s4+$0x0] =	vst.idx.add.f32.msk $0xffff, v6  }
0x2ce: {  	[tilespmem:v30+s4+$0x0] =	vst.idx.add.f32.msk $0xffff, v3;
	v3 =	vmul.f32 v11, v11  }
0x2cf: {  	v63 =	vmul.f32 v8, v8;
	[tilespmem:v19+s4+$0x0] =	vst.idx.add.f32.msk $0xffff, v62  }
0x2d0: {  	[tilespmem:v25+s4+$0x0] =	vst.idx.add.f32.msk $0xffff, v3;
	v3 =	vmul.f32 v14, v14  }
0x2d1: {  	[tilespmem:v20+s4+$0x0] =	vst.idx.add.f32.msk $0xffff, v63;
	v1 =	vmul.f32 v1, v1  }
0x2d2: {  	[tilespmem:v28+s4+$0x0] =	vst.idx.add.f32.msk $0xffff, v3;
	v2 =	vmul.f32 v2, v2  }
0x2d3: {  	[tilespmem:v21+s4+$0x0] =	vst.idx.add.f32.msk $0xffff, v1;
	v1 =	vmul.f32 v9, v9  }
0x2d4: {  	[tilespmem:v22+s4+$0x0] =	vst.idx.add.f32.msk $0xffff, v2;
	v2 =	vmul.f32 v10, v10  }
0x2d5: {  	[tilespmem:v23+s4+$0x0] =	vst.idx.add.f32.msk $0xffff, v1;
	v1 =	vmul.f32 v12, v12  }
0x2d6: {  	[tilespmem:v24+s4+$0x0] =	vst.idx.add.f32.msk $0xffff, v2;
	v2 =	vmul.f32 v13, v13  }
0x2d7: {  	[tilespmem:v26+s4+$0x0] =	vst.idx.add.f32.msk $0xffff, v1;
	v1 =	vmul.f32 v15, v15  }
0x2d8: {  	[tilespmem:v27+s4+$0x0] =	vst.idx.add.f32.msk $0xffff, v2  }
0x2d9: {  	s7 =	simm.s32 $0x8380;
	s6 =	simm.s32 $0x0;
	[tilespmem:v29+s4+$0x0] =	vst.idx.add.f32.msk $0xffff, v1  }
.LBB2_42:
0x2da: {  	v1 =	vld [tilespmem:s7+$0x70];
	s6 =	sadd.s32 $0x10, s6;
	s5 =	sadd.s32 $0x200, s5  }
0x2db: {  	v2 =	vld [tilespmem:s5+$0x70];
	p0 =	slt.u32 s6, $0x3F0  }
0x2dc: {  	v3 =	vld [tilespmem:s5+$0xFFFFFF00]  }
0x2dd: {  	v4 =	vld [tilespmem:s5+$0xFFFFFF10]  }
0x2de: {  	v5 =	vld [tilespmem:s5+$0xFFFFFF20]  }
0x2df: {  	v6 =	vld [tilespmem:s5+$0xFFFFFF30]  }
0x2e0: {  	v7 =	vld [tilespmem:s5+$0xFFFFFF40];
	v2 =	vmul.f32 v2, v2  }
0x2e1: {  	v3 =	vmul.f32 v3, v3;
	v8 =	vld [tilespmem:s5+$0xFFFFFF50]  }
0x2e2: {  	v4 =	vmul.f32 v4, v4;
	[tilespmem:v1+s4+$0x0] =	vst.idx.add.f32.msk $0xffff, v2  }
0x2e3: {  	v1 =	vmul.f32 v5, v5;
	v2 =	vld [tilespmem:s5+$0xFFFFFF60]  }
0x2e4: {  	v5 =	vmul.f32 v6, v6;
	v6 =	vld [tilespmem:s5+$0xFFFFFF70]  }
0x2e5: {  	v7 =	vmul.f32 v7, v7;
	v9 =	vld [tilespmem:s5+$0x0]  }
0x2e6: {  	v8 =	vmul.f32 v8, v8;
	v10 =	vld [tilespmem:s5+$0x10]  }
0x2e7: {  	v11 =	vld [tilespmem:s5+$0x20]  }
0x2e8: {  	v2 =	vmul.f32 v2, v2;
	v12 =	vld [tilespmem:s5+$0x30]  }
0x2e9: {  	v6 =	vmul.f32 v6, v6;
	v13 =	vld [tilespmem:s5+$0x40]  }
0x2ea: {  	v9 =	vmul.f32 v9, v9;
	v14 =	vld [tilespmem:s5+$0x50]  }
0x2eb: {  	v10 =	vmul.f32 v10, v10;
	v15 =	vld [tilespmem:s5+$0x60]  }
0x2ec: {  	v16 =	vld [tilespmem:s7+$0xFFFFFF10];
	v11 =	vmul.f32 v11, v11  }
0x2ed: {  	v17 =	vld [tilespmem:s7+$0xFFFFFF20];
	v12 =	vmul.f32 v12, v12  }
0x2ee: {  	v18 =	vld [tilespmem:s7+$0xFFFFFF30];
	v13 =	vmul.f32 v13, v13  }
0x2ef: {  	v19 =	vld [tilespmem:s7+$0xFFFFFF40];
	v14 =	vmul.f32 v14, v14  }
0x2f0: {  	v20 =	vld [tilespmem:s7+$0xFFFFFF50];
	v15 =	vmul.f32 v15, v15  }
0x2f1: {  	v21 =	vld [tilespmem:s7+$0xFFFFFF60]  }
0x2f2: {  	v22 =	vld [tilespmem:s7+$0xFFFFFF70]  }
0x2f3: {  	v23 =	vld [tilespmem:s7+$0x0]  }
0x2f4: {  	v24 =	vld [tilespmem:s7+$0x10]  }
0x2f5: {  	v25 =	vld [tilespmem:s7+$0x20]  }
0x2f6: {  	v26 =	vld [tilespmem:s7+$0x30]  }
0x2f7: {  	v27 =	vld [tilespmem:s7+$0x40]  }
0x2f8: {  	v28 =	vld [tilespmem:s7+$0x50]  }
0x2f9: {  	v29 =	vld [tilespmem:s7+$0x60]  }
0x2fa: {  	v30 =	vld [tilespmem:s7+$0xFFFFFF00]  }
0x2fb: {  	[tilespmem:v16+s4+$0x0] =	vst.idx.add.f32.msk $0xffff, v4  }
0x2fc: {  	[tilespmem:v17+s4+$0x0] =	vst.idx.add.f32.msk $0xffff, v1  }
0x2fd: {  	[tilespmem:v18+s4+$0x0] =	vst.idx.add.f32.msk $0xffff, v5  }
0x2fe: {  	[tilespmem:v19+s4+$0x0] =	vst.idx.add.f32.msk $0xffff, v7  }
0x2ff: {  	[tilespmem:v20+s4+$0x0] =	vst.idx.add.f32.msk $0xffff, v8  }
0x300: {  	[tilespmem:v21+s4+$0x0] =	vst.idx.add.f32.msk $0xffff, v2  }
0x301: {  	[tilespmem:v22+s4+$0x0] =	vst.idx.add.f32.msk $0xffff, v6  }
0x302: {  	[tilespmem:v30+s4+$0x0] =	vst.idx.add.f32.msk $0xffff, v3  }
0x303: {  	[tilespmem:v23+s4+$0x0] =	vst.idx.add.f32.msk $0xffff, v9  }
0x304: {  	[tilespmem:v24+s4+$0x0] =	vst.idx.add.f32.msk $0xffff, v10  }
.Ltmp20:
0x305: {  	[tilespmem:v25+s4+$0x0] =	vst.idx.add.f32.msk $0xffff, v11;
	(pc) =	sbr.rel @p0 .LBB2_42-.Ltmp20, $4  }
0x306: {  	[tilespmem:v26+s4+$0x0] =	vst.idx.add.f32.msk $0xffff, v12  }
0x307: {  	[tilespmem:v27+s4+$0x0] =	vst.idx.add.f32.msk $0xffff, v13  }
0x308: {  	[tilespmem:v28+s4+$0x0] =	vst.idx.add.f32.msk $0xffff, v14  }
0x309: {  	s7 =	sadd.s32 $0x200, s7;
	[tilespmem:v29+s4+$0x0] =	vst.idx.add.f32.msk $0xffff, v15  }
0x30a: {  	s5 =	simm.s32 $0x80;
	s15 =	rddreg [dreg:$0x10]  }
0x30b: {  	s6 =	simm.s32 $0x10;
	s7 =	simm.s32 $0x180;
	s8 =	sadd.s32 $0x0, s15  }
.LBB2_44:
0x30c: {  	[tilespmem:s5], [sflag:$0x2] =	stream.linear.gather [hbm4b:s8+s1], $0x80, $0x38;
	[tilespmem:$0x12000] =	vst v63  }
0x30d: {  	s8 =	smov.u32 s6;
	s5 =	smov.u32 s7;
	p0 =	sne.s32 s6, $0x7F0  }
.Ltmp21:
0x30e: {  	s6 =	sadd.s32 $0x10, s6;
	(pc) =	sbr.rel @p0 .LBB2_44-.Ltmp21, $2  }
0x30f: {  	_ =	sdelay $0x2  }
0x310: {  	s7 =	sadd.s32 $0x100, s7;
	s8 =	sadd.s32 s8, s15  }
0x311: {  	[tilespmem:s5], [sflag:$0x2] =	stream.linear.gather [hbm4b:s8+s1], $0x80, $0x38;
	[tilespmem:$0x12000] =	vst v63  }
0x312: {  	s5 =	simm.s32 $0x8080;
	s15 =	rddreg [dreg:$0x11]  }
0x313: {  	s6 =	simm.s32 $0x10;
	s7 =	simm.s32 $0x8180;
	s8 =	sadd.s32 $0x0, s15  }
.LBB2_46:
0x314: {  	[tilespmem:s5], [sflag:$0x4] =	stream.linear.gather [hbm4b:s8+s1], $0x80, $0x38;
	[tilespmem:$0x12000] =	vst v63  }
0x315: {  	s8 =	smov.u32 s6;
	s5 =	smov.u32 s7;
	p0 =	sne.s32 s6, $0x7F0  }
.Ltmp22:
0x316: {  	s6 =	sadd.s32 $0x10, s6;
	(pc) =	sbr.rel @p0 .LBB2_46-.Ltmp22, $2  }
0x317: {  	_ =	sdelay $0x2  }
0x318: {  	s7 =	sadd.s32 $0x100, s7;
	s8 =	sadd.s32 s8, s15  }
0x319: {  	[tilespmem:s5], [sflag:$0x4] =	stream.linear.gather [hbm4b:s8+s1], $0x80, $0x38;
	[tilespmem:$0x12000] =	vst v63  }
0x31a: {  	s14 =	simm.s32 $0x1  }
0x31b: {  	_ =	swait.ge [sflag:s14], $0x4000  }
0x31c: {  	[sflag:s14] =	ssyncset.done $0x0  }
0x31d: {  	s15 =	simm.s32 $0x3;
	[sflag:s14] =	ssyncadd.s32 $0xFFFFC000  }
0x31e: {  	_ =	swait.ge [sflag:s15], $0x4000  }
0x31f: {  	[sflag:s15] =	ssyncset.done $0x0  }
0x320: {  	s6 =	simm.s32 $0x8100;
	[sflag:s15] =	ssyncadd.s32 $0xFFFFC000  }
0x321: {  	s5 =	simm.s32 $0x100;
	v1 =	vld [tilespmem:s6+$0x70]  }
0x322: {  	v2 =	vld [tilespmem:s5+$0x70]  }
0x323: {  	v3 =	vld [tilespmem:s5+$0xFFFFFF00]  }
0x324: {  	v4 =	vld [tilespmem:s5+$0xFFFFFF10]  }
0x325: {  	v5 =	vld [tilespmem:s5+$0xFFFFFF20]  }
0x326: {  	v6 =	vld [tilespmem:s5+$0xFFFFFF30]  }
0x327: {  	v7 =	vld [tilespmem:s5+$0xFFFFFF40]  }
0x328: {  	v8 =	vld [tilespmem:s5+$0xFFFFFF50]  }
0x329: {  	v9 =	vld [tilespmem:s5+$0x0]  }
0x32a: {  	v10 =	vld [tilespmem:s5+$0x10]  }
0x32b: {  	v11 =	vld [tilespmem:s5+$0x20]  }
0x32c: {  	v12 =	vld [tilespmem:s5+$0x30]  }
0x32d: {  	v13 =	vld [tilespmem:s5+$0x40]  }
0x32e: {  	v14 =	vld [tilespmem:s5+$0x50]  }
0x32f: {  	v15 =	vld [tilespmem:s5+$0x60]  }
0x330: {  	v16 =	vld [tilespmem:s6+$0xFFFFFF10]  }
0x331: {  	v17 =	vld [tilespmem:s6+$0xFFFFFF20]  }
0x332: {  	v18 =	vld [tilespmem:s6+$0xFFFFFF30]  }
0x333: {  	v19 =	vld [tilespmem:s6+$0xFFFFFF40]  }
0x334: {  	v20 =	vld [tilespmem:s6+$0xFFFFFF50]  }
0x335: {  	v21 =	vld [tilespmem:s6+$0xFFFFFF60]  }
0x336: {  	v22 =	vld [tilespmem:s6+$0xFFFFFF70]  }
0x337: {  	v23 =	vld [tilespmem:s6+$0x0]  }
0x338: {  	v24 =	vld [tilespmem:s6+$0x10]  }
0x339: {  	v25 =	vld [tilespmem:s6+$0x20]  }
0x33a: {  	v26 =	vld [tilespmem:s6+$0x30]  }
0x33b: {  	v27 =	vld [tilespmem:s6+$0x40]  }
0x33c: {  	v28 =	vld [tilespmem:s6+$0x50]  }
0x33d: {  	v30 =	vld [tilespmem:s6+$0xFFFFFF00];
	v2 =	vmul.f32 v2, v2  }
0x33e: {  	v29 =	vld [tilespmem:s6+$0x60]  }
0x33f: {  	[tilespmem:v1+s4+$0x0] =	vst.idx.add.f32.msk $0xffff, v2  }
0x340: {  	v4 =	vmul.f32 v4, v4;
	v1 =	vld [tilespmem:s5+$0xFFFFFF60]  }
0x341: {  	v5 =	vmul.f32 v5, v5;
	v2 =	vld [tilespmem:s5+$0xFFFFFF70]  }
0x342: {  	v6 =	vmul.f32 v6, v6;
	[tilespmem:v16+s4+$0x0] =	vst.idx.add.f32.msk $0xffff, v4  }
0x343: {  	v3 =	vmul.f32 v3, v3;
	[tilespmem:v17+s4+$0x0] =	vst.idx.add.f32.msk $0xffff, v5  }
0x344: {  	v62 =	vmul.f32 v7, v7;
	[tilespmem:v18+s4+$0x0] =	vst.idx.add.f32.msk $0xffff, v6  }
0x345: {  	[tilespmem:v30+s4+$0x0] =	vst.idx.add.f32.msk $0xffff, v3;
	v3 =	vmul.f32 v11, v11  }
0x346: {  	v63 =	vmul.f32 v8, v8;
	[tilespmem:v19+s4+$0x0] =	vst.idx.add.f32.msk $0xffff, v62  }
0x347: {  	[tilespmem:v25+s4+$0x0] =	vst.idx.add.f32.msk $0xffff, v3;
	v3 =	vmul.f32 v14, v14  }
0x348: {  	[tilespmem:v20+s4+$0x0] =	vst.idx.add.f32.msk $0xffff, v63;
	v1 =	vmul.f32 v1, v1  }
0x349: {  	[tilespmem:v28+s4+$0x0] =	vst.idx.add.f32.msk $0xffff, v3;
	v2 =	vmul.f32 v2, v2  }
0x34a: {  	[tilespmem:v21+s4+$0x0] =	vst.idx.add.f32.msk $0xffff, v1;
	v1 =	vmul.f32 v9, v9  }
0x34b: {  	[tilespmem:v22+s4+$0x0] =	vst.idx.add.f32.msk $0xffff, v2;
	v2 =	vmul.f32 v10, v10  }
0x34c: {  	[tilespmem:v23+s4+$0x0] =	vst.idx.add.f32.msk $0xffff, v1;
	v1 =	vmul.f32 v12, v12  }
0x34d: {  	[tilespmem:v24+s4+$0x0] =	vst.idx.add.f32.msk $0xffff, v2;
	v2 =	vmul.f32 v13, v13  }
0x34e: {  	[tilespmem:v26+s4+$0x0] =	vst.idx.add.f32.msk $0xffff, v1;
	v1 =	vmul.f32 v15, v15  }
0x34f: {  	[tilespmem:v27+s4+$0x0] =	vst.idx.add.f32.msk $0xffff, v2  }
0x350: {  	s7 =	simm.s32 $0x8300;
	s6 =	simm.s32 $0x0;
	[tilespmem:v29+s4+$0x0] =	vst.idx.add.f32.msk $0xffff, v1  }
.LBB2_48:
0x351: {  	v1 =	vld [tilespmem:s7+$0x70];
	s6 =	sadd.s32 $0x10, s6;
	s5 =	sadd.s32 $0x200, s5  }
0x352: {  	v2 =	vld [tilespmem:s5+$0x70];
	p0 =	slt.u32 s6, $0x3F0  }
0x353: {  	v3 =	vld [tilespmem:s5+$0xFFFFFF00]  }
0x354: {  	v4 =	vld [tilespmem:s5+$0xFFFFFF10]  }
0x355: {  	v5 =	vld [tilespmem:s5+$0xFFFFFF20]  }
0x356: {  	v6 =	vld [tilespmem:s5+$0xFFFFFF30]  }
0x357: {  	v7 =	vld [tilespmem:s5+$0xFFFFFF40];
	v2 =	vmul.f32 v2, v2  }
0x358: {  	v3 =	vmul.f32 v3, v3;
	v8 =	vld [tilespmem:s5+$0xFFFFFF50]  }
0x359: {  	v4 =	vmul.f32 v4, v4;
	[tilespmem:v1+s4+$0x0] =	vst.idx.add.f32.msk $0xffff, v2  }
0x35a: {  	v1 =	vmul.f32 v5, v5;
	v2 =	vld [tilespmem:s5+$0xFFFFFF60]  }
0x35b: {  	v5 =	vmul.f32 v6, v6;
	v6 =	vld [tilespmem:s5+$0xFFFFFF70]  }
0x35c: {  	v7 =	vmul.f32 v7, v7;
	v9 =	vld [tilespmem:s5+$0x0]  }
0x35d: {  	v8 =	vmul.f32 v8, v8;
	v10 =	vld [tilespmem:s5+$0x10]  }
0x35e: {  	v11 =	vld [tilespmem:s5+$0x20]  }
0x35f: {  	v2 =	vmul.f32 v2, v2;
	v12 =	vld [tilespmem:s5+$0x30]  }
0x360: {  	v6 =	vmul.f32 v6, v6;
	v13 =	vld [tilespmem:s5+$0x40]  }
0x361: {  	v9 =	vmul.f32 v9, v9;
	v14 =	vld [tilespmem:s5+$0x50]  }
0x362: {  	v10 =	vmul.f32 v10, v10;
	v15 =	vld [tilespmem:s5+$0x60]  }
0x363: {  	v16 =	vld [tilespmem:s7+$0xFFFFFF10];
	v11 =	vmul.f32 v11, v11  }
0x364: {  	v17 =	vld [tilespmem:s7+$0xFFFFFF20];
	v12 =	vmul.f32 v12, v12  }
0x365: {  	v18 =	vld [tilespmem:s7+$0xFFFFFF30];
	v13 =	vmul.f32 v13, v13  }
0x366: {  	v19 =	vld [tilespmem:s7+$0xFFFFFF40];
	v14 =	vmul.f32 v14, v14  }
0x367: {  	v20 =	vld [tilespmem:s7+$0xFFFFFF50];
	v15 =	vmul.f32 v15, v15  }
0x368: {  	v21 =	vld [tilespmem:s7+$0xFFFFFF60]  }
0x369: {  	v22 =	vld [tilespmem:s7+$0xFFFFFF70]  }
0x36a: {  	v23 =	vld [tilespmem:s7+$0x0]  }
0x36b: {  	v24 =	vld [tilespmem:s7+$0x10]  }
0x36c: {  	v25 =	vld [tilespmem:s7+$0x20]  }
0x36d: {  	v26 =	vld [tilespmem:s7+$0x30]  }
0x36e: {  	v27 =	vld [tilespmem:s7+$0x40]  }
0x36f: {  	v28 =	vld [tilespmem:s7+$0x50]  }
0x370: {  	v29 =	vld [tilespmem:s7+$0x60]  }
0x371: {  	v30 =	vld [tilespmem:s7+$0xFFFFFF00]  }
0x372: {  	[tilespmem:v16+s4+$0x0] =	vst.idx.add.f32.msk $0xffff, v4  }
0x373: {  	[tilespmem:v17+s4+$0x0] =	vst.idx.add.f32.msk $0xffff, v1  }
0x374: {  	[tilespmem:v18+s4+$0x0] =	vst.idx.add.f32.msk $0xffff, v5  }
0x375: {  	[tilespmem:v19+s4+$0x0] =	vst.idx.add.f32.msk $0xffff, v7  }
0x376: {  	[tilespmem:v20+s4+$0x0] =	vst.idx.add.f32.msk $0xffff, v8  }
0x377: {  	[tilespmem:v21+s4+$0x0] =	vst.idx.add.f32.msk $0xffff, v2  }
0x378: {  	[tilespmem:v22+s4+$0x0] =	vst.idx.add.f32.msk $0xffff, v6  }
0x379: {  	[tilespmem:v30+s4+$0x0] =	vst.idx.add.f32.msk $0xffff, v3  }
0x37a: {  	[tilespmem:v23+s4+$0x0] =	vst.idx.add.f32.msk $0xffff, v9  }
0x37b: {  	[tilespmem:v24+s4+$0x0] =	vst.idx.add.f32.msk $0xffff, v10  }
.Ltmp23:
0x37c: {  	[tilespmem:v25+s4+$0x0] =	vst.idx.add.f32.msk $0xffff, v11;
	(pc) =	sbr.rel @p0 .LBB2_48-.Ltmp23, $4  }
0x37d: {  	[tilespmem:v26+s4+$0x0] =	vst.idx.add.f32.msk $0xffff, v12  }
0x37e: {  	[tilespmem:v27+s4+$0x0] =	vst.idx.add.f32.msk $0xffff, v13  }
0x37f: {  	[tilespmem:v28+s4+$0x0] =	vst.idx.add.f32.msk $0xffff, v14  }
0x380: {  	s7 =	sadd.s32 $0x200, s7;
	[tilespmem:v29+s4+$0x0] =	vst.idx.add.f32.msk $0xffff, v15  }
0x381: {  	s5 =	simm.s32 $0x0  }
0x382: {  	s6 =	simm.s32 $0x10;
	s8 =	sadd.s32 $0x0, s16;
	s7 =	simm.s32 $0x100  }
.LBB2_50:
0x383: {  	[tilespmem:s5], [sflag:$0x1] =	stream.linear.gather [hbm4b:s8+s1], $0x80, $0x38;
	[tilespmem:$0x12000] =	vst v63  }
0x384: {  	s8 =	smov.u32 s6;
	s5 =	smov.u32 s7;
	p0 =	sne.s32 s6, $0x7F0  }
.Ltmp24:
0x385: {  	s6 =	sadd.s32 $0x10, s6;
	(pc) =	sbr.rel @p0 .LBB2_50-.Ltmp24, $2  }
0x386: {  	_ =	sdelay $0x2  }
0x387: {  	s7 =	sadd.s32 $0x100, s7;
	s8 =	sadd.s32 s8, s16  }
0x388: {  	[tilespmem:s5], [sflag:$0x1] =	stream.linear.gather [hbm4b:s8+s1], $0x80, $0x38;
	[tilespmem:$0x12000] =	vst v63  }
0x389: {  	s5 =	simm.s32 $0x8000  }
0x38a: {  	s6 =	simm.s32 $0x10;
	s8 =	sadd.s32 $0x0, s17;
	s7 =	simm.s32 $0x8100  }
.LBB2_52:
0x38b: {  	[tilespmem:s5], [sflag:$0x3] =	stream.linear.gather [hbm4b:s8+s1], $0x80, $0x38;
	[tilespmem:$0x12000] =	vst v63  }
0x38c: {  	s8 =	smov.u32 s6;
	s5 =	smov.u32 s7;
	p0 =	sne.s32 s6, $0x7F0  }
.Ltmp25:
0x38d: {  	s6 =	sadd.s32 $0x10, s6;
	(pc) =	sbr.rel @p0 .LBB2_52-.Ltmp25, $2  }
0x38e: {  	_ =	sdelay $0x2  }
0x38f: {  	s7 =	sadd.s32 $0x100, s7;
	s8 =	sadd.s32 s8, s17  }
0x390: {  	[tilespmem:s5], [sflag:$0x3] =	stream.linear.gather [hbm4b:s8+s1], $0x80, $0x38;
	[tilespmem:$0x12000] =	vst v63  }
0x391: {  	s14 =	simm.s32 $0x2  }
0x392: {  	_ =	swait.ge [sflag:s14], $0x4000  }
0x393: {  	[sflag:s14] =	ssyncset.done $0x0  }
0x394: {  	s15 =	simm.s32 $0x4;
	[sflag:s14] =	ssyncadd.s32 $0xFFFFC000  }
0x395: {  	_ =	swait.ge [sflag:s15], $0x4000  }
0x396: {  	[sflag:s15] =	ssyncset.done $0x0  }
0x397: {  	s6 =	simm.s32 $0x8180;
	[sflag:s15] =	ssyncadd.s32 $0xFFFFC000  }
0x398: {  	s5 =	simm.s32 $0x180;
	v1 =	vld [tilespmem:s6+$0x70]  }
0x399: {  	v2 =	vld [tilespmem:s5+$0x70]  }
0x39a: {  	v3 =	vld [tilespmem:s5+$0xFFFFFF00]  }
0x39b: {  	v4 =	vld [tilespmem:s5+$0xFFFFFF10]  }
0x39c: {  	v5 =	vld [tilespmem:s5+$0xFFFFFF20]  }
0x39d: {  	v6 =	vld [tilespmem:s5+$0xFFFFFF30]  }
0x39e: {  	v7 =	vld [tilespmem:s5+$0xFFFFFF40]  }
0x39f: {  	v8 =	vld [tilespmem:s5+$0xFFFFFF50]  }
0x3a0: {  	v9 =	vld [tilespmem:s5+$0x0]  }
0x3a1: {  	v10 =	vld [tilespmem:s5+$0x10]  }
0x3a2: {  	v11 =	vld [tilespmem:s5+$0x20]  }
0x3a3: {  	v12 =	vld [tilespmem:s5+$0x30]  }
0x3a4: {  	v13 =	vld [tilespmem:s5+$0x40]  }
0x3a5: {  	v14 =	vld [tilespmem:s5+$0x50]  }
0x3a6: {  	v15 =	vld [tilespmem:s5+$0x60]  }
0x3a7: {  	v16 =	vld [tilespmem:s6+$0xFFFFFF10]  }
0x3a8: {  	v17 =	vld [tilespmem:s6+$0xFFFFFF20]  }
0x3a9: {  	v18 =	vld [tilespmem:s6+$0xFFFFFF30]  }
0x3aa: {  	v19 =	vld [tilespmem:s6+$0xFFFFFF40]  }
0x3ab: {  	v20 =	vld [tilespmem:s6+$0xFFFFFF50]  }
0x3ac: {  	v21 =	vld [tilespmem:s6+$0xFFFFFF60]  }
0x3ad: {  	v22 =	vld [tilespmem:s6+$0xFFFFFF70]  }
0x3ae: {  	v23 =	vld [tilespmem:s6+$0x0]  }
0x3af: {  	v24 =	vld [tilespmem:s6+$0x10]  }
0x3b0: {  	v25 =	vld [tilespmem:s6+$0x20]  }
0x3b1: {  	v26 =	vld [tilespmem:s6+$0x30]  }
0x3b2: {  	v27 =	vld [tilespmem:s6+$0x40]  }
0x3b3: {  	v28 =	vld [tilespmem:s6+$0x50]  }
0x3b4: {  	v30 =	vld [tilespmem:s6+$0xFFFFFF00];
	v2 =	vmul.f32 v2, v2  }
0x3b5: {  	v29 =	vld [tilespmem:s6+$0x60]  }
0x3b6: {  	[tilespmem:v1+s4+$0x0] =	vst.idx.add.f32.msk $0xffff, v2  }
0x3b7: {  	v4 =	vmul.f32 v4, v4;
	v1 =	vld [tilespmem:s5+$0xFFFFFF60]  }
0x3b8: {  	v5 =	vmul.f32 v5, v5;
	v2 =	vld [tilespmem:s5+$0xFFFFFF70]  }
0x3b9: {  	v6 =	vmul.f32 v6, v6;
	[tilespmem:v16+s4+$0x0] =	vst.idx.add.f32.msk $0xffff, v4  }
0x3ba: {  	v3 =	vmul.f32 v3, v3;
	[tilespmem:v17+s4+$0x0] =	vst.idx.add.f32.msk $0xffff, v5  }
0x3bb: {  	v62 =	vmul.f32 v7, v7;
	[tilespmem:v18+s4+$0x0] =	vst.idx.add.f32.msk $0xffff, v6  }
0x3bc: {  	[tilespmem:v30+s4+$0x0] =	vst.idx.add.f32.msk $0xffff, v3;
	v3 =	vmul.f32 v11, v11  }
0x3bd: {  	v63 =	vmul.f32 v8, v8;
	[tilespmem:v19+s4+$0x0] =	vst.idx.add.f32.msk $0xffff, v62  }
0x3be: {  	[tilespmem:v25+s4+$0x0] =	vst.idx.add.f32.msk $0xffff, v3;
	v3 =	vmul.f32 v14, v14  }
0x3bf: {  	[tilespmem:v20+s4+$0x0] =	vst.idx.add.f32.msk $0xffff, v63;
	v1 =	vmul.f32 v1, v1  }
0x3c0: {  	[tilespmem:v28+s4+$0x0] =	vst.idx.add.f32.msk $0xffff, v3;
	v2 =	vmul.f32 v2, v2  }
0x3c1: {  	[tilespmem:v21+s4+$0x0] =	vst.idx.add.f32.msk $0xffff, v1;
	v1 =	vmul.f32 v9, v9  }
0x3c2: {  	[tilespmem:v22+s4+$0x0] =	vst.idx.add.f32.msk $0xffff, v2;
	v2 =	vmul.f32 v10, v10  }
0x3c3: {  	[tilespmem:v23+s4+$0x0] =	vst.idx.add.f32.msk $0xffff, v1;
	v1 =	vmul.f32 v12, v12  }
0x3c4: {  	[tilespmem:v24+s4+$0x0] =	vst.idx.add.f32.msk $0xffff, v2;
	v2 =	vmul.f32 v13, v13  }
0x3c5: {  	[tilespmem:v26+s4+$0x0] =	vst.idx.add.f32.msk $0xffff, v1;
	v1 =	vmul.f32 v15, v15  }
0x3c6: {  	[tilespmem:v27+s4+$0x0] =	vst.idx.add.f32.msk $0xffff, v2  }
0x3c7: {  	s7 =	simm.s32 $0x8380;
	s6 =	simm.s32 $0x0;
	[tilespmem:v29+s4+$0x0] =	vst.idx.add.f32.msk $0xffff, v1  }
.LBB2_54:
0x3c8: {  	v1 =	vld [tilespmem:s7+$0x70];
	s6 =	sadd.s32 $0x10, s6;
	s5 =	sadd.s32 $0x200, s5  }
0x3c9: {  	v2 =	vld [tilespmem:s5+$0x70];
	p0 =	slt.u32 s6, $0x3F0  }
0x3ca: {  	v3 =	vld [tilespmem:s5+$0xFFFFFF00]  }
0x3cb: {  	v4 =	vld [tilespmem:s5+$0xFFFFFF10]  }
0x3cc: {  	v5 =	vld [tilespmem:s5+$0xFFFFFF20]  }
0x3cd: {  	v6 =	vld [tilespmem:s5+$0xFFFFFF30]  }
0x3ce: {  	v7 =	vld [tilespmem:s5+$0xFFFFFF40];
	v2 =	vmul.f32 v2, v2  }
0x3cf: {  	v3 =	vmul.f32 v3, v3;
	v8 =	vld [tilespmem:s5+$0xFFFFFF50]  }
0x3d0: {  	v4 =	vmul.f32 v4, v4;
	[tilespmem:v1+s4+$0x0] =	vst.idx.add.f32.msk $0xffff, v2  }
0x3d1: {  	v1 =	vmul.f32 v5, v5;
	v2 =	vld [tilespmem:s5+$0xFFFFFF60]  }
0x3d2: {  	v5 =	vmul.f32 v6, v6;
	v6 =	vld [tilespmem:s5+$0xFFFFFF70]  }
0x3d3: {  	v7 =	vmul.f32 v7, v7;
	v9 =	vld [tilespmem:s5+$0x0]  }
0x3d4: {  	v8 =	vmul.f32 v8, v8;
	v10 =	vld [tilespmem:s5+$0x10]  }
0x3d5: {  	v11 =	vld [tilespmem:s5+$0x20]  }
0x3d6: {  	v2 =	vmul.f32 v2, v2;
	v12 =	vld [tilespmem:s5+$0x30]  }
0x3d7: {  	v6 =	vmul.f32 v6, v6;
	v13 =	vld [tilespmem:s5+$0x40]  }
0x3d8: {  	v9 =	vmul.f32 v9, v9;
	v14 =	vld [tilespmem:s5+$0x50]  }
0x3d9: {  	v10 =	vmul.f32 v10, v10;
	v15 =	vld [tilespmem:s5+$0x60]  }
0x3da: {  	v16 =	vld [tilespmem:s7+$0xFFFFFF10];
	v11 =	vmul.f32 v11, v11  }
0x3db: {  	v17 =	vld [tilespmem:s7+$0xFFFFFF20];
	v12 =	vmul.f32 v12, v12  }
0x3dc: {  	v18 =	vld [tilespmem:s7+$0xFFFFFF30];
	v13 =	vmul.f32 v13, v13  }
0x3dd: {  	v19 =	vld [tilespmem:s7+$0xFFFFFF40];
	v14 =	vmul.f32 v14, v14  }
0x3de: {  	v20 =	vld [tilespmem:s7+$0xFFFFFF50];
	v15 =	vmul.f32 v15, v15  }
0x3df: {  	v21 =	vld [tilespmem:s7+$0xFFFFFF60]  }
0x3e0: {  	v22 =	vld [tilespmem:s7+$0xFFFFFF70]  }
0x3e1: {  	v23 =	vld [tilespmem:s7+$0x0]  }
0x3e2: {  	v24 =	vld [tilespmem:s7+$0x10]  }
0x3e3: {  	v25 =	vld [tilespmem:s7+$0x20]  }
0x3e4: {  	v26 =	vld [tilespmem:s7+$0x30]  }
0x3e5: {  	v27 =	vld [tilespmem:s7+$0x40]  }
0x3e6: {  	v28 =	vld [tilespmem:s7+$0x50]  }
0x3e7: {  	v29 =	vld [tilespmem:s7+$0x60]  }
0x3e8: {  	v30 =	vld [tilespmem:s7+$0xFFFFFF00]  }
0x3e9: {  	[tilespmem:v16+s4+$0x0] =	vst.idx.add.f32.msk $0xffff, v4  }
0x3ea: {  	[tilespmem:v17+s4+$0x0] =	vst.idx.add.f32.msk $0xffff, v1  }
0x3eb: {  	[tilespmem:v18+s4+$0x0] =	vst.idx.add.f32.msk $0xffff, v5  }
0x3ec: {  	[tilespmem:v19+s4+$0x0] =	vst.idx.add.f32.msk $0xffff, v7  }
0x3ed: {  	[tilespmem:v20+s4+$0x0] =	vst.idx.add.f32.msk $0xffff, v8  }
0x3ee: {  	[tilespmem:v21+s4+$0x0] =	vst.idx.add.f32.msk $0xffff, v2  }
0x3ef: {  	[tilespmem:v22+s4+$0x0] =	vst.idx.add.f32.msk $0xffff, v6  }
0x3f0: {  	[tilespmem:v30+s4+$0x0] =	vst.idx.add.f32.msk $0xffff, v3  }
0x3f1: {  	[tilespmem:v23+s4+$0x0] =	vst.idx.add.f32.msk $0xffff, v9  }
0x3f2: {  	[tilespmem:v24+s4+$0x0] =	vst.idx.add.f32.msk $0xffff, v10  }
.Ltmp26:
0x3f3: {  	[tilespmem:v25+s4+$0x0] =	vst.idx.add.f32.msk $0xffff, v11;
	(pc) =	sbr.rel @p0 .LBB2_54-.Ltmp26, $4  }
0x3f4: {  	[tilespmem:v26+s4+$0x0] =	vst.idx.add.f32.msk $0xffff, v12  }
0x3f5: {  	[tilespmem:v27+s4+$0x0] =	vst.idx.add.f32.msk $0xffff, v13  }
0x3f6: {  	[tilespmem:v28+s4+$0x0] =	vst.idx.add.f32.msk $0xffff, v14  }
0x3f7: {  	s7 =	sadd.s32 $0x200, s7;
	[tilespmem:v29+s4+$0x0] =	vst.idx.add.f32.msk $0xffff, v15  }
0x3f8: {  	s5 =	simm.s32 $0x80  }
0x3f9: {  	s6 =	simm.s32 $0x10;
	s8 =	sadd.s32 $0x0, s18;
	s7 =	simm.s32 $0x180  }
.LBB2_56:
0x3fa: {  	[tilespmem:s5], [sflag:$0x2] =	stream.linear.gather [hbm4b:s8+s1], $0x80, $0x38;
	[tilespmem:$0x12000] =	vst v63  }
0x3fb: {  	s8 =	smov.u32 s6;
	s5 =	smov.u32 s7;
	p0 =	sne.s32 s6, $0x7F0  }
.Ltmp27:
0x3fc: {  	s6 =	sadd.s32 $0x10, s6;
	(pc) =	sbr.rel @p0 .LBB2_56-.Ltmp27, $2  }
0x3fd: {  	_ =	sdelay $0x2  }
0x3fe: {  	s7 =	sadd.s32 $0x100, s7;
	s8 =	sadd.s32 s8, s18  }
0x3ff: {  	[tilespmem:s5], [sflag:$0x2] =	stream.linear.gather [hbm4b:s8+s1], $0x80, $0x38;
	[tilespmem:$0x12000] =	vst v63  }
0x400: {  	s5 =	simm.s32 $0x8080  }
0x401: {  	s6 =	simm.s32 $0x10;
	s8 =	sadd.s32 $0x0, s19;
	s7 =	simm.s32 $0x8180  }
.LBB2_58:
0x402: {  	[tilespmem:s5], [sflag:$0x4] =	stream.linear.gather [hbm4b:s8+s1], $0x80, $0x38;
	[tilespmem:$0x12000] =	vst v63  }
0x403: {  	s8 =	smov.u32 s6;
	s5 =	smov.u32 s7;
	p0 =	sne.s32 s6, $0x7F0  }
.Ltmp28:
0x404: {  	s6 =	sadd.s32 $0x10, s6;
	(pc) =	sbr.rel @p0 .LBB2_58-.Ltmp28, $2  }
0x405: {  	_ =	sdelay $0x2  }
0x406: {  	s7 =	sadd.s32 $0x100, s7;
	s8 =	sadd.s32 s8, s19  }
0x407: {  	[tilespmem:s5], [sflag:$0x4] =	stream.linear.gather [hbm4b:s8+s1], $0x80, $0x38;
	[tilespmem:$0x12000] =	vst v63  }
0x408: {  	s14 =	simm.s32 $0x1  }
0x409: {  	_ =	swait.ge [sflag:s14], $0x4000  }
0x40a: {  	[sflag:s14] =	ssyncset.done $0x0  }
0x40b: {  	s15 =	simm.s32 $0x3;
	[sflag:s14] =	ssyncadd.s32 $0xFFFFC000  }
0x40c: {  	_ =	swait.ge [sflag:s15], $0x4000  }
0x40d: {  	[sflag:s15] =	ssyncset.done $0x0  }
0x40e: {  	s6 =	simm.s32 $0x8100;
	[sflag:s15] =	ssyncadd.s32 $0xFFFFC000  }
0x40f: {  	s5 =	simm.s32 $0x100;
	v1 =	vld [tilespmem:s6+$0x70]  }
0x410: {  	v2 =	vld [tilespmem:s5+$0x70]  }
0x411: {  	v3 =	vld [tilespmem:s5+$0xFFFFFF00]  }
0x412: {  	v4 =	vld [tilespmem:s5+$0xFFFFFF10]  }
0x413: {  	v5 =	vld [tilespmem:s5+$0xFFFFFF20]  }
0x414: {  	v6 =	vld [tilespmem:s5+$0xFFFFFF30]  }
0x415: {  	v7 =	vld [tilespmem:s5+$0xFFFFFF40]  }
0x416: {  	v8 =	vld [tilespmem:s5+$0xFFFFFF50]  }
0x417: {  	v9 =	vld [tilespmem:s5+$0x0]  }
0x418: {  	v10 =	vld [tilespmem:s5+$0x10]  }
0x419: {  	v11 =	vld [tilespmem:s5+$0x20]  }
0x41a: {  	v12 =	vld [tilespmem:s5+$0x30]  }
0x41b: {  	v13 =	vld [tilespmem:s5+$0x40]  }
0x41c: {  	v14 =	vld [tilespmem:s5+$0x50]  }
0x41d: {  	v15 =	vld [tilespmem:s5+$0x60]  }
0x41e: {  	v16 =	vld [tilespmem:s6+$0xFFFFFF10]  }
0x41f: {  	v17 =	vld [tilespmem:s6+$0xFFFFFF20]  }
0x420: {  	v18 =	vld [tilespmem:s6+$0xFFFFFF30]  }
0x421: {  	v19 =	vld [tilespmem:s6+$0xFFFFFF40]  }
0x422: {  	v20 =	vld [tilespmem:s6+$0xFFFFFF50]  }
0x423: {  	v21 =	vld [tilespmem:s6+$0xFFFFFF60]  }
0x424: {  	v22 =	vld [tilespmem:s6+$0xFFFFFF70]  }
0x425: {  	v23 =	vld [tilespmem:s6+$0x0]  }
0x426: {  	v24 =	vld [tilespmem:s6+$0x10]  }
0x427: {  	v25 =	vld [tilespmem:s6+$0x20]  }
0x428: {  	v26 =	vld [tilespmem:s6+$0x30]  }
0x429: {  	v27 =	vld [tilespmem:s6+$0x40]  }
0x42a: {  	v28 =	vld [tilespmem:s6+$0x50]  }
0x42b: {  	v30 =	vld [tilespmem:s6+$0xFFFFFF00];
	v2 =	vmul.f32 v2, v2  }
0x42c: {  	v29 =	vld [tilespmem:s6+$0x60]  }
0x42d: {  	[tilespmem:v1+s4+$0x0] =	vst.idx.add.f32.msk $0xffff, v2  }
0x42e: {  	v4 =	vmul.f32 v4, v4;
	v1 =	vld [tilespmem:s5+$0xFFFFFF60]  }
0x42f: {  	v5 =	vmul.f32 v5, v5;
	v2 =	vld [tilespmem:s5+$0xFFFFFF70]  }
0x430: {  	v6 =	vmul.f32 v6, v6;
	[tilespmem:v16+s4+$0x0] =	vst.idx.add.f32.msk $0xffff, v4  }
0x431: {  	v3 =	vmul.f32 v3, v3;
	[tilespmem:v17+s4+$0x0] =	vst.idx.add.f32.msk $0xffff, v5  }
0x432: {  	v62 =	vmul.f32 v7, v7;
	[tilespmem:v18+s4+$0x0] =	vst.idx.add.f32.msk $0xffff, v6  }
0x433: {  	[tilespmem:v30+s4+$0x0] =	vst.idx.add.f32.msk $0xffff, v3;
	v3 =	vmul.f32 v11, v11  }
0x434: {  	v63 =	vmul.f32 v8, v8;
	[tilespmem:v19+s4+$0x0] =	vst.idx.add.f32.msk $0xffff, v62  }
0x435: {  	[tilespmem:v25+s4+$0x0] =	vst.idx.add.f32.msk $0xffff, v3;
	v3 =	vmul.f32 v14, v14  }
0x436: {  	[tilespmem:v20+s4+$0x0] =	vst.idx.add.f32.msk $0xffff, v63;
	v1 =	vmul.f32 v1, v1  }
0x437: {  	[tilespmem:v28+s4+$0x0] =	vst.idx.add.f32.msk $0xffff, v3;
	v2 =	vmul.f32 v2, v2  }
0x438: {  	[tilespmem:v21+s4+$0x0] =	vst.idx.add.f32.msk $0xffff, v1;
	v1 =	vmul.f32 v9, v9  }
0x439: {  	[tilespmem:v22+s4+$0x0] =	vst.idx.add.f32.msk $0xffff, v2;
	v2 =	vmul.f32 v10, v10  }
0x43a: {  	[tilespmem:v23+s4+$0x0] =	vst.idx.add.f32.msk $0xffff, v1;
	v1 =	vmul.f32 v12, v12  }
0x43b: {  	[tilespmem:v24+s4+$0x0] =	vst.idx.add.f32.msk $0xffff, v2;
	v2 =	vmul.f32 v13, v13  }
0x43c: {  	[tilespmem:v26+s4+$0x0] =	vst.idx.add.f32.msk $0xffff, v1;
	v1 =	vmul.f32 v15, v15  }
0x43d: {  	[tilespmem:v27+s4+$0x0] =	vst.idx.add.f32.msk $0xffff, v2  }
0x43e: {  	s7 =	simm.s32 $0x8300;
	s6 =	simm.s32 $0x0;
	[tilespmem:v29+s4+$0x0] =	vst.idx.add.f32.msk $0xffff, v1  }
.LBB2_60:
0x43f: {  	v1 =	vld [tilespmem:s7+$0x70];
	s6 =	sadd.s32 $0x10, s6;
	s5 =	sadd.s32 $0x200, s5  }
0x440: {  	v2 =	vld [tilespmem:s5+$0x70];
	p0 =	slt.u32 s6, $0x3F0  }
0x441: {  	v3 =	vld [tilespmem:s5+$0xFFFFFF00]  }
0x442: {  	v4 =	vld [tilespmem:s5+$0xFFFFFF10]  }
0x443: {  	v5 =	vld [tilespmem:s5+$0xFFFFFF20]  }
0x444: {  	v6 =	vld [tilespmem:s5+$0xFFFFFF30]  }
0x445: {  	v7 =	vld [tilespmem:s5+$0xFFFFFF40];
	v2 =	vmul.f32 v2, v2  }
0x446: {  	v3 =	vmul.f32 v3, v3;
	v8 =	vld [tilespmem:s5+$0xFFFFFF50]  }
0x447: {  	v4 =	vmul.f32 v4, v4;
	[tilespmem:v1+s4+$0x0] =	vst.idx.add.f32.msk $0xffff, v2  }
0x448: {  	v1 =	vmul.f32 v5, v5;
	v2 =	vld [tilespmem:s5+$0xFFFFFF60]  }
0x449: {  	v5 =	vmul.f32 v6, v6;
	v6 =	vld [tilespmem:s5+$0xFFFFFF70]  }
0x44a: {  	v7 =	vmul.f32 v7, v7;
	v9 =	vld [tilespmem:s5+$0x0]  }
0x44b: {  	v8 =	vmul.f32 v8, v8;
	v10 =	vld [tilespmem:s5+$0x10]  }
0x44c: {  	v11 =	vld [tilespmem:s5+$0x20]  }
0x44d: {  	v2 =	vmul.f32 v2, v2;
	v12 =	vld [tilespmem:s5+$0x30]  }
0x44e: {  	v6 =	vmul.f32 v6, v6;
	v13 =	vld [tilespmem:s5+$0x40]  }
0x44f: {  	v9 =	vmul.f32 v9, v9;
	v14 =	vld [tilespmem:s5+$0x50]  }
0x450: {  	v10 =	vmul.f32 v10, v10;
	v15 =	vld [tilespmem:s5+$0x60]  }
0x451: {  	v16 =	vld [tilespmem:s7+$0xFFFFFF10];
	v11 =	vmul.f32 v11, v11  }
0x452: {  	v17 =	vld [tilespmem:s7+$0xFFFFFF20];
	v12 =	vmul.f32 v12, v12  }
0x453: {  	v18 =	vld [tilespmem:s7+$0xFFFFFF30];
	v13 =	vmul.f32 v13, v13  }
0x454: {  	v19 =	vld [tilespmem:s7+$0xFFFFFF40];
	v14 =	vmul.f32 v14, v14  }
0x455: {  	v20 =	vld [tilespmem:s7+$0xFFFFFF50];
	v15 =	vmul.f32 v15, v15  }
0x456: {  	v21 =	vld [tilespmem:s7+$0xFFFFFF60]  }
0x457: {  	v22 =	vld [tilespmem:s7+$0xFFFFFF70]  }
0x458: {  	v23 =	vld [tilespmem:s7+$0x0]  }
0x459: {  	v24 =	vld [tilespmem:s7+$0x10]  }
0x45a: {  	v25 =	vld [tilespmem:s7+$0x20]  }
0x45b: {  	v26 =	vld [tilespmem:s7+$0x30]  }
0x45c: {  	v27 =	vld [tilespmem:s7+$0x40]  }
0x45d: {  	v28 =	vld [tilespmem:s7+$0x50]  }
0x45e: {  	v29 =	vld [tilespmem:s7+$0x60]  }
0x45f: {  	v30 =	vld [tilespmem:s7+$0xFFFFFF00]  }
0x460: {  	[tilespmem:v16+s4+$0x0] =	vst.idx.add.f32.msk $0xffff, v4  }
0x461: {  	[tilespmem:v17+s4+$0x0] =	vst.idx.add.f32.msk $0xffff, v1  }
0x462: {  	[tilespmem:v18+s4+$0x0] =	vst.idx.add.f32.msk $0xffff, v5  }
0x463: {  	[tilespmem:v19+s4+$0x0] =	vst.idx.add.f32.msk $0xffff, v7  }
0x464: {  	[tilespmem:v20+s4+$0x0] =	vst.idx.add.f32.msk $0xffff, v8  }
0x465: {  	[tilespmem:v21+s4+$0x0] =	vst.idx.add.f32.msk $0xffff, v2  }
0x466: {  	[tilespmem:v22+s4+$0x0] =	vst.idx.add.f32.msk $0xffff, v6  }
0x467: {  	[tilespmem:v30+s4+$0x0] =	vst.idx.add.f32.msk $0xffff, v3  }
0x468: {  	[tilespmem:v23+s4+$0x0] =	vst.idx.add.f32.msk $0xffff, v9  }
0x469: {  	[tilespmem:v24+s4+$0x0] =	vst.idx.add.f32.msk $0xffff, v10  }
.Ltmp29:
0x46a: {  	[tilespmem:v25+s4+$0x0] =	vst.idx.add.f32.msk $0xffff, v11;
	(pc) =	sbr.rel @p0 .LBB2_60-.Ltmp29, $4  }
0x46b: {  	[tilespmem:v26+s4+$0x0] =	vst.idx.add.f32.msk $0xffff, v12  }
0x46c: {  	[tilespmem:v27+s4+$0x0] =	vst.idx.add.f32.msk $0xffff, v13  }
0x46d: {  	[tilespmem:v28+s4+$0x0] =	vst.idx.add.f32.msk $0xffff, v14  }
0x46e: {  	s7 =	sadd.s32 $0x200, s7;
	[tilespmem:v29+s4+$0x0] =	vst.idx.add.f32.msk $0xffff, v15  }
0x46f: {  	s5 =	simm.s32 $0x0  }
0x470: {  	s6 =	simm.s32 $0x10;
	s8 =	sadd.s32 $0x0, s20;
	s7 =	simm.s32 $0x100  }
.LBB2_62:
0x471: {  	[tilespmem:s5], [sflag:$0x1] =	stream.linear.gather [hbm4b:s8+s1], $0x80, $0x38;
	[tilespmem:$0x12000] =	vst v63  }
0x472: {  	s8 =	smov.u32 s6;
	s5 =	smov.u32 s7;
	p0 =	sne.s32 s6, $0x7F0  }
.Ltmp30:
0x473: {  	s6 =	sadd.s32 $0x10, s6;
	(pc) =	sbr.rel @p0 .LBB2_62-.Ltmp30, $2  }
0x474: {  	_ =	sdelay $0x2  }
0x475: {  	s7 =	sadd.s32 $0x100, s7;
	s8 =	sadd.s32 s8, s20  }
0x476: {  	[tilespmem:s5], [sflag:$0x1] =	stream.linear.gather [hbm4b:s8+s1], $0x80, $0x38;
	[tilespmem:$0x12000] =	vst v63  }
0x477: {  	s5 =	simm.s32 $0x8000  }
0x478: {  	s6 =	simm.s32 $0x10;
	s8 =	sadd.s32 $0x0, s21;
	s7 =	simm.s32 $0x8100  }
.LBB2_64:
0x479: {  	[tilespmem:s5], [sflag:$0x3] =	stream.linear.gather [hbm4b:s8+s1], $0x80, $0x38;
	[tilespmem:$0x12000] =	vst v63  }
0x47a: {  	s8 =	smov.u32 s6;
	s5 =	smov.u32 s7;
	p0 =	sne.s32 s6, $0x7F0  }
.Ltmp31:
0x47b: {  	s6 =	sadd.s32 $0x10, s6;
	(pc) =	sbr.rel @p0 .LBB2_64-.Ltmp31, $2  }
0x47c: {  	_ =	sdelay $0x2  }
0x47d: {  	s7 =	sadd.s32 $0x100, s7;
	s8 =	sadd.s32 s8, s21  }
0x47e: {  	[tilespmem:s5], [sflag:$0x3] =	stream.linear.gather [hbm4b:s8+s1], $0x80, $0x38;
	[tilespmem:$0x12000] =	vst v63  }
0x47f: {  	s14 =	simm.s32 $0x2  }
0x480: {  	_ =	swait.ge [sflag:s14], $0x4000  }
0x481: {  	[sflag:s14] =	ssyncset.done $0x0  }
0x482: {  	s15 =	simm.s32 $0x4;
	[sflag:s14] =	ssyncadd.s32 $0xFFFFC000  }
0x483: {  	_ =	swait.ge [sflag:s15], $0x4000  }
0x484: {  	[sflag:s15] =	ssyncset.done $0x0  }
0x485: {  	s6 =	simm.s32 $0x8180;
	[sflag:s15] =	ssyncadd.s32 $0xFFFFC000  }
0x486: {  	s5 =	simm.s32 $0x180;
	v1 =	vld [tilespmem:s6+$0x70]  }
0x487: {  	v2 =	vld [tilespmem:s5+$0x70]  }
0x488: {  	v3 =	vld [tilespmem:s5+$0xFFFFFF00]  }
0x489: {  	v4 =	vld [tilespmem:s5+$0xFFFFFF10]  }
0x48a: {  	v5 =	vld [tilespmem:s5+$0xFFFFFF20]  }
0x48b: {  	v6 =	vld [tilespmem:s5+$0xFFFFFF30]  }
0x48c: {  	v7 =	vld [tilespmem:s5+$0xFFFFFF40]  }
0x48d: {  	v8 =	vld [tilespmem:s5+$0xFFFFFF50]  }
0x48e: {  	v9 =	vld [tilespmem:s5+$0x0]  }
0x48f: {  	v10 =	vld [tilespmem:s5+$0x10]  }
0x490: {  	v11 =	vld [tilespmem:s5+$0x20]  }
0x491: {  	v12 =	vld [tilespmem:s5+$0x30]  }
0x492: {  	v13 =	vld [tilespmem:s5+$0x40]  }
0x493: {  	v14 =	vld [tilespmem:s5+$0x50]  }
0x494: {  	v15 =	vld [tilespmem:s5+$0x60]  }
0x495: {  	v16 =	vld [tilespmem:s6+$0xFFFFFF10]  }
0x496: {  	v17 =	vld [tilespmem:s6+$0xFFFFFF20]  }
0x497: {  	v18 =	vld [tilespmem:s6+$0xFFFFFF30]  }
0x498: {  	v19 =	vld [tilespmem:s6+$0xFFFFFF40]  }
0x499: {  	v20 =	vld [tilespmem:s6+$0xFFFFFF50]  }
0x49a: {  	v21 =	vld [tilespmem:s6+$0xFFFFFF60]  }
0x49b: {  	v22 =	vld [tilespmem:s6+$0xFFFFFF70]  }
0x49c: {  	v23 =	vld [tilespmem:s6+$0x0]  }
0x49d: {  	v24 =	vld [tilespmem:s6+$0x10]  }
0x49e: {  	v25 =	vld [tilespmem:s6+$0x20]  }
0x49f: {  	v26 =	vld [tilespmem:s6+$0x30]  }
0x4a0: {  	v27 =	vld [tilespmem:s6+$0x40]  }
0x4a1: {  	v28 =	vld [tilespmem:s6+$0x50]  }
0x4a2: {  	v30 =	vld [tilespmem:s6+$0xFFFFFF00];
	v2 =	vmul.f32 v2, v2  }
0x4a3: {  	v29 =	vld [tilespmem:s6+$0x60]  }
0x4a4: {  	[tilespmem:v1+s4+$0x0] =	vst.idx.add.f32.msk $0xffff, v2  }
0x4a5: {  	v4 =	vmul.f32 v4, v4;
	v1 =	vld [tilespmem:s5+$0xFFFFFF60]  }
0x4a6: {  	v5 =	vmul.f32 v5, v5;
	v2 =	vld [tilespmem:s5+$0xFFFFFF70]  }
0x4a7: {  	v6 =	vmul.f32 v6, v6;
	[tilespmem:v16+s4+$0x0] =	vst.idx.add.f32.msk $0xffff, v4  }
0x4a8: {  	v3 =	vmul.f32 v3, v3;
	[tilespmem:v17+s4+$0x0] =	vst.idx.add.f32.msk $0xffff, v5  }
0x4a9: {  	v62 =	vmul.f32 v7, v7;
	[tilespmem:v18+s4+$0x0] =	vst.idx.add.f32.msk $0xffff, v6  }
0x4aa: {  	[tilespmem:v30+s4+$0x0] =	vst.idx.add.f32.msk $0xffff, v3;
	v3 =	vmul.f32 v11, v11  }
0x4ab: {  	v63 =	vmul.f32 v8, v8;
	[tilespmem:v19+s4+$0x0] =	vst.idx.add.f32.msk $0xffff, v62  }
0x4ac: {  	[tilespmem:v25+s4+$0x0] =	vst.idx.add.f32.msk $0xffff, v3;
	v3 =	vmul.f32 v14, v14  }
0x4ad: {  	[tilespmem:v20+s4+$0x0] =	vst.idx.add.f32.msk $0xffff, v63;
	v1 =	vmul.f32 v1, v1  }
0x4ae: {  	[tilespmem:v28+s4+$0x0] =	vst.idx.add.f32.msk $0xffff, v3;
	v2 =	vmul.f32 v2, v2  }
0x4af: {  	[tilespmem:v21+s4+$0x0] =	vst.idx.add.f32.msk $0xffff, v1;
	v1 =	vmul.f32 v9, v9  }
0x4b0: {  	[tilespmem:v22+s4+$0x0] =	vst.idx.add.f32.msk $0xffff, v2;
	v2 =	vmul.f32 v10, v10  }
0x4b1: {  	[tilespmem:v23+s4+$0x0] =	vst.idx.add.f32.msk $0xffff, v1;
	v1 =	vmul.f32 v12, v12  }
0x4b2: {  	[tilespmem:v24+s4+$0x0] =	vst.idx.add.f32.msk $0xffff, v2;
	v2 =	vmul.f32 v13, v13  }
0x4b3: {  	[tilespmem:v26+s4+$0x0] =	vst.idx.add.f32.msk $0xffff, v1;
	v1 =	vmul.f32 v15, v15  }
0x4b4: {  	[tilespmem:v27+s4+$0x0] =	vst.idx.add.f32.msk $0xffff, v2  }
0x4b5: {  	s7 =	simm.s32 $0x8380;
	s6 =	simm.s32 $0x0;
	[tilespmem:v29+s4+$0x0] =	vst.idx.add.f32.msk $0xffff, v1  }
.LBB2_66:
0x4b6: {  	v1 =	vld [tilespmem:s7+$0x70];
	s6 =	sadd.s32 $0x10, s6;
	s5 =	sadd.s32 $0x200, s5  }
0x4b7: {  	v2 =	vld [tilespmem:s5+$0x70];
	p0 =	slt.u32 s6, $0x3F0  }
0x4b8: {  	v3 =	vld [tilespmem:s5+$0xFFFFFF00]  }
0x4b9: {  	v4 =	vld [tilespmem:s5+$0xFFFFFF10]  }
0x4ba: {  	v5 =	vld [tilespmem:s5+$0xFFFFFF20]  }
0x4bb: {  	v6 =	vld [tilespmem:s5+$0xFFFFFF30]  }
0x4bc: {  	v7 =	vld [tilespmem:s5+$0xFFFFFF40];
	v2 =	vmul.f32 v2, v2  }
0x4bd: {  	v3 =	vmul.f32 v3, v3;
	v8 =	vld [tilespmem:s5+$0xFFFFFF50]  }
0x4be: {  	v4 =	vmul.f32 v4, v4;
	[tilespmem:v1+s4+$0x0] =	vst.idx.add.f32.msk $0xffff, v2  }
0x4bf: {  	v1 =	vmul.f32 v5, v5;
	v2 =	vld [tilespmem:s5+$0xFFFFFF60]  }
0x4c0: {  	v5 =	vmul.f32 v6, v6;
	v6 =	vld [tilespmem:s5+$0xFFFFFF70]  }
0x4c1: {  	v7 =	vmul.f32 v7, v7;
	v9 =	vld [tilespmem:s5+$0x0]  }
0x4c2: {  	v8 =	vmul.f32 v8, v8;
	v10 =	vld [tilespmem:s5+$0x10]  }
0x4c3: {  	v11 =	vld [tilespmem:s5+$0x20]  }
0x4c4: {  	v2 =	vmul.f32 v2, v2;
	v12 =	vld [tilespmem:s5+$0x30]  }
0x4c5: {  	v6 =	vmul.f32 v6, v6;
	v13 =	vld [tilespmem:s5+$0x40]  }
0x4c6: {  	v9 =	vmul.f32 v9, v9;
	v14 =	vld [tilespmem:s5+$0x50]  }
0x4c7: {  	v10 =	vmul.f32 v10, v10;
	v15 =	vld [tilespmem:s5+$0x60]  }
0x4c8: {  	v16 =	vld [tilespmem:s7+$0xFFFFFF10];
	v11 =	vmul.f32 v11, v11  }
0x4c9: {  	v17 =	vld [tilespmem:s7+$0xFFFFFF20];
	v12 =	vmul.f32 v12, v12  }
0x4ca: {  	v18 =	vld [tilespmem:s7+$0xFFFFFF30];
	v13 =	vmul.f32 v13, v13  }
0x4cb: {  	v19 =	vld [tilespmem:s7+$0xFFFFFF40];
	v14 =	vmul.f32 v14, v14  }
0x4cc: {  	v20 =	vld [tilespmem:s7+$0xFFFFFF50];
	v15 =	vmul.f32 v15, v15  }
0x4cd: {  	v21 =	vld [tilespmem:s7+$0xFFFFFF60]  }
0x4ce: {  	v22 =	vld [tilespmem:s7+$0xFFFFFF70]  }
0x4cf: {  	v23 =	vld [tilespmem:s7+$0x0]  }
0x4d0: {  	v24 =	vld [tilespmem:s7+$0x10]  }
0x4d1: {  	v25 =	vld [tilespmem:s7+$0x20]  }
0x4d2: {  	v26 =	vld [tilespmem:s7+$0x30]  }
0x4d3: {  	v27 =	vld [tilespmem:s7+$0x40]  }
0x4d4: {  	v28 =	vld [tilespmem:s7+$0x50]  }
0x4d5: {  	v29 =	vld [tilespmem:s7+$0x60]  }
0x4d6: {  	v30 =	vld [tilespmem:s7+$0xFFFFFF00]  }
0x4d7: {  	[tilespmem:v16+s4+$0x0] =	vst.idx.add.f32.msk $0xffff, v4  }
0x4d8: {  	[tilespmem:v17+s4+$0x0] =	vst.idx.add.f32.msk $0xffff, v1  }
0x4d9: {  	[tilespmem:v18+s4+$0x0] =	vst.idx.add.f32.msk $0xffff, v5  }
0x4da: {  	[tilespmem:v19+s4+$0x0] =	vst.idx.add.f32.msk $0xffff, v7  }
0x4db: {  	[tilespmem:v20+s4+$0x0] =	vst.idx.add.f32.msk $0xffff, v8  }
0x4dc: {  	[tilespmem:v21+s4+$0x0] =	vst.idx.add.f32.msk $0xffff, v2  }
0x4dd: {  	[tilespmem:v22+s4+$0x0] =	vst.idx.add.f32.msk $0xffff, v6  }
0x4de: {  	[tilespmem:v30+s4+$0x0] =	vst.idx.add.f32.msk $0xffff, v3  }
0x4df: {  	[tilespmem:v23+s4+$0x0] =	vst.idx.add.f32.msk $0xffff, v9  }
0x4e0: {  	[tilespmem:v24+s4+$0x0] =	vst.idx.add.f32.msk $0xffff, v10  }
.Ltmp32:
0x4e1: {  	[tilespmem:v25+s4+$0x0] =	vst.idx.add.f32.msk $0xffff, v11;
	(pc) =	sbr.rel @p0 .LBB2_66-.Ltmp32, $4  }
0x4e2: {  	[tilespmem:v26+s4+$0x0] =	vst.idx.add.f32.msk $0xffff, v12  }
0x4e3: {  	[tilespmem:v27+s4+$0x0] =	vst.idx.add.f32.msk $0xffff, v13  }
0x4e4: {  	[tilespmem:v28+s4+$0x0] =	vst.idx.add.f32.msk $0xffff, v14  }
0x4e5: {  	s7 =	sadd.s32 $0x200, s7;
	[tilespmem:v29+s4+$0x0] =	vst.idx.add.f32.msk $0xffff, v15  }
0x4e6: {  	s5 =	simm.s32 $0x80  }
0x4e7: {  	s6 =	simm.s32 $0x10;
	s8 =	sadd.s32 $0x0, s22;
	s7 =	simm.s32 $0x180  }
.LBB2_68:
0x4e8: {  	[tilespmem:s5], [sflag:$0x2] =	stream.linear.gather [hbm4b:s8+s1], $0x80, $0x38;
	[tilespmem:$0x12000] =	vst v63  }
0x4e9: {  	s8 =	smov.u32 s6;
	s5 =	smov.u32 s7;
	p0 =	sne.s32 s6, $0x7F0  }
.Ltmp33:
0x4ea: {  	s6 =	sadd.s32 $0x10, s6;
	(pc) =	sbr.rel @p0 .LBB2_68-.Ltmp33, $2  }
0x4eb: {  	_ =	sdelay $0x2  }
0x4ec: {  	s7 =	sadd.s32 $0x100, s7;
	s8 =	sadd.s32 s8, s22  }
0x4ed: {  	[tilespmem:s5], [sflag:$0x2] =	stream.linear.gather [hbm4b:s8+s1], $0x80, $0x38;
	[tilespmem:$0x12000] =	vst v63  }
0x4ee: {  	s5 =	simm.s32 $0x8080  }
0x4ef: {  	s6 =	simm.s32 $0x10;
	s8 =	sadd.s32 $0x0, s23;
	s7 =	simm.s32 $0x8180  }
.LBB2_70:
0x4f0: {  	[tilespmem:s5], [sflag:$0x4] =	stream.linear.gather [hbm4b:s8+s1], $0x80, $0x38;
	[tilespmem:$0x12000] =	vst v63  }
0x4f1: {  	s8 =	smov.u32 s6;
	s5 =	smov.u32 s7;
	p0 =	sne.s32 s6, $0x7F0  }
.Ltmp34:
0x4f2: {  	s6 =	sadd.s32 $0x10, s6;
	(pc) =	sbr.rel @p0 .LBB2_70-.Ltmp34, $2  }
0x4f3: {  	_ =	sdelay $0x2  }
0x4f4: {  	s7 =	sadd.s32 $0x100, s7;
	s8 =	sadd.s32 s8, s23  }
0x4f5: {  	[tilespmem:s5], [sflag:$0x4] =	stream.linear.gather [hbm4b:s8+s1], $0x80, $0x38;
	[tilespmem:$0x12000] =	vst v63  }
0x4f6: {  	s14 =	simm.s32 $0x1  }
0x4f7: {  	_ =	swait.ge [sflag:s14], $0x4000  }
0x4f8: {  	[sflag:s14] =	ssyncset.done $0x0  }
0x4f9: {  	s15 =	simm.s32 $0x3;
	[sflag:s14] =	ssyncadd.s32 $0xFFFFC000  }
0x4fa: {  	_ =	swait.ge [sflag:s15], $0x4000  }
0x4fb: {  	[sflag:s15] =	ssyncset.done $0x0  }
0x4fc: {  	s6 =	simm.s32 $0x8100;
	[sflag:s15] =	ssyncadd.s32 $0xFFFFC000  }
0x4fd: {  	s5 =	simm.s32 $0x100;
	v1 =	vld [tilespmem:s6+$0x70]  }
0x4fe: {  	v2 =	vld [tilespmem:s5+$0x70]  }
0x4ff: {  	v3 =	vld [tilespmem:s5+$0xFFFFFF00]  }
0x500: {  	v4 =	vld [tilespmem:s5+$0xFFFFFF10]  }
0x501: {  	v5 =	vld [tilespmem:s5+$0xFFFFFF20]  }
0x502: {  	v6 =	vld [tilespmem:s5+$0xFFFFFF30]  }
0x503: {  	v7 =	vld [tilespmem:s5+$0xFFFFFF40]  }
0x504: {  	v8 =	vld [tilespmem:s5+$0xFFFFFF50]  }
0x505: {  	v9 =	vld [tilespmem:s5+$0x0]  }
0x506: {  	v10 =	vld [tilespmem:s5+$0x10]  }
0x507: {  	v11 =	vld [tilespmem:s5+$0x20]  }
0x508: {  	v12 =	vld [tilespmem:s5+$0x30]  }
0x509: {  	v13 =	vld [tilespmem:s5+$0x40]  }
0x50a: {  	v14 =	vld [tilespmem:s5+$0x50]  }
0x50b: {  	v15 =	vld [tilespmem:s5+$0x60]  }
0x50c: {  	v16 =	vld [tilespmem:s6+$0xFFFFFF10]  }
0x50d: {  	v17 =	vld [tilespmem:s6+$0xFFFFFF20]  }
0x50e: {  	v18 =	vld [tilespmem:s6+$0xFFFFFF30]  }
0x50f: {  	v19 =	vld [tilespmem:s6+$0xFFFFFF40]  }
0x510: {  	v20 =	vld [tilespmem:s6+$0xFFFFFF50]  }
0x511: {  	v21 =	vld [tilespmem:s6+$0xFFFFFF60]  }
0x512: {  	v22 =	vld [tilespmem:s6+$0xFFFFFF70]  }
0x513: {  	v23 =	vld [tilespmem:s6+$0x0]  }
0x514: {  	v24 =	vld [tilespmem:s6+$0x10]  }
0x515: {  	v25 =	vld [tilespmem:s6+$0x20]  }
0x516: {  	v26 =	vld [tilespmem:s6+$0x30]  }
0x517: {  	v27 =	vld [tilespmem:s6+$0x40]  }
0x518: {  	v28 =	vld [tilespmem:s6+$0x50]  }
0x519: {  	v30 =	vld [tilespmem:s6+$0xFFFFFF00];
	v2 =	vmul.f32 v2, v2  }
0x51a: {  	v29 =	vld [tilespmem:s6+$0x60]  }
0x51b: {  	[tilespmem:v1+s4+$0x0] =	vst.idx.add.f32.msk $0xffff, v2  }
0x51c: {  	v4 =	vmul.f32 v4, v4;
	v1 =	vld [tilespmem:s5+$0xFFFFFF60]  }
0x51d: {  	v5 =	vmul.f32 v5, v5;
	v2 =	vld [tilespmem:s5+$0xFFFFFF70]  }
0x51e: {  	v6 =	vmul.f32 v6, v6;
	[tilespmem:v16+s4+$0x0] =	vst.idx.add.f32.msk $0xffff, v4  }
0x51f: {  	v3 =	vmul.f32 v3, v3;
	[tilespmem:v17+s4+$0x0] =	vst.idx.add.f32.msk $0xffff, v5  }
0x520: {  	v62 =	vmul.f32 v7, v7;
	[tilespmem:v18+s4+$0x0] =	vst.idx.add.f32.msk $0xffff, v6  }
0x521: {  	[tilespmem:v30+s4+$0x0] =	vst.idx.add.f32.msk $0xffff, v3;
	v3 =	vmul.f32 v11, v11  }
0x522: {  	v63 =	vmul.f32 v8, v8;
	[tilespmem:v19+s4+$0x0] =	vst.idx.add.f32.msk $0xffff, v62  }
0x523: {  	[tilespmem:v25+s4+$0x0] =	vst.idx.add.f32.msk $0xffff, v3;
	v3 =	vmul.f32 v14, v14  }
0x524: {  	[tilespmem:v20+s4+$0x0] =	vst.idx.add.f32.msk $0xffff, v63;
	v1 =	vmul.f32 v1, v1  }
0x525: {  	[tilespmem:v28+s4+$0x0] =	vst.idx.add.f32.msk $0xffff, v3;
	v2 =	vmul.f32 v2, v2  }
0x526: {  	[tilespmem:v21+s4+$0x0] =	vst.idx.add.f32.msk $0xffff, v1;
	v1 =	vmul.f32 v9, v9  }
0x527: {  	[tilespmem:v22+s4+$0x0] =	vst.idx.add.f32.msk $0xffff, v2;
	v2 =	vmul.f32 v10, v10  }
0x528: {  	[tilespmem:v23+s4+$0x0] =	vst.idx.add.f32.msk $0xffff, v1;
	v1 =	vmul.f32 v12, v12  }
0x529: {  	[tilespmem:v24+s4+$0x0] =	vst.idx.add.f32.msk $0xffff, v2;
	v2 =	vmul.f32 v13, v13  }
0x52a: {  	[tilespmem:v26+s4+$0x0] =	vst.idx.add.f32.msk $0xffff, v1;
	v1 =	vmul.f32 v15, v15  }
0x52b: {  	[tilespmem:v27+s4+$0x0] =	vst.idx.add.f32.msk $0xffff, v2  }
0x52c: {  	s7 =	simm.s32 $0x8300;
	s6 =	simm.s32 $0x0;
	[tilespmem:v29+s4+$0x0] =	vst.idx.add.f32.msk $0xffff, v1  }
.LBB2_72:
0x52d: {  	v1 =	vld [tilespmem:s7+$0x70];
	s6 =	sadd.s32 $0x10, s6;
	s5 =	sadd.s32 $0x200, s5  }
0x52e: {  	v2 =	vld [tilespmem:s5+$0x70];
	p0 =	slt.u32 s6, $0x3F0  }
0x52f: {  	v3 =	vld [tilespmem:s5+$0xFFFFFF00]  }
0x530: {  	v4 =	vld [tilespmem:s5+$0xFFFFFF10]  }
0x531: {  	v5 =	vld [tilespmem:s5+$0xFFFFFF20]  }
0x532: {  	v6 =	vld [tilespmem:s5+$0xFFFFFF30]  }
0x533: {  	v7 =	vld [tilespmem:s5+$0xFFFFFF40];
	v2 =	vmul.f32 v2, v2  }
0x534: {  	v3 =	vmul.f32 v3, v3;
	v8 =	vld [tilespmem:s5+$0xFFFFFF50]  }
0x535: {  	v4 =	vmul.f32 v4, v4;
	[tilespmem:v1+s4+$0x0] =	vst.idx.add.f32.msk $0xffff, v2  }
0x536: {  	v1 =	vmul.f32 v5, v5;
	v2 =	vld [tilespmem:s5+$0xFFFFFF60]  }
0x537: {  	v5 =	vmul.f32 v6, v6;
	v6 =	vld [tilespmem:s5+$0xFFFFFF70]  }
0x538: {  	v7 =	vmul.f32 v7, v7;
	v9 =	vld [tilespmem:s5+$0x0]  }
0x539: {  	v8 =	vmul.f32 v8, v8;
	v10 =	vld [tilespmem:s5+$0x10]  }
0x53a: {  	v11 =	vld [tilespmem:s5+$0x20]  }
0x53b: {  	v2 =	vmul.f32 v2, v2;
	v12 =	vld [tilespmem:s5+$0x30]  }
0x53c: {  	v6 =	vmul.f32 v6, v6;
	v13 =	vld [tilespmem:s5+$0x40]  }
0x53d: {  	v9 =	vmul.f32 v9, v9;
	v14 =	vld [tilespmem:s5+$0x50]  }
0x53e: {  	v10 =	vmul.f32 v10, v10;
	v15 =	vld [tilespmem:s5+$0x60]  }
0x53f: {  	v16 =	vld [tilespmem:s7+$0xFFFFFF10];
	v11 =	vmul.f32 v11, v11  }
0x540: {  	v17 =	vld [tilespmem:s7+$0xFFFFFF20];
	v12 =	vmul.f32 v12, v12  }
0x541: {  	v18 =	vld [tilespmem:s7+$0xFFFFFF30];
	v13 =	vmul.f32 v13, v13  }
0x542: {  	v19 =	vld [tilespmem:s7+$0xFFFFFF40];
	v14 =	vmul.f32 v14, v14  }
0x543: {  	v20 =	vld [tilespmem:s7+$0xFFFFFF50];
	v15 =	vmul.f32 v15, v15  }
0x544: {  	v21 =	vld [tilespmem:s7+$0xFFFFFF60]  }
0x545: {  	v22 =	vld [tilespmem:s7+$0xFFFFFF70]  }
0x546: {  	v23 =	vld [tilespmem:s7+$0x0]  }
0x547: {  	v24 =	vld [tilespmem:s7+$0x10]  }
0x548: {  	v25 =	vld [tilespmem:s7+$0x20]  }
0x549: {  	v26 =	vld [tilespmem:s7+$0x30]  }
0x54a: {  	v27 =	vld [tilespmem:s7+$0x40]  }
0x54b: {  	v28 =	vld [tilespmem:s7+$0x50]  }
0x54c: {  	v29 =	vld [tilespmem:s7+$0x60]  }
0x54d: {  	v30 =	vld [tilespmem:s7+$0xFFFFFF00]  }
0x54e: {  	[tilespmem:v16+s4+$0x0] =	vst.idx.add.f32.msk $0xffff, v4  }
0x54f: {  	[tilespmem:v17+s4+$0x0] =	vst.idx.add.f32.msk $0xffff, v1  }
0x550: {  	[tilespmem:v18+s4+$0x0] =	vst.idx.add.f32.msk $0xffff, v5  }
0x551: {  	[tilespmem:v19+s4+$0x0] =	vst.idx.add.f32.msk $0xffff, v7  }
0x552: {  	[tilespmem:v20+s4+$0x0] =	vst.idx.add.f32.msk $0xffff, v8  }
0x553: {  	[tilespmem:v21+s4+$0x0] =	vst.idx.add.f32.msk $0xffff, v2  }
0x554: {  	[tilespmem:v22+s4+$0x0] =	vst.idx.add.f32.msk $0xffff, v6  }
0x555: {  	[tilespmem:v30+s4+$0x0] =	vst.idx.add.f32.msk $0xffff, v3  }
0x556: {  	[tilespmem:v23+s4+$0x0] =	vst.idx.add.f32.msk $0xffff, v9  }
0x557: {  	[tilespmem:v24+s4+$0x0] =	vst.idx.add.f32.msk $0xffff, v10  }
.Ltmp35:
0x558: {  	[tilespmem:v25+s4+$0x0] =	vst.idx.add.f32.msk $0xffff, v11;
	(pc) =	sbr.rel @p0 .LBB2_72-.Ltmp35, $4  }
0x559: {  	[tilespmem:v26+s4+$0x0] =	vst.idx.add.f32.msk $0xffff, v12  }
0x55a: {  	[tilespmem:v27+s4+$0x0] =	vst.idx.add.f32.msk $0xffff, v13  }
0x55b: {  	[tilespmem:v28+s4+$0x0] =	vst.idx.add.f32.msk $0xffff, v14  }
0x55c: {  	s7 =	sadd.s32 $0x200, s7;
	[tilespmem:v29+s4+$0x0] =	vst.idx.add.f32.msk $0xffff, v15  }
0x55d: {  	s5 =	simm.s32 $0x0  }
0x55e: {  	s6 =	simm.s32 $0x10;
	s8 =	sadd.s32 $0x0, s24;
	s7 =	simm.s32 $0x100  }
.LBB2_74:
0x55f: {  	[tilespmem:s5], [sflag:$0x1] =	stream.linear.gather [hbm4b:s8+s1], $0x80, $0x38;
	[tilespmem:$0x12000] =	vst v63  }
0x560: {  	s8 =	smov.u32 s6;
	s5 =	smov.u32 s7;
	p0 =	sne.s32 s6, $0x7F0  }
.Ltmp36:
0x561: {  	s6 =	sadd.s32 $0x10, s6;
	(pc) =	sbr.rel @p0 .LBB2_74-.Ltmp36, $2  }
0x562: {  	_ =	sdelay $0x2  }
0x563: {  	s7 =	sadd.s32 $0x100, s7;
	s8 =	sadd.s32 s8, s24  }
0x564: {  	[tilespmem:s5], [sflag:$0x1] =	stream.linear.gather [hbm4b:s8+s1], $0x80, $0x38;
	[tilespmem:$0x12000] =	vst v63  }
0x565: {  	s5 =	simm.s32 $0x8000  }
0x566: {  	s6 =	simm.s32 $0x10;
	s8 =	sadd.s32 $0x0, s25;
	s7 =	simm.s32 $0x8100  }
.LBB2_76:
0x567: {  	[tilespmem:s5], [sflag:$0x3] =	stream.linear.gather [hbm4b:s8+s1], $0x80, $0x38;
	[tilespmem:$0x12000] =	vst v63  }
0x568: {  	s8 =	smov.u32 s6;
	s5 =	smov.u32 s7;
	p0 =	sne.s32 s6, $0x7F0  }
.Ltmp37:
0x569: {  	s6 =	sadd.s32 $0x10, s6;
	(pc) =	sbr.rel @p0 .LBB2_76-.Ltmp37, $2  }
0x56a: {  	_ =	sdelay $0x2  }
0x56b: {  	s7 =	sadd.s32 $0x100, s7;
	s8 =	sadd.s32 s8, s25  }
0x56c: {  	[tilespmem:s5], [sflag:$0x3] =	stream.linear.gather [hbm4b:s8+s1], $0x80, $0x38;
	[tilespmem:$0x12000] =	vst v63  }
0x56d: {  	s14 =	simm.s32 $0x2  }
0x56e: {  	_ =	swait.ge [sflag:s14], $0x4000  }
0x56f: {  	[sflag:s14] =	ssyncset.done $0x0  }
0x570: {  	s15 =	simm.s32 $0x4;
	[sflag:s14] =	ssyncadd.s32 $0xFFFFC000  }
0x571: {  	_ =	swait.ge [sflag:s15], $0x4000  }
0x572: {  	[sflag:s15] =	ssyncset.done $0x0  }
0x573: {  	s6 =	simm.s32 $0x8180;
	[sflag:s15] =	ssyncadd.s32 $0xFFFFC000  }
0x574: {  	s5 =	simm.s32 $0x180;
	v1 =	vld [tilespmem:s6+$0x70]  }
0x575: {  	v2 =	vld [tilespmem:s5+$0x70]  }
0x576: {  	v3 =	vld [tilespmem:s5+$0xFFFFFF00]  }
0x577: {  	v4 =	vld [tilespmem:s5+$0xFFFFFF10]  }
0x578: {  	v5 =	vld [tilespmem:s5+$0xFFFFFF20]  }
0x579: {  	v6 =	vld [tilespmem:s5+$0xFFFFFF30]  }
0x57a: {  	v7 =	vld [tilespmem:s5+$0xFFFFFF40]  }
0x57b: {  	v8 =	vld [tilespmem:s5+$0xFFFFFF50]  }
0x57c: {  	v9 =	vld [tilespmem:s5+$0x0]  }
0x57d: {  	v10 =	vld [tilespmem:s5+$0x10]  }
0x57e: {  	v11 =	vld [tilespmem:s5+$0x20]  }
0x57f: {  	v12 =	vld [tilespmem:s5+$0x30]  }
0x580: {  	v13 =	vld [tilespmem:s5+$0x40]  }
0x581: {  	v14 =	vld [tilespmem:s5+$0x50]  }
0x582: {  	v15 =	vld [tilespmem:s5+$0x60]  }
0x583: {  	v16 =	vld [tilespmem:s6+$0xFFFFFF10]  }
0x584: {  	v17 =	vld [tilespmem:s6+$0xFFFFFF20]  }
0x585: {  	v18 =	vld [tilespmem:s6+$0xFFFFFF30]  }
0x586: {  	v19 =	vld [tilespmem:s6+$0xFFFFFF40]  }
0x587: {  	v20 =	vld [tilespmem:s6+$0xFFFFFF50]  }
0x588: {  	v21 =	vld [tilespmem:s6+$0xFFFFFF60]  }
0x589: {  	v22 =	vld [tilespmem:s6+$0xFFFFFF70]  }
0x58a: {  	v23 =	vld [tilespmem:s6+$0x0]  }
0x58b: {  	v24 =	vld [tilespmem:s6+$0x10]  }
0x58c: {  	v25 =	vld [tilespmem:s6+$0x20]  }
0x58d: {  	v26 =	vld [tilespmem:s6+$0x30]  }
0x58e: {  	v27 =	vld [tilespmem:s6+$0x40]  }
0x58f: {  	v28 =	vld [tilespmem:s6+$0x50]  }
0x590: {  	v30 =	vld [tilespmem:s6+$0xFFFFFF00];
	v2 =	vmul.f32 v2, v2  }
0x591: {  	v29 =	vld [tilespmem:s6+$0x60]  }
0x592: {  	[tilespmem:v1+s4+$0x0] =	vst.idx.add.f32.msk $0xffff, v2  }
0x593: {  	v4 =	vmul.f32 v4, v4;
	v1 =	vld [tilespmem:s5+$0xFFFFFF60]  }
0x594: {  	v5 =	vmul.f32 v5, v5;
	v2 =	vld [tilespmem:s5+$0xFFFFFF70]  }
0x595: {  	v6 =	vmul.f32 v6, v6;
	[tilespmem:v16+s4+$0x0] =	vst.idx.add.f32.msk $0xffff, v4  }
0x596: {  	v3 =	vmul.f32 v3, v3;
	[tilespmem:v17+s4+$0x0] =	vst.idx.add.f32.msk $0xffff, v5  }
0x597: {  	v62 =	vmul.f32 v7, v7;
	[tilespmem:v18+s4+$0x0] =	vst.idx.add.f32.msk $0xffff, v6  }
0x598: {  	[tilespmem:v30+s4+$0x0] =	vst.idx.add.f32.msk $0xffff, v3;
	v3 =	vmul.f32 v11, v11  }
0x599: {  	v63 =	vmul.f32 v8, v8;
	[tilespmem:v19+s4+$0x0] =	vst.idx.add.f32.msk $0xffff, v62  }
0x59a: {  	[tilespmem:v25+s4+$0x0] =	vst.idx.add.f32.msk $0xffff, v3;
	v3 =	vmul.f32 v14, v14  }
0x59b: {  	[tilespmem:v20+s4+$0x0] =	vst.idx.add.f32.msk $0xffff, v63;
	v1 =	vmul.f32 v1, v1  }
0x59c: {  	[tilespmem:v28+s4+$0x0] =	vst.idx.add.f32.msk $0xffff, v3;
	v2 =	vmul.f32 v2, v2  }
0x59d: {  	[tilespmem:v21+s4+$0x0] =	vst.idx.add.f32.msk $0xffff, v1;
	v1 =	vmul.f32 v9, v9  }
0x59e: {  	[tilespmem:v22+s4+$0x0] =	vst.idx.add.f32.msk $0xffff, v2;
	v2 =	vmul.f32 v10, v10  }
0x59f: {  	[tilespmem:v23+s4+$0x0] =	vst.idx.add.f32.msk $0xffff, v1;
	v1 =	vmul.f32 v12, v12  }
0x5a0: {  	[tilespmem:v24+s4+$0x0] =	vst.idx.add.f32.msk $0xffff, v2;
	v2 =	vmul.f32 v13, v13  }
0x5a1: {  	[tilespmem:v26+s4+$0x0] =	vst.idx.add.f32.msk $0xffff, v1;
	v1 =	vmul.f32 v15, v15  }
0x5a2: {  	[tilespmem:v27+s4+$0x0] =	vst.idx.add.f32.msk $0xffff, v2  }
0x5a3: {  	s7 =	simm.s32 $0x8380;
	s6 =	simm.s32 $0x0;
	[tilespmem:v29+s4+$0x0] =	vst.idx.add.f32.msk $0xffff, v1  }
.LBB2_78:
0x5a4: {  	v1 =	vld [tilespmem:s7+$0x70];
	s6 =	sadd.s32 $0x10, s6;
	s5 =	sadd.s32 $0x200, s5  }
0x5a5: {  	v2 =	vld [tilespmem:s5+$0x70];
	p0 =	slt.u32 s6, $0x3F0  }
0x5a6: {  	v3 =	vld [tilespmem:s5+$0xFFFFFF00]  }
0x5a7: {  	v4 =	vld [tilespmem:s5+$0xFFFFFF10]  }
0x5a8: {  	v5 =	vld [tilespmem:s5+$0xFFFFFF20]  }
0x5a9: {  	v6 =	vld [tilespmem:s5+$0xFFFFFF30]  }
0x5aa: {  	v7 =	vld [tilespmem:s5+$0xFFFFFF40];
	v2 =	vmul.f32 v2, v2  }
0x5ab: {  	v3 =	vmul.f32 v3, v3;
	v8 =	vld [tilespmem:s5+$0xFFFFFF50]  }
0x5ac: {  	v4 =	vmul.f32 v4, v4;
	[tilespmem:v1+s4+$0x0] =	vst.idx.add.f32.msk $0xffff, v2  }
0x5ad: {  	v1 =	vmul.f32 v5, v5;
	v2 =	vld [tilespmem:s5+$0xFFFFFF60]  }
0x5ae: {  	v5 =	vmul.f32 v6, v6;
	v6 =	vld [tilespmem:s5+$0xFFFFFF70]  }
0x5af: {  	v7 =	vmul.f32 v7, v7;
	v9 =	vld [tilespmem:s5+$0x0]  }
0x5b0: {  	v8 =	vmul.f32 v8, v8;
	v10 =	vld [tilespmem:s5+$0x10]  }
0x5b1: {  	v11 =	vld [tilespmem:s5+$0x20]  }
0x5b2: {  	v2 =	vmul.f32 v2, v2;
	v12 =	vld [tilespmem:s5+$0x30]  }
0x5b3: {  	v6 =	vmul.f32 v6, v6;
	v13 =	vld [tilespmem:s5+$0x40]  }
0x5b4: {  	v9 =	vmul.f32 v9, v9;
	v14 =	vld [tilespmem:s5+$0x50]  }
0x5b5: {  	v10 =	vmul.f32 v10, v10;
	v15 =	vld [tilespmem:s5+$0x60]  }
0x5b6: {  	v16 =	vld [tilespmem:s7+$0xFFFFFF10];
	v11 =	vmul.f32 v11, v11  }
0x5b7: {  	v17 =	vld [tilespmem:s7+$0xFFFFFF20];
	v12 =	vmul.f32 v12, v12  }
0x5b8: {  	v18 =	vld [tilespmem:s7+$0xFFFFFF30];
	v13 =	vmul.f32 v13, v13  }
0x5b9: {  	v19 =	vld [tilespmem:s7+$0xFFFFFF40];
	v14 =	vmul.f32 v14, v14  }
0x5ba: {  	v20 =	vld [tilespmem:s7+$0xFFFFFF50];
	v15 =	vmul.f32 v15, v15  }
0x5bb: {  	v21 =	vld [tilespmem:s7+$0xFFFFFF60]  }
0x5bc: {  	v22 =	vld [tilespmem:s7+$0xFFFFFF70]  }
0x5bd: {  	v23 =	vld [tilespmem:s7+$0x0]  }
0x5be: {  	v24 =	vld [tilespmem:s7+$0x10]  }
0x5bf: {  	v25 =	vld [tilespmem:s7+$0x20]  }
0x5c0: {  	v26 =	vld [tilespmem:s7+$0x30]  }
0x5c1: {  	v27 =	vld [tilespmem:s7+$0x40]  }
0x5c2: {  	v28 =	vld [tilespmem:s7+$0x50]  }
0x5c3: {  	v29 =	vld [tilespmem:s7+$0x60]  }
0x5c4: {  	v30 =	vld [tilespmem:s7+$0xFFFFFF00]  }
0x5c5: {  	[tilespmem:v16+s4+$0x0] =	vst.idx.add.f32.msk $0xffff, v4  }
0x5c6: {  	[tilespmem:v17+s4+$0x0] =	vst.idx.add.f32.msk $0xffff, v1  }
0x5c7: {  	[tilespmem:v18+s4+$0x0] =	vst.idx.add.f32.msk $0xffff, v5  }
0x5c8: {  	[tilespmem:v19+s4+$0x0] =	vst.idx.add.f32.msk $0xffff, v7  }
0x5c9: {  	[tilespmem:v20+s4+$0x0] =	vst.idx.add.f32.msk $0xffff, v8  }
0x5ca: {  	[tilespmem:v21+s4+$0x0] =	vst.idx.add.f32.msk $0xffff, v2  }
0x5cb: {  	[tilespmem:v22+s4+$0x0] =	vst.idx.add.f32.msk $0xffff, v6  }
0x5cc: {  	[tilespmem:v30+s4+$0x0] =	vst.idx.add.f32.msk $0xffff, v3  }
0x5cd: {  	[tilespmem:v23+s4+$0x0] =	vst.idx.add.f32.msk $0xffff, v9  }
0x5ce: {  	[tilespmem:v24+s4+$0x0] =	vst.idx.add.f32.msk $0xffff, v10  }
.Ltmp38:
0x5cf: {  	[tilespmem:v25+s4+$0x0] =	vst.idx.add.f32.msk $0xffff, v11;
	(pc) =	sbr.rel @p0 .LBB2_78-.Ltmp38, $4  }
0x5d0: {  	[tilespmem:v26+s4+$0x0] =	vst.idx.add.f32.msk $0xffff, v12  }
0x5d1: {  	[tilespmem:v27+s4+$0x0] =	vst.idx.add.f32.msk $0xffff, v13  }
0x5d2: {  	[tilespmem:v28+s4+$0x0] =	vst.idx.add.f32.msk $0xffff, v14  }
0x5d3: {  	s7 =	sadd.s32 $0x200, s7;
	[tilespmem:v29+s4+$0x0] =	vst.idx.add.f32.msk $0xffff, v15  }
0x5d4: {  	s5 =	simm.s32 $0x80  }
0x5d5: {  	s6 =	simm.s32 $0x10;
	s8 =	sadd.s32 $0x0, s26;
	s7 =	simm.s32 $0x180  }
.LBB2_80:
0x5d6: {  	[tilespmem:s5], [sflag:$0x2] =	stream.linear.gather [hbm4b:s8+s1], $0x80, $0x38;
	[tilespmem:$0x12000] =	vst v63  }
0x5d7: {  	s8 =	smov.u32 s6;
	s5 =	smov.u32 s7;
	p0 =	sne.s32 s6, $0x7F0  }
.Ltmp39:
0x5d8: {  	s6 =	sadd.s32 $0x10, s6;
	(pc) =	sbr.rel @p0 .LBB2_80-.Ltmp39, $2  }
0x5d9: {  	_ =	sdelay $0x2  }
0x5da: {  	s7 =	sadd.s32 $0x100, s7;
	s8 =	sadd.s32 s8, s26  }
0x5db: {  	[tilespmem:s5], [sflag:$0x2] =	stream.linear.gather [hbm4b:s8+s1], $0x80, $0x38;
	[tilespmem:$0x12000] =	vst v63  }
0x5dc: {  	s5 =	simm.s32 $0x8080  }
0x5dd: {  	s6 =	simm.s32 $0x10;
	s8 =	sadd.s32 $0x0, s28;
	s7 =	simm.s32 $0x8180  }
.LBB2_82:
0x5de: {  	[tilespmem:s5], [sflag:$0x4] =	stream.linear.gather [hbm4b:s8+s1], $0x80, $0x38;
	[tilespmem:$0x12000] =	vst v63  }
0x5df: {  	s8 =	smov.u32 s6;
	s5 =	smov.u32 s7;
	p0 =	sne.s32 s6, $0x7F0  }
.Ltmp40:
0x5e0: {  	s6 =	sadd.s32 $0x10, s6;
	(pc) =	sbr.rel @p0 .LBB2_82-.Ltmp40, $2  }
0x5e1: {  	_ =	sdelay $0x2  }
0x5e2: {  	s7 =	sadd.s32 $0x100, s7;
	s8 =	sadd.s32 s8, s28  }
0x5e3: {  	[tilespmem:s5], [sflag:$0x4] =	stream.linear.gather [hbm4b:s8+s1], $0x80, $0x38;
	[tilespmem:$0x12000] =	vst v63  }
0x5e4: {  	s14 =	simm.s32 $0x1  }
0x5e5: {  	_ =	swait.ge [sflag:s14], $0x4000  }
0x5e6: {  	[sflag:s14] =	ssyncset.done $0x0  }
0x5e7: {  	s15 =	simm.s32 $0x3;
	[sflag:s14] =	ssyncadd.s32 $0xFFFFC000  }
0x5e8: {  	_ =	swait.ge [sflag:s15], $0x4000  }
0x5e9: {  	[sflag:s15] =	ssyncset.done $0x0  }
0x5ea: {  	s6 =	simm.s32 $0x8100;
	[sflag:s15] =	ssyncadd.s32 $0xFFFFC000  }
0x5eb: {  	s5 =	simm.s32 $0x100;
	v1 =	vld [tilespmem:s6+$0x70]  }
0x5ec: {  	v2 =	vld [tilespmem:s5+$0x70]  }
0x5ed: {  	v3 =	vld [tilespmem:s5+$0xFFFFFF00]  }
0x5ee: {  	v4 =	vld [tilespmem:s5+$0xFFFFFF10]  }
0x5ef: {  	v5 =	vld [tilespmem:s5+$0xFFFFFF20]  }
0x5f0: {  	v6 =	vld [tilespmem:s5+$0xFFFFFF30]  }
0x5f1: {  	v7 =	vld [tilespmem:s5+$0xFFFFFF40]  }
0x5f2: {  	v8 =	vld [tilespmem:s5+$0xFFFFFF50]  }
0x5f3: {  	v9 =	vld [tilespmem:s5+$0x0]  }
0x5f4: {  	v10 =	vld [tilespmem:s5+$0x10]  }
0x5f5: {  	v11 =	vld [tilespmem:s5+$0x20]  }
0x5f6: {  	v12 =	vld [tilespmem:s5+$0x30]  }
0x5f7: {  	v13 =	vld [tilespmem:s5+$0x40]  }
0x5f8: {  	v14 =	vld [tilespmem:s5+$0x50]  }
0x5f9: {  	v15 =	vld [tilespmem:s5+$0x60]  }
0x5fa: {  	v16 =	vld [tilespmem:s6+$0xFFFFFF10]  }
0x5fb: {  	v17 =	vld [tilespmem:s6+$0xFFFFFF20]  }
0x5fc: {  	v18 =	vld [tilespmem:s6+$0xFFFFFF30]  }
0x5fd: {  	v19 =	vld [tilespmem:s6+$0xFFFFFF40]  }
0x5fe: {  	v20 =	vld [tilespmem:s6+$0xFFFFFF50]  }
0x5ff: {  	v21 =	vld [tilespmem:s6+$0xFFFFFF60]  }
0x600: {  	v22 =	vld [tilespmem:s6+$0xFFFFFF70]  }
0x601: {  	v23 =	vld [tilespmem:s6+$0x0]  }
0x602: {  	v24 =	vld [tilespmem:s6+$0x10]  }
0x603: {  	v25 =	vld [tilespmem:s6+$0x20]  }
0x604: {  	v26 =	vld [tilespmem:s6+$0x30]  }
0x605: {  	v27 =	vld [tilespmem:s6+$0x40]  }
0x606: {  	v28 =	vld [tilespmem:s6+$0x50]  }
0x607: {  	v30 =	vld [tilespmem:s6+$0xFFFFFF00];
	v2 =	vmul.f32 v2, v2  }
0x608: {  	v29 =	vld [tilespmem:s6+$0x60]  }
0x609: {  	[tilespmem:v1+s4+$0x0] =	vst.idx.add.f32.msk $0xffff, v2  }
0x60a: {  	v4 =	vmul.f32 v4, v4;
	v1 =	vld [tilespmem:s5+$0xFFFFFF60]  }
0x60b: {  	v5 =	vmul.f32 v5, v5;
	v2 =	vld [tilespmem:s5+$0xFFFFFF70]  }
0x60c: {  	v6 =	vmul.f32 v6, v6;
	[tilespmem:v16+s4+$0x0] =	vst.idx.add.f32.msk $0xffff, v4  }
0x60d: {  	v3 =	vmul.f32 v3, v3;
	[tilespmem:v17+s4+$0x0] =	vst.idx.add.f32.msk $0xffff, v5  }
0x60e: {  	v62 =	vmul.f32 v7, v7;
	[tilespmem:v18+s4+$0x0] =	vst.idx.add.f32.msk $0xffff, v6  }
0x60f: {  	[tilespmem:v30+s4+$0x0] =	vst.idx.add.f32.msk $0xffff, v3;
	v3 =	vmul.f32 v11, v11  }
0x610: {  	v63 =	vmul.f32 v8, v8;
	[tilespmem:v19+s4+$0x0] =	vst.idx.add.f32.msk $0xffff, v62  }
0x611: {  	[tilespmem:v25+s4+$0x0] =	vst.idx.add.f32.msk $0xffff, v3;
	v3 =	vmul.f32 v14, v14  }
0x612: {  	[tilespmem:v20+s4+$0x0] =	vst.idx.add.f32.msk $0xffff, v63;
	v1 =	vmul.f32 v1, v1  }
0x613: {  	[tilespmem:v28+s4+$0x0] =	vst.idx.add.f32.msk $0xffff, v3;
	v2 =	vmul.f32 v2, v2  }
0x614: {  	[tilespmem:v21+s4+$0x0] =	vst.idx.add.f32.msk $0xffff, v1;
	v1 =	vmul.f32 v9, v9  }
0x615: {  	[tilespmem:v22+s4+$0x0] =	vst.idx.add.f32.msk $0xffff, v2;
	v2 =	vmul.f32 v10, v10  }
0x616: {  	[tilespmem:v23+s4+$0x0] =	vst.idx.add.f32.msk $0xffff, v1;
	v1 =	vmul.f32 v12, v12  }
0x617: {  	[tilespmem:v24+s4+$0x0] =	vst.idx.add.f32.msk $0xffff, v2;
	v2 =	vmul.f32 v13, v13  }
0x618: {  	[tilespmem:v26+s4+$0x0] =	vst.idx.add.f32.msk $0xffff, v1;
	v1 =	vmul.f32 v15, v15  }
0x619: {  	[tilespmem:v27+s4+$0x0] =	vst.idx.add.f32.msk $0xffff, v2  }
0x61a: {  	s7 =	simm.s32 $0x8300;
	s6 =	simm.s32 $0x0;
	[tilespmem:v29+s4+$0x0] =	vst.idx.add.f32.msk $0xffff, v1  }
.LBB2_84:
0x61b: {  	v1 =	vld [tilespmem:s7+$0x70];
	s6 =	sadd.s32 $0x10, s6;
	s5 =	sadd.s32 $0x200, s5  }
0x61c: {  	v2 =	vld [tilespmem:s5+$0x70];
	p0 =	slt.u32 s6, $0x3F0  }
0x61d: {  	v3 =	vld [tilespmem:s5+$0xFFFFFF00]  }
0x61e: {  	v4 =	vld [tilespmem:s5+$0xFFFFFF10]  }
0x61f: {  	v5 =	vld [tilespmem:s5+$0xFFFFFF20]  }
0x620: {  	v6 =	vld [tilespmem:s5+$0xFFFFFF30]  }
0x621: {  	v7 =	vld [tilespmem:s5+$0xFFFFFF40];
	v2 =	vmul.f32 v2, v2  }
0x622: {  	v3 =	vmul.f32 v3, v3;
	v8 =	vld [tilespmem:s5+$0xFFFFFF50]  }
0x623: {  	v4 =	vmul.f32 v4, v4;
	[tilespmem:v1+s4+$0x0] =	vst.idx.add.f32.msk $0xffff, v2  }
0x624: {  	v1 =	vmul.f32 v5, v5;
	v2 =	vld [tilespmem:s5+$0xFFFFFF60]  }
0x625: {  	v5 =	vmul.f32 v6, v6;
	v6 =	vld [tilespmem:s5+$0xFFFFFF70]  }
0x626: {  	v7 =	vmul.f32 v7, v7;
	v9 =	vld [tilespmem:s5+$0x0]  }
0x627: {  	v8 =	vmul.f32 v8, v8;
	v10 =	vld [tilespmem:s5+$0x10]  }
0x628: {  	v11 =	vld [tilespmem:s5+$0x20]  }
0x629: {  	v2 =	vmul.f32 v2, v2;
	v12 =	vld [tilespmem:s5+$0x30]  }
0x62a: {  	v6 =	vmul.f32 v6, v6;
	v13 =	vld [tilespmem:s5+$0x40]  }
0x62b: {  	v9 =	vmul.f32 v9, v9;
	v14 =	vld [tilespmem:s5+$0x50]  }
0x62c: {  	v10 =	vmul.f32 v10, v10;
	v15 =	vld [tilespmem:s5+$0x60]  }
0x62d: {  	v16 =	vld [tilespmem:s7+$0xFFFFFF10];
	v11 =	vmul.f32 v11, v11  }
0x62e: {  	v17 =	vld [tilespmem:s7+$0xFFFFFF20];
	v12 =	vmul.f32 v12, v12  }
0x62f: {  	v18 =	vld [tilespmem:s7+$0xFFFFFF30];
	v13 =	vmul.f32 v13, v13  }
0x630: {  	v19 =	vld [tilespmem:s7+$0xFFFFFF40];
	v14 =	vmul.f32 v14, v14  }
0x631: {  	v20 =	vld [tilespmem:s7+$0xFFFFFF50];
	v15 =	vmul.f32 v15, v15  }
0x632: {  	v21 =	vld [tilespmem:s7+$0xFFFFFF60]  }
0x633: {  	v22 =	vld [tilespmem:s7+$0xFFFFFF70]  }
0x634: {  	v23 =	vld [tilespmem:s7+$0x0]  }
0x635: {  	v24 =	vld [tilespmem:s7+$0x10]  }
0x636: {  	v25 =	vld [tilespmem:s7+$0x20]  }
0x637: {  	v26 =	vld [tilespmem:s7+$0x30]  }
0x638: {  	v27 =	vld [tilespmem:s7+$0x40]  }
0x639: {  	v28 =	vld [tilespmem:s7+$0x50]  }
0x63a: {  	v29 =	vld [tilespmem:s7+$0x60]  }
0x63b: {  	v30 =	vld [tilespmem:s7+$0xFFFFFF00]  }
0x63c: {  	[tilespmem:v16+s4+$0x0] =	vst.idx.add.f32.msk $0xffff, v4  }
0x63d: {  	[tilespmem:v17+s4+$0x0] =	vst.idx.add.f32.msk $0xffff, v1  }
0x63e: {  	[tilespmem:v18+s4+$0x0] =	vst.idx.add.f32.msk $0xffff, v5  }
0x63f: {  	[tilespmem:v19+s4+$0x0] =	vst.idx.add.f32.msk $0xffff, v7  }
0x640: {  	[tilespmem:v20+s4+$0x0] =	vst.idx.add.f32.msk $0xffff, v8  }
0x641: {  	[tilespmem:v21+s4+$0x0] =	vst.idx.add.f32.msk $0xffff, v2  }
0x642: {  	[tilespmem:v22+s4+$0x0] =	vst.idx.add.f32.msk $0xffff, v6  }
0x643: {  	[tilespmem:v30+s4+$0x0] =	vst.idx.add.f32.msk $0xffff, v3  }
0x644: {  	[tilespmem:v23+s4+$0x0] =	vst.idx.add.f32.msk $0xffff, v9  }
0x645: {  	[tilespmem:v24+s4+$0x0] =	vst.idx.add.f32.msk $0xffff, v10  }
.Ltmp41:
0x646: {  	[tilespmem:v25+s4+$0x0] =	vst.idx.add.f32.msk $0xffff, v11;
	(pc) =	sbr.rel @p0 .LBB2_84-.Ltmp41, $4  }
0x647: {  	[tilespmem:v26+s4+$0x0] =	vst.idx.add.f32.msk $0xffff, v12  }
0x648: {  	[tilespmem:v27+s4+$0x0] =	vst.idx.add.f32.msk $0xffff, v13  }
0x649: {  	[tilespmem:v28+s4+$0x0] =	vst.idx.add.f32.msk $0xffff, v14  }
0x64a: {  	s7 =	sadd.s32 $0x200, s7;
	[tilespmem:v29+s4+$0x0] =	vst.idx.add.f32.msk $0xffff, v15  }
0x64b: {  	s5 =	simm.s32 $0x0  }
0x64c: {  	s6 =	simm.s32 $0x10;
	s8 =	sadd.s32 $0x0, s29;
	s7 =	simm.s32 $0x100  }
.LBB2_86:
0x64d: {  	[tilespmem:s5], [sflag:$0x1] =	stream.linear.gather [hbm4b:s8+s1], $0x80, $0x38;
	[tilespmem:$0x12000] =	vst v63  }
0x64e: {  	s8 =	smov.u32 s6;
	s5 =	smov.u32 s7;
	p0 =	sne.s32 s6, $0x7F0  }
.Ltmp42:
0x64f: {  	s6 =	sadd.s32 $0x10, s6;
	(pc) =	sbr.rel @p0 .LBB2_86-.Ltmp42, $2  }
0x650: {  	_ =	sdelay $0x2  }
0x651: {  	s7 =	sadd.s32 $0x100, s7;
	s8 =	sadd.s32 s8, s29  }
0x652: {  	[tilespmem:s5], [sflag:$0x1] =	stream.linear.gather [hbm4b:s8+s1], $0x80, $0x38;
	[tilespmem:$0x12000] =	vst v63  }
0x653: {  	s5 =	simm.s32 $0x8000  }
0x654: {  	s6 =	simm.s32 $0x10;
	s8 =	sadd.s32 $0x0, s30;
	s7 =	simm.s32 $0x8100  }
.LBB2_88:
0x655: {  	[tilespmem:s5], [sflag:$0x3] =	stream.linear.gather [hbm4b:s8+s1], $0x80, $0x38;
	[tilespmem:$0x12000] =	vst v63  }
0x656: {  	s8 =	smov.u32 s6;
	s5 =	smov.u32 s7;
	p0 =	sne.s32 s6, $0x7F0  }
.Ltmp43:
0x657: {  	s6 =	sadd.s32 $0x10, s6;
	(pc) =	sbr.rel @p0 .LBB2_88-.Ltmp43, $2  }
0x658: {  	_ =	sdelay $0x2  }
0x659: {  	s7 =	sadd.s32 $0x100, s7;
	s8 =	sadd.s32 s8, s30  }
0x65a: {  	[tilespmem:s5], [sflag:$0x3] =	stream.linear.gather [hbm4b:s8+s1], $0x80, $0x38;
	[tilespmem:$0x12000] =	vst v63  }
0x65b: {  	s14 =	simm.s32 $0x2  }
0x65c: {  	_ =	swait.ge [sflag:s14], $0x4000  }
0x65d: {  	[sflag:s14] =	ssyncset.done $0x0  }
0x65e: {  	s15 =	simm.s32 $0x4;
	[sflag:s14] =	ssyncadd.s32 $0xFFFFC000  }
0x65f: {  	_ =	swait.ge [sflag:s15], $0x4000  }
0x660: {  	[sflag:s15] =	ssyncset.done $0x0  }
0x661: {  	s6 =	simm.s32 $0x8180;
	[sflag:s15] =	ssyncadd.s32 $0xFFFFC000  }
0x662: {  	s5 =	simm.s32 $0x180;
	v1 =	vld [tilespmem:s6+$0x70]  }
0x663: {  	v2 =	vld [tilespmem:s5+$0x70]  }
0x664: {  	v3 =	vld [tilespmem:s5+$0xFFFFFF00]  }
0x665: {  	v4 =	vld [tilespmem:s5+$0xFFFFFF10]  }
0x666: {  	v5 =	vld [tilespmem:s5+$0xFFFFFF20]  }
0x667: {  	v6 =	vld [tilespmem:s5+$0xFFFFFF30]  }
0x668: {  	v7 =	vld [tilespmem:s5+$0xFFFFFF40]  }
0x669: {  	v8 =	vld [tilespmem:s5+$0xFFFFFF50]  }
0x66a: {  	v9 =	vld [tilespmem:s5+$0x0]  }
0x66b: {  	v10 =	vld [tilespmem:s5+$0x10]  }
0x66c: {  	v11 =	vld [tilespmem:s5+$0x20]  }
0x66d: {  	v12 =	vld [tilespmem:s5+$0x30]  }
0x66e: {  	v13 =	vld [tilespmem:s5+$0x40]  }
0x66f: {  	v14 =	vld [tilespmem:s5+$0x50]  }
0x670: {  	v15 =	vld [tilespmem:s5+$0x60]  }
0x671: {  	v16 =	vld [tilespmem:s6+$0xFFFFFF10]  }
0x672: {  	v17 =	vld [tilespmem:s6+$0xFFFFFF20]  }
0x673: {  	v18 =	vld [tilespmem:s6+$0xFFFFFF30]  }
0x674: {  	v19 =	vld [tilespmem:s6+$0xFFFFFF40]  }
0x675: {  	v20 =	vld [tilespmem:s6+$0xFFFFFF50]  }
0x676: {  	v21 =	vld [tilespmem:s6+$0xFFFFFF60]  }
0x677: {  	v22 =	vld [tilespmem:s6+$0xFFFFFF70]  }
0x678: {  	v23 =	vld [tilespmem:s6+$0x0]  }
0x679: {  	v24 =	vld [tilespmem:s6+$0x10]  }
0x67a: {  	v25 =	vld [tilespmem:s6+$0x20]  }
0x67b: {  	v26 =	vld [tilespmem:s6+$0x30]  }
0x67c: {  	v27 =	vld [tilespmem:s6+$0x40]  }
0x67d: {  	v28 =	vld [tilespmem:s6+$0x50]  }
0x67e: {  	v30 =	vld [tilespmem:s6+$0xFFFFFF00];
	v2 =	vmul.f32 v2, v2  }
0x67f: {  	v29 =	vld [tilespmem:s6+$0x60]  }
0x680: {  	[tilespmem:v1+s4+$0x0] =	vst.idx.add.f32.msk $0xffff, v2  }
0x681: {  	v4 =	vmul.f32 v4, v4;
	v1 =	vld [tilespmem:s5+$0xFFFFFF60]  }
0x682: {  	v5 =	vmul.f32 v5, v5;
	v2 =	vld [tilespmem:s5+$0xFFFFFF70]  }
0x683: {  	v6 =	vmul.f32 v6, v6;
	[tilespmem:v16+s4+$0x0] =	vst.idx.add.f32.msk $0xffff, v4  }
0x684: {  	v3 =	vmul.f32 v3, v3;
	[tilespmem:v17+s4+$0x0] =	vst.idx.add.f32.msk $0xffff, v5  }
0x685: {  	v62 =	vmul.f32 v7, v7;
	[tilespmem:v18+s4+$0x0] =	vst.idx.add.f32.msk $0xffff, v6  }
0x686: {  	[tilespmem:v30+s4+$0x0] =	vst.idx.add.f32.msk $0xffff, v3;
	v3 =	vmul.f32 v11, v11  }
0x687: {  	v63 =	vmul.f32 v8, v8;
	[tilespmem:v19+s4+$0x0] =	vst.idx.add.f32.msk $0xffff, v62  }
0x688: {  	[tilespmem:v25+s4+$0x0] =	vst.idx.add.f32.msk $0xffff, v3;
	v3 =	vmul.f32 v14, v14  }
0x689: {  	[tilespmem:v20+s4+$0x0] =	vst.idx.add.f32.msk $0xffff, v63;
	v1 =	vmul.f32 v1, v1  }
0x68a: {  	[tilespmem:v28+s4+$0x0] =	vst.idx.add.f32.msk $0xffff, v3;
	v2 =	vmul.f32 v2, v2  }
0x68b: {  	[tilespmem:v21+s4+$0x0] =	vst.idx.add.f32.msk $0xffff, v1;
	v1 =	vmul.f32 v9, v9  }
0x68c: {  	[tilespmem:v22+s4+$0x0] =	vst.idx.add.f32.msk $0xffff, v2;
	v2 =	vmul.f32 v10, v10  }
0x68d: {  	[tilespmem:v23+s4+$0x0] =	vst.idx.add.f32.msk $0xffff, v1;
	v1 =	vmul.f32 v12, v12  }
0x68e: {  	[tilespmem:v24+s4+$0x0] =	vst.idx.add.f32.msk $0xffff, v2;
	v2 =	vmul.f32 v13, v13  }
0x68f: {  	[tilespmem:v26+s4+$0x0] =	vst.idx.add.f32.msk $0xffff, v1;
	v1 =	vmul.f32 v15, v15  }
0x690: {  	[tilespmem:v27+s4+$0x0] =	vst.idx.add.f32.msk $0xffff, v2  }
0x691: {  	s7 =	simm.s32 $0x8380;
	s6 =	simm.s32 $0x0;
	[tilespmem:v29+s4+$0x0] =	vst.idx.add.f32.msk $0xffff, v1  }
.LBB2_90:
0x692: {  	v1 =	vld [tilespmem:s7+$0x70];
	s6 =	sadd.s32 $0x10, s6;
	s5 =	sadd.s32 $0x200, s5  }
0x693: {  	v2 =	vld [tilespmem:s5+$0x70];
	p0 =	slt.u32 s6, $0x3F0  }
0x694: {  	v3 =	vld [tilespmem:s5+$0xFFFFFF00]  }
0x695: {  	v4 =	vld [tilespmem:s5+$0xFFFFFF10]  }
0x696: {  	v5 =	vld [tilespmem:s5+$0xFFFFFF20]  }
0x697: {  	v6 =	vld [tilespmem:s5+$0xFFFFFF30]  }
0x698: {  	v7 =	vld [tilespmem:s5+$0xFFFFFF40];
	v2 =	vmul.f32 v2, v2  }
0x699: {  	v3 =	vmul.f32 v3, v3;
	v8 =	vld [tilespmem:s5+$0xFFFFFF50]  }
0x69a: {  	v4 =	vmul.f32 v4, v4;
	[tilespmem:v1+s4+$0x0] =	vst.idx.add.f32.msk $0xffff, v2  }
0x69b: {  	v1 =	vmul.f32 v5, v5;
	v2 =	vld [tilespmem:s5+$0xFFFFFF60]  }
0x69c: {  	v5 =	vmul.f32 v6, v6;
	v6 =	vld [tilespmem:s5+$0xFFFFFF70]  }
0x69d: {  	v7 =	vmul.f32 v7, v7;
	v9 =	vld [tilespmem:s5+$0x0]  }
0x69e: {  	v8 =	vmul.f32 v8, v8;
	v10 =	vld [tilespmem:s5+$0x10]  }
0x69f: {  	v11 =	vld [tilespmem:s5+$0x20]  }
0x6a0: {  	v2 =	vmul.f32 v2, v2;
	v12 =	vld [tilespmem:s5+$0x30]  }
0x6a1: {  	v6 =	vmul.f32 v6, v6;
	v13 =	vld [tilespmem:s5+$0x40]  }
0x6a2: {  	v9 =	vmul.f32 v9, v9;
	v14 =	vld [tilespmem:s5+$0x50]  }
0x6a3: {  	v10 =	vmul.f32 v10, v10;
	v15 =	vld [tilespmem:s5+$0x60]  }
0x6a4: {  	v16 =	vld [tilespmem:s7+$0xFFFFFF10];
	v11 =	vmul.f32 v11, v11  }
0x6a5: {  	v17 =	vld [tilespmem:s7+$0xFFFFFF20];
	v12 =	vmul.f32 v12, v12  }
0x6a6: {  	v18 =	vld [tilespmem:s7+$0xFFFFFF30];
	v13 =	vmul.f32 v13, v13  }
0x6a7: {  	v19 =	vld [tilespmem:s7+$0xFFFFFF40];
	v14 =	vmul.f32 v14, v14  }
0x6a8: {  	v20 =	vld [tilespmem:s7+$0xFFFFFF50];
	v15 =	vmul.f32 v15, v15  }
0x6a9: {  	v21 =	vld [tilespmem:s7+$0xFFFFFF60]  }
0x6aa: {  	v22 =	vld [tilespmem:s7+$0xFFFFFF70]  }
0x6ab: {  	v23 =	vld [tilespmem:s7+$0x0]  }
0x6ac: {  	v24 =	vld [tilespmem:s7+$0x10]  }
0x6ad: {  	v25 =	vld [tilespmem:s7+$0x20]  }
0x6ae: {  	v26 =	vld [tilespmem:s7+$0x30]  }
0x6af: {  	v27 =	vld [tilespmem:s7+$0x40]  }
0x6b0: {  	v28 =	vld [tilespmem:s7+$0x50]  }
0x6b1: {  	v29 =	vld [tilespmem:s7+$0x60]  }
0x6b2: {  	v30 =	vld [tilespmem:s7+$0xFFFFFF00]  }
0x6b3: {  	[tilespmem:v16+s4+$0x0] =	vst.idx.add.f32.msk $0xffff, v4  }
0x6b4: {  	[tilespmem:v17+s4+$0x0] =	vst.idx.add.f32.msk $0xffff, v1  }
0x6b5: {  	[tilespmem:v18+s4+$0x0] =	vst.idx.add.f32.msk $0xffff, v5  }
0x6b6: {  	[tilespmem:v19+s4+$0x0] =	vst.idx.add.f32.msk $0xffff, v7  }
0x6b7: {  	[tilespmem:v20+s4+$0x0] =	vst.idx.add.f32.msk $0xffff, v8  }
0x6b8: {  	[tilespmem:v21+s4+$0x0] =	vst.idx.add.f32.msk $0xffff, v2  }
0x6b9: {  	[tilespmem:v22+s4+$0x0] =	vst.idx.add.f32.msk $0xffff, v6  }
0x6ba: {  	[tilespmem:v30+s4+$0x0] =	vst.idx.add.f32.msk $0xffff, v3  }
0x6bb: {  	[tilespmem:v23+s4+$0x0] =	vst.idx.add.f32.msk $0xffff, v9  }
0x6bc: {  	[tilespmem:v24+s4+$0x0] =	vst.idx.add.f32.msk $0xffff, v10  }
.Ltmp44:
0x6bd: {  	[tilespmem:v25+s4+$0x0] =	vst.idx.add.f32.msk $0xffff, v11;
	(pc) =	sbr.rel @p0 .LBB2_90-.Ltmp44, $4  }
0x6be: {  	[tilespmem:v26+s4+$0x0] =	vst.idx.add.f32.msk $0xffff, v12  }
0x6bf: {  	[tilespmem:v27+s4+$0x0] =	vst.idx.add.f32.msk $0xffff, v13  }
0x6c0: {  	[tilespmem:v28+s4+$0x0] =	vst.idx.add.f32.msk $0xffff, v14  }
0x6c1: {  	s7 =	sadd.s32 $0x200, s7;
	[tilespmem:v29+s4+$0x0] =	vst.idx.add.f32.msk $0xffff, v15  }
0x6c2: {  	s5 =	simm.s32 $0x80  }
0x6c3: {  	s6 =	simm.s32 $0x10;
	s8 =	sadd.s32 $0x0, s2;
	s7 =	simm.s32 $0x180  }
.LBB2_92:
0x6c4: {  	[tilespmem:s5], [sflag:$0x2] =	stream.linear.gather [hbm4b:s8+s1], $0x80, $0x38;
	[tilespmem:$0x12000] =	vst v63  }
0x6c5: {  	s8 =	smov.u32 s6;
	s5 =	smov.u32 s7;
	p0 =	sne.s32 s6, $0x7F0  }
.Ltmp45:
0x6c6: {  	s6 =	sadd.s32 $0x10, s6;
	(pc) =	sbr.rel @p0 .LBB2_92-.Ltmp45, $2  }
0x6c7: {  	_ =	sdelay $0x2  }
0x6c8: {  	s7 =	sadd.s32 $0x100, s7;
	s8 =	sadd.s32 s8, s2  }
0x6c9: {  	[tilespmem:s5], [sflag:$0x2] =	stream.linear.gather [hbm4b:s8+s1], $0x80, $0x38;
	[tilespmem:$0x12000] =	vst v63  }
0x6ca: {  	s5 =	simm.s32 $0x8080  }
0x6cb: {  	s6 =	simm.s32 $0x10;
	s8 =	sadd.s32 $0x0, s3;
	s7 =	simm.s32 $0x8180  }
.LBB2_94:
0x6cc: {  	[tilespmem:s5], [sflag:$0x4] =	stream.linear.gather [hbm4b:s8+s1], $0x80, $0x38;
	[tilespmem:$0x12000] =	vst v63  }
0x6cd: {  	s8 =	smov.u32 s6;
	s5 =	smov.u32 s7;
	p0 =	sne.s32 s6, $0x7F0  }
.Ltmp46:
0x6ce: {  	s6 =	sadd.s32 $0x10, s6;
	(pc) =	sbr.rel @p0 .LBB2_94-.Ltmp46, $2  }
0x6cf: {  	_ =	sdelay $0x2  }
0x6d0: {  	s7 =	sadd.s32 $0x100, s7;
	s8 =	sadd.s32 s8, s3  }
0x6d1: {  	[tilespmem:s5], [sflag:$0x4] =	stream.linear.gather [hbm4b:s8+s1], $0x80, $0x38;
	[tilespmem:$0x12000] =	vst v63  }
0x6d2: {  	s14 =	simm.s32 $0x1  }
0x6d3: {  	_ =	swait.ge [sflag:s14], $0x4000  }
0x6d4: {  	[sflag:s14] =	ssyncset.done $0x0  }
0x6d5: {  	s15 =	simm.s32 $0x3;
	[sflag:s14] =	ssyncadd.s32 $0xFFFFC000  }
0x6d6: {  	_ =	swait.ge [sflag:s15], $0x4000  }
0x6d7: {  	[sflag:s15] =	ssyncset.done $0x0  }
0x6d8: {  	s6 =	simm.s32 $0x8100;
	[sflag:s15] =	ssyncadd.s32 $0xFFFFC000  }
0x6d9: {  	s5 =	simm.s32 $0x100;
	v1 =	vld [tilespmem:s6+$0x70]  }
0x6da: {  	v2 =	vld [tilespmem:s5+$0x70]  }
0x6db: {  	v3 =	vld [tilespmem:s5+$0xFFFFFF00]  }
0x6dc: {  	v4 =	vld [tilespmem:s5+$0xFFFFFF10]  }
0x6dd: {  	v5 =	vld [tilespmem:s5+$0xFFFFFF20]  }
0x6de: {  	v6 =	vld [tilespmem:s5+$0xFFFFFF30]  }
0x6df: {  	v7 =	vld [tilespmem:s5+$0xFFFFFF40]  }
0x6e0: {  	v8 =	vld [tilespmem:s5+$0xFFFFFF50]  }
0x6e1: {  	v9 =	vld [tilespmem:s5+$0x0]  }
0x6e2: {  	v10 =	vld [tilespmem:s5+$0x10]  }
0x6e3: {  	v11 =	vld [tilespmem:s5+$0x20]  }
0x6e4: {  	v12 =	vld [tilespmem:s5+$0x30]  }
0x6e5: {  	v13 =	vld [tilespmem:s5+$0x40]  }
0x6e6: {  	v14 =	vld [tilespmem:s5+$0x50]  }
0x6e7: {  	v15 =	vld [tilespmem:s5+$0x60]  }
0x6e8: {  	v16 =	vld [tilespmem:s6+$0xFFFFFF10]  }
0x6e9: {  	v17 =	vld [tilespmem:s6+$0xFFFFFF20]  }
0x6ea: {  	v18 =	vld [tilespmem:s6+$0xFFFFFF30]  }
0x6eb: {  	v19 =	vld [tilespmem:s6+$0xFFFFFF40]  }
0x6ec: {  	v20 =	vld [tilespmem:s6+$0xFFFFFF50]  }
0x6ed: {  	v21 =	vld [tilespmem:s6+$0xFFFFFF60]  }
0x6ee: {  	v22 =	vld [tilespmem:s6+$0xFFFFFF70]  }
0x6ef: {  	v23 =	vld [tilespmem:s6+$0x0]  }
0x6f0: {  	v24 =	vld [tilespmem:s6+$0x10]  }
0x6f1: {  	v25 =	vld [tilespmem:s6+$0x20]  }
0x6f2: {  	v26 =	vld [tilespmem:s6+$0x30]  }
0x6f3: {  	v27 =	vld [tilespmem:s6+$0x40]  }
0x6f4: {  	v28 =	vld [tilespmem:s6+$0x50]  }
0x6f5: {  	v30 =	vld [tilespmem:s6+$0xFFFFFF00];
	v2 =	vmul.f32 v2, v2  }
0x6f6: {  	v29 =	vld [tilespmem:s6+$0x60]  }
0x6f7: {  	[tilespmem:v1+s4+$0x0] =	vst.idx.add.f32.msk $0xffff, v2  }
0x6f8: {  	v4 =	vmul.f32 v4, v4;
	v1 =	vld [tilespmem:s5+$0xFFFFFF60]  }
0x6f9: {  	v5 =	vmul.f32 v5, v5;
	v2 =	vld [tilespmem:s5+$0xFFFFFF70]  }
0x6fa: {  	v6 =	vmul.f32 v6, v6;
	[tilespmem:v16+s4+$0x0] =	vst.idx.add.f32.msk $0xffff, v4  }
0x6fb: {  	v3 =	vmul.f32 v3, v3;
	[tilespmem:v17+s4+$0x0] =	vst.idx.add.f32.msk $0xffff, v5  }
0x6fc: {  	v62 =	vmul.f32 v7, v7;
	[tilespmem:v18+s4+$0x0] =	vst.idx.add.f32.msk $0xffff, v6  }
0x6fd: {  	[tilespmem:v30+s4+$0x0] =	vst.idx.add.f32.msk $0xffff, v3;
	v3 =	vmul.f32 v11, v11  }
0x6fe: {  	v63 =	vmul.f32 v8, v8;
	[tilespmem:v19+s4+$0x0] =	vst.idx.add.f32.msk $0xffff, v62  }
0x6ff: {  	[tilespmem:v25+s4+$0x0] =	vst.idx.add.f32.msk $0xffff, v3;
	v3 =	vmul.f32 v14, v14  }
0x700: {  	[tilespmem:v20+s4+$0x0] =	vst.idx.add.f32.msk $0xffff, v63;
	v1 =	vmul.f32 v1, v1  }
0x701: {  	[tilespmem:v28+s4+$0x0] =	vst.idx.add.f32.msk $0xffff, v3;
	v2 =	vmul.f32 v2, v2  }
0x702: {  	[tilespmem:v21+s4+$0x0] =	vst.idx.add.f32.msk $0xffff, v1;
	v1 =	vmul.f32 v9, v9  }
0x703: {  	[tilespmem:v22+s4+$0x0] =	vst.idx.add.f32.msk $0xffff, v2;
	v2 =	vmul.f32 v10, v10  }
0x704: {  	[tilespmem:v23+s4+$0x0] =	vst.idx.add.f32.msk $0xffff, v1;
	v1 =	vmul.f32 v12, v12  }
0x705: {  	[tilespmem:v24+s4+$0x0] =	vst.idx.add.f32.msk $0xffff, v2;
	v2 =	vmul.f32 v13, v13  }
0x706: {  	[tilespmem:v26+s4+$0x0] =	vst.idx.add.f32.msk $0xffff, v1;
	v1 =	vmul.f32 v15, v15  }
0x707: {  	[tilespmem:v27+s4+$0x0] =	vst.idx.add.f32.msk $0xffff, v2  }
0x708: {  	s7 =	simm.s32 $0x8300;
	s6 =	simm.s32 $0x0;
	[tilespmem:v29+s4+$0x0] =	vst.idx.add.f32.msk $0xffff, v1  }
.LBB2_96:
0x709: {  	v1 =	vld [tilespmem:s7+$0x70];
	s6 =	sadd.s32 $0x10, s6;
	s5 =	sadd.s32 $0x200, s5  }
0x70a: {  	v2 =	vld [tilespmem:s5+$0x70];
	p0 =	slt.u32 s6, $0x3F0  }
0x70b: {  	v3 =	vld [tilespmem:s5+$0xFFFFFF00]  }
0x70c: {  	v4 =	vld [tilespmem:s5+$0xFFFFFF10]  }
0x70d: {  	v5 =	vld [tilespmem:s5+$0xFFFFFF20]  }
0x70e: {  	v6 =	vld [tilespmem:s5+$0xFFFFFF30]  }
0x70f: {  	v7 =	vld [tilespmem:s5+$0xFFFFFF40];
	v2 =	vmul.f32 v2, v2  }
0x710: {  	v3 =	vmul.f32 v3, v3;
	v8 =	vld [tilespmem:s5+$0xFFFFFF50]  }
0x711: {  	v4 =	vmul.f32 v4, v4;
	[tilespmem:v1+s4+$0x0] =	vst.idx.add.f32.msk $0xffff, v2  }
0x712: {  	v1 =	vmul.f32 v5, v5;
	v2 =	vld [tilespmem:s5+$0xFFFFFF60]  }
0x713: {  	v5 =	vmul.f32 v6, v6;
	v6 =	vld [tilespmem:s5+$0xFFFFFF70]  }
0x714: {  	v7 =	vmul.f32 v7, v7;
	v9 =	vld [tilespmem:s5+$0x0]  }
0x715: {  	v8 =	vmul.f32 v8, v8;
	v10 =	vld [tilespmem:s5+$0x10]  }
0x716: {  	v11 =	vld [tilespmem:s5+$0x20]  }
0x717: {  	v2 =	vmul.f32 v2, v2;
	v12 =	vld [tilespmem:s5+$0x30]  }
0x718: {  	v6 =	vmul.f32 v6, v6;
	v13 =	vld [tilespmem:s5+$0x40]  }
0x719: {  	v9 =	vmul.f32 v9, v9;
	v14 =	vld [tilespmem:s5+$0x50]  }
0x71a: {  	v10 =	vmul.f32 v10, v10;
	v15 =	vld [tilespmem:s5+$0x60]  }
0x71b: {  	v16 =	vld [tilespmem:s7+$0xFFFFFF10];
	v11 =	vmul.f32 v11, v11  }
0x71c: {  	v17 =	vld [tilespmem:s7+$0xFFFFFF20];
	v12 =	vmul.f32 v12, v12  }
0x71d: {  	v18 =	vld [tilespmem:s7+$0xFFFFFF30];
	v13 =	vmul.f32 v13, v13  }
0x71e: {  	v19 =	vld [tilespmem:s7+$0xFFFFFF40];
	v14 =	vmul.f32 v14, v14  }
0x71f: {  	v20 =	vld [tilespmem:s7+$0xFFFFFF50];
	v15 =	vmul.f32 v15, v15  }
0x720: {  	v21 =	vld [tilespmem:s7+$0xFFFFFF60]  }
0x721: {  	v22 =	vld [tilespmem:s7+$0xFFFFFF70]  }
0x722: {  	v23 =	vld [tilespmem:s7+$0x0]  }
0x723: {  	v24 =	vld [tilespmem:s7+$0x10]  }
0x724: {  	v25 =	vld [tilespmem:s7+$0x20]  }
0x725: {  	v26 =	vld [tilespmem:s7+$0x30]  }
0x726: {  	v27 =	vld [tilespmem:s7+$0x40]  }
0x727: {  	v28 =	vld [tilespmem:s7+$0x50]  }
0x728: {  	v29 =	vld [tilespmem:s7+$0x60]  }
0x729: {  	v30 =	vld [tilespmem:s7+$0xFFFFFF00]  }
0x72a: {  	[tilespmem:v16+s4+$0x0] =	vst.idx.add.f32.msk $0xffff, v4  }
0x72b: {  	[tilespmem:v17+s4+$0x0] =	vst.idx.add.f32.msk $0xffff, v1  }
0x72c: {  	[tilespmem:v18+s4+$0x0] =	vst.idx.add.f32.msk $0xffff, v5  }
0x72d: {  	[tilespmem:v19+s4+$0x0] =	vst.idx.add.f32.msk $0xffff, v7  }
0x72e: {  	[tilespmem:v20+s4+$0x0] =	vst.idx.add.f32.msk $0xffff, v8  }
0x72f: {  	[tilespmem:v21+s4+$0x0] =	vst.idx.add.f32.msk $0xffff, v2  }
0x730: {  	[tilespmem:v22+s4+$0x0] =	vst.idx.add.f32.msk $0xffff, v6  }
0x731: {  	[tilespmem:v30+s4+$0x0] =	vst.idx.add.f32.msk $0xffff, v3  }
0x732: {  	[tilespmem:v23+s4+$0x0] =	vst.idx.add.f32.msk $0xffff, v9  }
0x733: {  	[tilespmem:v24+s4+$0x0] =	vst.idx.add.f32.msk $0xffff, v10  }
.Ltmp47:
0x734: {  	[tilespmem:v25+s4+$0x0] =	vst.idx.add.f32.msk $0xffff, v11;
	(pc) =	sbr.rel @p0 .LBB2_96-.Ltmp47, $4  }
0x735: {  	[tilespmem:v26+s4+$0x0] =	vst.idx.add.f32.msk $0xffff, v12  }
0x736: {  	[tilespmem:v27+s4+$0x0] =	vst.idx.add.f32.msk $0xffff, v13  }
0x737: {  	[tilespmem:v28+s4+$0x0] =	vst.idx.add.f32.msk $0xffff, v14  }
0x738: {  	s7 =	sadd.s32 $0x200, s7;
	[tilespmem:v29+s4+$0x0] =	vst.idx.add.f32.msk $0xffff, v15  }
0x739: {  	s5 =	simm.s32 $0x2  }
0x73a: {  	_ =	swait.ge [sflag:s5], $0x4000  }
0x73b: {  	[sflag:s5] =	ssyncset.done $0x0  }
0x73c: {  	s15 =	simm.s32 $0x4;
	[sflag:s5] =	ssyncadd.s32 $0xFFFFC000  }
0x73d: {  	_ =	swait.ge [sflag:s15], $0x4000  }
0x73e: {  	[sflag:s15] =	ssyncset.done $0x0  }
0x73f: {  	s6 =	simm.s32 $0x8180;
	[sflag:s15] =	ssyncadd.s32 $0xFFFFC000  }
0x740: {  	s5 =	simm.s32 $0x180;
	v1 =	vld [tilespmem:s6+$0x70]  }
0x741: {  	v2 =	vld [tilespmem:s5+$0x70]  }
0x742: {  	v3 =	vld [tilespmem:s5+$0xFFFFFF00]  }
0x743: {  	v4 =	vld [tilespmem:s5+$0xFFFFFF10]  }
0x744: {  	v5 =	vld [tilespmem:s5+$0xFFFFFF20]  }
0x745: {  	v6 =	vld [tilespmem:s5+$0xFFFFFF30]  }
0x746: {  	v7 =	vld [tilespmem:s5+$0xFFFFFF40]  }
0x747: {  	v8 =	vld [tilespmem:s5+$0xFFFFFF50]  }
0x748: {  	v9 =	vld [tilespmem:s5+$0x0]  }
0x749: {  	v10 =	vld [tilespmem:s5+$0x10]  }
0x74a: {  	v11 =	vld [tilespmem:s5+$0x20]  }
0x74b: {  	v12 =	vld [tilespmem:s5+$0x30]  }
0x74c: {  	v13 =	vld [tilespmem:s5+$0x40]  }
0x74d: {  	v14 =	vld [tilespmem:s5+$0x50]  }
0x74e: {  	v15 =	vld [tilespmem:s5+$0x60]  }
0x74f: {  	v16 =	vld [tilespmem:s6+$0xFFFFFF10]  }
0x750: {  	v17 =	vld [tilespmem:s6+$0xFFFFFF20]  }
0x751: {  	v18 =	vld [tilespmem:s6+$0xFFFFFF30]  }
0x752: {  	v19 =	vld [tilespmem:s6+$0xFFFFFF40]  }
0x753: {  	v20 =	vld [tilespmem:s6+$0xFFFFFF50]  }
0x754: {  	v21 =	vld [tilespmem:s6+$0xFFFFFF60]  }
0x755: {  	v22 =	vld [tilespmem:s6+$0xFFFFFF70]  }
0x756: {  	v23 =	vld [tilespmem:s6+$0x0]  }
0x757: {  	v24 =	vld [tilespmem:s6+$0x10]  }
0x758: {  	v25 =	vld [tilespmem:s6+$0x20]  }
0x759: {  	v26 =	vld [tilespmem:s6+$0x30]  }
0x75a: {  	v27 =	vld [tilespmem:s6+$0x40]  }
0x75b: {  	v28 =	vld [tilespmem:s6+$0x50]  }
0x75c: {  	v30 =	vld [tilespmem:s6+$0xFFFFFF00];
	v2 =	vmul.f32 v2, v2  }
0x75d: {  	v29 =	vld [tilespmem:s6+$0x60]  }
0x75e: {  	[tilespmem:v1+s4+$0x0] =	vst.idx.add.f32.msk $0xffff, v2  }
0x75f: {  	v4 =	vmul.f32 v4, v4;
	v1 =	vld [tilespmem:s5+$0xFFFFFF60]  }
0x760: {  	v5 =	vmul.f32 v5, v5;
	v2 =	vld [tilespmem:s5+$0xFFFFFF70]  }
0x761: {  	v6 =	vmul.f32 v6, v6;
	[tilespmem:v16+s4+$0x0] =	vst.idx.add.f32.msk $0xffff, v4  }
0x762: {  	v3 =	vmul.f32 v3, v3;
	[tilespmem:v17+s4+$0x0] =	vst.idx.add.f32.msk $0xffff, v5  }
0x763: {  	v62 =	vmul.f32 v7, v7;
	[tilespmem:v18+s4+$0x0] =	vst.idx.add.f32.msk $0xffff, v6  }
0x764: {  	[tilespmem:v30+s4+$0x0] =	vst.idx.add.f32.msk $0xffff, v3;
	v3 =	vmul.f32 v11, v11  }
0x765: {  	v63 =	vmul.f32 v8, v8;
	[tilespmem:v19+s4+$0x0] =	vst.idx.add.f32.msk $0xffff, v62  }
0x766: {  	[tilespmem:v25+s4+$0x0] =	vst.idx.add.f32.msk $0xffff, v3;
	v3 =	vmul.f32 v14, v14  }
0x767: {  	[tilespmem:v20+s4+$0x0] =	vst.idx.add.f32.msk $0xffff, v63;
	v1 =	vmul.f32 v1, v1  }
0x768: {  	[tilespmem:v28+s4+$0x0] =	vst.idx.add.f32.msk $0xffff, v3;
	v2 =	vmul.f32 v2, v2  }
0x769: {  	[tilespmem:v21+s4+$0x0] =	vst.idx.add.f32.msk $0xffff, v1;
	v1 =	vmul.f32 v9, v9  }
0x76a: {  	[tilespmem:v22+s4+$0x0] =	vst.idx.add.f32.msk $0xffff, v2;
	v2 =	vmul.f32 v10, v10  }
0x76b: {  	[tilespmem:v23+s4+$0x0] =	vst.idx.add.f32.msk $0xffff, v1;
	v1 =	vmul.f32 v12, v12  }
0x76c: {  	[tilespmem:v24+s4+$0x0] =	vst.idx.add.f32.msk $0xffff, v2;
	v2 =	vmul.f32 v13, v13  }
0x76d: {  	[tilespmem:v26+s4+$0x0] =	vst.idx.add.f32.msk $0xffff, v1;
	v1 =	vmul.f32 v15, v15  }
0x76e: {  	[tilespmem:v27+s4+$0x0] =	vst.idx.add.f32.msk $0xffff, v2  }
0x76f: {  	s7 =	simm.s32 $0x8380;
	s6 =	simm.s32 $0x0;
	[tilespmem:v29+s4+$0x0] =	vst.idx.add.f32.msk $0xffff, v1  }
.LBB2_98:
0x770: {  	v1 =	vld [tilespmem:s7+$0x70];
	s6 =	sadd.s32 $0x10, s6;
	s5 =	sadd.s32 $0x200, s5  }
0x771: {  	v2 =	vld [tilespmem:s5+$0x70];
	p0 =	slt.u32 s6, $0x3F0  }
0x772: {  	v3 =	vld [tilespmem:s5+$0xFFFFFF00]  }
0x773: {  	v4 =	vld [tilespmem:s5+$0xFFFFFF10]  }
0x774: {  	v5 =	vld [tilespmem:s5+$0xFFFFFF20]  }
0x775: {  	v6 =	vld [tilespmem:s5+$0xFFFFFF30]  }
0x776: {  	v7 =	vld [tilespmem:s5+$0xFFFFFF40];
	v2 =	vmul.f32 v2, v2  }
0x777: {  	v3 =	vmul.f32 v3, v3;
	v8 =	vld [tilespmem:s5+$0xFFFFFF50]  }
0x778: {  	v4 =	vmul.f32 v4, v4;
	[tilespmem:v1+s4+$0x0] =	vst.idx.add.f32.msk $0xffff, v2  }
0x779: {  	v1 =	vmul.f32 v5, v5;
	v2 =	vld [tilespmem:s5+$0xFFFFFF60]  }
0x77a: {  	v5 =	vmul.f32 v6, v6;
	v6 =	vld [tilespmem:s5+$0xFFFFFF70]  }
0x77b: {  	v7 =	vmul.f32 v7, v7;
	v9 =	vld [tilespmem:s5+$0x0]  }
0x77c: {  	v8 =	vmul.f32 v8, v8;
	v10 =	vld [tilespmem:s5+$0x10]  }
0x77d: {  	v11 =	vld [tilespmem:s5+$0x20]  }
0x77e: {  	v2 =	vmul.f32 v2, v2;
	v12 =	vld [tilespmem:s5+$0x30]  }
0x77f: {  	v6 =	vmul.f32 v6, v6;
	v13 =	vld [tilespmem:s5+$0x40]  }
0x780: {  	v9 =	vmul.f32 v9, v9;
	v14 =	vld [tilespmem:s5+$0x50]  }
0x781: {  	v10 =	vmul.f32 v10, v10;
	v15 =	vld [tilespmem:s5+$0x60]  }
0x782: {  	v16 =	vld [tilespmem:s7+$0xFFFFFF10];
	v11 =	vmul.f32 v11, v11  }
0x783: {  	v17 =	vld [tilespmem:s7+$0xFFFFFF20];
	v12 =	vmul.f32 v12, v12  }
0x784: {  	v18 =	vld [tilespmem:s7+$0xFFFFFF30];
	v13 =	vmul.f32 v13, v13  }
0x785: {  	v19 =	vld [tilespmem:s7+$0xFFFFFF40];
	v14 =	vmul.f32 v14, v14  }
0x786: {  	v20 =	vld [tilespmem:s7+$0xFFFFFF50];
	v15 =	vmul.f32 v15, v15  }
0x787: {  	v21 =	vld [tilespmem:s7+$0xFFFFFF60]  }
0x788: {  	v22 =	vld [tilespmem:s7+$0xFFFFFF70]  }
0x789: {  	v23 =	vld [tilespmem:s7+$0x0]  }
0x78a: {  	v24 =	vld [tilespmem:s7+$0x10]  }
0x78b: {  	v25 =	vld [tilespmem:s7+$0x20]  }
0x78c: {  	v26 =	vld [tilespmem:s7+$0x30]  }
0x78d: {  	v27 =	vld [tilespmem:s7+$0x40]  }
0x78e: {  	v28 =	vld [tilespmem:s7+$0x50]  }
0x78f: {  	v29 =	vld [tilespmem:s7+$0x60]  }
0x790: {  	v30 =	vld [tilespmem:s7+$0xFFFFFF00]  }
0x791: {  	[tilespmem:v16+s4+$0x0] =	vst.idx.add.f32.msk $0xffff, v4  }
0x792: {  	[tilespmem:v17+s4+$0x0] =	vst.idx.add.f32.msk $0xffff, v1  }
0x793: {  	[tilespmem:v18+s4+$0x0] =	vst.idx.add.f32.msk $0xffff, v5  }
0x794: {  	[tilespmem:v19+s4+$0x0] =	vst.idx.add.f32.msk $0xffff, v7  }
0x795: {  	[tilespmem:v20+s4+$0x0] =	vst.idx.add.f32.msk $0xffff, v8  }
0x796: {  	[tilespmem:v21+s4+$0x0] =	vst.idx.add.f32.msk $0xffff, v2  }
0x797: {  	[tilespmem:v22+s4+$0x0] =	vst.idx.add.f32.msk $0xffff, v6  }
0x798: {  	[tilespmem:v30+s4+$0x0] =	vst.idx.add.f32.msk $0xffff, v3  }
0x799: {  	[tilespmem:v23+s4+$0x0] =	vst.idx.add.f32.msk $0xffff, v9  }
0x79a: {  	[tilespmem:v24+s4+$0x0] =	vst.idx.add.f32.msk $0xffff, v10  }
.Ltmp48:
0x79b: {  	[tilespmem:v25+s4+$0x0] =	vst.idx.add.f32.msk $0xffff, v11;
	(pc) =	sbr.rel @p0 .LBB2_98-.Ltmp48, $4  }
0x79c: {  	[tilespmem:v26+s4+$0x0] =	vst.idx.add.f32.msk $0xffff, v12  }
0x79d: {  	[tilespmem:v27+s4+$0x0] =	vst.idx.add.f32.msk $0xffff, v13  }
0x79e: {  	[tilespmem:v28+s4+$0x0] =	vst.idx.add.f32.msk $0xffff, v14  }
0x79f: {  	s7 =	sadd.s32 $0x200, s7;
	[tilespmem:v29+s4+$0x0] =	vst.idx.add.f32.msk $0xffff, v15  }
0x7a0: {  	s5 =	rddreg [dreg:$0x12];
	s6 =	simm.s32 $0x5  }
0x7a1: {  	[hbm4b:s5+s1] =	stream.linear.scatter [tilespmem:s4], [sflag:$0x5], $0x2000, $0x38;
	[tilespmem:$0x12000] =	vst v63  }
0x7a2: {  	_ =	swait.ge [sflag:s6], $0x2000  }
0x7a3: {  	s7 =	rddreg [dreg:$0x14]  }
0x7a4: {  	s15 =	rddreg [dreg:$0x13];
	s7 =	sadd.s32 $0x1, s7  }
0x7a5: {  	p0 =	sne.s32 s7, s15  }
.Ltmp49:
0x7a6: {  	_ = 	snop;
	(pc) =	sbr.rel @p0 .LBB2_1-.Ltmp49, $3  }
0x7a7: {  	_ =	sdelay $0x1  }
0x7a8: {  	[sflag:s6] =	ssyncset.done $0x0  }
0x7a9: {  	[sflag:s6] =	ssyncadd.s32 $0xFFFFE000  }
0x7aa: {  	_ =	sfence.sel $0x180000  }
0x7ab: {  	[bflag:$0x0] =	sbarrier.arrive $0xFFFF  }
0x7ac: {  	_ =	strace $0x90000047  }
0x7ad: {  	s0 =	stileid.u32;
	[bflag:$0x2] =	sbarrier.arrive $0xFFFF  }
0x7ae: {  	p0 =	sne.s32 s0, $0x0;
	s0 =	rddreg [dreg:$0x3]  }
0x7af: {  	s0 =	sadd.s32 @!p0 $0x100000, s0  }
0x7b0: {  	[sflag:s0] =	ssyncadd.tile.s32 @!p0 $0x1;
	_ =	shalt  }
.Lfunc_end2:
_tile_overlayer_lowered:
.L_overlay_start_2:
0x7b1: {  	(tag) =	ssettag $0x2  }
0x7b2: {  	s0 =	rddreg [dreg:$0x0];
	s2 =	stileid.u32  }
0x7b3: {  	s1 =	rddreg [dreg:$0x1];
	p0 =	sne.s32 s2, $0x0  }
0x7b4: {  	s3 =	rddreg [dreg:$0x2];
	[bflag:$0x3] =	sbarrier.arrive $0xFFFF;
	s2 =	simm.s32 @!p0 $0x1C05  }
0x7b5: {  	[timem:s3], [sflag:s2] =	dma.local @!p0 [hbm:s0], s1  }
0x7b6: {  	s0 =	simm.s32 @!p0 $0x5  }
0x7b7: {  	_ =	swait.ge @!p0 [sflag:s0], s1  }
0x7b8: {  	s1 =	ssub.s32 @!p0 $0x0, s1;
	[sflag:s0] =	ssyncset.done @!p0 $0x0  }
0x7b9: {  	[sflag:s0] =	ssyncadd.s32 @!p0 s1  }
0x7ba: {  	[bflag:$0x3] =	sbarrier.arrive $0xFFFF  }
0x7bb: {  	_ =	shalt  }

</sc_bundles>
